<compile_context>
chip_gen: v7x
topology: tpu7x:2x2x1
jax: 0.10.2.dev20260603
libtpu: 0.0.44.dev20260713+nightly
codegen_flags: <defaults>
</compile_context>

<pallas_src>
import functools

import jax
import jax.numpy as jnp
from jax import lax
from jax.experimental import pallas as pl
from jax.experimental.pallas import tpu as pltpu
from jax.experimental.pallas import tpu_sc as plsc

H = 32
_NW = 32
_W = 128


def _silu(x):
    return x * jax.nn.sigmoid(x)



_GB = 448


def _sc_gather_multi(tables, src2, dest2):
    ep = src2.shape[0] * src2.shape[1]
    nt = len(tables)
    d = tables[0].shape[1]
    dt = tables[0].dtype
    per_w = ep // _NW
    bat_e = _GB
    nbat = per_w // bat_e
    assert nbat % 2 == 0
    mesh = plsc.VectorSubcoreMesh(core_axis_name="c", subcore_axis_name="s")

    @functools.partial(
        pl.kernel,
        mesh=mesh,
        out_type=tuple(jax.ShapeDtypeStruct((ep, d), dt)
                       for _ in range(2 * nt)),
        scratch_types=[pltpu.VMEM((2, 1, bat_e), jnp.int32)] * 2 +
                      [pltpu.VMEM((2, bat_e, d), dt)] * (2 * nt) +
                      [pltpu.SemaphoreType.DMA] * 5,
        compiler_params=pltpu.CompilerParams(use_tc_tiling_on_sc=False),
    )
    def k(*refs):
        tabs = refs[:nt]
        src_hbm, dest_hbm = refs[nt], refs[nt + 1]
        outs = refs[nt + 2:nt + 2 + 2 * nt]
        sidx_v, didx_v = refs[nt + 2 + 2 * nt], refs[nt + 3 + 2 * nt]
        rows = refs[nt + 4 + 2 * nt:nt + 4 + 4 * nt]
        semi0, semi1, semw0, semw1, semg = refs[nt + 4 + 4 * nt:]
        wid = lax.axis_index("s") * 2 + lax.axis_index("c")
        base = wid * per_w
        semi = (semi0, semi1)
        semw = (semw0, semw1)
        idx_v = (sidx_v, didx_v)

        def idx_load(b, bat):
            roff = (base + bat * bat_e) // bat_e
            pltpu.async_copy(src_hbm.at[pl.ds(roff, 1)], sidx_v.at[b], semi[b])
            pltpu.async_copy(dest_hbm.at[pl.ds(roff, 1)], didx_v.at[b], semi[b])

        def idx_wait(b):
            pltpu.make_async_copy(src_hbm.at[pl.ds(0, 1)], sidx_v.at[b],
                                  semi[b]).wait()
            pltpu.make_async_copy(dest_hbm.at[pl.ds(0, 1)], didx_v.at[b],
                                  semi[b]).wait()

        def wb_wait(b):
            for o in range(2 * nt):
                pltpu.make_async_copy(rows[o].at[b],
                                      outs[o].at[pl.ds(0, bat_e)],
                                      semw[b]).wait()

        idx_load(0, 0)

        def body(bat2, carry):
            for b in (0, 1):
                bat = bat2 * 2 + b
                idx_wait(b)

                @pl.when(bat + 1 < nbat)
                def _():
                    idx_load(1 - b, bat + 1)

                @pl.when(bat >= 2)
                def _():
                    wb_wait(b)

                for t in range(nt):
                    for s in range(2):
                        pltpu.async_copy(tabs[t].at[idx_v[s].at[b, 0]],
                                         rows[2 * t + s].at[b], semg)
                for t in range(nt):
                    for s in range(2):
                        pltpu.make_async_copy(tabs[t].at[idx_v[s].at[b, 0]],
                                              rows[2 * t + s].at[b],
                                              semg).wait()
                off = base + bat * bat_e
                for o in range(2 * nt):
                    pltpu.async_copy(rows[o].at[b],
                                     outs[o].at[pl.ds(off, bat_e)], semw[b])
            return carry

        lax.fori_loop(0, nbat // 2, body, 0)
        wb_wait(0)
        wb_wait(1)

    return k(*tables, src2, dest2)



_KBS = 2


def _sc_scatter_add(upd, didx2, zeros, n_nodes, n_edges):
    ep = didx2.shape[0] * _W
    nh = n_nodes // 2
    nhp = nh + 16
    bat_e = _KBS * _W
    per_t = ep // 16
    nbat = per_t // bat_e
    assert nbat % 2 == 0
    zrows = nhp // 16
    orows = nh // 16
    mesh = plsc.VectorSubcoreMesh(core_axis_name="c", subcore_axis_name="s")

    @functools.partial(
        pl.kernel,
        mesh=mesh,
        out_type=jax.ShapeDtypeStruct((n_nodes, H), jnp.float32),
        scratch_types=[
            pltpu.VMEM((2, _KBS, _W), jnp.int32),
            pltpu.VMEM((2, _KBS, _W), jnp.int32),
            pltpu.VMEM((2, bat_e, H), jnp.float32),
            pltpu.VMEM_SHARED((nhp, H), jnp.float32),
            pltpu.SemaphoreType.DMA,
            pltpu.SemaphoreType.DMA,
            pltpu.SemaphoreType.DMA,
            pltpu.SemaphoreType.DMA,
        ],
        compiler_params=pltpu.CompilerParams(use_tc_tiling_on_sc=False),
    )
    def k(upd_hbm, idx_hbm, z_hbm, out_hbm,
          idx_v, lidx_v, rows_v, acc_sh, semi0, semi1, semsc0, semsc1):
        cid = lax.axis_index("c")
        sid = lax.axis_index("s")
        nbase = cid * nh
        semi = (semi0, semi1)
        semsc = (semsc0, semsc1)
        pltpu.sync_copy(z_hbm, acc_sh.at[pl.ds(sid * zrows, zrows)])
        plsc.subcore_barrier()

        ebase = sid * per_t

        def load(b, bat):
            off = ebase + bat * bat_e
            pltpu.async_copy(idx_hbm.at[pl.ds(off // _W, _KBS)], idx_v.at[b],
                             semi[b])
            pltpu.async_copy(upd_hbm.at[pl.ds(off, bat_e)], rows_v.at[b],
                             semi[b])

        def load_wait(b):
            pltpu.make_async_copy(idx_hbm.at[pl.ds(0, _KBS)], idx_v.at[b],
                                  semi[b]).wait()
            pltpu.make_async_copy(upd_hbm.at[pl.ds(0, bat_e)], rows_v.at[b],
                                  semi[b]).wait()

        def sc_wait(b):
            for j in range(_KBS):
                pltpu.make_async_copy(rows_v.at[b, pl.ds(j * _W, _W)],
                                      acc_sh.at[lidx_v.at[b, j]],
                                      semsc[b]).wait()

        load(0, 0)

        def body(bat2, carry):
            for b in (0, 1):
                bat = bat2 * 2 + b
                load_wait(b)

                @pl.when(bat + 1 < nbat)
                def _():
                    load(1 - b, bat + 1)

                off = ebase + bat * bat_e
                for j in range(_KBS):
                    def ibody(i, c2, j=j):
                        oob = ((off + j * _W + i * 16) >= n_edges).astype(
                            jnp.int32) * (2 * n_nodes)
                        v = idx_v[b, j, pl.ds(i * 16, 16)] + oob
                        ok = (v >= nbase) & (v < nbase + nh)
                        lidx_v[b, j, pl.ds(i * 16, 16)] = jnp.where(
                            ok, v - nbase, nh + sid)
                        return c2

                    lax.fori_loop(0, _W // 16, ibody, 0)

                @pl.when(bat >= 2)
                def _():
                    sc_wait(b)

                for j in range(_KBS):
                    pltpu.async_copy(rows_v.at[b, pl.ds(j * _W, _W)],
                                     acc_sh.at[lidx_v.at[b, j]], semsc[b],
                                     add=True)
            return carry

        lax.fori_loop(0, nbat // 2, body, 0)
        sc_wait(0)
        sc_wait(1)
        plsc.subcore_barrier()
        pltpu.sync_copy(acc_sh.at[pl.ds(sid * orows, orows)],
                        out_hbm.at[pl.ds(nbase + sid * orows, orows)])

    return k(upd, didx2, zeros)



def _full(shape):
    return pl.BlockSpec(shape, lambda i: (0, 0))


def _rows(blk, width):
    return pl.BlockSpec((blk, width), lambda i: (i, 0))


def _node_encode(zn, ps, blk):
    (w1, b1), (w2, b2), (w3, b3) = ps
    n = zn.shape[0]

    def body(zn_r, w1_r, b1_r, w2_r, b2_r, w3_r, b3_r, o_r):
        h = _silu(jnp.dot(zn_r[...], w1_r[...],
                          preferred_element_type=jnp.float32) + b1_r[...])
        h = _silu(jnp.dot(h, w2_r[...],
                          preferred_element_type=jnp.float32) + b2_r[...])
        o_r[...] = jnp.dot(h, w3_r[...],
                           preferred_element_type=jnp.float32) + b3_r[...]

    return pl.pallas_call(
        body,
        grid=(n // blk,),
        in_specs=[_rows(blk, 6),
                  _full((6, H)), _full((1, H)),
                  _full((H, H)), _full((1, H)),
                  _full((H, H)), _full((1, H))],
        out_specs=_rows(blk, H),
        out_shape=jax.ShapeDtypeStruct((n, H), jnp.float32),
    )(zn, w1, b1.reshape(1, H), w2, b2.reshape(1, H), w3, b3.reshape(1, H))


_PK = 4
_PW = _PK * H


def _bd(w):
    return jnp.kron(jnp.eye(_PK, dtype=jnp.float32), w)


def _tile4(b):
    return jnp.tile(b.reshape(1, H), (1, _PK))


def _edge_pass0(gqs, gqd, gxs, gxd, enc_ps, e_ps, blk4):
    (ew1, eb1), (ew2, eb2), (ew3, eb3) = enc_ps
    (pw1, pb1), (pw2, pb2), (pw3, pb3) = e_ps
    rows = gqs.shape[0]
    ew1q = jnp.zeros((H, H), jnp.float32).at[:3].set(ew1[:3])
    bd_w1q = _bd(ew1q)
    gsum = jnp.kron(jnp.eye(_PK, dtype=jnp.float32), jnp.ones((H, H), jnp.float32))
    w1n_t = _tile4(ew1[3])
    bd_e2, bd_e3 = _bd(ew2), _bd(ew3)
    w384 = jnp.concatenate([_bd(pw1[0:H]), _bd(pw1[H:2 * H]),
                            _bd(pw1[2 * H:3 * H])], axis=0)
    bd_p2, bd_p3 = _bd(pw2), _bd(pw3)

    def body(gqs_r, gqd_r, gxs_r, gxd_r,
             w1q_r, gsum_r, w1n_r, eb1_r, e2_r, eb2_r, e3_r, eb3_r,
             w384_r, pb1_r, p2_r, pb2_r, p3_r, pb3_r,
             ean_r, ea1_r):
        d = (gqs_r[...] - gqd_r[...]).astype(jnp.float32)
        un2 = jnp.dot(d * d, gsum_r[...], preferred_element_type=jnp.float32)
        un = jnp.sqrt(un2)
        h = jnp.dot(d, w1q_r[...], preferred_element_type=jnp.float32)
        h = _silu(h + un * w1n_r[...] + eb1_r[...])
        h = _silu(jnp.dot(h, e2_r[...],
                          preferred_element_type=jnp.float32) + eb2_r[...])
        ea = jnp.dot(h, e3_r[...],
                     preferred_element_type=jnp.float32) + eb3_r[...]
        gin = jnp.concatenate(
            [ea, gxs_r[...].astype(jnp.float32),
             gxd_r[...].astype(jnp.float32)], axis=1)
        g = jnp.dot(gin, w384_r[...],
                    preferred_element_type=jnp.float32) + pb1_r[...]
        g = _silu(g)
        g = _silu(jnp.dot(g, p2_r[...],
                          preferred_element_type=jnp.float32) + pb2_r[...])
        ean = jnp.dot(g, p3_r[...],
                      preferred_element_type=jnp.float32) + pb3_r[...]
        ean_r[...] = ean
        ea1_r[...] = ea + ean

    w = _PW
    return pl.pallas_call(
        body,
        grid=(rows // blk4,),
        in_specs=[_rows(blk4, w)] * 4 +
                 [_full((w, w)), _full((w, w)), _full((1, w)), _full((1, w)),
                  _full((w, w)), _full((1, w)), _full((w, w)), _full((1, w)),
                  _full((3 * w, w)), _full((1, w)),
                  _full((w, w)), _full((1, w)), _full((w, w)), _full((1, w))],
        out_specs=(_rows(blk4, w), _rows(blk4, w)),
        out_shape=(jax.ShapeDtypeStruct((rows, w), jnp.float32),
                   jax.ShapeDtypeStruct((rows, w), jnp.float32)),
    )(gqs, gqd, gxs, gxd,
      bd_w1q, gsum, w1n_t, _tile4(eb1), bd_e2, _tile4(eb2), bd_e3, _tile4(eb3),
      w384, _tile4(pb1), bd_p2, _tile4(pb2), bd_p3, _tile4(pb3))


def _edge_pass1(ea, gxs, gxd, e_ps, blk4):
    (pw1, pb1), (pw2, pb2), (pw3, pb3) = e_ps
    rows = ea.shape[0]
    w384 = jnp.concatenate([_bd(pw1[0:H]), _bd(pw1[H:2 * H]),
                            _bd(pw1[2 * H:3 * H])], axis=0)
    bd_p2, bd_p3 = _bd(pw2), _bd(pw3)

    def body(ea_r, gxs_r, gxd_r, w384_r, pb1_r, p2_r, pb2_r, p3_r, pb3_r,
             ean_r):
        gin = jnp.concatenate(
            [ea_r[...], gxs_r[...].astype(jnp.float32),
             gxd_r[...].astype(jnp.float32)], axis=1)
        g = jnp.dot(gin, w384_r[...],
                    preferred_element_type=jnp.float32) + pb1_r[...]
        g = _silu(g)
        g = _silu(jnp.dot(g, p2_r[...],
                          preferred_element_type=jnp.float32) + pb2_r[...])
        ean_r[...] = jnp.dot(g, p3_r[...],
                             preferred_element_type=jnp.float32) + pb3_r[...]

    w = _PW
    return pl.pallas_call(
        body,
        grid=(rows // blk4,),
        in_specs=[_rows(blk4, w)] * 3 +
                 [_full((3 * w, w)), _full((1, w)),
                  _full((w, w)), _full((1, w)), _full((w, w)), _full((1, w))],
        out_specs=_rows(blk4, w),
        out_shape=jax.ShapeDtypeStruct((rows, w), jnp.float32),
    )(ea, gxs, gxd, w384, _tile4(pb1), bd_p2, _tile4(pb2), bd_p3, _tile4(pb3))


def _node_update(x, aggs, n_ps, dec_ps, blk):
    (nw1, nb1), (nw2, nb2), (nw3, nb3) = n_ps
    nwa, nwb = nw1[0:H], nw1[H:2 * H]
    n = x.shape[0]
    na = len(aggs)

    def _aggsum(refs):
        s = refs[0][...]
        for r in refs[1:]:
            s = s + r[...]
        return s

    if dec_ps is None:
        wdim = H

        def body(x_r, *rest):
            agg_refs, (nwa_r, nwb_r, nb1_r, nw2_r, nb2_r, nw3_r, nb3_r, o_r) = \
                rest[:na], rest[na:]
            g = (jnp.dot(x_r[...], nwa_r[...], preferred_element_type=jnp.float32)
                 + jnp.dot(_aggsum(agg_refs), nwb_r[...],
                           preferred_element_type=jnp.float32)
                 + nb1_r[...])
            g = _silu(g)
            g = _silu(jnp.dot(g, nw2_r[...],
                              preferred_element_type=jnp.float32) + nb2_r[...])
            o_r[...] = x_r[...] + jnp.dot(
                g, nw3_r[...], preferred_element_type=jnp.float32) + nb3_r[...]

        extra_in, extra_args = [], []
    else:
        (dw1, db1), (dw2, db2), (dw3, db3) = dec_ps
        wdim = 3

        def body(x_r, *rest):
            agg_refs = rest[:na]
            (nwa_r, nwb_r, nb1_r, nw2_r, nb2_r, nw3_r, nb3_r,
             dw1_r, db1_r, dw2_r, db2_r, dw3_r, db3_r, o_r) = rest[na:]
            g = (jnp.dot(x_r[...], nwa_r[...], preferred_element_type=jnp.float32)
                 + jnp.dot(_aggsum(agg_refs), nwb_r[...],
                           preferred_element_type=jnp.float32)
                 + nb1_r[...])
            g = _silu(g)
            g = _silu(jnp.dot(g, nw2_r[...],
                              preferred_element_type=jnp.float32) + nb2_r[...])
            xo = x_r[...] + jnp.dot(
                g, nw3_r[...], preferred_element_type=jnp.float32) + nb3_r[...]
            y = _silu(jnp.dot(xo, dw1_r[...],
                              preferred_element_type=jnp.float32) + db1_r[...])
            y = _silu(jnp.dot(y, dw2_r[...],
                              preferred_element_type=jnp.float32) + db2_r[...])
            o_r[...] = jnp.dot(y, dw3_r[...],
                               preferred_element_type=jnp.float32) + db3_r[...]

        extra_in = [_full((H, H)), _full((1, H)), _full((H, H)), _full((1, H)),
                    _full((H, 3)), _full((1, 3))]
        extra_args = [dw1, db1.reshape(1, H), dw2, db2.reshape(1, H),
                      dw3, db3.reshape(1, 3)]

    return pl.pallas_call(
        body,
        grid=(n // blk,),
        in_specs=[_rows(blk, H)] * (1 + na) +
                 [_full((H, H)), _full((H, H)), _full((1, H)),
                  _full((H, H)), _full((1, H)), _full((H, H)), _full((1, H))]
                 + extra_in,
        out_specs=_rows(blk, wdim),
        out_shape=jax.ShapeDtypeStruct((n, wdim), jnp.float32),
    )(x, *aggs, nwa, nwb, nb1.reshape(1, H), nw2, nb2.reshape(1, H),
      nw3, nb3.reshape(1, H), *extra_args)



def kernel(z, n, edge_index, q_0, params):
    nn = z.shape[0]
    e = edge_index.shape[1]
    align = 57344
    ep = ((e + align - 1) // align) * align

    src = edge_index[0]
    dest = edge_index[1]
    src_p = jnp.concatenate([src, jnp.zeros((ep - e,), jnp.int32)])
    src_p = src_p.reshape(ep // _GB, _GB)
    dest_p = jnp.concatenate([dest, jnp.zeros((ep - e,), jnp.int32)])
    dest_g = dest_p.reshape(ep // _GB, _GB)
    dest_s = dest_p.reshape(ep // _W, _W)

    zn = jnp.concatenate([z, n], axis=1)
    q0p = jnp.pad(q_0, ((0, 0), (0, H - 3)))
    zeros = jnp.zeros(((nn // 2 + 16) // 16, H), jnp.float32)

    blk_n = 2000
    blk_e4 = 1024
    rows4 = ep // _PK

    def pack(a):
        return a.reshape(rows4, _PW)

    x0 = _node_encode(zn, params["enc_node"], blk_n)
    gqs, gqd, gxs, gxd = _sc_gather_multi([q0p, x0], src_p, dest_g)
    ea0, eattr1 = _edge_pass0(pack(gqs), pack(gqd), pack(gxs), pack(gxd),
                              params["enc_edge"], params["edge_0"], blk_e4)
    agg0 = _sc_scatter_add(ea0.reshape(ep, H), dest_s, zeros, nn, e)
    x1 = _node_update(x0, [agg0], params["node_0"], None, blk_n)
    gxs1, gxd1 = _sc_gather_multi([x1], src_p, dest_g)
    ea1 = _edge_pass1(eattr1, pack(gxs1), pack(gxd1), params["edge_1"], blk_e4)
    agg1 = _sc_scatter_add(ea1.reshape(ep, H), dest_s, zeros, nn, e)
    return _node_update(x1, [agg1], params["node_1"], params["dec"], blk_n)

# --- scband reference (transcript-rebuilt; emitter-appended) ---
"""Pipeline reference for scband-mesh-graph-net-17910013624372 (READ-ONLY COPY).

The authoritative reference and input builder live on the scoring server;
editing this copy changes nothing except your own understanding.
"""

import jax, jax.numpy as jnp
import numpy as np

N = 100000
E = 1600000
H = 32
PASSES = 2


def _init_mlp(key, sizes):
    params = []
    for i in range(len(sizes) - 1):
        key, k1, k2 = jax.random.split(key, 3)
        s = 1.0 / np.sqrt(sizes[i])
        W = jax.random.uniform(k1, (sizes[i], sizes[i + 1]), minval=-s, maxval=s, dtype=jnp.float32)
        b = jax.random.uniform(k2, (sizes[i + 1],), minval=-s, maxval=s, dtype=jnp.float32)
        params.append((W, b))
    return key, params


def setup_inputs(seed: int = 0) -> dict:
    key = jax.random.key(seed)
    k1, k2, k3, k4 = jax.random.split(key, 4)
    z = jax.random.normal(k1, (N, 3), dtype=jnp.float32)
    n = jax.random.normal(k2, (N, 3), dtype=jnp.float32)
    q_0 = jax.random.normal(k3, (N, 3), dtype=jnp.float32)
    edge_index = jax.random.randint(k4, (2, E), 0, N, dtype=jnp.int32)

    params = {}
    pk = jax.random.key(1)
    pk, params['enc_node'] = _init_mlp(pk, [6, H, H, H])
    pk, params['enc_edge'] = _init_mlp(pk, [4, H, H, H])
    for p in range(PASSES):
        pk, params['edge_%d' % p] = _init_mlp(pk, [3 * H, H, H, H])
        pk, params['node_%d' % p] = _init_mlp(pk, [2 * H, H, H, H])
    pk, params['dec'] = _init_mlp(pk, [H, H, H, 3])
    return {'z': z, 'n': n, 'edge_index': edge_index, 'q_0': q_0, 'params': params}


def _mlp(ps, x):
    for i, (W, b) in enumerate(ps):
        x = x @ W + b
        if i < len(ps) - 1:
            x = jax.nn.silu(x)
    return x


def reference(z, n, edge_index, q_0, params):
    src = edge_index[0]
    dest = edge_index[1]
    # Pre-process
    x = jnp.concatenate([z, n], axis=1)
    u = q_0[src] - q_0[dest]
    u_norm = jnp.linalg.norm(u, axis=1, keepdims=True)
    edge_attr = jnp.concatenate([u, u_norm], axis=1)
    # Encode
    x = _mlp(params['enc_node'], x)
    edge_attr = _mlp(params['enc_edge'], edge_attr)
    # Process
    for p in range(PASSES):
        ea_new = _mlp(params['edge_%d' % p], jnp.concatenate([edge_attr, x[src], x[dest]], axis=1))
        agg = jax.ops.segment_sum(ea_new, dest, num_segments=x.shape[0])
        x_new = _mlp(params['node_%d' % p], jnp.concatenate([x, agg], axis=1))
        x = x + x_new
        edge_attr = edge_attr + ea_new
    # Decode
    x = _mlp(params['dec'], x)
    return x

if __name__ == "__main__":
    import jax
    _d = setup_inputs()
    print(jax.jit(kernel)(*tuple(_d.values())))

</pallas_src>

<mosaic_0001>
#map = affine_map<(d0, d1) -> (0, 0)>
module attributes {stable_mosaic.version = 14 : i64} {
  func.func @k(%arg0: i32, %arg1: i32, %arg2: memref<1605632x32xf32, #tpu.memory_space<hbm>>, %arg3: memref<12544x128xi32, #tpu.memory_space<hbm>>, %arg4: memref<3126x32xf32, #tpu.memory_space<hbm>>, %arg5: memref<100000x32xf32, #tpu.memory_space<hbm>>, %arg6: memref<2x2x128xi32, #tpu.memory_space<vmem>>, %arg7: memref<2x2x128xi32, #tpu.memory_space<vmem>>, %arg8: memref<2x256x32xf32, #tpu.memory_space<vmem>>, %arg9: memref<50016x32xf32, #tpu.memory_space<vmem_shared>>, %arg10: memref<!tpu.dma_semaphore, #tpu.memory_space<semaphore_mem>>, %arg11: memref<!tpu.dma_semaphore, #tpu.memory_space<semaphore_mem>>, %arg12: memref<!tpu.dma_semaphore, #tpu.memory_space<semaphore_mem>>, %arg13: memref<!tpu.dma_semaphore, #tpu.memory_space<semaphore_mem>>) attributes {dimension_semantics = [#tpu.dimension_semantics<core_parallel>, #tpu.dimension_semantics<subcore_parallel>], iteration_bounds = array<i64: 2, 16>, scalar_prefetch = 0 : i64, scratch_operands = 8 : i64, tpu.core_type = #tpu.core_type<sc_vector_subcore>, window_params = [{transform_indices = #map}, {transform_indices = #map}, {transform_indices = #map}, {transform_indices = #map}]} {
    %mul3A = arith.constant 50000 : i32
    %mul3A_0 = arith.muli %arg0, %mul3A : i32
    %mul3A_1 = arith.constant 3126 : i32
    %mul3A_2 = arith.muli %arg1, %mul3A_1 : i32
    "tpu.region"() ({
      %run_scoped3A = tpu.sem_alloc : memref<!tpu.dma_semaphore, #tpu.memory_space<semaphore_mem>>
      %dma_start3A_109 = arith.constant 0 : i32
      %dma_start3A_110 = tpu.memref_slice %arg9[%mul3A_2, %dma_start3A_109] : memref<50016x32xf32, #tpu.memory_space<vmem_shared>> -> memref<3126x32xf32, #tpu.memory_space<vmem_shared>>
      tpu.enqueue_dma source(%arg4 : memref<3126x32xf32, #tpu.memory_space<hbm>>) target(%dma_start3A_110 : memref<3126x32xf32, #tpu.memory_space<vmem_shared>>) target_semaphore(%run_scoped3A : memref<!tpu.dma_semaphore, #tpu.memory_space<semaphore_mem>>)
      %dma_wait3A_111 = arith.constant 0 : i32
      %dma_wait3A_112 = tpu.memref_slice %arg9[%mul3A_2, %dma_wait3A_111] : memref<50016x32xf32, #tpu.memory_space<vmem_shared>> -> memref<3126x32xf32, #tpu.memory_space<vmem_shared>>
      tpu.wait_dma2 semaphore(%run_scoped3A : memref<!tpu.dma_semaphore, #tpu.memory_space<semaphore_mem>>) src(%arg4 : memref<3126x32xf32, #tpu.memory_space<hbm>>) dst(%dma_wait3A_112 : memref<3126x32xf32, #tpu.memory_space<vmem_shared>>)
      tpu.yield
    }) : () -> ()
    %barrier3A = arith.constant 0 : index
    tpu.barrier barrier_id(%barrier3A)
    %mul3A_3 = arith.constant 100352 : i32
    %mul3A_4 = arith.muli %arg1, %mul3A_3 : i32
    %add3A = arith.constant 0 : i32
    %add3A_5 = arith.addi %mul3A_4, %add3A : i32
    %jit3A = arith.constant 128 : i32
    %div3A = arith.divsi %add3A_5, %jit3A : i32
    %sign3A = arith.constant 0 : i32
    %sign3A_6 = arith.cmpi sgt, %add3A_5, %sign3A : i32
    %sign3A_7 = arith.extui %sign3A_6 : i1 to i32
    %sign3A_8 = arith.constant 0 : i32
    %sign3A_9 = arith.cmpi slt, %add3A_5, %sign3A_8 : i32
    %sign3A_10 = arith.extui %sign3A_9 : i1 to i32
    %sign3A_11 = arith.subi %sign3A_7, %sign3A_10 : i32
    %sign3A_12 = arith.constant 0 : i32
    %sign3A_13 = arith.cmpi sgt, %jit3A, %sign3A_12 : i32
    %sign3A_14 = arith.extui %sign3A_13 : i1 to i32
    %sign3A_15 = arith.constant 0 : i32
    %sign3A_16 = arith.cmpi slt, %jit3A, %sign3A_15 : i32
    %sign3A_17 = arith.extui %sign3A_16 : i1 to i32
    %sign3A_18 = arith.subi %sign3A_14, %sign3A_17 : i32
    %ne3A = arith.cmpi ne, %sign3A_11, %sign3A_18 : i32
    %rem3A = arith.remsi %add3A_5, %jit3A : i32
    %ne3A_19 = arith.constant 0 : i32
    %ne3A_20 = arith.cmpi ne, %rem3A, %ne3A_19 : i32
    %and3A = arith.andi %ne3A, %ne3A_20 : i1
    %sub3A = arith.constant 1 : i32
    %sub3A_21 = arith.subi %div3A, %sub3A : i32
    %select_n3A = arith.select %and3A, %sub3A_21, %div3A : i32
    %dma_start3A = arith.constant 0 : i32
    %dma_start3A_22 = arith.constant 0 : i32
    %dma_start3A_23 = arith.constant 0 : i32
    %dma_start3A_24 = tpu.memref_slice %arg6[%dma_start3A, %dma_start3A_22, %dma_start3A_23] : memref<2x2x128xi32, #tpu.memory_space<vmem>> -> memref<1x2x128xi32, #tpu.memory_space<vmem>>
    %dma_start3A_25 = tpu.memref_squeeze %dma_start3A_24 : memref<1x2x128xi32, #tpu.memory_space<vmem>> -> memref<2x128xi32, #tpu.memory_space<vmem>>
    %dma_start3A_26 = arith.constant 0 : i32
    %dma_start3A_27 = tpu.memref_slice %arg3[%select_n3A, %dma_start3A_26] : memref<12544x128xi32, #tpu.memory_space<hbm>> -> memref<2x128xi32, #tpu.memory_space<hbm>>
    %dma_start3A_28 = arith.constant 0 : i32
    %dma_start3A_29 = arith.constant 0 : i32
    %dma_start3A_30 = tpu.memref_slice %arg6[%dma_start3A, %dma_start3A_28, %dma_start3A_29] : memref<2x2x128xi32, #tpu.memory_space<vmem>> -> memref<1x2x128xi32, #tpu.memory_space<vmem>>
    %dma_start3A_31 = tpu.memref_squeeze %dma_start3A_30 : memref<1x2x128xi32, #tpu.memory_space<vmem>> -> memref<2x128xi32, #tpu.memory_space<vmem>>
    %dma_start3A_32 = arith.constant 0 : i32
    %dma_start3A_33 = tpu.memref_slice %arg3[%select_n3A, %dma_start3A_32] : memref<12544x128xi32, #tpu.memory_space<hbm>> -> memref<2x128xi32, #tpu.memory_space<hbm>>
    tpu.enqueue_dma source(%dma_start3A_33 : memref<2x128xi32, #tpu.memory_space<hbm>>) target(%dma_start3A_31 : memref<2x128xi32, #tpu.memory_space<vmem>>) target_semaphore(%arg10 : memref<!tpu.dma_semaphore, #tpu.memory_space<semaphore_mem>>)
    %dma_start3A_34 = arith.constant 0 : i32
    %dma_start3A_35 = arith.constant 0 : i32
    %dma_start3A_36 = arith.constant 0 : i32
    %dma_start3A_37 = tpu.memref_slice %arg8[%dma_start3A_34, %dma_start3A_35, %dma_start3A_36] : memref<2x256x32xf32, #tpu.memory_space<vmem>> -> memref<1x256x32xf32, #tpu.memory_space<vmem>>
    %dma_start3A_38 = tpu.memref_squeeze %dma_start3A_37 : memref<1x256x32xf32, #tpu.memory_space<vmem>> -> memref<256x32xf32, #tpu.memory_space<vmem>>
    %dma_start3A_39 = arith.constant 0 : i32
    %dma_start3A_40 = tpu.memref_slice %arg2[%add3A_5, %dma_start3A_39] : memref<1605632x32xf32, #tpu.memory_space<hbm>> -> memref<256x32xf32, #tpu.memory_space<hbm>>
    %dma_start3A_41 = arith.constant 0 : i32
    %dma_start3A_42 = arith.constant 0 : i32
    %dma_start3A_43 = tpu.memref_slice %arg8[%dma_start3A_34, %dma_start3A_41, %dma_start3A_42] : memref<2x256x32xf32, #tpu.memory_space<vmem>> -> memref<1x256x32xf32, #tpu.memory_space<vmem>>
    %dma_start3A_44 = tpu.memref_squeeze %dma_start3A_43 : memref<1x256x32xf32, #tpu.memory_space<vmem>> -> memref<256x32xf32, #tpu.memory_space<vmem>>
    %dma_start3A_45 = arith.constant 0 : i32
    %dma_start3A_46 = tpu.memref_slice %arg2[%add3A_5, %dma_start3A_45] : memref<1605632x32xf32, #tpu.memory_space<hbm>> -> memref<256x32xf32, #tpu.memory_space<hbm>>
    tpu.enqueue_dma source(%dma_start3A_46 : memref<256x32xf32, #tpu.memory_space<hbm>>) target(%dma_start3A_44 : memref<256x32xf32, #tpu.memory_space<vmem>>) target_semaphore(%arg10 : memref<!tpu.dma_semaphore, #tpu.memory_space<semaphore_mem>>)
    %scan3A = arith.constant 0 : i32
    %scan3A_47 = arith.constant 0 : i32
    %scan3A_48 = arith.constant 196 : i32
    %scan3A_49 = arith.addi %scan3A_47, %scan3A_48 : i32
    %scan3A_50 = arith.constant 1 : i32
    scf.for %scan3A_109 = %scan3A_47 to %scan3A_49 step %scan3A_50  : i32 {
      %mul3A_110 = arith.constant 2 : i32
      %mul3A_111 = arith.muli %scan3A_109, %mul3A_110 : i32
      %add3A_112 = arith.constant 0 : i32
      %add3A_113 = arith.addi %mul3A_111, %add3A_112 : i32
      %dma_wait3A_114 = arith.constant 0 : i32
      %dma_wait3A_115 = arith.constant 0 : i32
      %dma_wait3A_116 = arith.constant 0 : i32
      %dma_wait3A_117 = tpu.memref_slice %arg6[%dma_wait3A_114, %dma_wait3A_115, %dma_wait3A_116] : memref<2x2x128xi32, #tpu.memory_space<vmem>> -> memref<1x2x128xi32, #tpu.memory_space<vmem>>
      %dma_wait3A_118 = tpu.memref_squeeze %dma_wait3A_117 : memref<1x2x128xi32, #tpu.memory_space<vmem>> -> memref<2x128xi32, #tpu.memory_space<vmem>>
      %dma_wait3A_119 = arith.constant 0 : i32
      %dma_wait3A_120 = arith.constant 0 : i32
      %dma_wait3A_121 = tpu.memref_slice %arg3[%dma_wait3A_119, %dma_wait3A_120] : memref<12544x128xi32, #tpu.memory_space<hbm>> -> memref<2x128xi32, #tpu.memory_space<hbm>>
      %dma_wait3A_122 = arith.constant 0 : i32
      %dma_wait3A_123 = arith.constant 0 : i32
      %dma_wait3A_124 = tpu.memref_slice %arg6[%dma_wait3A_114, %dma_wait3A_122, %dma_wait3A_123] : memref<2x2x128xi32, #tpu.memory_space<vmem>> -> memref<1x2x128xi32, #tpu.memory_space<vmem>>
      %dma_wait3A_125 = tpu.memref_squeeze %dma_wait3A_124 : memref<1x2x128xi32, #tpu.memory_space<vmem>> -> memref<2x128xi32, #tpu.memory_space<vmem>>
      %dma_wait3A_126 = arith.constant 0 : i32
      %dma_wait3A_127 = arith.constant 0 : i32
      %dma_wait3A_128 = tpu.memref_slice %arg3[%dma_wait3A_126, %dma_wait3A_127] : memref<12544x128xi32, #tpu.memory_space<hbm>> -> memref<2x128xi32, #tpu.memory_space<hbm>>
      tpu.wait_dma2 semaphore(%arg10 : memref<!tpu.dma_semaphore, #tpu.memory_space<semaphore_mem>>) src(%dma_wait3A_128 : memref<2x128xi32, #tpu.memory_space<hbm>>) dst(%dma_wait3A_125 : memref<2x128xi32, #tpu.memory_space<vmem>>)
      %dma_wait3A_129 = arith.constant 0 : i32
      %dma_wait3A_130 = arith.constant 0 : i32
      %dma_wait3A_131 = arith.constant 0 : i32
      %dma_wait3A_132 = tpu.memref_slice %arg8[%dma_wait3A_129, %dma_wait3A_130, %dma_wait3A_131] : memref<2x256x32xf32, #tpu.memory_space<vmem>> -> memref<1x256x32xf32, #tpu.memory_space<vmem>>
      %dma_wait3A_133 = tpu.memref_squeeze %dma_wait3A_132 : memref<1x256x32xf32, #tpu.memory_space<vmem>> -> memref<256x32xf32, #tpu.memory_space<vmem>>
      %dma_wait3A_134 = arith.constant 0 : i32
      %dma_wait3A_135 = arith.constant 0 : i32
      %dma_wait3A_136 = tpu.memref_slice %arg2[%dma_wait3A_134, %dma_wait3A_135] : memref<1605632x32xf32, #tpu.memory_space<hbm>> -> memref<256x32xf32, #tpu.memory_space<hbm>>
      %dma_wait3A_137 = arith.constant 0 : i32
      %dma_wait3A_138 = arith.constant 0 : i32
      %dma_wait3A_139 = tpu.memref_slice %arg8[%dma_wait3A_129, %dma_wait3A_137, %dma_wait3A_138] : memref<2x256x32xf32, #tpu.memory_space<vmem>> -> memref<1x256x32xf32, #tpu.memory_space<vmem>>
      %dma_wait3A_140 = tpu.memref_squeeze %dma_wait3A_139 : memref<1x256x32xf32, #tpu.memory_space<vmem>> -> memref<256x32xf32, #tpu.memory_space<vmem>>
      %dma_wait3A_141 = arith.constant 0 : i32
      %dma_wait3A_142 = arith.constant 0 : i32
      %dma_wait3A_143 = tpu.memref_slice %arg2[%dma_wait3A_141, %dma_wait3A_142] : memref<1605632x32xf32, #tpu.memory_space<hbm>> -> memref<256x32xf32, #tpu.memory_space<hbm>>
      tpu.wait_dma2 semaphore(%arg10 : memref<!tpu.dma_semaphore, #tpu.memory_space<semaphore_mem>>) src(%dma_wait3A_143 : memref<256x32xf32, #tpu.memory_space<hbm>>) dst(%dma_wait3A_140 : memref<256x32xf32, #tpu.memory_space<vmem>>)
      %add3A_144 = arith.constant 1 : i32
      %add3A_145 = arith.addi %add3A_113, %add3A_144 : i32
      %lt3A = arith.constant 392 : i32
      %lt3A_146 = arith.cmpi slt, %add3A_145, %lt3A : i32
      %convert_element_type3A = arith.extui %lt3A_146 : i1 to i32
      %cond3A = arith.constant 0 : i32
      %cond3A_147 = arith.cmpi ne, %convert_element_type3A, %cond3A : i32
      scf.if %cond3A_147 {
        %add3A_280 = arith.constant 1 : i32
        %add3A_281 = arith.addi %add3A_113, %add3A_280 : i32
        %mul3A_282 = arith.constant 256 : i32
        %mul3A_283 = arith.muli %add3A_281, %mul3A_282 : i32
        %add3A_284 = arith.addi %mul3A_4, %mul3A_283 : i32
        %jit3A_285 = arith.constant 128 : i32
        %div3A_286 = arith.divsi %add3A_284, %jit3A_285 : i32
        %sign3A_287 = arith.constant 0 : i32
        %sign3A_288 = arith.cmpi sgt, %add3A_284, %sign3A_287 : i32
        %sign3A_289 = arith.extui %sign3A_288 : i1 to i32
        %sign3A_290 = arith.constant 0 : i32
        %sign3A_291 = arith.cmpi slt, %add3A_284, %sign3A_290 : i32
        %sign3A_292 = arith.extui %sign3A_291 : i1 to i32
        %sign3A_293 = arith.subi %sign3A_289, %sign3A_292 : i32
        %sign3A_294 = arith.constant 0 : i32
        %sign3A_295 = arith.cmpi sgt, %jit3A_285, %sign3A_294 : i32
        %sign3A_296 = arith.extui %sign3A_295 : i1 to i32
        %sign3A_297 = arith.constant 0 : i32
        %sign3A_298 = arith.cmpi slt, %jit3A_285, %sign3A_297 : i32
        %sign3A_299 = arith.extui %sign3A_298 : i1 to i32
        %sign3A_300 = arith.subi %sign3A_296, %sign3A_299 : i32
        %ne3A_301 = arith.cmpi ne, %sign3A_293, %sign3A_300 : i32
        %rem3A_302 = arith.remsi %add3A_284, %jit3A_285 : i32
        %ne3A_303 = arith.constant 0 : i32
        %ne3A_304 = arith.cmpi ne, %rem3A_302, %ne3A_303 : i32
        %and3A_305 = arith.andi %ne3A_301, %ne3A_304 : i1
        %sub3A_306 = arith.constant 1 : i32
        %sub3A_307 = arith.subi %div3A_286, %sub3A_306 : i32
        %select_n3A_308 = arith.select %and3A_305, %sub3A_307, %div3A_286 : i32
        %dma_start3A_309 = arith.constant 1 : i32
        %dma_start3A_310 = arith.constant 0 : i32
        %dma_start3A_311 = arith.constant 0 : i32
        %dma_start3A_312 = tpu.memref_slice %arg6[%dma_start3A_309, %dma_start3A_310, %dma_start3A_311] : memref<2x2x128xi32, #tpu.memory_space<vmem>> -> memref<1x2x128xi32, #tpu.memory_space<vmem>>
        %dma_start3A_313 = tpu.memref_squeeze %dma_start3A_312 : memref<1x2x128xi32, #tpu.memory_space<vmem>> -> memref<2x128xi32, #tpu.memory_space<vmem>>
        %dma_start3A_314 = arith.constant 0 : i32
        %dma_start3A_315 = tpu.memref_slice %arg3[%select_n3A_308, %dma_start3A_314] : memref<12544x128xi32, #tpu.memory_space<hbm>> -> memref<2x128xi32, #tpu.memory_space<hbm>>
        %dma_start3A_316 = arith.constant 0 : i32
        %dma_start3A_317 = arith.constant 0 : i32
        %dma_start3A_318 = tpu.memref_slice %arg6[%dma_start3A_309, %dma_start3A_316, %dma_start3A_317] : memref<2x2x128xi32, #tpu.memory_space<vmem>> -> memref<1x2x128xi32, #tpu.memory_space<vmem>>
        %dma_start3A_319 = tpu.memref_squeeze %dma_start3A_318 : memref<1x2x128xi32, #tpu.memory_space<vmem>> -> memref<2x128xi32, #tpu.memory_space<vmem>>
        %dma_start3A_320 = arith.constant 0 : i32
        %dma_start3A_321 = tpu.memref_slice %arg3[%select_n3A_308, %dma_start3A_320] : memref<12544x128xi32, #tpu.memory_space<hbm>> -> memref<2x128xi32, #tpu.memory_space<hbm>>
        tpu.enqueue_dma source(%dma_start3A_321 : memref<2x128xi32, #tpu.memory_space<hbm>>) target(%dma_start3A_319 : memref<2x128xi32, #tpu.memory_space<vmem>>) target_semaphore(%arg11 : memref<!tpu.dma_semaphore, #tpu.memory_space<semaphore_mem>>)
        %dma_start3A_322 = arith.constant 1 : i32
        %dma_start3A_323 = arith.constant 0 : i32
        %dma_start3A_324 = arith.constant 0 : i32
        %dma_start3A_325 = tpu.memref_slice %arg8[%dma_start3A_322, %dma_start3A_323, %dma_start3A_324] : memref<2x256x32xf32, #tpu.memory_space<vmem>> -> memref<1x256x32xf32, #tpu.memory_space<vmem>>
        %dma_start3A_326 = tpu.memref_squeeze %dma_start3A_325 : memref<1x256x32xf32, #tpu.memory_space<vmem>> -> memref<256x32xf32, #tpu.memory_space<vmem>>
        %dma_start3A_327 = arith.constant 0 : i32
        %dma_start3A_328 = tpu.memref_slice %arg2[%add3A_284, %dma_start3A_327] : memref<1605632x32xf32, #tpu.memory_space<hbm>> -> memref<256x32xf32, #tpu.memory_space<hbm>>
        %dma_start3A_329 = arith.constant 0 : i32
        %dma_start3A_330 = arith.constant 0 : i32
        %dma_start3A_331 = tpu.memref_slice %arg8[%dma_start3A_322, %dma_start3A_329, %dma_start3A_330] : memref<2x256x32xf32, #tpu.memory_space<vmem>> -> memref<1x256x32xf32, #tpu.memory_space<vmem>>
        %dma_start3A_332 = tpu.memref_squeeze %dma_start3A_331 : memref<1x256x32xf32, #tpu.memory_space<vmem>> -> memref<256x32xf32, #tpu.memory_space<vmem>>
        %dma_start3A_333 = arith.constant 0 : i32
        %dma_start3A_334 = tpu.memref_slice %arg2[%add3A_284, %dma_start3A_333] : memref<1605632x32xf32, #tpu.memory_space<hbm>> -> memref<256x32xf32, #tpu.memory_space<hbm>>
        tpu.enqueue_dma source(%dma_start3A_334 : memref<256x32xf32, #tpu.memory_space<hbm>>) target(%dma_start3A_332 : memref<256x32xf32, #tpu.memory_space<vmem>>) target_semaphore(%arg11 : memref<!tpu.dma_semaphore, #tpu.memory_space<semaphore_mem>>)
      } else {
      }
      %mul3A_148 = arith.constant 256 : i32
      %mul3A_149 = arith.muli %add3A_113, %mul3A_148 : i32
      %add3A_150 = arith.addi %mul3A_4, %mul3A_149 : i32
      %scan3A_151 = arith.constant 0 : i32
      %scan3A_152 = arith.constant 0 : i32
      %scan3A_153 = arith.constant 8 : i32
      %scan3A_154 = arith.addi %scan3A_152, %scan3A_153 : i32
      %scan3A_155 = arith.constant 1 : i32
      scf.for %scan3A_280 = %scan3A_152 to %scan3A_154 step %scan3A_155  : i32 {
        %add3A_281 = arith.constant 0 : i32
        %add3A_282 = arith.addi %add3A_150, %add3A_281 : i32
        %mul3A_283 = arith.constant 16 : i32
        %mul3A_284 = arith.muli %scan3A_280, %mul3A_283 : i32
        %add3A_285 = arith.addi %add3A_282, %mul3A_284 : i32
        %ge3A_286 = arith.constant 1600000 : i32
        %ge3A_287 = arith.cmpi sge, %add3A_285, %ge3A_286 : i32
        %convert_element_type3A_288 = arith.extui %ge3A_287 : i1 to i32
        %mul3A_289 = arith.constant 200000 : i32
        %mul3A_290 = arith.muli %convert_element_type3A_288, %mul3A_289 : i32
        %mul3A_291 = arith.constant 16 : i32
        %mul3A_292 = arith.muli %scan3A_280, %mul3A_291 : i32
        %get3A = arith.constant 0 : i32
        %get3A_293 = arith.constant 0 : i32
        %get3A_294 = arith.index_cast %get3A : i32 to index
        %get3A_295 = arith.index_cast %get3A_293 : i32 to index
        %get3A_296 = arith.index_cast %mul3A_292 : i32 to index
        %get3A_297 = tpu.vector_load %arg6[%get3A_294, %get3A_295, %get3A_296] {strides = array<i32>} : memref<2x2x128xi32, #tpu.memory_space<vmem>>, vector<1x1x16xi32>,
        %get3A_298 = vector.shape_cast %get3A_297 : vector<1x1x16xi32> to vector<16xi32>
        %add3A_299 = vector.broadcast %mul3A_290 : i32 to vector<16xi32>
        %add3A_300 = arith.addi %get3A_298, %add3A_299 : vector<16xi32>
        %ge3A_301 = vector.broadcast %mul3A_0 : i32 to vector<16xi32>
        %ge3A_302 = arith.cmpi sge, %add3A_300, %ge3A_301 : vector<16xi32>
        %add3A_303 = arith.constant 50000 : i32
        %add3A_304 = arith.addi %mul3A_0, %add3A_303 : i32
        %lt3A_305 = vector.broadcast %add3A_304 : i32 to vector<16xi32>
        %lt3A_306 = arith.cmpi slt, %add3A_300, %lt3A_305 : vector<16xi32>
        %and3A_307 = arith.andi %ge3A_302, %lt3A_306 : vector<16xi1>
        %sub3A_308 = vector.broadcast %mul3A_0 : i32 to vector<16xi32>
        %sub3A_309 = arith.subi %add3A_300, %sub3A_308 : vector<16xi32>
        %add3A_310 = arith.constant 50000 : i32
        %add3A_311 = arith.addi %add3A_310, %arg1 : i32
        %broadcast_in_dim3A = vector.broadcast %add3A_311 : i32 to vector<16xi32>
        %select_n3A_312 = arith.select %and3A_307, %sub3A_309, %broadcast_in_dim3A : vector<16xi1>, vector<16xi32>
        %mul3A_313 = arith.constant 16 : i32
        %mul3A_314 = arith.muli %scan3A_280, %mul3A_313 : i32
        %swap3A = arith.constant 0 : i32
        %swap3A_315 = arith.constant 0 : i32
        %swap3A_316 = arith.index_cast %swap3A : i32 to index
        %swap3A_317 = arith.index_cast %swap3A_315 : i32 to index
        %swap3A_318 = arith.index_cast %mul3A_314 : i32 to index
        %swap3A_319 = tpu.vector_load %arg7[%swap3A_316, %swap3A_317, %swap3A_318] {strides = array<i32>} : memref<2x2x128xi32, #tpu.memory_space<vmem>>, vector<1x1x16xi32>,
        %swap3A_320 = vector.shape_cast %swap3A_319 : vector<1x1x16xi32> to vector<16xi32>
        %swap3A_321 = vector.shape_cast %select_n3A_312 : vector<16xi32> to vector<1x1x16xi32>
        tpu.vector_store %arg7[%swap3A_316, %swap3A_317, %swap3A_318], %swap3A_321 {strides = array<i32>} : memref<2x2x128xi32, #tpu.memory_space<vmem>>, vector<1x1x16xi32>,
      }
      %scan3A_156 = arith.constant 8 : i32
      %scan3A_157 = arith.constant 0 : i32
      %scan3A_158 = arith.constant 0 : i32
      %scan3A_159 = arith.constant 8 : i32
      %scan3A_160 = arith.addi %scan3A_158, %scan3A_159 : i32
      %scan3A_161 = arith.constant 1 : i32
      scf.for %scan3A_280 = %scan3A_158 to %scan3A_160 step %scan3A_161  : i32 {
        %add3A_281 = arith.constant 128 : i32
        %add3A_282 = arith.addi %add3A_150, %add3A_281 : i32
        %mul3A_283 = arith.constant 16 : i32
        %mul3A_284 = arith.muli %scan3A_280, %mul3A_283 : i32
        %add3A_285 = arith.addi %add3A_282, %mul3A_284 : i32
        %ge3A_286 = arith.constant 1600000 : i32
        %ge3A_287 = arith.cmpi sge, %add3A_285, %ge3A_286 : i32
        %convert_element_type3A_288 = arith.extui %ge3A_287 : i1 to i32
        %mul3A_289 = arith.constant 200000 : i32
        %mul3A_290 = arith.muli %convert_element_type3A_288, %mul3A_289 : i32
        %mul3A_291 = arith.constant 16 : i32
        %mul3A_292 = arith.muli %scan3A_280, %mul3A_291 : i32
        %get3A = arith.constant 0 : i32
        %get3A_293 = arith.constant 1 : i32
        %get3A_294 = arith.index_cast %get3A : i32 to index
        %get3A_295 = arith.index_cast %get3A_293 : i32 to index
        %get3A_296 = arith.index_cast %mul3A_292 : i32 to index
        %get3A_297 = tpu.vector_load %arg6[%get3A_294, %get3A_295, %get3A_296] {strides = array<i32>} : memref<2x2x128xi32, #tpu.memory_space<vmem>>, vector<1x1x16xi32>,
        %get3A_298 = vector.shape_cast %get3A_297 : vector<1x1x16xi32> to vector<16xi32>
        %add3A_299 = vector.broadcast %mul3A_290 : i32 to vector<16xi32>
        %add3A_300 = arith.addi %get3A_298, %add3A_299 : vector<16xi32>
        %ge3A_301 = vector.broadcast %mul3A_0 : i32 to vector<16xi32>
        %ge3A_302 = arith.cmpi sge, %add3A_300, %ge3A_301 : vector<16xi32>
        %add3A_303 = arith.constant 50000 : i32
        %add3A_304 = arith.addi %mul3A_0, %add3A_303 : i32
        %lt3A_305 = vector.broadcast %add3A_304 : i32 to vector<16xi32>
        %lt3A_306 = arith.cmpi slt, %add3A_300, %lt3A_305 : vector<16xi32>
        %and3A_307 = arith.andi %ge3A_302, %lt3A_306 : vector<16xi1>
        %sub3A_308 = vector.broadcast %mul3A_0 : i32 to vector<16xi32>
        %sub3A_309 = arith.subi %add3A_300, %sub3A_308 : vector<16xi32>
        %add3A_310 = arith.constant 50000 : i32
        %add3A_311 = arith.addi %add3A_310, %arg1 : i32
        %broadcast_in_dim3A = vector.broadcast %add3A_311 : i32 to vector<16xi32>
        %select_n3A_312 = arith.select %and3A_307, %sub3A_309, %broadcast_in_dim3A : vector<16xi1>, vector<16xi32>
        %mul3A_313 = arith.constant 16 : i32
        %mul3A_314 = arith.muli %scan3A_280, %mul3A_313 : i32
        %swap3A = arith.constant 0 : i32
        %swap3A_315 = arith.constant 1 : i32
        %swap3A_316 = arith.index_cast %swap3A : i32 to index
        %swap3A_317 = arith.index_cast %swap3A_315 : i32 to index
        %swap3A_318 = arith.index_cast %mul3A_314 : i32 to index
        %swap3A_319 = tpu.vector_load %arg7[%swap3A_316, %swap3A_317, %swap3A_318] {strides = array<i32>} : memref<2x2x128xi32, #tpu.memory_space<vmem>>, vector<1x1x16xi32>,
        %swap3A_320 = vector.shape_cast %swap3A_319 : vector<1x1x16xi32> to vector<16xi32>
        %swap3A_321 = vector.shape_cast %select_n3A_312 : vector<16xi32> to vector<1x1x16xi32>
        tpu.vector_store %arg7[%swap3A_316, %swap3A_317, %swap3A_318], %swap3A_321 {strides = array<i32>} : memref<2x2x128xi32, #tpu.memory_space<vmem>>, vector<1x1x16xi32>,
      }
      %scan3A_162 = arith.constant 8 : i32
      %ge3A = arith.constant 2 : i32
      %ge3A_163 = arith.cmpi sge, %add3A_113, %ge3A : i32
      %convert_element_type3A_164 = arith.extui %ge3A_163 : i1 to i32
      %cond3A_165 = arith.constant 0 : i32
      %cond3A_166 = arith.cmpi ne, %convert_element_type3A_164, %cond3A_165 : i32
      scf.if %cond3A_166 {
        %dma_wait3A_280 = arith.constant 0 : i32
        %dma_wait3A_281 = arith.constant 0 : i32
        %dma_wait3A_282 = arith.constant 0 : i32
        %dma_wait3A_283 = arith.constant 0 : i32
        %dma_wait3A_284 = arith.constant 0 : i32
        %dma_wait3A_285 = tpu.memref_slice %arg8[%dma_wait3A_280, %dma_wait3A_283, %dma_wait3A_284] : memref<2x256x32xf32, #tpu.memory_space<vmem>> -> memref<1x128x32xf32, #tpu.memory_space<vmem>>
        %dma_wait3A_286 = tpu.memref_squeeze %dma_wait3A_285 : memref<1x128x32xf32, #tpu.memory_space<vmem>> -> memref<128x32xf32, #tpu.memory_space<vmem>>
        %dma_wait3A_287 = arith.constant 0 : i32
        %dma_wait3A_288 = tpu.memref_slice %arg7[%dma_wait3A_281, %dma_wait3A_282, %dma_wait3A_287] : memref<2x2x128xi32, #tpu.memory_space<vmem>> -> memref<1x1x128xi32, #tpu.memory_space<vmem>>
        %dma_wait3A_289 = tpu.memref_squeeze %dma_wait3A_288 : memref<1x1x128xi32, #tpu.memory_space<vmem>> -> memref<128xi32, #tpu.memory_space<vmem>>
        %dma_wait3A_290 = arith.constant 0 : i32
        %dma_wait3A_291 = arith.constant 0 : i32
        %dma_wait3A_292 = tpu.memref_slice %arg9[%dma_wait3A_290, %dma_wait3A_291] : memref<50016x32xf32, #tpu.memory_space<vmem_shared>> -> memref<50016x32xf32, #tpu.memory_space<vmem_shared>>
        tpu.wait_indirect_dma semaphore(%arg12 : memref<!tpu.dma_semaphore, #tpu.memory_space<semaphore_mem>>) src(%dma_wait3A_286 : memref<128x32xf32, #tpu.memory_space<vmem>>) dst(%dma_wait3A_292 : memref<50016x32xf32, #tpu.memory_space<vmem_shared>>)
        %dma_wait3A_293 = arith.constant 0 : i32
        %dma_wait3A_294 = arith.constant 0 : i32
        %dma_wait3A_295 = arith.constant 1 : i32
        %dma_wait3A_296 = arith.constant 128 : i32
        %dma_wait3A_297 = arith.constant 0 : i32
        %dma_wait3A_298 = tpu.memref_slice %arg8[%dma_wait3A_293, %dma_wait3A_296, %dma_wait3A_297] : memref<2x256x32xf32, #tpu.memory_space<vmem>> -> memref<1x128x32xf32, #tpu.memory_space<vmem>>
        %dma_wait3A_299 = tpu.memref_squeeze %dma_wait3A_298 : memref<1x128x32xf32, #tpu.memory_space<vmem>> -> memref<128x32xf32, #tpu.memory_space<vmem>>
        %dma_wait3A_300 = arith.constant 0 : i32
        %dma_wait3A_301 = tpu.memref_slice %arg7[%dma_wait3A_294, %dma_wait3A_295, %dma_wait3A_300] : memref<2x2x128xi32, #tpu.memory_space<vmem>> -> memref<1x1x128xi32, #tpu.memory_space<vmem>>
        %dma_wait3A_302 = tpu.memref_squeeze %dma_wait3A_301 : memref<1x1x128xi32, #tpu.memory_space<vmem>> -> memref<128xi32, #tpu.memory_space<vmem>>
        %dma_wait3A_303 = arith.constant 0 : i32
        %dma_wait3A_304 = arith.constant 0 : i32
        %dma_wait3A_305 = tpu.memref_slice %arg9[%dma_wait3A_303, %dma_wait3A_304] : memref<50016x32xf32, #tpu.memory_space<vmem_shared>> -> memref<50016x32xf32, #tpu.memory_space<vmem_shared>>
        tpu.wait_indirect_dma semaphore(%arg12 : memref<!tpu.dma_semaphore, #tpu.memory_space<semaphore_mem>>) src(%dma_wait3A_299 : memref<128x32xf32, #tpu.memory_space<vmem>>) dst(%dma_wait3A_305 : memref<50016x32xf32, #tpu.memory_space<vmem_shared>>)
      } else {
      }
      %dma_start3A_167 = arith.constant 0 : i32
      %dma_start3A_168 = arith.constant 0 : i32
      %dma_start3A_169 = arith.constant 0 : i32
      %dma_start3A_170 = arith.constant 0 : i32
      %dma_start3A_171 = arith.constant 0 : i32
      %dma_start3A_172 = tpu.memref_slice %arg8[%dma_start3A_167, %dma_start3A_170, %dma_start3A_171] : memref<2x256x32xf32, #tpu.memory_space<vmem>> -> memref<1x128x32xf32, #tpu.memory_space<vmem>>
      %dma_start3A_173 = tpu.memref_squeeze %dma_start3A_172 : memref<1x128x32xf32, #tpu.memory_space<vmem>> -> memref<128x32xf32, #tpu.memory_space<vmem>>
      %dma_start3A_174 = arith.constant 0 : i32
      %dma_start3A_175 = tpu.memref_slice %arg7[%dma_start3A_168, %dma_start3A_169, %dma_start3A_174] : memref<2x2x128xi32, #tpu.memory_space<vmem>> -> memref<1x1x128xi32, #tpu.memory_space<vmem>>
      %dma_start3A_176 = tpu.memref_squeeze %dma_start3A_175 : memref<1x1x128xi32, #tpu.memory_space<vmem>> -> memref<128xi32, #tpu.memory_space<vmem>>
      %dma_start3A_177 = arith.constant 0 : i32
      %dma_start3A_178 = arith.constant 0 : i32
      %dma_start3A_179 = tpu.memref_slice %arg9[%dma_start3A_177, %dma_start3A_178] : memref<50016x32xf32, #tpu.memory_space<vmem_shared>> -> memref<50016x32xf32, #tpu.memory_space<vmem_shared>>
      tpu.enqueue_indirect_dma source(%dma_start3A_173 : memref<128x32xf32, #tpu.memory_space<vmem>>) target(%dma_start3A_179 : memref<50016x32xf32, #tpu.memory_space<vmem_shared>>) offsets(%dma_start3A_176 : memref<128xi32, #tpu.memory_space<vmem>>) semaphore(%arg12 : memref<!tpu.dma_semaphore, #tpu.memory_space<semaphore_mem>>) {add = true}
      %dma_start3A_180 = arith.constant 0 : i32
      %dma_start3A_181 = arith.constant 0 : i32
      %dma_start3A_182 = arith.constant 1 : i32
      %dma_start3A_183 = arith.constant 128 : i32
      %dma_start3A_184 = arith.constant 0 : i32
      %dma_start3A_185 = tpu.memref_slice %arg8[%dma_start3A_180, %dma_start3A_183, %dma_start3A_184] : memref<2x256x32xf32, #tpu.memory_space<vmem>> -> memref<1x128x32xf32, #tpu.memory_space<vmem>>
      %dma_start3A_186 = tpu.memref_squeeze %dma_start3A_185 : memref<1x128x32xf32, #tpu.memory_space<vmem>> -> memref<128x32xf32, #tpu.memory_space<vmem>>
      %dma_start3A_187 = arith.constant 0 : i32
      %dma_start3A_188 = tpu.memref_slice %arg7[%dma_start3A_181, %dma_start3A_182, %dma_start3A_187] : memref<2x2x128xi32, #tpu.memory_space<vmem>> -> memref<1x1x128xi32, #tpu.memory_space<vmem>>
      %dma_start3A_189 = tpu.memref_squeeze %dma_start3A_188 : memref<1x1x128xi32, #tpu.memory_space<vmem>> -> memref<128xi32, #tpu.memory_space<vmem>>
      %dma_start3A_190 = arith.constant 0 : i32
      %dma_start3A_191 = arith.constant 0 : i32
      %dma_start3A_192 = tpu.memref_slice %arg9[%dma_start3A_190, %dma_start3A_191] : memref<50016x32xf32, #tpu.memory_space<vmem_shared>> -> memref<50016x32xf32, #tpu.memory_space<vmem_shared>>
      tpu.enqueue_indirect_dma source(%dma_start3A_186 : memref<128x32xf32, #tpu.memory_space<vmem>>) target(%dma_start3A_192 : memref<50016x32xf32, #tpu.memory_space<vmem_shared>>) offsets(%dma_start3A_189 : memref<128xi32, #tpu.memory_space<vmem>>) semaphore(%arg12 : memref<!tpu.dma_semaphore, #tpu.memory_space<semaphore_mem>>) {add = true}
      %mul3A_193 = arith.constant 2 : i32
      %mul3A_194 = arith.muli %scan3A_109, %mul3A_193 : i32
      %add3A_195 = arith.constant 1 : i32
      %add3A_196 = arith.addi %mul3A_194, %add3A_195 : i32
      %dma_wait3A_197 = arith.constant 1 : i32
      %dma_wait3A_198 = arith.constant 0 : i32
      %dma_wait3A_199 = arith.constant 0 : i32
      %dma_wait3A_200 = tpu.memref_slice %arg6[%dma_wait3A_197, %dma_wait3A_198, %dma_wait3A_199] : memref<2x2x128xi32, #tpu.memory_space<vmem>> -> memref<1x2x128xi32, #tpu.memory_space<vmem>>
      %dma_wait3A_201 = tpu.memref_squeeze %dma_wait3A_200 : memref<1x2x128xi32, #tpu.memory_space<vmem>> -> memref<2x128xi32, #tpu.memory_space<vmem>>
      %dma_wait3A_202 = arith.constant 0 : i32
      %dma_wait3A_203 = arith.constant 0 : i32
      %dma_wait3A_204 = tpu.memref_slice %arg3[%dma_wait3A_202, %dma_wait3A_203] : memref<12544x128xi32, #tpu.memory_space<hbm>> -> memref<2x128xi32, #tpu.memory_space<hbm>>
      %dma_wait3A_205 = arith.constant 0 : i32
      %dma_wait3A_206 = arith.constant 0 : i32
      %dma_wait3A_207 = tpu.memref_slice %arg6[%dma_wait3A_197, %dma_wait3A_205, %dma_wait3A_206] : memref<2x2x128xi32, #tpu.memory_space<vmem>> -> memref<1x2x128xi32, #tpu.memory_space<vmem>>
      %dma_wait3A_208 = tpu.memref_squeeze %dma_wait3A_207 : memref<1x2x128xi32, #tpu.memory_space<vmem>> -> memref<2x128xi32, #tpu.memory_space<vmem>>
      %dma_wait3A_209 = arith.constant 0 : i32
      %dma_wait3A_210 = arith.constant 0 : i32
      %dma_wait3A_211 = tpu.memref_slice %arg3[%dma_wait3A_209, %dma_wait3A_210] : memref<12544x128xi32, #tpu.memory_space<hbm>> -> memref<2x128xi32, #tpu.memory_space<hbm>>
      tpu.wait_dma2 semaphore(%arg11 : memref<!tpu.dma_semaphore, #tpu.memory_space<semaphore_mem>>) src(%dma_wait3A_211 : memref<2x128xi32, #tpu.memory_space<hbm>>) dst(%dma_wait3A_208 : memref<2x128xi32, #tpu.memory_space<vmem>>)
      %dma_wait3A_212 = arith.constant 1 : i32
      %dma_wait3A_213 = arith.constant 0 : i32
      %dma_wait3A_214 = arith.constant 0 : i32
      %dma_wait3A_215 = tpu.memref_slice %arg8[%dma_wait3A_212, %dma_wait3A_213, %dma_wait3A_214] : memref<2x256x32xf32, #tpu.memory_space<vmem>> -> memref<1x256x32xf32, #tpu.memory_space<vmem>>
      %dma_wait3A_216 = tpu.memref_squeeze %dma_wait3A_215 : memref<1x256x32xf32, #tpu.memory_space<vmem>> -> memref<256x32xf32, #tpu.memory_space<vmem>>
      %dma_wait3A_217 = arith.constant 0 : i32
      %dma_wait3A_218 = arith.constant 0 : i32
      %dma_wait3A_219 = tpu.memref_slice %arg2[%dma_wait3A_217, %dma_wait3A_218] : memref<1605632x32xf32, #tpu.memory_space<hbm>> -> memref<256x32xf32, #tpu.memory_space<hbm>>
      %dma_wait3A_220 = arith.constant 0 : i32
      %dma_wait3A_221 = arith.constant 0 : i32
      %dma_wait3A_222 = tpu.memref_slice %arg8[%dma_wait3A_212, %dma_wait3A_220, %dma_wait3A_221] : memref<2x256x32xf32, #tpu.memory_space<vmem>> -> memref<1x256x32xf32, #tpu.memory_space<vmem>>
      %dma_wait3A_223 = tpu.memref_squeeze %dma_wait3A_222 : memref<1x256x32xf32, #tpu.memory_space<vmem>> -> memref<256x32xf32, #tpu.memory_space<vmem>>
      %dma_wait3A_224 = arith.constant 0 : i32
      %dma_wait3A_225 = arith.constant 0 : i32
      %dma_wait3A_226 = tpu.memref_slice %arg2[%dma_wait3A_224, %dma_wait3A_225] : memref<1605632x32xf32, #tpu.memory_space<hbm>> -> memref<256x32xf32, #tpu.memory_space<hbm>>
      tpu.wait_dma2 semaphore(%arg11 : memref<!tpu.dma_semaphore, #tpu.memory_space<semaphore_mem>>) src(%dma_wait3A_226 : memref<256x32xf32, #tpu.memory_space<hbm>>) dst(%dma_wait3A_223 : memref<256x32xf32, #tpu.memory_space<vmem>>)
      %add3A_227 = arith.constant 1 : i32
      %add3A_228 = arith.addi %add3A_196, %add3A_227 : i32
      %lt3A_229 = arith.constant 392 : i32
      %lt3A_230 = arith.cmpi slt, %add3A_228, %lt3A_229 : i32
      %convert_element_type3A_231 = arith.extui %lt3A_230 : i1 to i32
      %cond3A_232 = arith.constant 0 : i32
      %cond3A_233 = arith.cmpi ne, %convert_element_type3A_231, %cond3A_232 : i32
      scf.if %cond3A_233 {
        %add3A_280 = arith.constant 1 : i32
        %add3A_281 = arith.addi %add3A_196, %add3A_280 : i32
        %mul3A_282 = arith.constant 256 : i32
        %mul3A_283 = arith.muli %add3A_281, %mul3A_282 : i32
        %add3A_284 = arith.addi %mul3A_4, %mul3A_283 : i32
        %jit3A_285 = arith.constant 128 : i32
        %div3A_286 = arith.divsi %add3A_284, %jit3A_285 : i32
        %sign3A_287 = arith.constant 0 : i32
        %sign3A_288 = arith.cmpi sgt, %add3A_284, %sign3A_287 : i32
        %sign3A_289 = arith.extui %sign3A_288 : i1 to i32
        %sign3A_290 = arith.constant 0 : i32
        %sign3A_291 = arith.cmpi slt, %add3A_284, %sign3A_290 : i32
        %sign3A_292 = arith.extui %sign3A_291 : i1 to i32
        %sign3A_293 = arith.subi %sign3A_289, %sign3A_292 : i32
        %sign3A_294 = arith.constant 0 : i32
        %sign3A_295 = arith.cmpi sgt, %jit3A_285, %sign3A_294 : i32
        %sign3A_296 = arith.extui %sign3A_295 : i1 to i32
        %sign3A_297 = arith.constant 0 : i32
        %sign3A_298 = arith.cmpi slt, %jit3A_285, %sign3A_297 : i32
        %sign3A_299 = arith.extui %sign3A_298 : i1 to i32
        %sign3A_300 = arith.subi %sign3A_296, %sign3A_299 : i32
        %ne3A_301 = arith.cmpi ne, %sign3A_293, %sign3A_300 : i32
        %rem3A_302 = arith.remsi %add3A_284, %jit3A_285 : i32
        %ne3A_303 = arith.constant 0 : i32
        %ne3A_304 = arith.cmpi ne, %rem3A_302, %ne3A_303 : i32
        %and3A_305 = arith.andi %ne3A_301, %ne3A_304 : i1
        %sub3A_306 = arith.constant 1 : i32
        %sub3A_307 = arith.subi %div3A_286, %sub3A_306 : i32
        %select_n3A_308 = arith.select %and3A_305, %sub3A_307, %div3A_286 : i32
        %dma_start3A_309 = arith.constant 0 : i32
        %dma_start3A_310 = arith.constant 0 : i32
        %dma_start3A_311 = arith.constant 0 : i32
        %dma_start3A_312 = tpu.memref_slice %arg6[%dma_start3A_309, %dma_start3A_310, %dma_start3A_311] : memref<2x2x128xi32, #tpu.memory_space<vmem>> -> memref<1x2x128xi32, #tpu.memory_space<vmem>>
        %dma_start3A_313 = tpu.memref_squeeze %dma_start3A_312 : memref<1x2x128xi32, #tpu.memory_space<vmem>> -> memref<2x128xi32, #tpu.memory_space<vmem>>
        %dma_start3A_314 = arith.constant 0 : i32
        %dma_start3A_315 = tpu.memref_slice %arg3[%select_n3A_308, %dma_start3A_314] : memref<12544x128xi32, #tpu.memory_space<hbm>> -> memref<2x128xi32, #tpu.memory_space<hbm>>
        %dma_start3A_316 = arith.constant 0 : i32
        %dma_start3A_317 = arith.constant 0 : i32
        %dma_start3A_318 = tpu.memref_slice %arg6[%dma_start3A_309, %dma_start3A_316, %dma_start3A_317] : memref<2x2x128xi32, #tpu.memory_space<vmem>> -> memref<1x2x128xi32, #tpu.memory_space<vmem>>
        %dma_start3A_319 = tpu.memref_squeeze %dma_start3A_318 : memref<1x2x128xi32, #tpu.memory_space<vmem>> -> memref<2x128xi32, #tpu.memory_space<vmem>>
        %dma_start3A_320 = arith.constant 0 : i32
        %dma_start3A_321 = tpu.memref_slice %arg3[%select_n3A_308, %dma_start3A_320] : memref<12544x128xi32, #tpu.memory_space<hbm>> -> memref<2x128xi32, #tpu.memory_space<hbm>>
        tpu.enqueue_dma source(%dma_start3A_321 : memref<2x128xi32, #tpu.memory_space<hbm>>) target(%dma_start3A_319 : memref<2x128xi32, #tpu.memory_space<vmem>>) target_semaphore(%arg10 : memref<!tpu.dma_semaphore, #tpu.memory_space<semaphore_mem>>)
        %dma_start3A_322 = arith.constant 0 : i32
        %dma_start3A_323 = arith.constant 0 : i32
        %dma_start3A_324 = arith.constant 0 : i32
        %dma_start3A_325 = tpu.memref_slice %arg8[%dma_start3A_322, %dma_start3A_323, %dma_start3A_324] : memref<2x256x32xf32, #tpu.memory_space<vmem>> -> memref<1x256x32xf32, #tpu.memory_space<vmem>>
        %dma_start3A_326 = tpu.memref_squeeze %dma_start3A_325 : memref<1x256x32xf32, #tpu.memory_space<vmem>> -> memref<256x32xf32, #tpu.memory_space<vmem>>
        %dma_start3A_327 = arith.constant 0 : i32
        %dma_start3A_328 = tpu.memref_slice %arg2[%add3A_284, %dma_start3A_327] : memref<1605632x32xf32, #tpu.memory_space<hbm>> -> memref<256x32xf32, #tpu.memory_space<hbm>>
        %dma_start3A_329 = arith.constant 0 : i32
        %dma_start3A_330 = arith.constant 0 : i32
        %dma_start3A_331 = tpu.memref_slice %arg8[%dma_start3A_322, %dma_start3A_329, %dma_start3A_330] : memref<2x256x32xf32, #tpu.memory_space<vmem>> -> memref<1x256x32xf32, #tpu.memory_space<vmem>>
        %dma_start3A_332 = tpu.memref_squeeze %dma_start3A_331 : memref<1x256x32xf32, #tpu.memory_space<vmem>> -> memref<256x32xf32, #tpu.memory_space<vmem>>
        %dma_start3A_333 = arith.constant 0 : i32
        %dma_start3A_334 = tpu.memref_slice %arg2[%add3A_284, %dma_start3A_333] : memref<1605632x32xf32, #tpu.memory_space<hbm>> -> memref<256x32xf32, #tpu.memory_space<hbm>>
        tpu.enqueue_dma source(%dma_start3A_334 : memref<256x32xf32, #tpu.memory_space<hbm>>) target(%dma_start3A_332 : memref<256x32xf32, #tpu.memory_space<vmem>>) target_semaphore(%arg10 : memref<!tpu.dma_semaphore, #tpu.memory_space<semaphore_mem>>)
      } else {
      }
      %mul3A_234 = arith.constant 256 : i32
      %mul3A_235 = arith.muli %add3A_196, %mul3A_234 : i32
      %add3A_236 = arith.addi %mul3A_4, %mul3A_235 : i32
      %scan3A_237 = arith.constant 0 : i32
      %scan3A_238 = arith.constant 0 : i32
      %scan3A_239 = arith.constant 8 : i32
      %scan3A_240 = arith.addi %scan3A_238, %scan3A_239 : i32
      %scan3A_241 = arith.constant 1 : i32
      scf.for %scan3A_280 = %scan3A_238 to %scan3A_240 step %scan3A_241  : i32 {
        %add3A_281 = arith.constant 0 : i32
        %add3A_282 = arith.addi %add3A_236, %add3A_281 : i32
        %mul3A_283 = arith.constant 16 : i32
        %mul3A_284 = arith.muli %scan3A_280, %mul3A_283 : i32
        %add3A_285 = arith.addi %add3A_282, %mul3A_284 : i32
        %ge3A_286 = arith.constant 1600000 : i32
        %ge3A_287 = arith.cmpi sge, %add3A_285, %ge3A_286 : i32
        %convert_element_type3A_288 = arith.extui %ge3A_287 : i1 to i32
        %mul3A_289 = arith.constant 200000 : i32
        %mul3A_290 = arith.muli %convert_element_type3A_288, %mul3A_289 : i32
        %mul3A_291 = arith.constant 16 : i32
        %mul3A_292 = arith.muli %scan3A_280, %mul3A_291 : i32
        %get3A = arith.constant 1 : i32
        %get3A_293 = arith.constant 0 : i32
        %get3A_294 = arith.index_cast %get3A : i32 to index
        %get3A_295 = arith.index_cast %get3A_293 : i32 to index
        %get3A_296 = arith.index_cast %mul3A_292 : i32 to index
        %get3A_297 = tpu.vector_load %arg6[%get3A_294, %get3A_295, %get3A_296] {strides = array<i32>} : memref<2x2x128xi32, #tpu.memory_space<vmem>>, vector<1x1x16xi32>,
        %get3A_298 = vector.shape_cast %get3A_297 : vector<1x1x16xi32> to vector<16xi32>
        %add3A_299 = vector.broadcast %mul3A_290 : i32 to vector<16xi32>
        %add3A_300 = arith.addi %get3A_298, %add3A_299 : vector<16xi32>
        %ge3A_301 = vector.broadcast %mul3A_0 : i32 to vector<16xi32>
        %ge3A_302 = arith.cmpi sge, %add3A_300, %ge3A_301 : vector<16xi32>
        %add3A_303 = arith.constant 50000 : i32
        %add3A_304 = arith.addi %mul3A_0, %add3A_303 : i32
        %lt3A_305 = vector.broadcast %add3A_304 : i32 to vector<16xi32>
        %lt3A_306 = arith.cmpi slt, %add3A_300, %lt3A_305 : vector<16xi32>
        %and3A_307 = arith.andi %ge3A_302, %lt3A_306 : vector<16xi1>
        %sub3A_308 = vector.broadcast %mul3A_0 : i32 to vector<16xi32>
        %sub3A_309 = arith.subi %add3A_300, %sub3A_308 : vector<16xi32>
        %add3A_310 = arith.constant 50000 : i32
        %add3A_311 = arith.addi %add3A_310, %arg1 : i32
        %broadcast_in_dim3A = vector.broadcast %add3A_311 : i32 to vector<16xi32>
        %select_n3A_312 = arith.select %and3A_307, %sub3A_309, %broadcast_in_dim3A : vector<16xi1>, vector<16xi32>
        %mul3A_313 = arith.constant 16 : i32
        %mul3A_314 = arith.muli %scan3A_280, %mul3A_313 : i32
        %swap3A = arith.constant 1 : i32
        %swap3A_315 = arith.constant 0 : i32
        %swap3A_316 = arith.index_cast %swap3A : i32 to index
        %swap3A_317 = arith.index_cast %swap3A_315 : i32 to index
        %swap3A_318 = arith.index_cast %mul3A_314 : i32 to index
        %swap3A_319 = tpu.vector_load %arg7[%swap3A_316, %swap3A_317, %swap3A_318] {strides = array<i32>} : memref<2x2x128xi32, #tpu.memory_space<vmem>>, vector<1x1x16xi32>,
        %swap3A_320 = vector.shape_cast %swap3A_319 : vector<1x1x16xi32> to vector<16xi32>
        %swap3A_321 = vector.shape_cast %select_n3A_312 : vector<16xi32> to vector<1x1x16xi32>
        tpu.vector_store %arg7[%swap3A_316, %swap3A_317, %swap3A_318], %swap3A_321 {strides = array<i32>} : memref<2x2x128xi32, #tpu.memory_space<vmem>>, vector<1x1x16xi32>,
      }
      %scan3A_242 = arith.constant 8 : i32
      %scan3A_243 = arith.constant 0 : i32
      %scan3A_244 = arith.constant 0 : i32
      %scan3A_245 = arith.constant 8 : i32
      %scan3A_246 = arith.addi %scan3A_244, %scan3A_245 : i32
      %scan3A_247 = arith.constant 1 : i32
      scf.for %scan3A_280 = %scan3A_244 to %scan3A_246 step %scan3A_247  : i32 {
        %add3A_281 = arith.constant 128 : i32
        %add3A_282 = arith.addi %add3A_236, %add3A_281 : i32
        %mul3A_283 = arith.constant 16 : i32
        %mul3A_284 = arith.muli %scan3A_280, %mul3A_283 : i32
        %add3A_285 = arith.addi %add3A_282, %mul3A_284 : i32
        %ge3A_286 = arith.constant 1600000 : i32
        %ge3A_287 = arith.cmpi sge, %add3A_285, %ge3A_286 : i32
        %convert_element_type3A_288 = arith.extui %ge3A_287 : i1 to i32
        %mul3A_289 = arith.constant 200000 : i32
        %mul3A_290 = arith.muli %convert_element_type3A_288, %mul3A_289 : i32
        %mul3A_291 = arith.constant 16 : i32
        %mul3A_292 = arith.muli %scan3A_280, %mul3A_291 : i32
        %get3A = arith.constant 1 : i32
        %get3A_293 = arith.constant 1 : i32
        %get3A_294 = arith.index_cast %get3A : i32 to index
        %get3A_295 = arith.index_cast %get3A_293 : i32 to index
        %get3A_296 = arith.index_cast %mul3A_292 : i32 to index
        %get3A_297 = tpu.vector_load %arg6[%get3A_294, %get3A_295, %get3A_296] {strides = array<i32>} : memref<2x2x128xi32, #tpu.memory_space<vmem>>, vector<1x1x16xi32>,
        %get3A_298 = vector.shape_cast %get3A_297 : vector<1x1x16xi32> to vector<16xi32>
        %add3A_299 = vector.broadcast %mul3A_290 : i32 to vector<16xi32>
        %add3A_300 = arith.addi %get3A_298, %add3A_299 : vector<16xi32>
        %ge3A_301 = vector.broadcast %mul3A_0 : i32 to vector<16xi32>
        %ge3A_302 = arith.cmpi sge, %add3A_300, %ge3A_301 : vector<16xi32>
        %add3A_303 = arith.constant 50000 : i32
        %add3A_304 = arith.addi %mul3A_0, %add3A_303 : i32
        %lt3A_305 = vector.broadcast %add3A_304 : i32 to vector<16xi32>
        %lt3A_306 = arith.cmpi slt, %add3A_300, %lt3A_305 : vector<16xi32>
        %and3A_307 = arith.andi %ge3A_302, %lt3A_306 : vector<16xi1>
        %sub3A_308 = vector.broadcast %mul3A_0 : i32 to vector<16xi32>
        %sub3A_309 = arith.subi %add3A_300, %sub3A_308 : vector<16xi32>
        %add3A_310 = arith.constant 50000 : i32
        %add3A_311 = arith.addi %add3A_310, %arg1 : i32
        %broadcast_in_dim3A = vector.broadcast %add3A_311 : i32 to vector<16xi32>
        %select_n3A_312 = arith.select %and3A_307, %sub3A_309, %broadcast_in_dim3A : vector<16xi1>, vector<16xi32>
        %mul3A_313 = arith.constant 16 : i32
        %mul3A_314 = arith.muli %scan3A_280, %mul3A_313 : i32
        %swap3A = arith.constant 1 : i32
        %swap3A_315 = arith.constant 1 : i32
        %swap3A_316 = arith.index_cast %swap3A : i32 to index
        %swap3A_317 = arith.index_cast %swap3A_315 : i32 to index
        %swap3A_318 = arith.index_cast %mul3A_314 : i32 to index
        %swap3A_319 = tpu.vector_load %arg7[%swap3A_316, %swap3A_317, %swap3A_318] {strides = array<i32>} : memref<2x2x128xi32, #tpu.memory_space<vmem>>, vector<1x1x16xi32>,
        %swap3A_320 = vector.shape_cast %swap3A_319 : vector<1x1x16xi32> to vector<16xi32>
        %swap3A_321 = vector.shape_cast %select_n3A_312 : vector<16xi32> to vector<1x1x16xi32>
        tpu.vector_store %arg7[%swap3A_316, %swap3A_317, %swap3A_318], %swap3A_321 {strides = array<i32>} : memref<2x2x128xi32, #tpu.memory_space<vmem>>, vector<1x1x16xi32>,
      }
      %scan3A_248 = arith.constant 8 : i32
      %ge3A_249 = arith.constant 2 : i32
      %ge3A_250 = arith.cmpi sge, %add3A_196, %ge3A_249 : i32
      %convert_element_type3A_251 = arith.extui %ge3A_250 : i1 to i32
      %cond3A_252 = arith.constant 0 : i32
      %cond3A_253 = arith.cmpi ne, %convert_element_type3A_251, %cond3A_252 : i32
      scf.if %cond3A_253 {
        %dma_wait3A_280 = arith.constant 1 : i32
        %dma_wait3A_281 = arith.constant 1 : i32
        %dma_wait3A_282 = arith.constant 0 : i32
        %dma_wait3A_283 = arith.constant 0 : i32
        %dma_wait3A_284 = arith.constant 0 : i32
        %dma_wait3A_285 = tpu.memref_slice %arg8[%dma_wait3A_280, %dma_wait3A_283, %dma_wait3A_284] : memref<2x256x32xf32, #tpu.memory_space<vmem>> -> memref<1x128x32xf32, #tpu.memory_space<vmem>>
        %dma_wait3A_286 = tpu.memref_squeeze %dma_wait3A_285 : memref<1x128x32xf32, #tpu.memory_space<vmem>> -> memref<128x32xf32, #tpu.memory_space<vmem>>
        %dma_wait3A_287 = arith.constant 0 : i32
        %dma_wait3A_288 = tpu.memref_slice %arg7[%dma_wait3A_281, %dma_wait3A_282, %dma_wait3A_287] : memref<2x2x128xi32, #tpu.memory_space<vmem>> -> memref<1x1x128xi32, #tpu.memory_space<vmem>>
        %dma_wait3A_289 = tpu.memref_squeeze %dma_wait3A_288 : memref<1x1x128xi32, #tpu.memory_space<vmem>> -> memref<128xi32, #tpu.memory_space<vmem>>
        %dma_wait3A_290 = arith.constant 0 : i32
        %dma_wait3A_291 = arith.constant 0 : i32
        %dma_wait3A_292 = tpu.memref_slice %arg9[%dma_wait3A_290, %dma_wait3A_291] : memref<50016x32xf32, #tpu.memory_space<vmem_shared>> -> memref<50016x32xf32, #tpu.memory_space<vmem_shared>>
        tpu.wait_indirect_dma semaphore(%arg13 : memref<!tpu.dma_semaphore, #tpu.memory_space<semaphore_mem>>) src(%dma_wait3A_286 : memref<128x32xf32, #tpu.memory_space<vmem>>) dst(%dma_wait3A_292 : memref<50016x32xf32, #tpu.memory_space<vmem_shared>>)
        %dma_wait3A_293 = arith.constant 1 : i32
        %dma_wait3A_294 = arith.constant 1 : i32
        %dma_wait3A_295 = arith.constant 1 : i32
        %dma_wait3A_296 = arith.constant 128 : i32
        %dma_wait3A_297 = arith.constant 0 : i32
        %dma_wait3A_298 = tpu.memref_slice %arg8[%dma_wait3A_293, %dma_wait3A_296, %dma_wait3A_297] : memref<2x256x32xf32, #tpu.memory_space<vmem>> -> memref<1x128x32xf32, #tpu.memory_space<vmem>>
        %dma_wait3A_299 = tpu.memref_squeeze %dma_wait3A_298 : memref<1x128x32xf32, #tpu.memory_space<vmem>> -> memref<128x32xf32, #tpu.memory_space<vmem>>
        %dma_wait3A_300 = arith.constant 0 : i32
        %dma_wait3A_301 = tpu.memref_slice %arg7[%dma_wait3A_294, %dma_wait3A_295, %dma_wait3A_300] : memref<2x2x128xi32, #tpu.memory_space<vmem>> -> memref<1x1x128xi32, #tpu.memory_space<vmem>>
        %dma_wait3A_302 = tpu.memref_squeeze %dma_wait3A_301 : memref<1x1x128xi32, #tpu.memory_space<vmem>> -> memref<128xi32, #tpu.memory_space<vmem>>
        %dma_wait3A_303 = arith.constant 0 : i32
        %dma_wait3A_304 = arith.constant 0 : i32
        %dma_wait3A_305 = tpu.memref_slice %arg9[%dma_wait3A_303, %dma_wait3A_304] : memref<50016x32xf32, #tpu.memory_space<vmem_shared>> -> memref<50016x32xf32, #tpu.memory_space<vmem_shared>>
        tpu.wait_indirect_dma semaphore(%arg13 : memref<!tpu.dma_semaphore, #tpu.memory_space<semaphore_mem>>) src(%dma_wait3A_299 : memref<128x32xf32, #tpu.memory_space<vmem>>) dst(%dma_wait3A_305 : memref<50016x32xf32, #tpu.memory_space<vmem_shared>>)
      } else {
      }
      %dma_start3A_254 = arith.constant 1 : i32
      %dma_start3A_255 = arith.constant 1 : i32
      %dma_start3A_256 = arith.constant 0 : i32
      %dma_start3A_257 = arith.constant 0 : i32
      %dma_start3A_258 = arith.constant 0 : i32
      %dma_start3A_259 = tpu.memref_slice %arg8[%dma_start3A_254, %dma_start3A_257, %dma_start3A_258] : memref<2x256x32xf32, #tpu.memory_space<vmem>> -> memref<1x128x32xf32, #tpu.memory_space<vmem>>
      %dma_start3A_260 = tpu.memref_squeeze %dma_start3A_259 : memref<1x128x32xf32, #tpu.memory_space<vmem>> -> memref<128x32xf32, #tpu.memory_space<vmem>>
      %dma_start3A_261 = arith.constant 0 : i32
      %dma_start3A_262 = tpu.memref_slice %arg7[%dma_start3A_255, %dma_start3A_256, %dma_start3A_261] : memref<2x2x128xi32, #tpu.memory_space<vmem>> -> memref<1x1x128xi32, #tpu.memory_space<vmem>>
      %dma_start3A_263 = tpu.memref_squeeze %dma_start3A_262 : memref<1x1x128xi32, #tpu.memory_space<vmem>> -> memref<128xi32, #tpu.memory_space<vmem>>
      %dma_start3A_264 = arith.constant 0 : i32
      %dma_start3A_265 = arith.constant 0 : i32
      %dma_start3A_266 = tpu.memref_slice %arg9[%dma_start3A_264, %dma_start3A_265] : memref<50016x32xf32, #tpu.memory_space<vmem_shared>> -> memref<50016x32xf32, #tpu.memory_space<vmem_shared>>
      tpu.enqueue_indirect_dma source(%dma_start3A_260 : memref<128x32xf32, #tpu.memory_space<vmem>>) target(%dma_start3A_266 : memref<50016x32xf32, #tpu.memory_space<vmem_shared>>) offsets(%dma_start3A_263 : memref<128xi32, #tpu.memory_space<vmem>>) semaphore(%arg13 : memref<!tpu.dma_semaphore, #tpu.memory_space<semaphore_mem>>) {add = true}
      %dma_start3A_267 = arith.constant 1 : i32
      %dma_start3A_268 = arith.constant 1 : i32
      %dma_start3A_269 = arith.constant 1 : i32
      %dma_start3A_270 = arith.constant 128 : i32
      %dma_start3A_271 = arith.constant 0 : i32
      %dma_start3A_272 = tpu.memref_slice %arg8[%dma_start3A_267, %dma_start3A_270, %dma_start3A_271] : memref<2x256x32xf32, #tpu.memory_space<vmem>> -> memref<1x128x32xf32, #tpu.memory_space<vmem>>
      %dma_start3A_273 = tpu.memref_squeeze %dma_start3A_272 : memref<1x128x32xf32, #tpu.memory_space<vmem>> -> memref<128x32xf32, #tpu.memory_space<vmem>>
      %dma_start3A_274 = arith.constant 0 : i32
      %dma_start3A_275 = tpu.memref_slice %arg7[%dma_start3A_268, %dma_start3A_269, %dma_start3A_274] : memref<2x2x128xi32, #tpu.memory_space<vmem>> -> memref<1x1x128xi32, #tpu.memory_space<vmem>>
      %dma_start3A_276 = tpu.memref_squeeze %dma_start3A_275 : memref<1x1x128xi32, #tpu.memory_space<vmem>> -> memref<128xi32, #tpu.memory_space<vmem>>
      %dma_start3A_277 = arith.constant 0 : i32
      %dma_start3A_278 = arith.constant 0 : i32
      %dma_start3A_279 = tpu.memref_slice %arg9[%dma_start3A_277, %dma_start3A_278] : memref<50016x32xf32, #tpu.memory_space<vmem_shared>> -> memref<50016x32xf32, #tpu.memory_space<vmem_shared>>
      tpu.enqueue_indirect_dma source(%dma_start3A_273 : memref<128x32xf32, #tpu.memory_space<vmem>>) target(%dma_start3A_279 : memref<50016x32xf32, #tpu.memory_space<vmem_shared>>) offsets(%dma_start3A_276 : memref<128xi32, #tpu.memory_space<vmem>>) semaphore(%arg13 : memref<!tpu.dma_semaphore, #tpu.memory_space<semaphore_mem>>) {add = true}
    }
    %scan3A_51 = arith.constant 196 : i32
    %dma_wait3A = arith.constant 0 : i32
    %dma_wait3A_52 = arith.constant 0 : i32
    %dma_wait3A_53 = arith.constant 0 : i32
    %dma_wait3A_54 = arith.constant 0 : i32
    %dma_wait3A_55 = arith.constant 0 : i32
    %dma_wait3A_56 = tpu.memref_slice %arg8[%dma_wait3A, %dma_wait3A_54, %dma_wait3A_55] : memref<2x256x32xf32, #tpu.memory_space<vmem>> -> memref<1x128x32xf32, #tpu.memory_space<vmem>>
    %dma_wait3A_57 = tpu.memref_squeeze %dma_wait3A_56 : memref<1x128x32xf32, #tpu.memory_space<vmem>> -> memref<128x32xf32, #tpu.memory_space<vmem>>
    %dma_wait3A_58 = arith.constant 0 : i32
    %dma_wait3A_59 = tpu.memref_slice %arg7[%dma_wait3A_52, %dma_wait3A_53, %dma_wait3A_58] : memref<2x2x128xi32, #tpu.memory_space<vmem>> -> memref<1x1x128xi32, #tpu.memory_space<vmem>>
    %dma_wait3A_60 = tpu.memref_squeeze %dma_wait3A_59 : memref<1x1x128xi32, #tpu.memory_space<vmem>> -> memref<128xi32, #tpu.memory_space<vmem>>
    %dma_wait3A_61 = arith.constant 0 : i32
    %dma_wait3A_62 = arith.constant 0 : i32
    %dma_wait3A_63 = tpu.memref_slice %arg9[%dma_wait3A_61, %dma_wait3A_62] : memref<50016x32xf32, #tpu.memory_space<vmem_shared>> -> memref<50016x32xf32, #tpu.memory_space<vmem_shared>>
    tpu.wait_indirect_dma semaphore(%arg12 : memref<!tpu.dma_semaphore, #tpu.memory_space<semaphore_mem>>) src(%dma_wait3A_57 : memref<128x32xf32, #tpu.memory_space<vmem>>) dst(%dma_wait3A_63 : memref<50016x32xf32, #tpu.memory_space<vmem_shared>>)
    %dma_wait3A_64 = arith.constant 0 : i32
    %dma_wait3A_65 = arith.constant 0 : i32
    %dma_wait3A_66 = arith.constant 1 : i32
    %dma_wait3A_67 = arith.constant 128 : i32
    %dma_wait3A_68 = arith.constant 0 : i32
    %dma_wait3A_69 = tpu.memref_slice %arg8[%dma_wait3A_64, %dma_wait3A_67, %dma_wait3A_68] : memref<2x256x32xf32, #tpu.memory_space<vmem>> -> memref<1x128x32xf32, #tpu.memory_space<vmem>>
    %dma_wait3A_70 = tpu.memref_squeeze %dma_wait3A_69 : memref<1x128x32xf32, #tpu.memory_space<vmem>> -> memref<128x32xf32, #tpu.memory_space<vmem>>
    %dma_wait3A_71 = arith.constant 0 : i32
    %dma_wait3A_72 = tpu.memref_slice %arg7[%dma_wait3A_65, %dma_wait3A_66, %dma_wait3A_71] : memref<2x2x128xi32, #tpu.memory_space<vmem>> -> memref<1x1x128xi32, #tpu.memory_space<vmem>>
    %dma_wait3A_73 = tpu.memref_squeeze %dma_wait3A_72 : memref<1x1x128xi32, #tpu.memory_space<vmem>> -> memref<128xi32, #tpu.memory_space<vmem>>
    %dma_wait3A_74 = arith.constant 0 : i32
    %dma_wait3A_75 = arith.constant 0 : i32
    %dma_wait3A_76 = tpu.memref_slice %arg9[%dma_wait3A_74, %dma_wait3A_75] : memref<50016x32xf32, #tpu.memory_space<vmem_shared>> -> memref<50016x32xf32, #tpu.memory_space<vmem_shared>>
    tpu.wait_indirect_dma semaphore(%arg12 : memref<!tpu.dma_semaphore, #tpu.memory_space<semaphore_mem>>) src(%dma_wait3A_70 : memref<128x32xf32, #tpu.memory_space<vmem>>) dst(%dma_wait3A_76 : memref<50016x32xf32, #tpu.memory_space<vmem_shared>>)
    %dma_wait3A_77 = arith.constant 1 : i32
    %dma_wait3A_78 = arith.constant 1 : i32
    %dma_wait3A_79 = arith.constant 0 : i32
    %dma_wait3A_80 = arith.constant 0 : i32
    %dma_wait3A_81 = arith.constant 0 : i32
    %dma_wait3A_82 = tpu.memref_slice %arg8[%dma_wait3A_77, %dma_wait3A_80, %dma_wait3A_81] : memref<2x256x32xf32, #tpu.memory_space<vmem>> -> memref<1x128x32xf32, #tpu.memory_space<vmem>>
    %dma_wait3A_83 = tpu.memref_squeeze %dma_wait3A_82 : memref<1x128x32xf32, #tpu.memory_space<vmem>> -> memref<128x32xf32, #tpu.memory_space<vmem>>
    %dma_wait3A_84 = arith.constant 0 : i32
    %dma_wait3A_85 = tpu.memref_slice %arg7[%dma_wait3A_78, %dma_wait3A_79, %dma_wait3A_84] : memref<2x2x128xi32, #tpu.memory_space<vmem>> -> memref<1x1x128xi32, #tpu.memory_space<vmem>>
    %dma_wait3A_86 = tpu.memref_squeeze %dma_wait3A_85 : memref<1x1x128xi32, #tpu.memory_space<vmem>> -> memref<128xi32, #tpu.memory_space<vmem>>
    %dma_wait3A_87 = arith.constant 0 : i32
    %dma_wait3A_88 = arith.constant 0 : i32
    %dma_wait3A_89 = tpu.memref_slice %arg9[%dma_wait3A_87, %dma_wait3A_88] : memref<50016x32xf32, #tpu.memory_space<vmem_shared>> -> memref<50016x32xf32, #tpu.memory_space<vmem_shared>>
    tpu.wait_indirect_dma semaphore(%arg13 : memref<!tpu.dma_semaphore, #tpu.memory_space<semaphore_mem>>) src(%dma_wait3A_83 : memref<128x32xf32, #tpu.memory_space<vmem>>) dst(%dma_wait3A_89 : memref<50016x32xf32, #tpu.memory_space<vmem_shared>>)
    %dma_wait3A_90 = arith.constant 1 : i32
    %dma_wait3A_91 = arith.constant 1 : i32
    %dma_wait3A_92 = arith.constant 1 : i32
    %dma_wait3A_93 = arith.constant 128 : i32
    %dma_wait3A_94 = arith.constant 0 : i32
    %dma_wait3A_95 = tpu.memref_slice %arg8[%dma_wait3A_90, %dma_wait3A_93, %dma_wait3A_94] : memref<2x256x32xf32, #tpu.memory_space<vmem>> -> memref<1x128x32xf32, #tpu.memory_space<vmem>>
    %dma_wait3A_96 = tpu.memref_squeeze %dma_wait3A_95 : memref<1x128x32xf32, #tpu.memory_space<vmem>> -> memref<128x32xf32, #tpu.memory_space<vmem>>
    %dma_wait3A_97 = arith.constant 0 : i32
    %dma_wait3A_98 = tpu.memref_slice %arg7[%dma_wait3A_91, %dma_wait3A_92, %dma_wait3A_97] : memref<2x2x128xi32, #tpu.memory_space<vmem>> -> memref<1x1x128xi32, #tpu.memory_space<vmem>>
    %dma_wait3A_99 = tpu.memref_squeeze %dma_wait3A_98 : memref<1x1x128xi32, #tpu.memory_space<vmem>> -> memref<128xi32, #tpu.memory_space<vmem>>
    %dma_wait3A_100 = arith.constant 0 : i32
    %dma_wait3A_101 = arith.constant 0 : i32
    %dma_wait3A_102 = tpu.memref_slice %arg9[%dma_wait3A_100, %dma_wait3A_101] : memref<50016x32xf32, #tpu.memory_space<vmem_shared>> -> memref<50016x32xf32, #tpu.memory_space<vmem_shared>>
    tpu.wait_indirect_dma semaphore(%arg13 : memref<!tpu.dma_semaphore, #tpu.memory_space<semaphore_mem>>) src(%dma_wait3A_96 : memref<128x32xf32, #tpu.memory_space<vmem>>) dst(%dma_wait3A_102 : memref<50016x32xf32, #tpu.memory_space<vmem_shared>>)
    %barrier3A_103 = arith.constant 0 : index
    tpu.barrier barrier_id(%barrier3A_103)
    %mul3A_104 = arith.constant 3125 : i32
    %mul3A_105 = arith.muli %arg1, %mul3A_104 : i32
    %mul3A_106 = arith.constant 3125 : i32
    %mul3A_107 = arith.muli %arg1, %mul3A_106 : i32
    %add3A_108 = arith.addi %mul3A_0, %mul3A_107 : i32
    "tpu.region"() ({
      %run_scoped3A = tpu.sem_alloc : memref<!tpu.dma_semaphore, #tpu.memory_space<semaphore_mem>>
      %dma_start3A_109 = arith.constant 0 : i32
      %dma_start3A_110 = tpu.memref_slice %arg5[%add3A_108, %dma_start3A_109] : memref<100000x32xf32, #tpu.memory_space<hbm>> -> memref<3125x32xf32, #tpu.memory_space<hbm>>
      %dma_start3A_111 = arith.constant 0 : i32
      %dma_start3A_112 = tpu.memref_slice %arg9[%mul3A_105, %dma_start3A_111] : memref<50016x32xf32, #tpu.memory_space<vmem_shared>> -> memref<3125x32xf32, #tpu.memory_space<vmem_shared>>
      tpu.enqueue_dma source(%dma_start3A_112 : memref<3125x32xf32, #tpu.memory_space<vmem_shared>>) target(%dma_start3A_110 : memref<3125x32xf32, #tpu.memory_space<hbm>>) target_semaphore(%run_scoped3A : memref<!tpu.dma_semaphore, #tpu.memory_space<semaphore_mem>>)
      %dma_wait3A_113 = arith.constant 0 : i32
      %dma_wait3A_114 = tpu.memref_slice %arg5[%add3A_108, %dma_wait3A_113] : memref<100000x32xf32, #tpu.memory_space<hbm>> -> memref<3125x32xf32, #tpu.memory_space<hbm>>
      %dma_wait3A_115 = arith.constant 0 : i32
      %dma_wait3A_116 = tpu.memref_slice %arg9[%mul3A_105, %dma_wait3A_115] : memref<50016x32xf32, #tpu.memory_space<vmem_shared>> -> memref<3125x32xf32, #tpu.memory_space<vmem_shared>>
      tpu.wait_dma2 semaphore(%run_scoped3A : memref<!tpu.dma_semaphore, #tpu.memory_space<semaphore_mem>>) src(%dma_wait3A_116 : memref<3125x32xf32, #tpu.memory_space<vmem_shared>>) dst(%dma_wait3A_114 : memref<3125x32xf32, #tpu.memory_space<hbm>>)
      tpu.yield
    }) : () -> ()
    return
  }
}

#map = affine_map<(d0, d1) -> (0, 0)>
module attributes {stable_mosaic.version = 14 : i64} {
  func.func @k(%arg0: i32, %arg1: i32, %arg2: memref<100000x32xf32, #tpu.memory_space<hbm>>, %arg3: memref<100000x32xf32, #tpu.memory_space<hbm>>, %arg4: memref<3584x448xi32, #tpu.memory_space<hbm>>, %arg5: memref<3584x448xi32, #tpu.memory_space<hbm>>, %arg6: memref<1605632x32xf32, #tpu.memory_space<hbm>>, %arg7: memref<1605632x32xf32, #tpu.memory_space<hbm>>, %arg8: memref<1605632x32xf32, #tpu.memory_space<hbm>>, %arg9: memref<1605632x32xf32, #tpu.memory_space<hbm>>, %arg10: memref<2x1x448xi32, #tpu.memory_space<vmem>>, %arg11: memref<2x1x448xi32, #tpu.memory_space<vmem>>, %arg12: memref<2x448x32xf32, #tpu.memory_space<vmem>>, %arg13: memref<2x448x32xf32, #tpu.memory_space<vmem>>, %arg14: memref<2x448x32xf32, #tpu.memory_space<vmem>>, %arg15: memref<2x448x32xf32, #tpu.memory_space<vmem>>, %arg16: memref<!tpu.dma_semaphore, #tpu.memory_space<semaphore_mem>>, %arg17: memref<!tpu.dma_semaphore, #tpu.memory_space<semaphore_mem>>, %arg18: memref<!tpu.dma_semaphore, #tpu.memory_space<semaphore_mem>>, %arg19: memref<!tpu.dma_semaphore, #tpu.memory_space<semaphore_mem>>, %arg20: memref<!tpu.dma_semaphore, #tpu.memory_space<semaphore_mem>>) attributes {dimension_semantics = [#tpu.dimension_semantics<core_parallel>, #tpu.dimension_semantics<subcore_parallel>], iteration_bounds = array<i64: 2, 16>, scalar_prefetch = 0 : i64, scratch_operands = 11 : i64, tpu.core_type = #tpu.core_type<sc_vector_subcore>, window_params = [{transform_indices = #map}, {transform_indices = #map}, {transform_indices = #map}, {transform_indices = #map}, {transform_indices = #map}, {transform_indices = #map}, {transform_indices = #map}, {transform_indices = #map}]} {
    %mul3A = arith.constant 2 : i32
    %mul3A_0 = arith.muli %arg1, %mul3A : i32
    %add3A = arith.addi %mul3A_0, %arg0 : i32
    %mul3A_1 = arith.constant 50176 : i32
    %mul3A_2 = arith.muli %add3A, %mul3A_1 : i32
    %add3A_3 = arith.constant 0 : i32
    %add3A_4 = arith.addi %mul3A_2, %add3A_3 : i32
    %jit3A = arith.constant 448 : i32
    %div3A = arith.divsi %add3A_4, %jit3A : i32
    %sign3A = arith.constant 0 : i32
    %sign3A_5 = arith.cmpi sgt, %add3A_4, %sign3A : i32
    %sign3A_6 = arith.extui %sign3A_5 : i1 to i32
    %sign3A_7 = arith.constant 0 : i32
    %sign3A_8 = arith.cmpi slt, %add3A_4, %sign3A_7 : i32
    %sign3A_9 = arith.extui %sign3A_8 : i1 to i32
    %sign3A_10 = arith.subi %sign3A_6, %sign3A_9 : i32
    %sign3A_11 = arith.constant 0 : i32
    %sign3A_12 = arith.cmpi sgt, %jit3A, %sign3A_11 : i32
    %sign3A_13 = arith.extui %sign3A_12 : i1 to i32
    %sign3A_14 = arith.constant 0 : i32
    %sign3A_15 = arith.cmpi slt, %jit3A, %sign3A_14 : i32
    %sign3A_16 = arith.extui %sign3A_15 : i1 to i32
    %sign3A_17 = arith.subi %sign3A_13, %sign3A_16 : i32
    %ne3A = arith.cmpi ne, %sign3A_10, %sign3A_17 : i32
    %rem3A = arith.remsi %add3A_4, %jit3A : i32
    %ne3A_18 = arith.constant 0 : i32
    %ne3A_19 = arith.cmpi ne, %rem3A, %ne3A_18 : i32
    %and3A = arith.andi %ne3A, %ne3A_19 : i1
    %sub3A = arith.constant 1 : i32
    %sub3A_20 = arith.subi %div3A, %sub3A : i32
    %select_n3A = arith.select %and3A, %sub3A_20, %div3A : i32
    %dma_start3A = arith.constant 0 : i32
    %dma_start3A_21 = arith.constant 0 : i32
    %dma_start3A_22 = arith.constant 0 : i32
    %dma_start3A_23 = tpu.memref_slice %arg10[%dma_start3A, %dma_start3A_21, %dma_start3A_22] : memref<2x1x448xi32, #tpu.memory_space<vmem>> -> memref<1x1x448xi32, #tpu.memory_space<vmem>>
    %dma_start3A_24 = tpu.memref_squeeze %dma_start3A_23 : memref<1x1x448xi32, #tpu.memory_space<vmem>> -> memref<1x448xi32, #tpu.memory_space<vmem>>
    %dma_start3A_25 = arith.constant 0 : i32
    %dma_start3A_26 = tpu.memref_slice %arg4[%select_n3A, %dma_start3A_25] : memref<3584x448xi32, #tpu.memory_space<hbm>> -> memref<1x448xi32, #tpu.memory_space<hbm>>
    %dma_start3A_27 = arith.constant 0 : i32
    %dma_start3A_28 = arith.constant 0 : i32
    %dma_start3A_29 = tpu.memref_slice %arg10[%dma_start3A, %dma_start3A_27, %dma_start3A_28] : memref<2x1x448xi32, #tpu.memory_space<vmem>> -> memref<1x1x448xi32, #tpu.memory_space<vmem>>
    %dma_start3A_30 = tpu.memref_squeeze %dma_start3A_29 : memref<1x1x448xi32, #tpu.memory_space<vmem>> -> memref<1x448xi32, #tpu.memory_space<vmem>>
    %dma_start3A_31 = arith.constant 0 : i32
    %dma_start3A_32 = tpu.memref_slice %arg4[%select_n3A, %dma_start3A_31] : memref<3584x448xi32, #tpu.memory_space<hbm>> -> memref<1x448xi32, #tpu.memory_space<hbm>>
    tpu.enqueue_dma source(%dma_start3A_32 : memref<1x448xi32, #tpu.memory_space<hbm>>) target(%dma_start3A_30 : memref<1x448xi32, #tpu.memory_space<vmem>>) target_semaphore(%arg16 : memref<!tpu.dma_semaphore, #tpu.memory_space<semaphore_mem>>)
    %dma_start3A_33 = arith.constant 0 : i32
    %dma_start3A_34 = arith.constant 0 : i32
    %dma_start3A_35 = arith.constant 0 : i32
    %dma_start3A_36 = tpu.memref_slice %arg11[%dma_start3A_33, %dma_start3A_34, %dma_start3A_35] : memref<2x1x448xi32, #tpu.memory_space<vmem>> -> memref<1x1x448xi32, #tpu.memory_space<vmem>>
    %dma_start3A_37 = tpu.memref_squeeze %dma_start3A_36 : memref<1x1x448xi32, #tpu.memory_space<vmem>> -> memref<1x448xi32, #tpu.memory_space<vmem>>
    %dma_start3A_38 = arith.constant 0 : i32
    %dma_start3A_39 = tpu.memref_slice %arg5[%select_n3A, %dma_start3A_38] : memref<3584x448xi32, #tpu.memory_space<hbm>> -> memref<1x448xi32, #tpu.memory_space<hbm>>
    %dma_start3A_40 = arith.constant 0 : i32
    %dma_start3A_41 = arith.constant 0 : i32
    %dma_start3A_42 = tpu.memref_slice %arg11[%dma_start3A_33, %dma_start3A_40, %dma_start3A_41] : memref<2x1x448xi32, #tpu.memory_space<vmem>> -> memref<1x1x448xi32, #tpu.memory_space<vmem>>
    %dma_start3A_43 = tpu.memref_squeeze %dma_start3A_42 : memref<1x1x448xi32, #tpu.memory_space<vmem>> -> memref<1x448xi32, #tpu.memory_space<vmem>>
    %dma_start3A_44 = arith.constant 0 : i32
    %dma_start3A_45 = tpu.memref_slice %arg5[%select_n3A, %dma_start3A_44] : memref<3584x448xi32, #tpu.memory_space<hbm>> -> memref<1x448xi32, #tpu.memory_space<hbm>>
    tpu.enqueue_dma source(%dma_start3A_45 : memref<1x448xi32, #tpu.memory_space<hbm>>) target(%dma_start3A_43 : memref<1x448xi32, #tpu.memory_space<vmem>>) target_semaphore(%arg16 : memref<!tpu.dma_semaphore, #tpu.memory_space<semaphore_mem>>)
    %scan3A = arith.constant 0 : i32
    %scan3A_46 = arith.constant 0 : i32
    %scan3A_47 = arith.constant 56 : i32
    %scan3A_48 = arith.addi %scan3A_46, %scan3A_47 : i32
    %scan3A_49 = arith.constant 1 : i32
    scf.for %scan3A_170 = %scan3A_46 to %scan3A_48 step %scan3A_49  : i32 {
      %mul3A_171 = arith.constant 2 : i32
      %mul3A_172 = arith.muli %scan3A_170, %mul3A_171 : i32
      %add3A_173 = arith.constant 0 : i32
      %add3A_174 = arith.addi %mul3A_172, %add3A_173 : i32
      %dma_wait3A_175 = arith.constant 0 : i32
      %dma_wait3A_176 = arith.constant 0 : i32
      %dma_wait3A_177 = arith.constant 0 : i32
      %dma_wait3A_178 = tpu.memref_slice %arg10[%dma_wait3A_175, %dma_wait3A_176, %dma_wait3A_177] : memref<2x1x448xi32, #tpu.memory_space<vmem>> -> memref<1x1x448xi32, #tpu.memory_space<vmem>>
      %dma_wait3A_179 = tpu.memref_squeeze %dma_wait3A_178 : memref<1x1x448xi32, #tpu.memory_space<vmem>> -> memref<1x448xi32, #tpu.memory_space<vmem>>
      %dma_wait3A_180 = arith.constant 0 : i32
      %dma_wait3A_181 = arith.constant 0 : i32
      %dma_wait3A_182 = tpu.memref_slice %arg4[%dma_wait3A_180, %dma_wait3A_181] : memref<3584x448xi32, #tpu.memory_space<hbm>> -> memref<1x448xi32, #tpu.memory_space<hbm>>
      %dma_wait3A_183 = arith.constant 0 : i32
      %dma_wait3A_184 = arith.constant 0 : i32
      %dma_wait3A_185 = tpu.memref_slice %arg10[%dma_wait3A_175, %dma_wait3A_183, %dma_wait3A_184] : memref<2x1x448xi32, #tpu.memory_space<vmem>> -> memref<1x1x448xi32, #tpu.memory_space<vmem>>
      %dma_wait3A_186 = tpu.memref_squeeze %dma_wait3A_185 : memref<1x1x448xi32, #tpu.memory_space<vmem>> -> memref<1x448xi32, #tpu.memory_space<vmem>>
      %dma_wait3A_187 = arith.constant 0 : i32
      %dma_wait3A_188 = arith.constant 0 : i32
      %dma_wait3A_189 = tpu.memref_slice %arg4[%dma_wait3A_187, %dma_wait3A_188] : memref<3584x448xi32, #tpu.memory_space<hbm>> -> memref<1x448xi32, #tpu.memory_space<hbm>>
      tpu.wait_dma2 semaphore(%arg16 : memref<!tpu.dma_semaphore, #tpu.memory_space<semaphore_mem>>) src(%dma_wait3A_189 : memref<1x448xi32, #tpu.memory_space<hbm>>) dst(%dma_wait3A_186 : memref<1x448xi32, #tpu.memory_space<vmem>>)
      %dma_wait3A_190 = arith.constant 0 : i32
      %dma_wait3A_191 = arith.constant 0 : i32
      %dma_wait3A_192 = arith.constant 0 : i32
      %dma_wait3A_193 = tpu.memref_slice %arg11[%dma_wait3A_190, %dma_wait3A_191, %dma_wait3A_192] : memref<2x1x448xi32, #tpu.memory_space<vmem>> -> memref<1x1x448xi32, #tpu.memory_space<vmem>>
      %dma_wait3A_194 = tpu.memref_squeeze %dma_wait3A_193 : memref<1x1x448xi32, #tpu.memory_space<vmem>> -> memref<1x448xi32, #tpu.memory_space<vmem>>
      %dma_wait3A_195 = arith.constant 0 : i32
      %dma_wait3A_196 = arith.constant 0 : i32
      %dma_wait3A_197 = tpu.memref_slice %arg5[%dma_wait3A_195, %dma_wait3A_196] : memref<3584x448xi32, #tpu.memory_space<hbm>> -> memref<1x448xi32, #tpu.memory_space<hbm>>
      %dma_wait3A_198 = arith.constant 0 : i32
      %dma_wait3A_199 = arith.constant 0 : i32
      %dma_wait3A_200 = tpu.memref_slice %arg11[%dma_wait3A_190, %dma_wait3A_198, %dma_wait3A_199] : memref<2x1x448xi32, #tpu.memory_space<vmem>> -> memref<1x1x448xi32, #tpu.memory_space<vmem>>
      %dma_wait3A_201 = tpu.memref_squeeze %dma_wait3A_200 : memref<1x1x448xi32, #tpu.memory_space<vmem>> -> memref<1x448xi32, #tpu.memory_space<vmem>>
      %dma_wait3A_202 = arith.constant 0 : i32
      %dma_wait3A_203 = arith.constant 0 : i32
      %dma_wait3A_204 = tpu.memref_slice %arg5[%dma_wait3A_202, %dma_wait3A_203] : memref<3584x448xi32, #tpu.memory_space<hbm>> -> memref<1x448xi32, #tpu.memory_space<hbm>>
      tpu.wait_dma2 semaphore(%arg16 : memref<!tpu.dma_semaphore, #tpu.memory_space<semaphore_mem>>) src(%dma_wait3A_204 : memref<1x448xi32, #tpu.memory_space<hbm>>) dst(%dma_wait3A_201 : memref<1x448xi32, #tpu.memory_space<vmem>>)
      %add3A_205 = arith.constant 1 : i32
      %add3A_206 = arith.addi %add3A_174, %add3A_205 : i32
      %lt3A = arith.constant 112 : i32
      %lt3A_207 = arith.cmpi slt, %add3A_206, %lt3A : i32
      %convert_element_type3A = arith.extui %lt3A_207 : i1 to i32
      %cond3A = arith.constant 0 : i32
      %cond3A_208 = arith.cmpi ne, %convert_element_type3A, %cond3A : i32
      scf.if %cond3A_208 {
        %add3A_577 = arith.constant 1 : i32
        %add3A_578 = arith.addi %add3A_174, %add3A_577 : i32
        %mul3A_579 = arith.constant 448 : i32
        %mul3A_580 = arith.muli %add3A_578, %mul3A_579 : i32
        %add3A_581 = arith.addi %mul3A_2, %mul3A_580 : i32
        %jit3A_582 = arith.constant 448 : i32
        %div3A_583 = arith.divsi %add3A_581, %jit3A_582 : i32
        %sign3A_584 = arith.constant 0 : i32
        %sign3A_585 = arith.cmpi sgt, %add3A_581, %sign3A_584 : i32
        %sign3A_586 = arith.extui %sign3A_585 : i1 to i32
        %sign3A_587 = arith.constant 0 : i32
        %sign3A_588 = arith.cmpi slt, %add3A_581, %sign3A_587 : i32
        %sign3A_589 = arith.extui %sign3A_588 : i1 to i32
        %sign3A_590 = arith.subi %sign3A_586, %sign3A_589 : i32
        %sign3A_591 = arith.constant 0 : i32
        %sign3A_592 = arith.cmpi sgt, %jit3A_582, %sign3A_591 : i32
        %sign3A_593 = arith.extui %sign3A_592 : i1 to i32
        %sign3A_594 = arith.constant 0 : i32
        %sign3A_595 = arith.cmpi slt, %jit3A_582, %sign3A_594 : i32
        %sign3A_596 = arith.extui %sign3A_595 : i1 to i32
        %sign3A_597 = arith.subi %sign3A_593, %sign3A_596 : i32
        %ne3A_598 = arith.cmpi ne, %sign3A_590, %sign3A_597 : i32
        %rem3A_599 = arith.remsi %add3A_581, %jit3A_582 : i32
        %ne3A_600 = arith.constant 0 : i32
        %ne3A_601 = arith.cmpi ne, %rem3A_599, %ne3A_600 : i32
        %and3A_602 = arith.andi %ne3A_598, %ne3A_601 : i1
        %sub3A_603 = arith.constant 1 : i32
        %sub3A_604 = arith.subi %div3A_583, %sub3A_603 : i32
        %select_n3A_605 = arith.select %and3A_602, %sub3A_604, %div3A_583 : i32
        %dma_start3A_606 = arith.constant 1 : i32
        %dma_start3A_607 = arith.constant 0 : i32
        %dma_start3A_608 = arith.constant 0 : i32
        %dma_start3A_609 = tpu.memref_slice %arg10[%dma_start3A_606, %dma_start3A_607, %dma_start3A_608] : memref<2x1x448xi32, #tpu.memory_space<vmem>> -> memref<1x1x448xi32, #tpu.memory_space<vmem>>
        %dma_start3A_610 = tpu.memref_squeeze %dma_start3A_609 : memref<1x1x448xi32, #tpu.memory_space<vmem>> -> memref<1x448xi32, #tpu.memory_space<vmem>>
        %dma_start3A_611 = arith.constant 0 : i32
        %dma_start3A_612 = tpu.memref_slice %arg4[%select_n3A_605, %dma_start3A_611] : memref<3584x448xi32, #tpu.memory_space<hbm>> -> memref<1x448xi32, #tpu.memory_space<hbm>>
        %dma_start3A_613 = arith.constant 0 : i32
        %dma_start3A_614 = arith.constant 0 : i32
        %dma_start3A_615 = tpu.memref_slice %arg10[%dma_start3A_606, %dma_start3A_613, %dma_start3A_614] : memref<2x1x448xi32, #tpu.memory_space<vmem>> -> memref<1x1x448xi32, #tpu.memory_space<vmem>>
        %dma_start3A_616 = tpu.memref_squeeze %dma_start3A_615 : memref<1x1x448xi32, #tpu.memory_space<vmem>> -> memref<1x448xi32, #tpu.memory_space<vmem>>
        %dma_start3A_617 = arith.constant 0 : i32
        %dma_start3A_618 = tpu.memref_slice %arg4[%select_n3A_605, %dma_start3A_617] : memref<3584x448xi32, #tpu.memory_space<hbm>> -> memref<1x448xi32, #tpu.memory_space<hbm>>
        tpu.enqueue_dma source(%dma_start3A_618 : memref<1x448xi32, #tpu.memory_space<hbm>>) target(%dma_start3A_616 : memref<1x448xi32, #tpu.memory_space<vmem>>) target_semaphore(%arg17 : memref<!tpu.dma_semaphore, #tpu.memory_space<semaphore_mem>>)
        %dma_start3A_619 = arith.constant 1 : i32
        %dma_start3A_620 = arith.constant 0 : i32
        %dma_start3A_621 = arith.constant 0 : i32
        %dma_start3A_622 = tpu.memref_slice %arg11[%dma_start3A_619, %dma_start3A_620, %dma_start3A_621] : memref<2x1x448xi32, #tpu.memory_space<vmem>> -> memref<1x1x448xi32, #tpu.memory_space<vmem>>
        %dma_start3A_623 = tpu.memref_squeeze %dma_start3A_622 : memref<1x1x448xi32, #tpu.memory_space<vmem>> -> memref<1x448xi32, #tpu.memory_space<vmem>>
        %dma_start3A_624 = arith.constant 0 : i32
        %dma_start3A_625 = tpu.memref_slice %arg5[%select_n3A_605, %dma_start3A_624] : memref<3584x448xi32, #tpu.memory_space<hbm>> -> memref<1x448xi32, #tpu.memory_space<hbm>>
        %dma_start3A_626 = arith.constant 0 : i32
        %dma_start3A_627 = arith.constant 0 : i32
        %dma_start3A_628 = tpu.memref_slice %arg11[%dma_start3A_619, %dma_start3A_626, %dma_start3A_627] : memref<2x1x448xi32, #tpu.memory_space<vmem>> -> memref<1x1x448xi32, #tpu.memory_space<vmem>>
        %dma_start3A_629 = tpu.memref_squeeze %dma_start3A_628 : memref<1x1x448xi32, #tpu.memory_space<vmem>> -> memref<1x448xi32, #tpu.memory_space<vmem>>
        %dma_start3A_630 = arith.constant 0 : i32
        %dma_start3A_631 = tpu.memref_slice %arg5[%select_n3A_605, %dma_start3A_630] : memref<3584x448xi32, #tpu.memory_space<hbm>> -> memref<1x448xi32, #tpu.memory_space<hbm>>
        tpu.enqueue_dma source(%dma_start3A_631 : memref<1x448xi32, #tpu.memory_space<hbm>>) target(%dma_start3A_629 : memref<1x448xi32, #tpu.memory_space<vmem>>) target_semaphore(%arg17 : memref<!tpu.dma_semaphore, #tpu.memory_space<semaphore_mem>>)
      } else {
      }
      %ge3A = arith.constant 2 : i32
      %ge3A_209 = arith.cmpi sge, %add3A_174, %ge3A : i32
      %convert_element_type3A_210 = arith.extui %ge3A_209 : i1 to i32
      %cond3A_211 = arith.constant 0 : i32
      %cond3A_212 = arith.cmpi ne, %convert_element_type3A_210, %cond3A_211 : i32
      scf.if %cond3A_212 {
        %dma_wait3A_577 = arith.constant 0 : i32
        %dma_wait3A_578 = arith.constant 0 : i32
        %dma_wait3A_579 = arith.constant 0 : i32
        %dma_wait3A_580 = tpu.memref_slice %arg12[%dma_wait3A_577, %dma_wait3A_578, %dma_wait3A_579] : memref<2x448x32xf32, #tpu.memory_space<vmem>> -> memref<1x448x32xf32, #tpu.memory_space<vmem>>
        %dma_wait3A_581 = tpu.memref_squeeze %dma_wait3A_580 : memref<1x448x32xf32, #tpu.memory_space<vmem>> -> memref<448x32xf32, #tpu.memory_space<vmem>>
        %dma_wait3A_582 = arith.constant 0 : i32
        %dma_wait3A_583 = arith.constant 0 : i32
        %dma_wait3A_584 = tpu.memref_slice %arg6[%dma_wait3A_582, %dma_wait3A_583] : memref<1605632x32xf32, #tpu.memory_space<hbm>> -> memref<448x32xf32, #tpu.memory_space<hbm>>
        %dma_wait3A_585 = arith.constant 0 : i32
        %dma_wait3A_586 = arith.constant 0 : i32
        %dma_wait3A_587 = tpu.memref_slice %arg6[%dma_wait3A_585, %dma_wait3A_586] : memref<1605632x32xf32, #tpu.memory_space<hbm>> -> memref<448x32xf32, #tpu.memory_space<hbm>>
        %dma_wait3A_588 = arith.constant 0 : i32
        %dma_wait3A_589 = arith.constant 0 : i32
        %dma_wait3A_590 = tpu.memref_slice %arg12[%dma_wait3A_577, %dma_wait3A_588, %dma_wait3A_589] : memref<2x448x32xf32, #tpu.memory_space<vmem>> -> memref<1x448x32xf32, #tpu.memory_space<vmem>>
        %dma_wait3A_591 = tpu.memref_squeeze %dma_wait3A_590 : memref<1x448x32xf32, #tpu.memory_space<vmem>> -> memref<448x32xf32, #tpu.memory_space<vmem>>
        tpu.wait_dma2 semaphore(%arg18 : memref<!tpu.dma_semaphore, #tpu.memory_space<semaphore_mem>>) src(%dma_wait3A_591 : memref<448x32xf32, #tpu.memory_space<vmem>>) dst(%dma_wait3A_587 : memref<448x32xf32, #tpu.memory_space<hbm>>)
        %dma_wait3A_592 = arith.constant 0 : i32
        %dma_wait3A_593 = arith.constant 0 : i32
        %dma_wait3A_594 = arith.constant 0 : i32
        %dma_wait3A_595 = tpu.memref_slice %arg13[%dma_wait3A_592, %dma_wait3A_593, %dma_wait3A_594] : memref<2x448x32xf32, #tpu.memory_space<vmem>> -> memref<1x448x32xf32, #tpu.memory_space<vmem>>
        %dma_wait3A_596 = tpu.memref_squeeze %dma_wait3A_595 : memref<1x448x32xf32, #tpu.memory_space<vmem>> -> memref<448x32xf32, #tpu.memory_space<vmem>>
        %dma_wait3A_597 = arith.constant 0 : i32
        %dma_wait3A_598 = arith.constant 0 : i32
        %dma_wait3A_599 = tpu.memref_slice %arg7[%dma_wait3A_597, %dma_wait3A_598] : memref<1605632x32xf32, #tpu.memory_space<hbm>> -> memref<448x32xf32, #tpu.memory_space<hbm>>
        %dma_wait3A_600 = arith.constant 0 : i32
        %dma_wait3A_601 = arith.constant 0 : i32
        %dma_wait3A_602 = tpu.memref_slice %arg7[%dma_wait3A_600, %dma_wait3A_601] : memref<1605632x32xf32, #tpu.memory_space<hbm>> -> memref<448x32xf32, #tpu.memory_space<hbm>>
        %dma_wait3A_603 = arith.constant 0 : i32
        %dma_wait3A_604 = arith.constant 0 : i32
        %dma_wait3A_605 = tpu.memref_slice %arg13[%dma_wait3A_592, %dma_wait3A_603, %dma_wait3A_604] : memref<2x448x32xf32, #tpu.memory_space<vmem>> -> memref<1x448x32xf32, #tpu.memory_space<vmem>>
        %dma_wait3A_606 = tpu.memref_squeeze %dma_wait3A_605 : memref<1x448x32xf32, #tpu.memory_space<vmem>> -> memref<448x32xf32, #tpu.memory_space<vmem>>
        tpu.wait_dma2 semaphore(%arg18 : memref<!tpu.dma_semaphore, #tpu.memory_space<semaphore_mem>>) src(%dma_wait3A_606 : memref<448x32xf32, #tpu.memory_space<vmem>>) dst(%dma_wait3A_602 : memref<448x32xf32, #tpu.memory_space<hbm>>)
        %dma_wait3A_607 = arith.constant 0 : i32
        %dma_wait3A_608 = arith.constant 0 : i32
        %dma_wait3A_609 = arith.constant 0 : i32
        %dma_wait3A_610 = tpu.memref_slice %arg14[%dma_wait3A_607, %dma_wait3A_608, %dma_wait3A_609] : memref<2x448x32xf32, #tpu.memory_space<vmem>> -> memref<1x448x32xf32, #tpu.memory_space<vmem>>
        %dma_wait3A_611 = tpu.memref_squeeze %dma_wait3A_610 : memref<1x448x32xf32, #tpu.memory_space<vmem>> -> memref<448x32xf32, #tpu.memory_space<vmem>>
        %dma_wait3A_612 = arith.constant 0 : i32
        %dma_wait3A_613 = arith.constant 0 : i32
        %dma_wait3A_614 = tpu.memref_slice %arg8[%dma_wait3A_612, %dma_wait3A_613] : memref<1605632x32xf32, #tpu.memory_space<hbm>> -> memref<448x32xf32, #tpu.memory_space<hbm>>
        %dma_wait3A_615 = arith.constant 0 : i32
        %dma_wait3A_616 = arith.constant 0 : i32
        %dma_wait3A_617 = tpu.memref_slice %arg8[%dma_wait3A_615, %dma_wait3A_616] : memref<1605632x32xf32, #tpu.memory_space<hbm>> -> memref<448x32xf32, #tpu.memory_space<hbm>>
        %dma_wait3A_618 = arith.constant 0 : i32
        %dma_wait3A_619 = arith.constant 0 : i32
        %dma_wait3A_620 = tpu.memref_slice %arg14[%dma_wait3A_607, %dma_wait3A_618, %dma_wait3A_619] : memref<2x448x32xf32, #tpu.memory_space<vmem>> -> memref<1x448x32xf32, #tpu.memory_space<vmem>>
        %dma_wait3A_621 = tpu.memref_squeeze %dma_wait3A_620 : memref<1x448x32xf32, #tpu.memory_space<vmem>> -> memref<448x32xf32, #tpu.memory_space<vmem>>
        tpu.wait_dma2 semaphore(%arg18 : memref<!tpu.dma_semaphore, #tpu.memory_space<semaphore_mem>>) src(%dma_wait3A_621 : memref<448x32xf32, #tpu.memory_space<vmem>>) dst(%dma_wait3A_617 : memref<448x32xf32, #tpu.memory_space<hbm>>)
        %dma_wait3A_622 = arith.constant 0 : i32
        %dma_wait3A_623 = arith.constant 0 : i32
        %dma_wait3A_624 = arith.constant 0 : i32
        %dma_wait3A_625 = tpu.memref_slice %arg15[%dma_wait3A_622, %dma_wait3A_623, %dma_wait3A_624] : memref<2x448x32xf32, #tpu.memory_space<vmem>> -> memref<1x448x32xf32, #tpu.memory_space<vmem>>
        %dma_wait3A_626 = tpu.memref_squeeze %dma_wait3A_625 : memref<1x448x32xf32, #tpu.memory_space<vmem>> -> memref<448x32xf32, #tpu.memory_space<vmem>>
        %dma_wait3A_627 = arith.constant 0 : i32
        %dma_wait3A_628 = arith.constant 0 : i32
        %dma_wait3A_629 = tpu.memref_slice %arg9[%dma_wait3A_627, %dma_wait3A_628] : memref<1605632x32xf32, #tpu.memory_space<hbm>> -> memref<448x32xf32, #tpu.memory_space<hbm>>
        %dma_wait3A_630 = arith.constant 0 : i32
        %dma_wait3A_631 = arith.constant 0 : i32
        %dma_wait3A_632 = tpu.memref_slice %arg9[%dma_wait3A_630, %dma_wait3A_631] : memref<1605632x32xf32, #tpu.memory_space<hbm>> -> memref<448x32xf32, #tpu.memory_space<hbm>>
        %dma_wait3A_633 = arith.constant 0 : i32
        %dma_wait3A_634 = arith.constant 0 : i32
        %dma_wait3A_635 = tpu.memref_slice %arg15[%dma_wait3A_622, %dma_wait3A_633, %dma_wait3A_634] : memref<2x448x32xf32, #tpu.memory_space<vmem>> -> memref<1x448x32xf32, #tpu.memory_space<vmem>>
        %dma_wait3A_636 = tpu.memref_squeeze %dma_wait3A_635 : memref<1x448x32xf32, #tpu.memory_space<vmem>> -> memref<448x32xf32, #tpu.memory_space<vmem>>
        tpu.wait_dma2 semaphore(%arg18 : memref<!tpu.dma_semaphore, #tpu.memory_space<semaphore_mem>>) src(%dma_wait3A_636 : memref<448x32xf32, #tpu.memory_space<vmem>>) dst(%dma_wait3A_632 : memref<448x32xf32, #tpu.memory_space<hbm>>)
      } else {
      }
      %dma_start3A_213 = arith.constant 0 : i32
      %dma_start3A_214 = arith.constant 0 : i32
      %dma_start3A_215 = arith.constant 0 : i32
      %dma_start3A_216 = arith.constant 0 : i32
      %dma_start3A_217 = arith.constant 0 : i32
      %dma_start3A_218 = tpu.memref_slice %arg12[%dma_start3A_215, %dma_start3A_216, %dma_start3A_217] : memref<2x448x32xf32, #tpu.memory_space<vmem>> -> memref<1x448x32xf32, #tpu.memory_space<vmem>>
      %dma_start3A_219 = tpu.memref_squeeze %dma_start3A_218 : memref<1x448x32xf32, #tpu.memory_space<vmem>> -> memref<448x32xf32, #tpu.memory_space<vmem>>
      %dma_start3A_220 = arith.constant 0 : i32
      %dma_start3A_221 = tpu.memref_slice %arg10[%dma_start3A_213, %dma_start3A_214, %dma_start3A_220] : memref<2x1x448xi32, #tpu.memory_space<vmem>> -> memref<1x1x448xi32, #tpu.memory_space<vmem>>
      %dma_start3A_222 = tpu.memref_squeeze %dma_start3A_221 : memref<1x1x448xi32, #tpu.memory_space<vmem>> -> memref<448xi32, #tpu.memory_space<vmem>>
      %dma_start3A_223 = arith.constant 0 : i32
      %dma_start3A_224 = arith.constant 0 : i32
      %dma_start3A_225 = tpu.memref_slice %arg2[%dma_start3A_223, %dma_start3A_224] : memref<100000x32xf32, #tpu.memory_space<hbm>> -> memref<100000x32xf32, #tpu.memory_space<hbm>>
      tpu.enqueue_indirect_dma source(%dma_start3A_225 : memref<100000x32xf32, #tpu.memory_space<hbm>>) target(%dma_start3A_219 : memref<448x32xf32, #tpu.memory_space<vmem>>) offsets(%dma_start3A_222 : memref<448xi32, #tpu.memory_space<vmem>>) semaphore(%arg20 : memref<!tpu.dma_semaphore, #tpu.memory_space<semaphore_mem>>)
      %dma_start3A_226 = arith.constant 0 : i32
      %dma_start3A_227 = arith.constant 0 : i32
      %dma_start3A_228 = arith.constant 0 : i32
      %dma_start3A_229 = arith.constant 0 : i32
      %dma_start3A_230 = arith.constant 0 : i32
      %dma_start3A_231 = tpu.memref_slice %arg13[%dma_start3A_228, %dma_start3A_229, %dma_start3A_230] : memref<2x448x32xf32, #tpu.memory_space<vmem>> -> memref<1x448x32xf32, #tpu.memory_space<vmem>>
      %dma_start3A_232 = tpu.memref_squeeze %dma_start3A_231 : memref<1x448x32xf32, #tpu.memory_space<vmem>> -> memref<448x32xf32, #tpu.memory_space<vmem>>
      %dma_start3A_233 = arith.constant 0 : i32
      %dma_start3A_234 = tpu.memref_slice %arg11[%dma_start3A_226, %dma_start3A_227, %dma_start3A_233] : memref<2x1x448xi32, #tpu.memory_space<vmem>> -> memref<1x1x448xi32, #tpu.memory_space<vmem>>
      %dma_start3A_235 = tpu.memref_squeeze %dma_start3A_234 : memref<1x1x448xi32, #tpu.memory_space<vmem>> -> memref<448xi32, #tpu.memory_space<vmem>>
      %dma_start3A_236 = arith.constant 0 : i32
      %dma_start3A_237 = arith.constant 0 : i32
      %dma_start3A_238 = tpu.memref_slice %arg2[%dma_start3A_236, %dma_start3A_237] : memref<100000x32xf32, #tpu.memory_space<hbm>> -> memref<100000x32xf32, #tpu.memory_space<hbm>>
      tpu.enqueue_indirect_dma source(%dma_start3A_238 : memref<100000x32xf32, #tpu.memory_space<hbm>>) target(%dma_start3A_232 : memref<448x32xf32, #tpu.memory_space<vmem>>) offsets(%dma_start3A_235 : memref<448xi32, #tpu.memory_space<vmem>>) semaphore(%arg20 : memref<!tpu.dma_semaphore, #tpu.memory_space<semaphore_mem>>)
      %dma_start3A_239 = arith.constant 0 : i32
      %dma_start3A_240 = arith.constant 0 : i32
      %dma_start3A_241 = arith.constant 0 : i32
      %dma_start3A_242 = arith.constant 0 : i32
      %dma_start3A_243 = arith.constant 0 : i32
      %dma_start3A_244 = tpu.memref_slice %arg14[%dma_start3A_241, %dma_start3A_242, %dma_start3A_243] : memref<2x448x32xf32, #tpu.memory_space<vmem>> -> memref<1x448x32xf32, #tpu.memory_space<vmem>>
      %dma_start3A_245 = tpu.memref_squeeze %dma_start3A_244 : memref<1x448x32xf32, #tpu.memory_space<vmem>> -> memref<448x32xf32, #tpu.memory_space<vmem>>
      %dma_start3A_246 = arith.constant 0 : i32
      %dma_start3A_247 = tpu.memref_slice %arg10[%dma_start3A_239, %dma_start3A_240, %dma_start3A_246] : memref<2x1x448xi32, #tpu.memory_space<vmem>> -> memref<1x1x448xi32, #tpu.memory_space<vmem>>
      %dma_start3A_248 = tpu.memref_squeeze %dma_start3A_247 : memref<1x1x448xi32, #tpu.memory_space<vmem>> -> memref<448xi32, #tpu.memory_space<vmem>>
      %dma_start3A_249 = arith.constant 0 : i32
      %dma_start3A_250 = arith.constant 0 : i32
      %dma_start3A_251 = tpu.memref_slice %arg3[%dma_start3A_249, %dma_start3A_250] : memref<100000x32xf32, #tpu.memory_space<hbm>> -> memref<100000x32xf32, #tpu.memory_space<hbm>>
      tpu.enqueue_indirect_dma source(%dma_start3A_251 : memref<100000x32xf32, #tpu.memory_space<hbm>>) target(%dma_start3A_245 : memref<448x32xf32, #tpu.memory_space<vmem>>) offsets(%dma_start3A_248 : memref<448xi32, #tpu.memory_space<vmem>>) semaphore(%arg20 : memref<!tpu.dma_semaphore, #tpu.memory_space<semaphore_mem>>)
      %dma_start3A_252 = arith.constant 0 : i32
      %dma_start3A_253 = arith.constant 0 : i32
      %dma_start3A_254 = arith.constant 0 : i32
      %dma_start3A_255 = arith.constant 0 : i32
      %dma_start3A_256 = arith.constant 0 : i32
      %dma_start3A_257 = tpu.memref_slice %arg15[%dma_start3A_254, %dma_start3A_255, %dma_start3A_256] : memref<2x448x32xf32, #tpu.memory_space<vmem>> -> memref<1x448x32xf32, #tpu.memory_space<vmem>>
      %dma_start3A_258 = tpu.memref_squeeze %dma_start3A_257 : memref<1x448x32xf32, #tpu.memory_space<vmem>> -> memref<448x32xf32, #tpu.memory_space<vmem>>
      %dma_start3A_259 = arith.constant 0 : i32
      %dma_start3A_260 = tpu.memref_slice %arg11[%dma_start3A_252, %dma_start3A_253, %dma_start3A_259] : memref<2x1x448xi32, #tpu.memory_space<vmem>> -> memref<1x1x448xi32, #tpu.memory_space<vmem>>
      %dma_start3A_261 = tpu.memref_squeeze %dma_start3A_260 : memref<1x1x448xi32, #tpu.memory_space<vmem>> -> memref<448xi32, #tpu.memory_space<vmem>>
      %dma_start3A_262 = arith.constant 0 : i32
      %dma_start3A_263 = arith.constant 0 : i32
      %dma_start3A_264 = tpu.memref_slice %arg3[%dma_start3A_262, %dma_start3A_263] : memref<100000x32xf32, #tpu.memory_space<hbm>> -> memref<100000x32xf32, #tpu.memory_space<hbm>>
      tpu.enqueue_indirect_dma source(%dma_start3A_264 : memref<100000x32xf32, #tpu.memory_space<hbm>>) target(%dma_start3A_258 : memref<448x32xf32, #tpu.memory_space<vmem>>) offsets(%dma_start3A_261 : memref<448xi32, #tpu.memory_space<vmem>>) semaphore(%arg20 : memref<!tpu.dma_semaphore, #tpu.memory_space<semaphore_mem>>)
      %dma_wait3A_265 = arith.constant 0 : i32
      %dma_wait3A_266 = arith.constant 0 : i32
      %dma_wait3A_267 = arith.constant 0 : i32
      %dma_wait3A_268 = arith.constant 0 : i32
      %dma_wait3A_269 = arith.constant 0 : i32
      %dma_wait3A_270 = tpu.memref_slice %arg12[%dma_wait3A_267, %dma_wait3A_268, %dma_wait3A_269] : memref<2x448x32xf32, #tpu.memory_space<vmem>> -> memref<1x448x32xf32, #tpu.memory_space<vmem>>
      %dma_wait3A_271 = tpu.memref_squeeze %dma_wait3A_270 : memref<1x448x32xf32, #tpu.memory_space<vmem>> -> memref<448x32xf32, #tpu.memory_space<vmem>>
      %dma_wait3A_272 = arith.constant 0 : i32
      %dma_wait3A_273 = tpu.memref_slice %arg10[%dma_wait3A_265, %dma_wait3A_266, %dma_wait3A_272] : memref<2x1x448xi32, #tpu.memory_space<vmem>> -> memref<1x1x448xi32, #tpu.memory_space<vmem>>
      %dma_wait3A_274 = tpu.memref_squeeze %dma_wait3A_273 : memref<1x1x448xi32, #tpu.memory_space<vmem>> -> memref<448xi32, #tpu.memory_space<vmem>>
      %dma_wait3A_275 = arith.constant 0 : i32
      %dma_wait3A_276 = arith.constant 0 : i32
      %dma_wait3A_277 = tpu.memref_slice %arg2[%dma_wait3A_275, %dma_wait3A_276] : memref<100000x32xf32, #tpu.memory_space<hbm>> -> memref<100000x32xf32, #tpu.memory_space<hbm>>
      tpu.wait_indirect_dma semaphore(%arg20 : memref<!tpu.dma_semaphore, #tpu.memory_space<semaphore_mem>>) src(%dma_wait3A_277 : memref<100000x32xf32, #tpu.memory_space<hbm>>) dst(%dma_wait3A_271 : memref<448x32xf32, #tpu.memory_space<vmem>>)
      %dma_wait3A_278 = arith.constant 0 : i32
      %dma_wait3A_279 = arith.constant 0 : i32
      %dma_wait3A_280 = arith.constant 0 : i32
      %dma_wait3A_281 = arith.constant 0 : i32
      %dma_wait3A_282 = arith.constant 0 : i32
      %dma_wait3A_283 = tpu.memref_slice %arg13[%dma_wait3A_280, %dma_wait3A_281, %dma_wait3A_282] : memref<2x448x32xf32, #tpu.memory_space<vmem>> -> memref<1x448x32xf32, #tpu.memory_space<vmem>>
      %dma_wait3A_284 = tpu.memref_squeeze %dma_wait3A_283 : memref<1x448x32xf32, #tpu.memory_space<vmem>> -> memref<448x32xf32, #tpu.memory_space<vmem>>
      %dma_wait3A_285 = arith.constant 0 : i32
      %dma_wait3A_286 = tpu.memref_slice %arg11[%dma_wait3A_278, %dma_wait3A_279, %dma_wait3A_285] : memref<2x1x448xi32, #tpu.memory_space<vmem>> -> memref<1x1x448xi32, #tpu.memory_space<vmem>>
      %dma_wait3A_287 = tpu.memref_squeeze %dma_wait3A_286 : memref<1x1x448xi32, #tpu.memory_space<vmem>> -> memref<448xi32, #tpu.memory_space<vmem>>
      %dma_wait3A_288 = arith.constant 0 : i32
      %dma_wait3A_289 = arith.constant 0 : i32
      %dma_wait3A_290 = tpu.memref_slice %arg2[%dma_wait3A_288, %dma_wait3A_289] : memref<100000x32xf32, #tpu.memory_space<hbm>> -> memref<100000x32xf32, #tpu.memory_space<hbm>>
      tpu.wait_indirect_dma semaphore(%arg20 : memref<!tpu.dma_semaphore, #tpu.memory_space<semaphore_mem>>) src(%dma_wait3A_290 : memref<100000x32xf32, #tpu.memory_space<hbm>>) dst(%dma_wait3A_284 : memref<448x32xf32, #tpu.memory_space<vmem>>)
      %dma_wait3A_291 = arith.constant 0 : i32
      %dma_wait3A_292 = arith.constant 0 : i32
      %dma_wait3A_293 = arith.constant 0 : i32
      %dma_wait3A_294 = arith.constant 0 : i32
      %dma_wait3A_295 = arith.constant 0 : i32
      %dma_wait3A_296 = tpu.memref_slice %arg14[%dma_wait3A_293, %dma_wait3A_294, %dma_wait3A_295] : memref<2x448x32xf32, #tpu.memory_space<vmem>> -> memref<1x448x32xf32, #tpu.memory_space<vmem>>
      %dma_wait3A_297 = tpu.memref_squeeze %dma_wait3A_296 : memref<1x448x32xf32, #tpu.memory_space<vmem>> -> memref<448x32xf32, #tpu.memory_space<vmem>>
      %dma_wait3A_298 = arith.constant 0 : i32
      %dma_wait3A_299 = tpu.memref_slice %arg10[%dma_wait3A_291, %dma_wait3A_292, %dma_wait3A_298] : memref<2x1x448xi32, #tpu.memory_space<vmem>> -> memref<1x1x448xi32, #tpu.memory_space<vmem>>
      %dma_wait3A_300 = tpu.memref_squeeze %dma_wait3A_299 : memref<1x1x448xi32, #tpu.memory_space<vmem>> -> memref<448xi32, #tpu.memory_space<vmem>>
      %dma_wait3A_301 = arith.constant 0 : i32
      %dma_wait3A_302 = arith.constant 0 : i32
      %dma_wait3A_303 = tpu.memref_slice %arg3[%dma_wait3A_301, %dma_wait3A_302] : memref<100000x32xf32, #tpu.memory_space<hbm>> -> memref<100000x32xf32, #tpu.memory_space<hbm>>
      tpu.wait_indirect_dma semaphore(%arg20 : memref<!tpu.dma_semaphore, #tpu.memory_space<semaphore_mem>>) src(%dma_wait3A_303 : memref<100000x32xf32, #tpu.memory_space<hbm>>) dst(%dma_wait3A_297 : memref<448x32xf32, #tpu.memory_space<vmem>>)
      %dma_wait3A_304 = arith.constant 0 : i32
      %dma_wait3A_305 = arith.constant 0 : i32
      %dma_wait3A_306 = arith.constant 0 : i32
      %dma_wait3A_307 = arith.constant 0 : i32
      %dma_wait3A_308 = arith.constant 0 : i32
      %dma_wait3A_309 = tpu.memref_slice %arg15[%dma_wait3A_306, %dma_wait3A_307, %dma_wait3A_308] : memref<2x448x32xf32, #tpu.memory_space<vmem>> -> memref<1x448x32xf32, #tpu.memory_space<vmem>>
      %dma_wait3A_310 = tpu.memref_squeeze %dma_wait3A_309 : memref<1x448x32xf32, #tpu.memory_space<vmem>> -> memref<448x32xf32, #tpu.memory_space<vmem>>
      %dma_wait3A_311 = arith.constant 0 : i32
      %dma_wait3A_312 = tpu.memref_slice %arg11[%dma_wait3A_304, %dma_wait3A_305, %dma_wait3A_311] : memref<2x1x448xi32, #tpu.memory_space<vmem>> -> memref<1x1x448xi32, #tpu.memory_space<vmem>>
      %dma_wait3A_313 = tpu.memref_squeeze %dma_wait3A_312 : memref<1x1x448xi32, #tpu.memory_space<vmem>> -> memref<448xi32, #tpu.memory_space<vmem>>
      %dma_wait3A_314 = arith.constant 0 : i32
      %dma_wait3A_315 = arith.constant 0 : i32
      %dma_wait3A_316 = tpu.memref_slice %arg3[%dma_wait3A_314, %dma_wait3A_315] : memref<100000x32xf32, #tpu.memory_space<hbm>> -> memref<100000x32xf32, #tpu.memory_space<hbm>>
      tpu.wait_indirect_dma semaphore(%arg20 : memref<!tpu.dma_semaphore, #tpu.memory_space<semaphore_mem>>) src(%dma_wait3A_316 : memref<100000x32xf32, #tpu.memory_space<hbm>>) dst(%dma_wait3A_310 : memref<448x32xf32, #tpu.memory_space<vmem>>)
      %mul3A_317 = arith.constant 448 : i32
      %mul3A_318 = arith.muli %add3A_174, %mul3A_317 : i32
      %add3A_319 = arith.addi %mul3A_2, %mul3A_318 : i32
      %dma_start3A_320 = arith.constant 0 : i32
      %dma_start3A_321 = arith.constant 0 : i32
      %dma_start3A_322 = arith.constant 0 : i32
      %dma_start3A_323 = tpu.memref_slice %arg12[%dma_start3A_320, %dma_start3A_321, %dma_start3A_322] : memref<2x448x32xf32, #tpu.memory_space<vmem>> -> memref<1x448x32xf32, #tpu.memory_space<vmem>>
      %dma_start3A_324 = tpu.memref_squeeze %dma_start3A_323 : memref<1x448x32xf32, #tpu.memory_space<vmem>> -> memref<448x32xf32, #tpu.memory_space<vmem>>
      %dma_start3A_325 = arith.constant 0 : i32
      %dma_start3A_326 = tpu.memref_slice %arg6[%add3A_319, %dma_start3A_325] : memref<1605632x32xf32, #tpu.memory_space<hbm>> -> memref<448x32xf32, #tpu.memory_space<hbm>>
      %dma_start3A_327 = arith.constant 0 : i32
      %dma_start3A_328 = tpu.memref_slice %arg6[%add3A_319, %dma_start3A_327] : memref<1605632x32xf32, #tpu.memory_space<hbm>> -> memref<448x32xf32, #tpu.memory_space<hbm>>
      %dma_start3A_329 = arith.constant 0 : i32
      %dma_start3A_330 = arith.constant 0 : i32
      %dma_start3A_331 = tpu.memref_slice %arg12[%dma_start3A_320, %dma_start3A_329, %dma_start3A_330] : memref<2x448x32xf32, #tpu.memory_space<vmem>> -> memref<1x448x32xf32, #tpu.memory_space<vmem>>
      %dma_start3A_332 = tpu.memref_squeeze %dma_start3A_331 : memref<1x448x32xf32, #tpu.memory_space<vmem>> -> memref<448x32xf32, #tpu.memory_space<vmem>>
      tpu.enqueue_dma source(%dma_start3A_332 : memref<448x32xf32, #tpu.memory_space<vmem>>) target(%dma_start3A_328 : memref<448x32xf32, #tpu.memory_space<hbm>>) target_semaphore(%arg18 : memref<!tpu.dma_semaphore, #tpu.memory_space<semaphore_mem>>)
      %dma_start3A_333 = arith.constant 0 : i32
      %dma_start3A_334 = arith.constant 0 : i32
      %dma_start3A_335 = arith.constant 0 : i32
      %dma_start3A_336 = tpu.memref_slice %arg13[%dma_start3A_333, %dma_start3A_334, %dma_start3A_335] : memref<2x448x32xf32, #tpu.memory_space<vmem>> -> memref<1x448x32xf32, #tpu.memory_space<vmem>>
      %dma_start3A_337 = tpu.memref_squeeze %dma_start3A_336 : memref<1x448x32xf32, #tpu.memory_space<vmem>> -> memref<448x32xf32, #tpu.memory_space<vmem>>
      %dma_start3A_338 = arith.constant 0 : i32
      %dma_start3A_339 = tpu.memref_slice %arg7[%add3A_319, %dma_start3A_338] : memref<1605632x32xf32, #tpu.memory_space<hbm>> -> memref<448x32xf32, #tpu.memory_space<hbm>>
      %dma_start3A_340 = arith.constant 0 : i32
      %dma_start3A_341 = tpu.memref_slice %arg7[%add3A_319, %dma_start3A_340] : memref<1605632x32xf32, #tpu.memory_space<hbm>> -> memref<448x32xf32, #tpu.memory_space<hbm>>
      %dma_start3A_342 = arith.constant 0 : i32
      %dma_start3A_343 = arith.constant 0 : i32
      %dma_start3A_344 = tpu.memref_slice %arg13[%dma_start3A_333, %dma_start3A_342, %dma_start3A_343] : memref<2x448x32xf32, #tpu.memory_space<vmem>> -> memref<1x448x32xf32, #tpu.memory_space<vmem>>
      %dma_start3A_345 = tpu.memref_squeeze %dma_start3A_344 : memref<1x448x32xf32, #tpu.memory_space<vmem>> -> memref<448x32xf32, #tpu.memory_space<vmem>>
      tpu.enqueue_dma source(%dma_start3A_345 : memref<448x32xf32, #tpu.memory_space<vmem>>) target(%dma_start3A_341 : memref<448x32xf32, #tpu.memory_space<hbm>>) target_semaphore(%arg18 : memref<!tpu.dma_semaphore, #tpu.memory_space<semaphore_mem>>)
      %dma_start3A_346 = arith.constant 0 : i32
      %dma_start3A_347 = arith.constant 0 : i32
      %dma_start3A_348 = arith.constant 0 : i32
      %dma_start3A_349 = tpu.memref_slice %arg14[%dma_start3A_346, %dma_start3A_347, %dma_start3A_348] : memref<2x448x32xf32, #tpu.memory_space<vmem>> -> memref<1x448x32xf32, #tpu.memory_space<vmem>>
      %dma_start3A_350 = tpu.memref_squeeze %dma_start3A_349 : memref<1x448x32xf32, #tpu.memory_space<vmem>> -> memref<448x32xf32, #tpu.memory_space<vmem>>
      %dma_start3A_351 = arith.constant 0 : i32
      %dma_start3A_352 = tpu.memref_slice %arg8[%add3A_319, %dma_start3A_351] : memref<1605632x32xf32, #tpu.memory_space<hbm>> -> memref<448x32xf32, #tpu.memory_space<hbm>>
      %dma_start3A_353 = arith.constant 0 : i32
      %dma_start3A_354 = tpu.memref_slice %arg8[%add3A_319, %dma_start3A_353] : memref<1605632x32xf32, #tpu.memory_space<hbm>> -> memref<448x32xf32, #tpu.memory_space<hbm>>
      %dma_start3A_355 = arith.constant 0 : i32
      %dma_start3A_356 = arith.constant 0 : i32
      %dma_start3A_357 = tpu.memref_slice %arg14[%dma_start3A_346, %dma_start3A_355, %dma_start3A_356] : memref<2x448x32xf32, #tpu.memory_space<vmem>> -> memref<1x448x32xf32, #tpu.memory_space<vmem>>
      %dma_start3A_358 = tpu.memref_squeeze %dma_start3A_357 : memref<1x448x32xf32, #tpu.memory_space<vmem>> -> memref<448x32xf32, #tpu.memory_space<vmem>>
      tpu.enqueue_dma source(%dma_start3A_358 : memref<448x32xf32, #tpu.memory_space<vmem>>) target(%dma_start3A_354 : memref<448x32xf32, #tpu.memory_space<hbm>>) target_semaphore(%arg18 : memref<!tpu.dma_semaphore, #tpu.memory_space<semaphore_mem>>)
      %dma_start3A_359 = arith.constant 0 : i32
      %dma_start3A_360 = arith.constant 0 : i32
      %dma_start3A_361 = arith.constant 0 : i32
      %dma_start3A_362 = tpu.memref_slice %arg15[%dma_start3A_359, %dma_start3A_360, %dma_start3A_361] : memref<2x448x32xf32, #tpu.memory_space<vmem>> -> memref<1x448x32xf32, #tpu.memory_space<vmem>>
      %dma_start3A_363 = tpu.memref_squeeze %dma_start3A_362 : memref<1x448x32xf32, #tpu.memory_space<vmem>> -> memref<448x32xf32, #tpu.memory_space<vmem>>
      %dma_start3A_364 = arith.constant 0 : i32
      %dma_start3A_365 = tpu.memref_slice %arg9[%add3A_319, %dma_start3A_364] : memref<1605632x32xf32, #tpu.memory_space<hbm>> -> memref<448x32xf32, #tpu.memory_space<hbm>>
      %dma_start3A_366 = arith.constant 0 : i32
      %dma_start3A_367 = tpu.memref_slice %arg9[%add3A_319, %dma_start3A_366] : memref<1605632x32xf32, #tpu.memory_space<hbm>> -> memref<448x32xf32, #tpu.memory_space<hbm>>
      %dma_start3A_368 = arith.constant 0 : i32
      %dma_start3A_369 = arith.constant 0 : i32
      %dma_start3A_370 = tpu.memref_slice %arg15[%dma_start3A_359, %dma_start3A_368, %dma_start3A_369] : memref<2x448x32xf32, #tpu.memory_space<vmem>> -> memref<1x448x32xf32, #tpu.memory_space<vmem>>
      %dma_start3A_371 = tpu.memref_squeeze %dma_start3A_370 : memref<1x448x32xf32, #tpu.memory_space<vmem>> -> memref<448x32xf32, #tpu.memory_space<vmem>>
      tpu.enqueue_dma source(%dma_start3A_371 : memref<448x32xf32, #tpu.memory_space<vmem>>) target(%dma_start3A_367 : memref<448x32xf32, #tpu.memory_space<hbm>>) target_semaphore(%arg18 : memref<!tpu.dma_semaphore, #tpu.memory_space<semaphore_mem>>)
      %mul3A_372 = arith.constant 2 : i32
      %mul3A_373 = arith.muli %scan3A_170, %mul3A_372 : i32
      %add3A_374 = arith.constant 1 : i32
      %add3A_375 = arith.addi %mul3A_373, %add3A_374 : i32
      %dma_wait3A_376 = arith.constant 1 : i32
      %dma_wait3A_377 = arith.constant 0 : i32
      %dma_wait3A_378 = arith.constant 0 : i32
      %dma_wait3A_379 = tpu.memref_slice %arg10[%dma_wait3A_376, %dma_wait3A_377, %dma_wait3A_378] : memref<2x1x448xi32, #tpu.memory_space<vmem>> -> memref<1x1x448xi32, #tpu.memory_space<vmem>>
      %dma_wait3A_380 = tpu.memref_squeeze %dma_wait3A_379 : memref<1x1x448xi32, #tpu.memory_space<vmem>> -> memref<1x448xi32, #tpu.memory_space<vmem>>
      %dma_wait3A_381 = arith.constant 0 : i32
      %dma_wait3A_382 = arith.constant 0 : i32
      %dma_wait3A_383 = tpu.memref_slice %arg4[%dma_wait3A_381, %dma_wait3A_382] : memref<3584x448xi32, #tpu.memory_space<hbm>> -> memref<1x448xi32, #tpu.memory_space<hbm>>
      %dma_wait3A_384 = arith.constant 0 : i32
      %dma_wait3A_385 = arith.constant 0 : i32
      %dma_wait3A_386 = tpu.memref_slice %arg10[%dma_wait3A_376, %dma_wait3A_384, %dma_wait3A_385] : memref<2x1x448xi32, #tpu.memory_space<vmem>> -> memref<1x1x448xi32, #tpu.memory_space<vmem>>
      %dma_wait3A_387 = tpu.memref_squeeze %dma_wait3A_386 : memref<1x1x448xi32, #tpu.memory_space<vmem>> -> memref<1x448xi32, #tpu.memory_space<vmem>>
      %dma_wait3A_388 = arith.constant 0 : i32
      %dma_wait3A_389 = arith.constant 0 : i32
      %dma_wait3A_390 = tpu.memref_slice %arg4[%dma_wait3A_388, %dma_wait3A_389] : memref<3584x448xi32, #tpu.memory_space<hbm>> -> memref<1x448xi32, #tpu.memory_space<hbm>>
      tpu.wait_dma2 semaphore(%arg17 : memref<!tpu.dma_semaphore, #tpu.memory_space<semaphore_mem>>) src(%dma_wait3A_390 : memref<1x448xi32, #tpu.memory_space<hbm>>) dst(%dma_wait3A_387 : memref<1x448xi32, #tpu.memory_space<vmem>>)
      %dma_wait3A_391 = arith.constant 1 : i32
      %dma_wait3A_392 = arith.constant 0 : i32
      %dma_wait3A_393 = arith.constant 0 : i32
      %dma_wait3A_394 = tpu.memref_slice %arg11[%dma_wait3A_391, %dma_wait3A_392, %dma_wait3A_393] : memref<2x1x448xi32, #tpu.memory_space<vmem>> -> memref<1x1x448xi32, #tpu.memory_space<vmem>>
      %dma_wait3A_395 = tpu.memref_squeeze %dma_wait3A_394 : memref<1x1x448xi32, #tpu.memory_space<vmem>> -> memref<1x448xi32, #tpu.memory_space<vmem>>
      %dma_wait3A_396 = arith.constant 0 : i32
      %dma_wait3A_397 = arith.constant 0 : i32
      %dma_wait3A_398 = tpu.memref_slice %arg5[%dma_wait3A_396, %dma_wait3A_397] : memref<3584x448xi32, #tpu.memory_space<hbm>> -> memref<1x448xi32, #tpu.memory_space<hbm>>
      %dma_wait3A_399 = arith.constant 0 : i32
      %dma_wait3A_400 = arith.constant 0 : i32
      %dma_wait3A_401 = tpu.memref_slice %arg11[%dma_wait3A_391, %dma_wait3A_399, %dma_wait3A_400] : memref<2x1x448xi32, #tpu.memory_space<vmem>> -> memref<1x1x448xi32, #tpu.memory_space<vmem>>
      %dma_wait3A_402 = tpu.memref_squeeze %dma_wait3A_401 : memref<1x1x448xi32, #tpu.memory_space<vmem>> -> memref<1x448xi32, #tpu.memory_space<vmem>>
      %dma_wait3A_403 = arith.constant 0 : i32
      %dma_wait3A_404 = arith.constant 0 : i32
      %dma_wait3A_405 = tpu.memref_slice %arg5[%dma_wait3A_403, %dma_wait3A_404] : memref<3584x448xi32, #tpu.memory_space<hbm>> -> memref<1x448xi32, #tpu.memory_space<hbm>>
      tpu.wait_dma2 semaphore(%arg17 : memref<!tpu.dma_semaphore, #tpu.memory_space<semaphore_mem>>) src(%dma_wait3A_405 : memref<1x448xi32, #tpu.memory_space<hbm>>) dst(%dma_wait3A_402 : memref<1x448xi32, #tpu.memory_space<vmem>>)
      %add3A_406 = arith.constant 1 : i32
      %add3A_407 = arith.addi %add3A_375, %add3A_406 : i32
      %lt3A_408 = arith.constant 112 : i32
      %lt3A_409 = arith.cmpi slt, %add3A_407, %lt3A_408 : i32
      %convert_element_type3A_410 = arith.extui %lt3A_409 : i1 to i32
      %cond3A_411 = arith.constant 0 : i32
      %cond3A_412 = arith.cmpi ne, %convert_element_type3A_410, %cond3A_411 : i32
      scf.if %cond3A_412 {
        %add3A_577 = arith.constant 1 : i32
        %add3A_578 = arith.addi %add3A_375, %add3A_577 : i32
        %mul3A_579 = arith.constant 448 : i32
        %mul3A_580 = arith.muli %add3A_578, %mul3A_579 : i32
        %add3A_581 = arith.addi %mul3A_2, %mul3A_580 : i32
        %jit3A_582 = arith.constant 448 : i32
        %div3A_583 = arith.divsi %add3A_581, %jit3A_582 : i32
        %sign3A_584 = arith.constant 0 : i32
        %sign3A_585 = arith.cmpi sgt, %add3A_581, %sign3A_584 : i32
        %sign3A_586 = arith.extui %sign3A_585 : i1 to i32
        %sign3A_587 = arith.constant 0 : i32
        %sign3A_588 = arith.cmpi slt, %add3A_581, %sign3A_587 : i32
        %sign3A_589 = arith.extui %sign3A_588 : i1 to i32
        %sign3A_590 = arith.subi %sign3A_586, %sign3A_589 : i32
        %sign3A_591 = arith.constant 0 : i32
        %sign3A_592 = arith.cmpi sgt, %jit3A_582, %sign3A_591 : i32
        %sign3A_593 = arith.extui %sign3A_592 : i1 to i32
        %sign3A_594 = arith.constant 0 : i32
        %sign3A_595 = arith.cmpi slt, %jit3A_582, %sign3A_594 : i32
        %sign3A_596 = arith.extui %sign3A_595 : i1 to i32
        %sign3A_597 = arith.subi %sign3A_593, %sign3A_596 : i32
        %ne3A_598 = arith.cmpi ne, %sign3A_590, %sign3A_597 : i32
        %rem3A_599 = arith.remsi %add3A_581, %jit3A_582 : i32
        %ne3A_600 = arith.constant 0 : i32
        %ne3A_601 = arith.cmpi ne, %rem3A_599, %ne3A_600 : i32
        %and3A_602 = arith.andi %ne3A_598, %ne3A_601 : i1
        %sub3A_603 = arith.constant 1 : i32
        %sub3A_604 = arith.subi %div3A_583, %sub3A_603 : i32
        %select_n3A_605 = arith.select %and3A_602, %sub3A_604, %div3A_583 : i32
        %dma_start3A_606 = arith.constant 0 : i32
        %dma_start3A_607 = arith.constant 0 : i32
        %dma_start3A_608 = arith.constant 0 : i32
        %dma_start3A_609 = tpu.memref_slice %arg10[%dma_start3A_606, %dma_start3A_607, %dma_start3A_608] : memref<2x1x448xi32, #tpu.memory_space<vmem>> -> memref<1x1x448xi32, #tpu.memory_space<vmem>>
        %dma_start3A_610 = tpu.memref_squeeze %dma_start3A_609 : memref<1x1x448xi32, #tpu.memory_space<vmem>> -> memref<1x448xi32, #tpu.memory_space<vmem>>
        %dma_start3A_611 = arith.constant 0 : i32
        %dma_start3A_612 = tpu.memref_slice %arg4[%select_n3A_605, %dma_start3A_611] : memref<3584x448xi32, #tpu.memory_space<hbm>> -> memref<1x448xi32, #tpu.memory_space<hbm>>
        %dma_start3A_613 = arith.constant 0 : i32
        %dma_start3A_614 = arith.constant 0 : i32
        %dma_start3A_615 = tpu.memref_slice %arg10[%dma_start3A_606, %dma_start3A_613, %dma_start3A_614] : memref<2x1x448xi32, #tpu.memory_space<vmem>> -> memref<1x1x448xi32, #tpu.memory_space<vmem>>
        %dma_start3A_616 = tpu.memref_squeeze %dma_start3A_615 : memref<1x1x448xi32, #tpu.memory_space<vmem>> -> memref<1x448xi32, #tpu.memory_space<vmem>>
        %dma_start3A_617 = arith.constant 0 : i32
        %dma_start3A_618 = tpu.memref_slice %arg4[%select_n3A_605, %dma_start3A_617] : memref<3584x448xi32, #tpu.memory_space<hbm>> -> memref<1x448xi32, #tpu.memory_space<hbm>>
        tpu.enqueue_dma source(%dma_start3A_618 : memref<1x448xi32, #tpu.memory_space<hbm>>) target(%dma_start3A_616 : memref<1x448xi32, #tpu.memory_space<vmem>>) target_semaphore(%arg16 : memref<!tpu.dma_semaphore, #tpu.memory_space<semaphore_mem>>)
        %dma_start3A_619 = arith.constant 0 : i32
        %dma_start3A_620 = arith.constant 0 : i32
        %dma_start3A_621 = arith.constant 0 : i32
        %dma_start3A_622 = tpu.memref_slice %arg11[%dma_start3A_619, %dma_start3A_620, %dma_start3A_621] : memref<2x1x448xi32, #tpu.memory_space<vmem>> -> memref<1x1x448xi32, #tpu.memory_space<vmem>>
        %dma_start3A_623 = tpu.memref_squeeze %dma_start3A_622 : memref<1x1x448xi32, #tpu.memory_space<vmem>> -> memref<1x448xi32, #tpu.memory_space<vmem>>
        %dma_start3A_624 = arith.constant 0 : i32
        %dma_start3A_625 = tpu.memref_slice %arg5[%select_n3A_605, %dma_start3A_624] : memref<3584x448xi32, #tpu.memory_space<hbm>> -> memref<1x448xi32, #tpu.memory_space<hbm>>
        %dma_start3A_626 = arith.constant 0 : i32
        %dma_start3A_627 = arith.constant 0 : i32
        %dma_start3A_628 = tpu.memref_slice %arg11[%dma_start3A_619, %dma_start3A_626, %dma_start3A_627] : memref<2x1x448xi32, #tpu.memory_space<vmem>> -> memref<1x1x448xi32, #tpu.memory_space<vmem>>
        %dma_start3A_629 = tpu.memref_squeeze %dma_start3A_628 : memref<1x1x448xi32, #tpu.memory_space<vmem>> -> memref<1x448xi32, #tpu.memory_space<vmem>>
        %dma_start3A_630 = arith.constant 0 : i32
        %dma_start3A_631 = tpu.memref_slice %arg5[%select_n3A_605, %dma_start3A_630] : memref<3584x448xi32, #tpu.memory_space<hbm>> -> memref<1x448xi32, #tpu.memory_space<hbm>>
        tpu.enqueue_dma source(%dma_start3A_631 : memref<1x448xi32, #tpu.memory_space<hbm>>) target(%dma_start3A_629 : memref<1x448xi32, #tpu.memory_space<vmem>>) target_semaphore(%arg16 : memref<!tpu.dma_semaphore, #tpu.memory_space<semaphore_mem>>)
      } else {
      }
      %ge3A_413 = arith.constant 2 : i32
      %ge3A_414 = arith.cmpi sge, %add3A_375, %ge3A_413 : i32
      %convert_element_type3A_415 = arith.extui %ge3A_414 : i1 to i32
      %cond3A_416 = arith.constant 0 : i32
      %cond3A_417 = arith.cmpi ne, %convert_element_type3A_415, %cond3A_416 : i32
      scf.if %cond3A_417 {
        %dma_wait3A_577 = arith.constant 1 : i32
        %dma_wait3A_578 = arith.constant 0 : i32
        %dma_wait3A_579 = arith.constant 0 : i32
        %dma_wait3A_580 = tpu.memref_slice %arg12[%dma_wait3A_577, %dma_wait3A_578, %dma_wait3A_579] : memref<2x448x32xf32, #tpu.memory_space<vmem>> -> memref<1x448x32xf32, #tpu.memory_space<vmem>>
        %dma_wait3A_581 = tpu.memref_squeeze %dma_wait3A_580 : memref<1x448x32xf32, #tpu.memory_space<vmem>> -> memref<448x32xf32, #tpu.memory_space<vmem>>
        %dma_wait3A_582 = arith.constant 0 : i32
        %dma_wait3A_583 = arith.constant 0 : i32
        %dma_wait3A_584 = tpu.memref_slice %arg6[%dma_wait3A_582, %dma_wait3A_583] : memref<1605632x32xf32, #tpu.memory_space<hbm>> -> memref<448x32xf32, #tpu.memory_space<hbm>>
        %dma_wait3A_585 = arith.constant 0 : i32
        %dma_wait3A_586 = arith.constant 0 : i32
        %dma_wait3A_587 = tpu.memref_slice %arg6[%dma_wait3A_585, %dma_wait3A_586] : memref<1605632x32xf32, #tpu.memory_space<hbm>> -> memref<448x32xf32, #tpu.memory_space<hbm>>
        %dma_wait3A_588 = arith.constant 0 : i32
        %dma_wait3A_589 = arith.constant 0 : i32
        %dma_wait3A_590 = tpu.memref_slice %arg12[%dma_wait3A_577, %dma_wait3A_588, %dma_wait3A_589] : memref<2x448x32xf32, #tpu.memory_space<vmem>> -> memref<1x448x32xf32, #tpu.memory_space<vmem>>
        %dma_wait3A_591 = tpu.memref_squeeze %dma_wait3A_590 : memref<1x448x32xf32, #tpu.memory_space<vmem>> -> memref<448x32xf32, #tpu.memory_space<vmem>>
        tpu.wait_dma2 semaphore(%arg19 : memref<!tpu.dma_semaphore, #tpu.memory_space<semaphore_mem>>) src(%dma_wait3A_591 : memref<448x32xf32, #tpu.memory_space<vmem>>) dst(%dma_wait3A_587 : memref<448x32xf32, #tpu.memory_space<hbm>>)
        %dma_wait3A_592 = arith.constant 1 : i32
        %dma_wait3A_593 = arith.constant 0 : i32
        %dma_wait3A_594 = arith.constant 0 : i32
        %dma_wait3A_595 = tpu.memref_slice %arg13[%dma_wait3A_592, %dma_wait3A_593, %dma_wait3A_594] : memref<2x448x32xf32, #tpu.memory_space<vmem>> -> memref<1x448x32xf32, #tpu.memory_space<vmem>>
        %dma_wait3A_596 = tpu.memref_squeeze %dma_wait3A_595 : memref<1x448x32xf32, #tpu.memory_space<vmem>> -> memref<448x32xf32, #tpu.memory_space<vmem>>
        %dma_wait3A_597 = arith.constant 0 : i32
        %dma_wait3A_598 = arith.constant 0 : i32
        %dma_wait3A_599 = tpu.memref_slice %arg7[%dma_wait3A_597, %dma_wait3A_598] : memref<1605632x32xf32, #tpu.memory_space<hbm>> -> memref<448x32xf32, #tpu.memory_space<hbm>>
        %dma_wait3A_600 = arith.constant 0 : i32
        %dma_wait3A_601 = arith.constant 0 : i32
        %dma_wait3A_602 = tpu.memref_slice %arg7[%dma_wait3A_600, %dma_wait3A_601] : memref<1605632x32xf32, #tpu.memory_space<hbm>> -> memref<448x32xf32, #tpu.memory_space<hbm>>
        %dma_wait3A_603 = arith.constant 0 : i32
        %dma_wait3A_604 = arith.constant 0 : i32
        %dma_wait3A_605 = tpu.memref_slice %arg13[%dma_wait3A_592, %dma_wait3A_603, %dma_wait3A_604] : memref<2x448x32xf32, #tpu.memory_space<vmem>> -> memref<1x448x32xf32, #tpu.memory_space<vmem>>
        %dma_wait3A_606 = tpu.memref_squeeze %dma_wait3A_605 : memref<1x448x32xf32, #tpu.memory_space<vmem>> -> memref<448x32xf32, #tpu.memory_space<vmem>>
        tpu.wait_dma2 semaphore(%arg19 : memref<!tpu.dma_semaphore, #tpu.memory_space<semaphore_mem>>) src(%dma_wait3A_606 : memref<448x32xf32, #tpu.memory_space<vmem>>) dst(%dma_wait3A_602 : memref<448x32xf32, #tpu.memory_space<hbm>>)
        %dma_wait3A_607 = arith.constant 1 : i32
        %dma_wait3A_608 = arith.constant 0 : i32
        %dma_wait3A_609 = arith.constant 0 : i32
        %dma_wait3A_610 = tpu.memref_slice %arg14[%dma_wait3A_607, %dma_wait3A_608, %dma_wait3A_609] : memref<2x448x32xf32, #tpu.memory_space<vmem>> -> memref<1x448x32xf32, #tpu.memory_space<vmem>>
        %dma_wait3A_611 = tpu.memref_squeeze %dma_wait3A_610 : memref<1x448x32xf32, #tpu.memory_space<vmem>> -> memref<448x32xf32, #tpu.memory_space<vmem>>
        %dma_wait3A_612 = arith.constant 0 : i32
        %dma_wait3A_613 = arith.constant 0 : i32
        %dma_wait3A_614 = tpu.memref_slice %arg8[%dma_wait3A_612, %dma_wait3A_613] : memref<1605632x32xf32, #tpu.memory_space<hbm>> -> memref<448x32xf32, #tpu.memory_space<hbm>>
        %dma_wait3A_615 = arith.constant 0 : i32
        %dma_wait3A_616 = arith.constant 0 : i32
        %dma_wait3A_617 = tpu.memref_slice %arg8[%dma_wait3A_615, %dma_wait3A_616] : memref<1605632x32xf32, #tpu.memory_space<hbm>> -> memref<448x32xf32, #tpu.memory_space<hbm>>
        %dma_wait3A_618 = arith.constant 0 : i32
        %dma_wait3A_619 = arith.constant 0 : i32
        %dma_wait3A_620 = tpu.memref_slice %arg14[%dma_wait3A_607, %dma_wait3A_618, %dma_wait3A_619] : memref<2x448x32xf32, #tpu.memory_space<vmem>> -> memref<1x448x32xf32, #tpu.memory_space<vmem>>
        %dma_wait3A_621 = tpu.memref_squeeze %dma_wait3A_620 : memref<1x448x32xf32, #tpu.memory_space<vmem>> -> memref<448x32xf32, #tpu.memory_space<vmem>>
        tpu.wait_dma2 semaphore(%arg19 : memref<!tpu.dma_semaphore, #tpu.memory_space<semaphore_mem>>) src(%dma_wait3A_621 : memref<448x32xf32, #tpu.memory_space<vmem>>) dst(%dma_wait3A_617 : memref<448x32xf32, #tpu.memory_space<hbm>>)
        %dma_wait3A_622 = arith.constant 1 : i32
        %dma_wait3A_623 = arith.constant 0 : i32
        %dma_wait3A_624 = arith.constant 0 : i32
        %dma_wait3A_625 = tpu.memref_slice %arg15[%dma_wait3A_622, %dma_wait3A_623, %dma_wait3A_624] : memref<2x448x32xf32, #tpu.memory_space<vmem>> -> memref<1x448x32xf32, #tpu.memory_space<vmem>>
        %dma_wait3A_626 = tpu.memref_squeeze %dma_wait3A_625 : memref<1x448x32xf32, #tpu.memory_space<vmem>> -> memref<448x32xf32, #tpu.memory_space<vmem>>
        %dma_wait3A_627 = arith.constant 0 : i32
        %dma_wait3A_628 = arith.constant 0 : i32
        %dma_wait3A_629 = tpu.memref_slice %arg9[%dma_wait3A_627, %dma_wait3A_628] : memref<1605632x32xf32, #tpu.memory_space<hbm>> -> memref<448x32xf32, #tpu.memory_space<hbm>>
        %dma_wait3A_630 = arith.constant 0 : i32
        %dma_wait3A_631 = arith.constant 0 : i32
        %dma_wait3A_632 = tpu.memref_slice %arg9[%dma_wait3A_630, %dma_wait3A_631] : memref<1605632x32xf32, #tpu.memory_space<hbm>> -> memref<448x32xf32, #tpu.memory_space<hbm>>
        %dma_wait3A_633 = arith.constant 0 : i32
        %dma_wait3A_634 = arith.constant 0 : i32
        %dma_wait3A_635 = tpu.memref_slice %arg15[%dma_wait3A_622, %dma_wait3A_633, %dma_wait3A_634] : memref<2x448x32xf32, #tpu.memory_space<vmem>> -> memref<1x448x32xf32, #tpu.memory_space<vmem>>
        %dma_wait3A_636 = tpu.memref_squeeze %dma_wait3A_635 : memref<1x448x32xf32, #tpu.memory_space<vmem>> -> memref<448x32xf32, #tpu.memory_space<vmem>>
        tpu.wait_dma2 semaphore(%arg19 : memref<!tpu.dma_semaphore, #tpu.memory_space<semaphore_mem>>) src(%dma_wait3A_636 : memref<448x32xf32, #tpu.memory_space<vmem>>) dst(%dma_wait3A_632 : memref<448x32xf32, #tpu.memory_space<hbm>>)
      } else {
      }
      %dma_start3A_418 = arith.constant 1 : i32
      %dma_start3A_419 = arith.constant 0 : i32
      %dma_start3A_420 = arith.constant 1 : i32
      %dma_start3A_421 = arith.constant 0 : i32
      %dma_start3A_422 = arith.constant 0 : i32
      %dma_start3A_423 = tpu.memref_slice %arg12[%dma_start3A_420, %dma_start3A_421, %dma_start3A_422] : memref<2x448x32xf32, #tpu.memory_space<vmem>> -> memref<1x448x32xf32, #tpu.memory_space<vmem>>
      %dma_start3A_424 = tpu.memref_squeeze %dma_start3A_423 : memref<1x448x32xf32, #tpu.memory_space<vmem>> -> memref<448x32xf32, #tpu.memory_space<vmem>>
      %dma_start3A_425 = arith.constant 0 : i32
      %dma_start3A_426 = tpu.memref_slice %arg10[%dma_start3A_418, %dma_start3A_419, %dma_start3A_425] : memref<2x1x448xi32, #tpu.memory_space<vmem>> -> memref<1x1x448xi32, #tpu.memory_space<vmem>>
      %dma_start3A_427 = tpu.memref_squeeze %dma_start3A_426 : memref<1x1x448xi32, #tpu.memory_space<vmem>> -> memref<448xi32, #tpu.memory_space<vmem>>
      %dma_start3A_428 = arith.constant 0 : i32
      %dma_start3A_429 = arith.constant 0 : i32
      %dma_start3A_430 = tpu.memref_slice %arg2[%dma_start3A_428, %dma_start3A_429] : memref<100000x32xf32, #tpu.memory_space<hbm>> -> memref<100000x32xf32, #tpu.memory_space<hbm>>
      tpu.enqueue_indirect_dma source(%dma_start3A_430 : memref<100000x32xf32, #tpu.memory_space<hbm>>) target(%dma_start3A_424 : memref<448x32xf32, #tpu.memory_space<vmem>>) offsets(%dma_start3A_427 : memref<448xi32, #tpu.memory_space<vmem>>) semaphore(%arg20 : memref<!tpu.dma_semaphore, #tpu.memory_space<semaphore_mem>>)
      %dma_start3A_431 = arith.constant 1 : i32
      %dma_start3A_432 = arith.constant 0 : i32
      %dma_start3A_433 = arith.constant 1 : i32
      %dma_start3A_434 = arith.constant 0 : i32
      %dma_start3A_435 = arith.constant 0 : i32
      %dma_start3A_436 = tpu.memref_slice %arg13[%dma_start3A_433, %dma_start3A_434, %dma_start3A_435] : memref<2x448x32xf32, #tpu.memory_space<vmem>> -> memref<1x448x32xf32, #tpu.memory_space<vmem>>
      %dma_start3A_437 = tpu.memref_squeeze %dma_start3A_436 : memref<1x448x32xf32, #tpu.memory_space<vmem>> -> memref<448x32xf32, #tpu.memory_space<vmem>>
      %dma_start3A_438 = arith.constant 0 : i32
      %dma_start3A_439 = tpu.memref_slice %arg11[%dma_start3A_431, %dma_start3A_432, %dma_start3A_438] : memref<2x1x448xi32, #tpu.memory_space<vmem>> -> memref<1x1x448xi32, #tpu.memory_space<vmem>>
      %dma_start3A_440 = tpu.memref_squeeze %dma_start3A_439 : memref<1x1x448xi32, #tpu.memory_space<vmem>> -> memref<448xi32, #tpu.memory_space<vmem>>
      %dma_start3A_441 = arith.constant 0 : i32
      %dma_start3A_442 = arith.constant 0 : i32
      %dma_start3A_443 = tpu.memref_slice %arg2[%dma_start3A_441, %dma_start3A_442] : memref<100000x32xf32, #tpu.memory_space<hbm>> -> memref<100000x32xf32, #tpu.memory_space<hbm>>
      tpu.enqueue_indirect_dma source(%dma_start3A_443 : memref<100000x32xf32, #tpu.memory_space<hbm>>) target(%dma_start3A_437 : memref<448x32xf32, #tpu.memory_space<vmem>>) offsets(%dma_start3A_440 : memref<448xi32, #tpu.memory_space<vmem>>) semaphore(%arg20 : memref<!tpu.dma_semaphore, #tpu.memory_space<semaphore_mem>>)
      %dma_start3A_444 = arith.constant 1 : i32
      %dma_start3A_445 = arith.constant 0 : i32
      %dma_start3A_446 = arith.constant 1 : i32
      %dma_start3A_447 = arith.constant 0 : i32
      %dma_start3A_448 = arith.constant 0 : i32
      %dma_start3A_449 = tpu.memref_slice %arg14[%dma_start3A_446, %dma_start3A_447, %dma_start3A_448] : memref<2x448x32xf32, #tpu.memory_space<vmem>> -> memref<1x448x32xf32, #tpu.memory_space<vmem>>
      %dma_start3A_450 = tpu.memref_squeeze %dma_start3A_449 : memref<1x448x32xf32, #tpu.memory_space<vmem>> -> memref<448x32xf32, #tpu.memory_space<vmem>>
      %dma_start3A_451 = arith.constant 0 : i32
      %dma_start3A_452 = tpu.memref_slice %arg10[%dma_start3A_444, %dma_start3A_445, %dma_start3A_451] : memref<2x1x448xi32, #tpu.memory_space<vmem>> -> memref<1x1x448xi32, #tpu.memory_space<vmem>>
      %dma_start3A_453 = tpu.memref_squeeze %dma_start3A_452 : memref<1x1x448xi32, #tpu.memory_space<vmem>> -> memref<448xi32, #tpu.memory_space<vmem>>
      %dma_start3A_454 = arith.constant 0 : i32
      %dma_start3A_455 = arith.constant 0 : i32
      %dma_start3A_456 = tpu.memref_slice %arg3[%dma_start3A_454, %dma_start3A_455] : memref<100000x32xf32, #tpu.memory_space<hbm>> -> memref<100000x32xf32, #tpu.memory_space<hbm>>
      tpu.enqueue_indirect_dma source(%dma_start3A_456 : memref<100000x32xf32, #tpu.memory_space<hbm>>) target(%dma_start3A_450 : memref<448x32xf32, #tpu.memory_space<vmem>>) offsets(%dma_start3A_453 : memref<448xi32, #tpu.memory_space<vmem>>) semaphore(%arg20 : memref<!tpu.dma_semaphore, #tpu.memory_space<semaphore_mem>>)
      %dma_start3A_457 = arith.constant 1 : i32
      %dma_start3A_458 = arith.constant 0 : i32
      %dma_start3A_459 = arith.constant 1 : i32
      %dma_start3A_460 = arith.constant 0 : i32
      %dma_start3A_461 = arith.constant 0 : i32
      %dma_start3A_462 = tpu.memref_slice %arg15[%dma_start3A_459, %dma_start3A_460, %dma_start3A_461] : memref<2x448x32xf32, #tpu.memory_space<vmem>> -> memref<1x448x32xf32, #tpu.memory_space<vmem>>
      %dma_start3A_463 = tpu.memref_squeeze %dma_start3A_462 : memref<1x448x32xf32, #tpu.memory_space<vmem>> -> memref<448x32xf32, #tpu.memory_space<vmem>>
      %dma_start3A_464 = arith.constant 0 : i32
      %dma_start3A_465 = tpu.memref_slice %arg11[%dma_start3A_457, %dma_start3A_458, %dma_start3A_464] : memref<2x1x448xi32, #tpu.memory_space<vmem>> -> memref<1x1x448xi32, #tpu.memory_space<vmem>>
      %dma_start3A_466 = tpu.memref_squeeze %dma_start3A_465 : memref<1x1x448xi32, #tpu.memory_space<vmem>> -> memref<448xi32, #tpu.memory_space<vmem>>
      %dma_start3A_467 = arith.constant 0 : i32
      %dma_start3A_468 = arith.constant 0 : i32
      %dma_start3A_469 = tpu.memref_slice %arg3[%dma_start3A_467, %dma_start3A_468] : memref<100000x32xf32, #tpu.memory_space<hbm>> -> memref<100000x32xf32, #tpu.memory_space<hbm>>
      tpu.enqueue_indirect_dma source(%dma_start3A_469 : memref<100000x32xf32, #tpu.memory_space<hbm>>) target(%dma_start3A_463 : memref<448x32xf32, #tpu.memory_space<vmem>>) offsets(%dma_start3A_466 : memref<448xi32, #tpu.memory_space<vmem>>) semaphore(%arg20 : memref<!tpu.dma_semaphore, #tpu.memory_space<semaphore_mem>>)
      %dma_wait3A_470 = arith.constant 1 : i32
      %dma_wait3A_471 = arith.constant 0 : i32
      %dma_wait3A_472 = arith.constant 1 : i32
      %dma_wait3A_473 = arith.constant 0 : i32
      %dma_wait3A_474 = arith.constant 0 : i32
      %dma_wait3A_475 = tpu.memref_slice %arg12[%dma_wait3A_472, %dma_wait3A_473, %dma_wait3A_474] : memref<2x448x32xf32, #tpu.memory_space<vmem>> -> memref<1x448x32xf32, #tpu.memory_space<vmem>>
      %dma_wait3A_476 = tpu.memref_squeeze %dma_wait3A_475 : memref<1x448x32xf32, #tpu.memory_space<vmem>> -> memref<448x32xf32, #tpu.memory_space<vmem>>
      %dma_wait3A_477 = arith.constant 0 : i32
      %dma_wait3A_478 = tpu.memref_slice %arg10[%dma_wait3A_470, %dma_wait3A_471, %dma_wait3A_477] : memref<2x1x448xi32, #tpu.memory_space<vmem>> -> memref<1x1x448xi32, #tpu.memory_space<vmem>>
      %dma_wait3A_479 = tpu.memref_squeeze %dma_wait3A_478 : memref<1x1x448xi32, #tpu.memory_space<vmem>> -> memref<448xi32, #tpu.memory_space<vmem>>
      %dma_wait3A_480 = arith.constant 0 : i32
      %dma_wait3A_481 = arith.constant 0 : i32
      %dma_wait3A_482 = tpu.memref_slice %arg2[%dma_wait3A_480, %dma_wait3A_481] : memref<100000x32xf32, #tpu.memory_space<hbm>> -> memref<100000x32xf32, #tpu.memory_space<hbm>>
      tpu.wait_indirect_dma semaphore(%arg20 : memref<!tpu.dma_semaphore, #tpu.memory_space<semaphore_mem>>) src(%dma_wait3A_482 : memref<100000x32xf32, #tpu.memory_space<hbm>>) dst(%dma_wait3A_476 : memref<448x32xf32, #tpu.memory_space<vmem>>)
      %dma_wait3A_483 = arith.constant 1 : i32
      %dma_wait3A_484 = arith.constant 0 : i32
      %dma_wait3A_485 = arith.constant 1 : i32
      %dma_wait3A_486 = arith.constant 0 : i32
      %dma_wait3A_487 = arith.constant 0 : i32
      %dma_wait3A_488 = tpu.memref_slice %arg13[%dma_wait3A_485, %dma_wait3A_486, %dma_wait3A_487] : memref<2x448x32xf32, #tpu.memory_space<vmem>> -> memref<1x448x32xf32, #tpu.memory_space<vmem>>
      %dma_wait3A_489 = tpu.memref_squeeze %dma_wait3A_488 : memref<1x448x32xf32, #tpu.memory_space<vmem>> -> memref<448x32xf32, #tpu.memory_space<vmem>>
      %dma_wait3A_490 = arith.constant 0 : i32
      %dma_wait3A_491 = tpu.memref_slice %arg11[%dma_wait3A_483, %dma_wait3A_484, %dma_wait3A_490] : memref<2x1x448xi32, #tpu.memory_space<vmem>> -> memref<1x1x448xi32, #tpu.memory_space<vmem>>
      %dma_wait3A_492 = tpu.memref_squeeze %dma_wait3A_491 : memref<1x1x448xi32, #tpu.memory_space<vmem>> -> memref<448xi32, #tpu.memory_space<vmem>>
      %dma_wait3A_493 = arith.constant 0 : i32
      %dma_wait3A_494 = arith.constant 0 : i32
      %dma_wait3A_495 = tpu.memref_slice %arg2[%dma_wait3A_493, %dma_wait3A_494] : memref<100000x32xf32, #tpu.memory_space<hbm>> -> memref<100000x32xf32, #tpu.memory_space<hbm>>
      tpu.wait_indirect_dma semaphore(%arg20 : memref<!tpu.dma_semaphore, #tpu.memory_space<semaphore_mem>>) src(%dma_wait3A_495 : memref<100000x32xf32, #tpu.memory_space<hbm>>) dst(%dma_wait3A_489 : memref<448x32xf32, #tpu.memory_space<vmem>>)
      %dma_wait3A_496 = arith.constant 1 : i32
      %dma_wait3A_497 = arith.constant 0 : i32
      %dma_wait3A_498 = arith.constant 1 : i32
      %dma_wait3A_499 = arith.constant 0 : i32
      %dma_wait3A_500 = arith.constant 0 : i32
      %dma_wait3A_501 = tpu.memref_slice %arg14[%dma_wait3A_498, %dma_wait3A_499, %dma_wait3A_500] : memref<2x448x32xf32, #tpu.memory_space<vmem>> -> memref<1x448x32xf32, #tpu.memory_space<vmem>>
      %dma_wait3A_502 = tpu.memref_squeeze %dma_wait3A_501 : memref<1x448x32xf32, #tpu.memory_space<vmem>> -> memref<448x32xf32, #tpu.memory_space<vmem>>
      %dma_wait3A_503 = arith.constant 0 : i32
      %dma_wait3A_504 = tpu.memref_slice %arg10[%dma_wait3A_496, %dma_wait3A_497, %dma_wait3A_503] : memref<2x1x448xi32, #tpu.memory_space<vmem>> -> memref<1x1x448xi32, #tpu.memory_space<vmem>>
      %dma_wait3A_505 = tpu.memref_squeeze %dma_wait3A_504 : memref<1x1x448xi32, #tpu.memory_space<vmem>> -> memref<448xi32, #tpu.memory_space<vmem>>
      %dma_wait3A_506 = arith.constant 0 : i32
      %dma_wait3A_507 = arith.constant 0 : i32
      %dma_wait3A_508 = tpu.memref_slice %arg3[%dma_wait3A_506, %dma_wait3A_507] : memref<100000x32xf32, #tpu.memory_space<hbm>> -> memref<100000x32xf32, #tpu.memory_space<hbm>>
      tpu.wait_indirect_dma semaphore(%arg20 : memref<!tpu.dma_semaphore, #tpu.memory_space<semaphore_mem>>) src(%dma_wait3A_508 : memref<100000x32xf32, #tpu.memory_space<hbm>>) dst(%dma_wait3A_502 : memref<448x32xf32, #tpu.memory_space<vmem>>)
      %dma_wait3A_509 = arith.constant 1 : i32
      %dma_wait3A_510 = arith.constant 0 : i32
      %dma_wait3A_511 = arith.constant 1 : i32
      %dma_wait3A_512 = arith.constant 0 : i32
      %dma_wait3A_513 = arith.constant 0 : i32
      %dma_wait3A_514 = tpu.memref_slice %arg15[%dma_wait3A_511, %dma_wait3A_512, %dma_wait3A_513] : memref<2x448x32xf32, #tpu.memory_space<vmem>> -> memref<1x448x32xf32, #tpu.memory_space<vmem>>
      %dma_wait3A_515 = tpu.memref_squeeze %dma_wait3A_514 : memref<1x448x32xf32, #tpu.memory_space<vmem>> -> memref<448x32xf32, #tpu.memory_space<vmem>>
      %dma_wait3A_516 = arith.constant 0 : i32
      %dma_wait3A_517 = tpu.memref_slice %arg11[%dma_wait3A_509, %dma_wait3A_510, %dma_wait3A_516] : memref<2x1x448xi32, #tpu.memory_space<vmem>> -> memref<1x1x448xi32, #tpu.memory_space<vmem>>
      %dma_wait3A_518 = tpu.memref_squeeze %dma_wait3A_517 : memref<1x1x448xi32, #tpu.memory_space<vmem>> -> memref<448xi32, #tpu.memory_space<vmem>>
      %dma_wait3A_519 = arith.constant 0 : i32
      %dma_wait3A_520 = arith.constant 0 : i32
      %dma_wait3A_521 = tpu.memref_slice %arg3[%dma_wait3A_519, %dma_wait3A_520] : memref<100000x32xf32, #tpu.memory_space<hbm>> -> memref<100000x32xf32, #tpu.memory_space<hbm>>
      tpu.wait_indirect_dma semaphore(%arg20 : memref<!tpu.dma_semaphore, #tpu.memory_space<semaphore_mem>>) src(%dma_wait3A_521 : memref<100000x32xf32, #tpu.memory_space<hbm>>) dst(%dma_wait3A_515 : memref<448x32xf32, #tpu.memory_space<vmem>>)
      %mul3A_522 = arith.constant 448 : i32
      %mul3A_523 = arith.muli %add3A_375, %mul3A_522 : i32
      %add3A_524 = arith.addi %mul3A_2, %mul3A_523 : i32
      %dma_start3A_525 = arith.constant 1 : i32
      %dma_start3A_526 = arith.constant 0 : i32
      %dma_start3A_527 = arith.constant 0 : i32
      %dma_start3A_528 = tpu.memref_slice %arg12[%dma_start3A_525, %dma_start3A_526, %dma_start3A_527] : memref<2x448x32xf32, #tpu.memory_space<vmem>> -> memref<1x448x32xf32, #tpu.memory_space<vmem>>
      %dma_start3A_529 = tpu.memref_squeeze %dma_start3A_528 : memref<1x448x32xf32, #tpu.memory_space<vmem>> -> memref<448x32xf32, #tpu.memory_space<vmem>>
      %dma_start3A_530 = arith.constant 0 : i32
      %dma_start3A_531 = tpu.memref_slice %arg6[%add3A_524, %dma_start3A_530] : memref<1605632x32xf32, #tpu.memory_space<hbm>> -> memref<448x32xf32, #tpu.memory_space<hbm>>
      %dma_start3A_532 = arith.constant 0 : i32
      %dma_start3A_533 = tpu.memref_slice %arg6[%add3A_524, %dma_start3A_532] : memref<1605632x32xf32, #tpu.memory_space<hbm>> -> memref<448x32xf32, #tpu.memory_space<hbm>>
      %dma_start3A_534 = arith.constant 0 : i32
      %dma_start3A_535 = arith.constant 0 : i32
      %dma_start3A_536 = tpu.memref_slice %arg12[%dma_start3A_525, %dma_start3A_534, %dma_start3A_535] : memref<2x448x32xf32, #tpu.memory_space<vmem>> -> memref<1x448x32xf32, #tpu.memory_space<vmem>>
      %dma_start3A_537 = tpu.memref_squeeze %dma_start3A_536 : memref<1x448x32xf32, #tpu.memory_space<vmem>> -> memref<448x32xf32, #tpu.memory_space<vmem>>
      tpu.enqueue_dma source(%dma_start3A_537 : memref<448x32xf32, #tpu.memory_space<vmem>>) target(%dma_start3A_533 : memref<448x32xf32, #tpu.memory_space<hbm>>) target_semaphore(%arg19 : memref<!tpu.dma_semaphore, #tpu.memory_space<semaphore_mem>>)
      %dma_start3A_538 = arith.constant 1 : i32
      %dma_start3A_539 = arith.constant 0 : i32
      %dma_start3A_540 = arith.constant 0 : i32
      %dma_start3A_541 = tpu.memref_slice %arg13[%dma_start3A_538, %dma_start3A_539, %dma_start3A_540] : memref<2x448x32xf32, #tpu.memory_space<vmem>> -> memref<1x448x32xf32, #tpu.memory_space<vmem>>
      %dma_start3A_542 = tpu.memref_squeeze %dma_start3A_541 : memref<1x448x32xf32, #tpu.memory_space<vmem>> -> memref<448x32xf32, #tpu.memory_space<vmem>>
      %dma_start3A_543 = arith.constant 0 : i32
      %dma_start3A_544 = tpu.memref_slice %arg7[%add3A_524, %dma_start3A_543] : memref<1605632x32xf32, #tpu.memory_space<hbm>> -> memref<448x32xf32, #tpu.memory_space<hbm>>
      %dma_start3A_545 = arith.constant 0 : i32
      %dma_start3A_546 = tpu.memref_slice %arg7[%add3A_524, %dma_start3A_545] : memref<1605632x32xf32, #tpu.memory_space<hbm>> -> memref<448x32xf32, #tpu.memory_space<hbm>>
      %dma_start3A_547 = arith.constant 0 : i32
      %dma_start3A_548 = arith.constant 0 : i32
      %dma_start3A_549 = tpu.memref_slice %arg13[%dma_start3A_538, %dma_start3A_547, %dma_start3A_548] : memref<2x448x32xf32, #tpu.memory_space<vmem>> -> memref<1x448x32xf32, #tpu.memory_space<vmem>>
      %dma_start3A_550 = tpu.memref_squeeze %dma_start3A_549 : memref<1x448x32xf32, #tpu.memory_space<vmem>> -> memref<448x32xf32, #tpu.memory_space<vmem>>
      tpu.enqueue_dma source(%dma_start3A_550 : memref<448x32xf32, #tpu.memory_space<vmem>>) target(%dma_start3A_546 : memref<448x32xf32, #tpu.memory_space<hbm>>) target_semaphore(%arg19 : memref<!tpu.dma_semaphore, #tpu.memory_space<semaphore_mem>>)
      %dma_start3A_551 = arith.constant 1 : i32
      %dma_start3A_552 = arith.constant 0 : i32
      %dma_start3A_553 = arith.constant 0 : i32
      %dma_start3A_554 = tpu.memref_slice %arg14[%dma_start3A_551, %dma_start3A_552, %dma_start3A_553] : memref<2x448x32xf32, #tpu.memory_space<vmem>> -> memref<1x448x32xf32, #tpu.memory_space<vmem>>
      %dma_start3A_555 = tpu.memref_squeeze %dma_start3A_554 : memref<1x448x32xf32, #tpu.memory_space<vmem>> -> memref<448x32xf32, #tpu.memory_space<vmem>>
      %dma_start3A_556 = arith.constant 0 : i32
      %dma_start3A_557 = tpu.memref_slice %arg8[%add3A_524, %dma_start3A_556] : memref<1605632x32xf32, #tpu.memory_space<hbm>> -> memref<448x32xf32, #tpu.memory_space<hbm>>
      %dma_start3A_558 = arith.constant 0 : i32
      %dma_start3A_559 = tpu.memref_slice %arg8[%add3A_524, %dma_start3A_558] : memref<1605632x32xf32, #tpu.memory_space<hbm>> -> memref<448x32xf32, #tpu.memory_space<hbm>>
      %dma_start3A_560 = arith.constant 0 : i32
      %dma_start3A_561 = arith.constant 0 : i32
      %dma_start3A_562 = tpu.memref_slice %arg14[%dma_start3A_551, %dma_start3A_560, %dma_start3A_561] : memref<2x448x32xf32, #tpu.memory_space<vmem>> -> memref<1x448x32xf32, #tpu.memory_space<vmem>>
      %dma_start3A_563 = tpu.memref_squeeze %dma_start3A_562 : memref<1x448x32xf32, #tpu.memory_space<vmem>> -> memref<448x32xf32, #tpu.memory_space<vmem>>
      tpu.enqueue_dma source(%dma_start3A_563 : memref<448x32xf32, #tpu.memory_space<vmem>>) target(%dma_start3A_559 : memref<448x32xf32, #tpu.memory_space<hbm>>) target_semaphore(%arg19 : memref<!tpu.dma_semaphore, #tpu.memory_space<semaphore_mem>>)
      %dma_start3A_564 = arith.constant 1 : i32
      %dma_start3A_565 = arith.constant 0 : i32
      %dma_start3A_566 = arith.constant 0 : i32
      %dma_start3A_567 = tpu.memref_slice %arg15[%dma_start3A_564, %dma_start3A_565, %dma_start3A_566] : memref<2x448x32xf32, #tpu.memory_space<vmem>> -> memref<1x448x32xf32, #tpu.memory_space<vmem>>
      %dma_start3A_568 = tpu.memref_squeeze %dma_start3A_567 : memref<1x448x32xf32, #tpu.memory_space<vmem>> -> memref<448x32xf32, #tpu.memory_space<vmem>>
      %dma_start3A_569 = arith.constant 0 : i32
      %dma_start3A_570 = tpu.memref_slice %arg9[%add3A_524, %dma_start3A_569] : memref<1605632x32xf32, #tpu.memory_space<hbm>> -> memref<448x32xf32, #tpu.memory_space<hbm>>
      %dma_start3A_571 = arith.constant 0 : i32
      %dma_start3A_572 = tpu.memref_slice %arg9[%add3A_524, %dma_start3A_571] : memref<1605632x32xf32, #tpu.memory_space<hbm>> -> memref<448x32xf32, #tpu.memory_space<hbm>>
      %dma_start3A_573 = arith.constant 0 : i32
      %dma_start3A_574 = arith.constant 0 : i32
      %dma_start3A_575 = tpu.memref_slice %arg15[%dma_start3A_564, %dma_start3A_573, %dma_start3A_574] : memref<2x448x32xf32, #tpu.memory_space<vmem>> -> memref<1x448x32xf32, #tpu.memory_space<vmem>>
      %dma_start3A_576 = tpu.memref_squeeze %dma_start3A_575 : memref<1x448x32xf32, #tpu.memory_space<vmem>> -> memref<448x32xf32, #tpu.memory_space<vmem>>
      tpu.enqueue_dma source(%dma_start3A_576 : memref<448x32xf32, #tpu.memory_space<vmem>>) target(%dma_start3A_572 : memref<448x32xf32, #tpu.memory_space<hbm>>) target_semaphore(%arg19 : memref<!tpu.dma_semaphore, #tpu.memory_space<semaphore_mem>>)
    }
    %scan3A_50 = arith.constant 56 : i32
    %dma_wait3A = arith.constant 0 : i32
    %dma_wait3A_51 = arith.constant 0 : i32
    %dma_wait3A_52 = arith.constant 0 : i32
    %dma_wait3A_53 = tpu.memref_slice %arg12[%dma_wait3A, %dma_wait3A_51, %dma_wait3A_52] : memref<2x448x32xf32, #tpu.memory_space<vmem>> -> memref<1x448x32xf32, #tpu.memory_space<vmem>>
    %dma_wait3A_54 = tpu.memref_squeeze %dma_wait3A_53 : memref<1x448x32xf32, #tpu.memory_space<vmem>> -> memref<448x32xf32, #tpu.memory_space<vmem>>
    %dma_wait3A_55 = arith.constant 0 : i32
    %dma_wait3A_56 = arith.constant 0 : i32
    %dma_wait3A_57 = tpu.memref_slice %arg6[%dma_wait3A_55, %dma_wait3A_56] : memref<1605632x32xf32, #tpu.memory_space<hbm>> -> memref<448x32xf32, #tpu.memory_space<hbm>>
    %dma_wait3A_58 = arith.constant 0 : i32
    %dma_wait3A_59 = arith.constant 0 : i32
    %dma_wait3A_60 = tpu.memref_slice %arg6[%dma_wait3A_58, %dma_wait3A_59] : memref<1605632x32xf32, #tpu.memory_space<hbm>> -> memref<448x32xf32, #tpu.memory_space<hbm>>
    %dma_wait3A_61 = arith.constant 0 : i32
    %dma_wait3A_62 = arith.constant 0 : i32
    %dma_wait3A_63 = tpu.memref_slice %arg12[%dma_wait3A, %dma_wait3A_61, %dma_wait3A_62] : memref<2x448x32xf32, #tpu.memory_space<vmem>> -> memref<1x448x32xf32, #tpu.memory_space<vmem>>
    %dma_wait3A_64 = tpu.memref_squeeze %dma_wait3A_63 : memref<1x448x32xf32, #tpu.memory_space<vmem>> -> memref<448x32xf32, #tpu.memory_space<vmem>>
    tpu.wait_dma2 semaphore(%arg18 : memref<!tpu.dma_semaphore, #tpu.memory_space<semaphore_mem>>) src(%dma_wait3A_64 : memref<448x32xf32, #tpu.memory_space<vmem>>) dst(%dma_wait3A_60 : memref<448x32xf32, #tpu.memory_space<hbm>>)
    %dma_wait3A_65 = arith.constant 0 : i32
    %dma_wait3A_66 = arith.constant 0 : i32
    %dma_wait3A_67 = arith.constant 0 : i32
    %dma_wait3A_68 = tpu.memref_slice %arg13[%dma_wait3A_65, %dma_wait3A_66, %dma_wait3A_67] : memref<2x448x32xf32, #tpu.memory_space<vmem>> -> memref<1x448x32xf32, #tpu.memory_space<vmem>>
    %dma_wait3A_69 = tpu.memref_squeeze %dma_wait3A_68 : memref<1x448x32xf32, #tpu.memory_space<vmem>> -> memref<448x32xf32, #tpu.memory_space<vmem>>
    %dma_wait3A_70 = arith.constant 0 : i32
    %dma_wait3A_71 = arith.constant 0 : i32
    %dma_wait3A_72 = tpu.memref_slice %arg7[%dma_wait3A_70, %dma_wait3A_71] : memref<1605632x32xf32, #tpu.memory_space<hbm>> -> memref<448x32xf32, #tpu.memory_space<hbm>>
    %dma_wait3A_73 = arith.constant 0 : i32
    %dma_wait3A_74 = arith.constant 0 : i32
    %dma_wait3A_75 = tpu.memref_slice %arg7[%dma_wait3A_73, %dma_wait3A_74] : memref<1605632x32xf32, #tpu.memory_space<hbm>> -> memref<448x32xf32, #tpu.memory_space<hbm>>
    %dma_wait3A_76 = arith.constant 0 : i32
    %dma_wait3A_77 = arith.constant 0 : i32
    %dma_wait3A_78 = tpu.memref_slice %arg13[%dma_wait3A_65, %dma_wait3A_76, %dma_wait3A_77] : memref<2x448x32xf32, #tpu.memory_space<vmem>> -> memref<1x448x32xf32, #tpu.memory_space<vmem>>
    %dma_wait3A_79 = tpu.memref_squeeze %dma_wait3A_78 : memref<1x448x32xf32, #tpu.memory_space<vmem>> -> memref<448x32xf32, #tpu.memory_space<vmem>>
    tpu.wait_dma2 semaphore(%arg18 : memref<!tpu.dma_semaphore, #tpu.memory_space<semaphore_mem>>) src(%dma_wait3A_79 : memref<448x32xf32, #tpu.memory_space<vmem>>) dst(%dma_wait3A_75 : memref<448x32xf32, #tpu.memory_space<hbm>>)
    %dma_wait3A_80 = arith.constant 0 : i32
    %dma_wait3A_81 = arith.constant 0 : i32
    %dma_wait3A_82 = arith.constant 0 : i32
    %dma_wait3A_83 = tpu.memref_slice %arg14[%dma_wait3A_80, %dma_wait3A_81, %dma_wait3A_82] : memref<2x448x32xf32, #tpu.memory_space<vmem>> -> memref<1x448x32xf32, #tpu.memory_space<vmem>>
    %dma_wait3A_84 = tpu.memref_squeeze %dma_wait3A_83 : memref<1x448x32xf32, #tpu.memory_space<vmem>> -> memref<448x32xf32, #tpu.memory_space<vmem>>
    %dma_wait3A_85 = arith.constant 0 : i32
    %dma_wait3A_86 = arith.constant 0 : i32
    %dma_wait3A_87 = tpu.memref_slice %arg8[%dma_wait3A_85, %dma_wait3A_86] : memref<1605632x32xf32, #tpu.memory_space<hbm>> -> memref<448x32xf32, #tpu.memory_space<hbm>>
    %dma_wait3A_88 = arith.constant 0 : i32
    %dma_wait3A_89 = arith.constant 0 : i32
    %dma_wait3A_90 = tpu.memref_slice %arg8[%dma_wait3A_88, %dma_wait3A_89] : memref<1605632x32xf32, #tpu.memory_space<hbm>> -> memref<448x32xf32, #tpu.memory_space<hbm>>
    %dma_wait3A_91 = arith.constant 0 : i32
    %dma_wait3A_92 = arith.constant 0 : i32
    %dma_wait3A_93 = tpu.memref_slice %arg14[%dma_wait3A_80, %dma_wait3A_91, %dma_wait3A_92] : memref<2x448x32xf32, #tpu.memory_space<vmem>> -> memref<1x448x32xf32, #tpu.memory_space<vmem>>
    %dma_wait3A_94 = tpu.memref_squeeze %dma_wait3A_93 : memref<1x448x32xf32, #tpu.memory_space<vmem>> -> memref<448x32xf32, #tpu.memory_space<vmem>>
    tpu.wait_dma2 semaphore(%arg18 : memref<!tpu.dma_semaphore, #tpu.memory_space<semaphore_mem>>) src(%dma_wait3A_94 : memref<448x32xf32, #tpu.memory_space<vmem>>) dst(%dma_wait3A_90 : memref<448x32xf32, #tpu.memory_space<hbm>>)
    %dma_wait3A_95 = arith.constant 0 : i32
    %dma_wait3A_96 = arith.constant 0 : i32
    %dma_wait3A_97 = arith.constant 0 : i32
    %dma_wait3A_98 = tpu.memref_slice %arg15[%dma_wait3A_95, %dma_wait3A_96, %dma_wait3A_97] : memref<2x448x32xf32, #tpu.memory_space<vmem>> -> memref<1x448x32xf32, #tpu.memory_space<vmem>>
    %dma_wait3A_99 = tpu.memref_squeeze %dma_wait3A_98 : memref<1x448x32xf32, #tpu.memory_space<vmem>> -> memref<448x32xf32, #tpu.memory_space<vmem>>
    %dma_wait3A_100 = arith.constant 0 : i32
    %dma_wait3A_101 = arith.constant 0 : i32
    %dma_wait3A_102 = tpu.memref_slice %arg9[%dma_wait3A_100, %dma_wait3A_101] : memref<1605632x32xf32, #tpu.memory_space<hbm>> -> memref<448x32xf32, #tpu.memory_space<hbm>>
    %dma_wait3A_103 = arith.constant 0 : i32
    %dma_wait3A_104 = arith.constant 0 : i32
    %dma_wait3A_105 = tpu.memref_slice %arg9[%dma_wait3A_103, %dma_wait3A_104] : memref<1605632x32xf32, #tpu.memory_space<hbm>> -> memref<448x32xf32, #tpu.memory_space<hbm>>
    %dma_wait3A_106 = arith.constant 0 : i32
    %dma_wait3A_107 = arith.constant 0 : i32
    %dma_wait3A_108 = tpu.memref_slice %arg15[%dma_wait3A_95, %dma_wait3A_106, %dma_wait3A_107] : memref<2x448x32xf32, #tpu.memory_space<vmem>> -> memref<1x448x32xf32, #tpu.memory_space<vmem>>
    %dma_wait3A_109 = tpu.memref_squeeze %dma_wait3A_108 : memref<1x448x32xf32, #tpu.memory_space<vmem>> -> memref<448x32xf32, #tpu.memory_space<vmem>>
    tpu.wait_dma2 semaphore(%arg18 : memref<!tpu.dma_semaphore, #tpu.memory_space<semaphore_mem>>) src(%dma_wait3A_109 : memref<448x32xf32, #tpu.memory_space<vmem>>) dst(%dma_wait3A_105 : memref<448x32xf32, #tpu.memory_space<hbm>>)
    %dma_wait3A_110 = arith.constant 1 : i32
    %dma_wait3A_111 = arith.constant 0 : i32
    %dma_wait3A_112 = arith.constant 0 : i32
    %dma_wait3A_113 = tpu.memref_slice %arg12[%dma_wait3A_110, %dma_wait3A_111, %dma_wait3A_112] : memref<2x448x32xf32, #tpu.memory_space<vmem>> -> memref<1x448x32xf32, #tpu.memory_space<vmem>>
    %dma_wait3A_114 = tpu.memref_squeeze %dma_wait3A_113 : memref<1x448x32xf32, #tpu.memory_space<vmem>> -> memref<448x32xf32, #tpu.memory_space<vmem>>
    %dma_wait3A_115 = arith.constant 0 : i32
    %dma_wait3A_116 = arith.constant 0 : i32
    %dma_wait3A_117 = tpu.memref_slice %arg6[%dma_wait3A_115, %dma_wait3A_116] : memref<1605632x32xf32, #tpu.memory_space<hbm>> -> memref<448x32xf32, #tpu.memory_space<hbm>>
    %dma_wait3A_118 = arith.constant 0 : i32
    %dma_wait3A_119 = arith.constant 0 : i32
    %dma_wait3A_120 = tpu.memref_slice %arg6[%dma_wait3A_118, %dma_wait3A_119] : memref<1605632x32xf32, #tpu.memory_space<hbm>> -> memref<448x32xf32, #tpu.memory_space<hbm>>
    %dma_wait3A_121 = arith.constant 0 : i32
    %dma_wait3A_122 = arith.constant 0 : i32
    %dma_wait3A_123 = tpu.memref_slice %arg12[%dma_wait3A_110, %dma_wait3A_121, %dma_wait3A_122] : memref<2x448x32xf32, #tpu.memory_space<vmem>> -> memref<1x448x32xf32, #tpu.memory_space<vmem>>
    %dma_wait3A_124 = tpu.memref_squeeze %dma_wait3A_123 : memref<1x448x32xf32, #tpu.memory_space<vmem>> -> memref<448x32xf32, #tpu.memory_space<vmem>>
    tpu.wait_dma2 semaphore(%arg19 : memref<!tpu.dma_semaphore, #tpu.memory_space<semaphore_mem>>) src(%dma_wait3A_124 : memref<448x32xf32, #tpu.memory_space<vmem>>) dst(%dma_wait3A_120 : memref<448x32xf32, #tpu.memory_space<hbm>>)
    %dma_wait3A_125 = arith.constant 1 : i32
    %dma_wait3A_126 = arith.constant 0 : i32
    %dma_wait3A_127 = arith.constant 0 : i32
    %dma_wait3A_128 = tpu.memref_slice %arg13[%dma_wait3A_125, %dma_wait3A_126, %dma_wait3A_127] : memref<2x448x32xf32, #tpu.memory_space<vmem>> -> memref<1x448x32xf32, #tpu.memory_space<vmem>>
    %dma_wait3A_129 = tpu.memref_squeeze %dma_wait3A_128 : memref<1x448x32xf32, #tpu.memory_space<vmem>> -> memref<448x32xf32, #tpu.memory_space<vmem>>
    %dma_wait3A_130 = arith.constant 0 : i32
    %dma_wait3A_131 = arith.constant 0 : i32
    %dma_wait3A_132 = tpu.memref_slice %arg7[%dma_wait3A_130, %dma_wait3A_131] : memref<1605632x32xf32, #tpu.memory_space<hbm>> -> memref<448x32xf32, #tpu.memory_space<hbm>>
    %dma_wait3A_133 = arith.constant 0 : i32
    %dma_wait3A_134 = arith.constant 0 : i32
    %dma_wait3A_135 = tpu.memref_slice %arg7[%dma_wait3A_133, %dma_wait3A_134] : memref<1605632x32xf32, #tpu.memory_space<hbm>> -> memref<448x32xf32, #tpu.memory_space<hbm>>
    %dma_wait3A_136 = arith.constant 0 : i32
    %dma_wait3A_137 = arith.constant 0 : i32
    %dma_wait3A_138 = tpu.memref_slice %arg13[%dma_wait3A_125, %dma_wait3A_136, %dma_wait3A_137] : memref<2x448x32xf32, #tpu.memory_space<vmem>> -> memref<1x448x32xf32, #tpu.memory_space<vmem>>
    %dma_wait3A_139 = tpu.memref_squeeze %dma_wait3A_138 : memref<1x448x32xf32, #tpu.memory_space<vmem>> -> memref<448x32xf32, #tpu.memory_space<vmem>>
    tpu.wait_dma2 semaphore(%arg19 : memref<!tpu.dma_semaphore, #tpu.memory_space<semaphore_mem>>) src(%dma_wait3A_139 : memref<448x32xf32, #tpu.memory_space<vmem>>) dst(%dma_wait3A_135 : memref<448x32xf32, #tpu.memory_space<hbm>>)
    %dma_wait3A_140 = arith.constant 1 : i32
    %dma_wait3A_141 = arith.constant 0 : i32
    %dma_wait3A_142 = arith.constant 0 : i32
    %dma_wait3A_143 = tpu.memref_slice %arg14[%dma_wait3A_140, %dma_wait3A_141, %dma_wait3A_142] : memref<2x448x32xf32, #tpu.memory_space<vmem>> -> memref<1x448x32xf32, #tpu.memory_space<vmem>>
    %dma_wait3A_144 = tpu.memref_squeeze %dma_wait3A_143 : memref<1x448x32xf32, #tpu.memory_space<vmem>> -> memref<448x32xf32, #tpu.memory_space<vmem>>
    %dma_wait3A_145 = arith.constant 0 : i32
    %dma_wait3A_146 = arith.constant 0 : i32
    %dma_wait3A_147 = tpu.memref_slice %arg8[%dma_wait3A_145, %dma_wait3A_146] : memref<1605632x32xf32, #tpu.memory_space<hbm>> -> memref<448x32xf32, #tpu.memory_space<hbm>>
    %dma_wait3A_148 = arith.constant 0 : i32
    %dma_wait3A_149 = arith.constant 0 : i32
    %dma_wait3A_150 = tpu.memref_slice %arg8[%dma_wait3A_148, %dma_wait3A_149] : memref<1605632x32xf32, #tpu.memory_space<hbm>> -> memref<448x32xf32, #tpu.memory_space<hbm>>
    %dma_wait3A_151 = arith.constant 0 : i32
    %dma_wait3A_152 = arith.constant 0 : i32
    %dma_wait3A_153 = tpu.memref_slice %arg14[%dma_wait3A_140, %dma_wait3A_151, %dma_wait3A_152] : memref<2x448x32xf32, #tpu.memory_space<vmem>> -> memref<1x448x32xf32, #tpu.memory_space<vmem>>
    %dma_wait3A_154 = tpu.memref_squeeze %dma_wait3A_153 : memref<1x448x32xf32, #tpu.memory_space<vmem>> -> memref<448x32xf32, #tpu.memory_space<vmem>>
    tpu.wait_dma2 semaphore(%arg19 : memref<!tpu.dma_semaphore, #tpu.memory_space<semaphore_mem>>) src(%dma_wait3A_154 : memref<448x32xf32, #tpu.memory_space<vmem>>) dst(%dma_wait3A_150 : memref<448x32xf32, #tpu.memory_space<hbm>>)
    %dma_wait3A_155 = arith.constant 1 : i32
    %dma_wait3A_156 = arith.constant 0 : i32
    %dma_wait3A_157 = arith.constant 0 : i32
    %dma_wait3A_158 = tpu.memref_slice %arg15[%dma_wait3A_155, %dma_wait3A_156, %dma_wait3A_157] : memref<2x448x32xf32, #tpu.memory_space<vmem>> -> memref<1x448x32xf32, #tpu.memory_space<vmem>>
    %dma_wait3A_159 = tpu.memref_squeeze %dma_wait3A_158 : memref<1x448x32xf32, #tpu.memory_space<vmem>> -> memref<448x32xf32, #tpu.memory_space<vmem>>
    %dma_wait3A_160 = arith.constant 0 : i32
    %dma_wait3A_161 = arith.constant 0 : i32
    %dma_wait3A_162 = tpu.memref_slice %arg9[%dma_wait3A_160, %dma_wait3A_161] : memref<1605632x32xf32, #tpu.memory_space<hbm>> -> memref<448x32xf32, #tpu.memory_space<hbm>>
    %dma_wait3A_163 = arith.constant 0 : i32
    %dma_wait3A_164 = arith.constant 0 : i32
    %dma_wait3A_165 = tpu.memref_slice %arg9[%dma_wait3A_163, %dma_wait3A_164] : memref<1605632x32xf32, #tpu.memory_space<hbm>> -> memref<448x32xf32, #tpu.memory_space<hbm>>
    %dma_wait3A_166 = arith.constant 0 : i32
    %dma_wait3A_167 = arith.constant 0 : i32
    %dma_wait3A_168 = tpu.memref_slice %arg15[%dma_wait3A_155, %dma_wait3A_166, %dma_wait3A_167] : memref<2x448x32xf32, #tpu.memory_space<vmem>> -> memref<1x448x32xf32, #tpu.memory_space<vmem>>
    %dma_wait3A_169 = tpu.memref_squeeze %dma_wait3A_168 : memref<1x448x32xf32, #tpu.memory_space<vmem>> -> memref<448x32xf32, #tpu.memory_space<vmem>>
    tpu.wait_dma2 semaphore(%arg19 : memref<!tpu.dma_semaphore, #tpu.memory_space<semaphore_mem>>) src(%dma_wait3A_169 : memref<448x32xf32, #tpu.memory_space<vmem>>) dst(%dma_wait3A_165 : memref<448x32xf32, #tpu.memory_space<hbm>>)
    return
  }
}

#map = affine_map<(d0, d1) -> (0, 0)>
module attributes {stable_mosaic.version = 14 : i64} {
  func.func @k(%arg0: i32, %arg1: i32, %arg2: memref<1605632x32xf32, #tpu.memory_space<hbm>>, %arg3: memref<12544x128xi32, #tpu.memory_space<hbm>>, %arg4: memref<3126x32xf32, #tpu.memory_space<hbm>>, %arg5: memref<100000x32xf32, #tpu.memory_space<hbm>>, %arg6: memref<2x2x128xi32, #tpu.memory_space<vmem>>, %arg7: memref<2x2x128xi32, #tpu.memory_space<vmem>>, %arg8: memref<2x256x32xf32, #tpu.memory_space<vmem>>, %arg9: memref<50016x32xf32, #tpu.memory_space<vmem_shared>>, %arg10: memref<!tpu.dma_semaphore, #tpu.memory_space<semaphore_mem>>, %arg11: memref<!tpu.dma_semaphore, #tpu.memory_space<semaphore_mem>>, %arg12: memref<!tpu.dma_semaphore, #tpu.memory_space<semaphore_mem>>, %arg13: memref<!tpu.dma_semaphore, #tpu.memory_space<semaphore_mem>>) attributes {dimension_semantics = [#tpu.dimension_semantics<core_parallel>, #tpu.dimension_semantics<subcore_parallel>], iteration_bounds = array<i64: 2, 16>, scalar_prefetch = 0 : i64, scratch_operands = 8 : i64, tpu.core_type = #tpu.core_type<sc_vector_subcore>, window_params = [{transform_indices = #map}, {transform_indices = #map}, {transform_indices = #map}, {transform_indices = #map}]} {
    %mul3A = arith.constant 50000 : i32
    %mul3A_0 = arith.muli %arg0, %mul3A : i32
    %mul3A_1 = arith.constant 3126 : i32
    %mul3A_2 = arith.muli %arg1, %mul3A_1 : i32
    "tpu.region"() ({
      %run_scoped3A = tpu.sem_alloc : memref<!tpu.dma_semaphore, #tpu.memory_space<semaphore_mem>>
      %dma_start3A_109 = arith.constant 0 : i32
      %dma_start3A_110 = tpu.memref_slice %arg9[%mul3A_2, %dma_start3A_109] : memref<50016x32xf32, #tpu.memory_space<vmem_shared>> -> memref<3126x32xf32, #tpu.memory_space<vmem_shared>>
      tpu.enqueue_dma source(%arg4 : memref<3126x32xf32, #tpu.memory_space<hbm>>) target(%dma_start3A_110 : memref<3126x32xf32, #tpu.memory_space<vmem_shared>>) target_semaphore(%run_scoped3A : memref<!tpu.dma_semaphore, #tpu.memory_space<semaphore_mem>>)
      %dma_wait3A_111 = arith.constant 0 : i32
      %dma_wait3A_112 = tpu.memref_slice %arg9[%mul3A_2, %dma_wait3A_111] : memref<50016x32xf32, #tpu.memory_space<vmem_shared>> -> memref<3126x32xf32, #tpu.memory_space<vmem_shared>>
      tpu.wait_dma2 semaphore(%run_scoped3A : memref<!tpu.dma_semaphore, #tpu.memory_space<semaphore_mem>>) src(%arg4 : memref<3126x32xf32, #tpu.memory_space<hbm>>) dst(%dma_wait3A_112 : memref<3126x32xf32, #tpu.memory_space<vmem_shared>>)
      tpu.yield
    }) : () -> ()
    %barrier3A = arith.constant 0 : index
    tpu.barrier barrier_id(%barrier3A)
    %mul3A_3 = arith.constant 100352 : i32
    %mul3A_4 = arith.muli %arg1, %mul3A_3 : i32
    %add3A = arith.constant 0 : i32
    %add3A_5 = arith.addi %mul3A_4, %add3A : i32
    %jit3A = arith.constant 128 : i32
    %div3A = arith.divsi %add3A_5, %jit3A : i32
    %sign3A = arith.constant 0 : i32
    %sign3A_6 = arith.cmpi sgt, %add3A_5, %sign3A : i32
    %sign3A_7 = arith.extui %sign3A_6 : i1 to i32
    %sign3A_8 = arith.constant 0 : i32
    %sign3A_9 = arith.cmpi slt, %add3A_5, %sign3A_8 : i32
    %sign3A_10 = arith.extui %sign3A_9 : i1 to i32
    %sign3A_11 = arith.subi %sign3A_7, %sign3A_10 : i32
    %sign3A_12 = arith.constant 0 : i32
    %sign3A_13 = arith.cmpi sgt, %jit3A, %sign3A_12 : i32
    %sign3A_14 = arith.extui %sign3A_13 : i1 to i32
    %sign3A_15 = arith.constant 0 : i32
    %sign3A_16 = arith.cmpi slt, %jit3A, %sign3A_15 : i32
    %sign3A_17 = arith.extui %sign3A_16 : i1 to i32
    %sign3A_18 = arith.subi %sign3A_14, %sign3A_17 : i32
    %ne3A = arith.cmpi ne, %sign3A_11, %sign3A_18 : i32
    %rem3A = arith.remsi %add3A_5, %jit3A : i32
    %ne3A_19 = arith.constant 0 : i32
    %ne3A_20 = arith.cmpi ne, %rem3A, %ne3A_19 : i32
    %and3A = arith.andi %ne3A, %ne3A_20 : i1
    %sub3A = arith.constant 1 : i32
    %sub3A_21 = arith.subi %div3A, %sub3A : i32
    %select_n3A = arith.select %and3A, %sub3A_21, %div3A : i32
    %dma_start3A = arith.constant 0 : i32
    %dma_start3A_22 = arith.constant 0 : i32
    %dma_start3A_23 = arith.constant 0 : i32
    %dma_start3A_24 = tpu.memref_slice %arg6[%dma_start3A, %dma_start3A_22, %dma_start3A_23] : memref<2x2x128xi32, #tpu.memory_space<vmem>> -> memref<1x2x128xi32, #tpu.memory_space<vmem>>
    %dma_start3A_25 = tpu.memref_squeeze %dma_start3A_24 : memref<1x2x128xi32, #tpu.memory_space<vmem>> -> memref<2x128xi32, #tpu.memory_space<vmem>>
    %dma_start3A_26 = arith.constant 0 : i32
    %dma_start3A_27 = tpu.memref_slice %arg3[%select_n3A, %dma_start3A_26] : memref<12544x128xi32, #tpu.memory_space<hbm>> -> memref<2x128xi32, #tpu.memory_space<hbm>>
    %dma_start3A_28 = arith.constant 0 : i32
    %dma_start3A_29 = arith.constant 0 : i32
    %dma_start3A_30 = tpu.memref_slice %arg6[%dma_start3A, %dma_start3A_28, %dma_start3A_29] : memref<2x2x128xi32, #tpu.memory_space<vmem>> -> memref<1x2x128xi32, #tpu.memory_space<vmem>>
    %dma_start3A_31 = tpu.memref_squeeze %dma_start3A_30 : memref<1x2x128xi32, #tpu.memory_space<vmem>> -> memref<2x128xi32, #tpu.memory_space<vmem>>
    %dma_start3A_32 = arith.constant 0 : i32
    %dma_start3A_33 = tpu.memref_slice %arg3[%select_n3A, %dma_start3A_32] : memref<12544x128xi32, #tpu.memory_space<hbm>> -> memref<2x128xi32, #tpu.memory_space<hbm>>
    tpu.enqueue_dma source(%dma_start3A_33 : memref<2x128xi32, #tpu.memory_space<hbm>>) target(%dma_start3A_31 : memref<2x128xi32, #tpu.memory_space<vmem>>) target_semaphore(%arg10 : memref<!tpu.dma_semaphore, #tpu.memory_space<semaphore_mem>>)
    %dma_start3A_34 = arith.constant 0 : i32
    %dma_start3A_35 = arith.constant 0 : i32
    %dma_start3A_36 = arith.constant 0 : i32
    %dma_start3A_37 = tpu.memref_slice %arg8[%dma_start3A_34, %dma_start3A_35, %dma_start3A_36] : memref<2x256x32xf32, #tpu.memory_space<vmem>> -> memref<1x256x32xf32, #tpu.memory_space<vmem>>
    %dma_start3A_38 = tpu.memref_squeeze %dma_start3A_37 : memref<1x256x32xf32, #tpu.memory_space<vmem>> -> memref<256x32xf32, #tpu.memory_space<vmem>>
    %dma_start3A_39 = arith.constant 0 : i32
    %dma_start3A_40 = tpu.memref_slice %arg2[%add3A_5, %dma_start3A_39] : memref<1605632x32xf32, #tpu.memory_space<hbm>> -> memref<256x32xf32, #tpu.memory_space<hbm>>
    %dma_start3A_41 = arith.constant 0 : i32
    %dma_start3A_42 = arith.constant 0 : i32
    %dma_start3A_43 = tpu.memref_slice %arg8[%dma_start3A_34, %dma_start3A_41, %dma_start3A_42] : memref<2x256x32xf32, #tpu.memory_space<vmem>> -> memref<1x256x32xf32, #tpu.memory_space<vmem>>
    %dma_start3A_44 = tpu.memref_squeeze %dma_start3A_43 : memref<1x256x32xf32, #tpu.memory_space<vmem>> -> memref<256x32xf32, #tpu.memory_space<vmem>>
    %dma_start3A_45 = arith.constant 0 : i32
    %dma_start3A_46 = tpu.memref_slice %arg2[%add3A_5, %dma_start3A_45] : memref<1605632x32xf32, #tpu.memory_space<hbm>> -> memref<256x32xf32, #tpu.memory_space<hbm>>
    tpu.enqueue_dma source(%dma_start3A_46 : memref<256x32xf32, #tpu.memory_space<hbm>>) target(%dma_start3A_44 : memref<256x32xf32, #tpu.memory_space<vmem>>) target_semaphore(%arg10 : memref<!tpu.dma_semaphore, #tpu.memory_space<semaphore_mem>>)
    %scan3A = arith.constant 0 : i32
    %scan3A_47 = arith.constant 0 : i32
    %scan3A_48 = arith.constant 196 : i32
    %scan3A_49 = arith.addi %scan3A_47, %scan3A_48 : i32
    %scan3A_50 = arith.constant 1 : i32
    scf.for %scan3A_109 = %scan3A_47 to %scan3A_49 step %scan3A_50  : i32 {
      %mul3A_110 = arith.constant 2 : i32
      %mul3A_111 = arith.muli %scan3A_109, %mul3A_110 : i32
      %add3A_112 = arith.constant 0 : i32
      %add3A_113 = arith.addi %mul3A_111, %add3A_112 : i32
      %dma_wait3A_114 = arith.constant 0 : i32
      %dma_wait3A_115 = arith.constant 0 : i32
      %dma_wait3A_116 = arith.constant 0 : i32
      %dma_wait3A_117 = tpu.memref_slice %arg6[%dma_wait3A_114, %dma_wait3A_115, %dma_wait3A_116] : memref<2x2x128xi32, #tpu.memory_space<vmem>> -> memref<1x2x128xi32, #tpu.memory_space<vmem>>
      %dma_wait3A_118 = tpu.memref_squeeze %dma_wait3A_117 : memref<1x2x128xi32, #tpu.memory_space<vmem>> -> memref<2x128xi32, #tpu.memory_space<vmem>>
      %dma_wait3A_119 = arith.constant 0 : i32
      %dma_wait3A_120 = arith.constant 0 : i32
      %dma_wait3A_121 = tpu.memref_slice %arg3[%dma_wait3A_119, %dma_wait3A_120] : memref<12544x128xi32, #tpu.memory_space<hbm>> -> memref<2x128xi32, #tpu.memory_space<hbm>>
      %dma_wait3A_122 = arith.constant 0 : i32
      %dma_wait3A_123 = arith.constant 0 : i32
      %dma_wait3A_124 = tpu.memref_slice %arg6[%dma_wait3A_114, %dma_wait3A_122, %dma_wait3A_123] : memref<2x2x128xi32, #tpu.memory_space<vmem>> -> memref<1x2x128xi32, #tpu.memory_space<vmem>>
      %dma_wait3A_125 = tpu.memref_squeeze %dma_wait3A_124 : memref<1x2x128xi32, #tpu.memory_space<vmem>> -> memref<2x128xi32, #tpu.memory_space<vmem>>
      %dma_wait3A_126 = arith.constant 0 : i32
      %dma_wait3A_127 = arith.constant 0 : i32
      %dma_wait3A_128 = tpu.memref_slice %arg3[%dma_wait3A_126, %dma_wait3A_127] : memref<12544x128xi32, #tpu.memory_space<hbm>> -> memref<2x128xi32, #tpu.memory_space<hbm>>
      tpu.wait_dma2 semaphore(%arg10 : memref<!tpu.dma_semaphore, #tpu.memory_space<semaphore_mem>>) src(%dma_wait3A_128 : memref<2x128xi32, #tpu.memory_space<hbm>>) dst(%dma_wait3A_125 : memref<2x128xi32, #tpu.memory_space<vmem>>)
      %dma_wait3A_129 = arith.constant 0 : i32
      %dma_wait3A_130 = arith.constant 0 : i32
      %dma_wait3A_131 = arith.constant 0 : i32
      %dma_wait3A_132 = tpu.memref_slice %arg8[%dma_wait3A_129, %dma_wait3A_130, %dma_wait3A_131] : memref<2x256x32xf32, #tpu.memory_space<vmem>> -> memref<1x256x32xf32, #tpu.memory_space<vmem>>
      %dma_wait3A_133 = tpu.memref_squeeze %dma_wait3A_132 : memref<1x256x32xf32, #tpu.memory_space<vmem>> -> memref<256x32xf32, #tpu.memory_space<vmem>>
      %dma_wait3A_134 = arith.constant 0 : i32
      %dma_wait3A_135 = arith.constant 0 : i32
      %dma_wait3A_136 = tpu.memref_slice %arg2[%dma_wait3A_134, %dma_wait3A_135] : memref<1605632x32xf32, #tpu.memory_space<hbm>> -> memref<256x32xf32, #tpu.memory_space<hbm>>
      %dma_wait3A_137 = arith.constant 0 : i32
      %dma_wait3A_138 = arith.constant 0 : i32
      %dma_wait3A_139 = tpu.memref_slice %arg8[%dma_wait3A_129, %dma_wait3A_137, %dma_wait3A_138] : memref<2x256x32xf32, #tpu.memory_space<vmem>> -> memref<1x256x32xf32, #tpu.memory_space<vmem>>
      %dma_wait3A_140 = tpu.memref_squeeze %dma_wait3A_139 : memref<1x256x32xf32, #tpu.memory_space<vmem>> -> memref<256x32xf32, #tpu.memory_space<vmem>>
      %dma_wait3A_141 = arith.constant 0 : i32
      %dma_wait3A_142 = arith.constant 0 : i32
      %dma_wait3A_143 = tpu.memref_slice %arg2[%dma_wait3A_141, %dma_wait3A_142] : memref<1605632x32xf32, #tpu.memory_space<hbm>> -> memref<256x32xf32, #tpu.memory_space<hbm>>
      tpu.wait_dma2 semaphore(%arg10 : memref<!tpu.dma_semaphore, #tpu.memory_space<semaphore_mem>>) src(%dma_wait3A_143 : memref<256x32xf32, #tpu.memory_space<hbm>>) dst(%dma_wait3A_140 : memref<256x32xf32, #tpu.memory_space<vmem>>)
      %add3A_144 = arith.constant 1 : i32
      %add3A_145 = arith.addi %add3A_113, %add3A_144 : i32
      %lt3A = arith.constant 392 : i32
      %lt3A_146 = arith.cmpi slt, %add3A_145, %lt3A : i32
      %convert_element_type3A = arith.extui %lt3A_146 : i1 to i32
      %cond3A = arith.constant 0 : i32
      %cond3A_147 = arith.cmpi ne, %convert_element_type3A, %cond3A : i32
      scf.if %cond3A_147 {
        %add3A_280 = arith.constant 1 : i32
        %add3A_281 = arith.addi %add3A_113, %add3A_280 : i32
        %mul3A_282 = arith.constant 256 : i32
        %mul3A_283 = arith.muli %add3A_281, %mul3A_282 : i32
        %add3A_284 = arith.addi %mul3A_4, %mul3A_283 : i32
        %jit3A_285 = arith.constant 128 : i32
        %div3A_286 = arith.divsi %add3A_284, %jit3A_285 : i32
        %sign3A_287 = arith.constant 0 : i32
        %sign3A_288 = arith.cmpi sgt, %add3A_284, %sign3A_287 : i32
        %sign3A_289 = arith.extui %sign3A_288 : i1 to i32
        %sign3A_290 = arith.constant 0 : i32
        %sign3A_291 = arith.cmpi slt, %add3A_284, %sign3A_290 : i32
        %sign3A_292 = arith.extui %sign3A_291 : i1 to i32
        %sign3A_293 = arith.subi %sign3A_289, %sign3A_292 : i32
        %sign3A_294 = arith.constant 0 : i32
        %sign3A_295 = arith.cmpi sgt, %jit3A_285, %sign3A_294 : i32
        %sign3A_296 = arith.extui %sign3A_295 : i1 to i32
        %sign3A_297 = arith.constant 0 : i32
        %sign3A_298 = arith.cmpi slt, %jit3A_285, %sign3A_297 : i32
        %sign3A_299 = arith.extui %sign3A_298 : i1 to i32
        %sign3A_300 = arith.subi %sign3A_296, %sign3A_299 : i32
        %ne3A_301 = arith.cmpi ne, %sign3A_293, %sign3A_300 : i32
        %rem3A_302 = arith.remsi %add3A_284, %jit3A_285 : i32
        %ne3A_303 = arith.constant 0 : i32
        %ne3A_304 = arith.cmpi ne, %rem3A_302, %ne3A_303 : i32
        %and3A_305 = arith.andi %ne3A_301, %ne3A_304 : i1
        %sub3A_306 = arith.constant 1 : i32
        %sub3A_307 = arith.subi %div3A_286, %sub3A_306 : i32
        %select_n3A_308 = arith.select %and3A_305, %sub3A_307, %div3A_286 : i32
        %dma_start3A_309 = arith.constant 1 : i32
        %dma_start3A_310 = arith.constant 0 : i32
        %dma_start3A_311 = arith.constant 0 : i32
        %dma_start3A_312 = tpu.memref_slice %arg6[%dma_start3A_309, %dma_start3A_310, %dma_start3A_311] : memref<2x2x128xi32, #tpu.memory_space<vmem>> -> memref<1x2x128xi32, #tpu.memory_space<vmem>>
        %dma_start3A_313 = tpu.memref_squeeze %dma_start3A_312 : memref<1x2x128xi32, #tpu.memory_space<vmem>> -> memref<2x128xi32, #tpu.memory_space<vmem>>
        %dma_start3A_314 = arith.constant 0 : i32
        %dma_start3A_315 = tpu.memref_slice %arg3[%select_n3A_308, %dma_start3A_314] : memref<12544x128xi32, #tpu.memory_space<hbm>> -> memref<2x128xi32, #tpu.memory_space<hbm>>
        %dma_start3A_316 = arith.constant 0 : i32
        %dma_start3A_317 = arith.constant 0 : i32
        %dma_start3A_318 = tpu.memref_slice %arg6[%dma_start3A_309, %dma_start3A_316, %dma_start3A_317] : memref<2x2x128xi32, #tpu.memory_space<vmem>> -> memref<1x2x128xi32, #tpu.memory_space<vmem>>
        %dma_start3A_319 = tpu.memref_squeeze %dma_start3A_318 : memref<1x2x128xi32, #tpu.memory_space<vmem>> -> memref<2x128xi32, #tpu.memory_space<vmem>>
        %dma_start3A_320 = arith.constant 0 : i32
        %dma_start3A_321 = tpu.memref_slice %arg3[%select_n3A_308, %dma_start3A_320] : memref<12544x128xi32, #tpu.memory_space<hbm>> -> memref<2x128xi32, #tpu.memory_space<hbm>>
        tpu.enqueue_dma source(%dma_start3A_321 : memref<2x128xi32, #tpu.memory_space<hbm>>) target(%dma_start3A_319 : memref<2x128xi32, #tpu.memory_space<vmem>>) target_semaphore(%arg11 : memref<!tpu.dma_semaphore, #tpu.memory_space<semaphore_mem>>)
        %dma_start3A_322 = arith.constant 1 : i32
        %dma_start3A_323 = arith.constant 0 : i32
        %dma_start3A_324 = arith.constant 0 : i32
        %dma_start3A_325 = tpu.memref_slice %arg8[%dma_start3A_322, %dma_start3A_323, %dma_start3A_324] : memref<2x256x32xf32, #tpu.memory_space<vmem>> -> memref<1x256x32xf32, #tpu.memory_space<vmem>>
        %dma_start3A_326 = tpu.memref_squeeze %dma_start3A_325 : memref<1x256x32xf32, #tpu.memory_space<vmem>> -> memref<256x32xf32, #tpu.memory_space<vmem>>
        %dma_start3A_327 = arith.constant 0 : i32
        %dma_start3A_328 = tpu.memref_slice %arg2[%add3A_284, %dma_start3A_327] : memref<1605632x32xf32, #tpu.memory_space<hbm>> -> memref<256x32xf32, #tpu.memory_space<hbm>>
        %dma_start3A_329 = arith.constant 0 : i32
        %dma_start3A_330 = arith.constant 0 : i32
        %dma_start3A_331 = tpu.memref_slice %arg8[%dma_start3A_322, %dma_start3A_329, %dma_start3A_330] : memref<2x256x32xf32, #tpu.memory_space<vmem>> -> memref<1x256x32xf32, #tpu.memory_space<vmem>>
        %dma_start3A_332 = tpu.memref_squeeze %dma_start3A_331 : memref<1x256x32xf32, #tpu.memory_space<vmem>> -> memref<256x32xf32, #tpu.memory_space<vmem>>
        %dma_start3A_333 = arith.constant 0 : i32
        %dma_start3A_334 = tpu.memref_slice %arg2[%add3A_284, %dma_start3A_333] : memref<1605632x32xf32, #tpu.memory_space<hbm>> -> memref<256x32xf32, #tpu.memory_space<hbm>>
        tpu.enqueue_dma source(%dma_start3A_334 : memref<256x32xf32, #tpu.memory_space<hbm>>) target(%dma_start3A_332 : memref<256x32xf32, #tpu.memory_space<vmem>>) target_semaphore(%arg11 : memref<!tpu.dma_semaphore, #tpu.memory_space<semaphore_mem>>)
      } else {
      }
      %mul3A_148 = arith.constant 256 : i32
      %mul3A_149 = arith.muli %add3A_113, %mul3A_148 : i32
      %add3A_150 = arith.addi %mul3A_4, %mul3A_149 : i32
      %scan3A_151 = arith.constant 0 : i32
      %scan3A_152 = arith.constant 0 : i32
      %scan3A_153 = arith.constant 8 : i32
      %scan3A_154 = arith.addi %scan3A_152, %scan3A_153 : i32
      %scan3A_155 = arith.constant 1 : i32
      scf.for %scan3A_280 = %scan3A_152 to %scan3A_154 step %scan3A_155  : i32 {
        %add3A_281 = arith.constant 0 : i32
        %add3A_282 = arith.addi %add3A_150, %add3A_281 : i32
        %mul3A_283 = arith.constant 16 : i32
        %mul3A_284 = arith.muli %scan3A_280, %mul3A_283 : i32
        %add3A_285 = arith.addi %add3A_282, %mul3A_284 : i32
        %ge3A_286 = arith.constant 1600000 : i32
        %ge3A_287 = arith.cmpi sge, %add3A_285, %ge3A_286 : i32
        %convert_element_type3A_288 = arith.extui %ge3A_287 : i1 to i32
        %mul3A_289 = arith.constant 200000 : i32
        %mul3A_290 = arith.muli %convert_element_type3A_288, %mul3A_289 : i32
        %mul3A_291 = arith.constant 16 : i32
        %mul3A_292 = arith.muli %scan3A_280, %mul3A_291 : i32
        %get3A = arith.constant 0 : i32
        %get3A_293 = arith.constant 0 : i32
        %get3A_294 = arith.index_cast %get3A : i32 to index
        %get3A_295 = arith.index_cast %get3A_293 : i32 to index
        %get3A_296 = arith.index_cast %mul3A_292 : i32 to index
        %get3A_297 = tpu.vector_load %arg6[%get3A_294, %get3A_295, %get3A_296] {strides = array<i32>} : memref<2x2x128xi32, #tpu.memory_space<vmem>>, vector<1x1x16xi32>,
        %get3A_298 = vector.shape_cast %get3A_297 : vector<1x1x16xi32> to vector<16xi32>
        %add3A_299 = vector.broadcast %mul3A_290 : i32 to vector<16xi32>
        %add3A_300 = arith.addi %get3A_298, %add3A_299 : vector<16xi32>
        %ge3A_301 = vector.broadcast %mul3A_0 : i32 to vector<16xi32>
        %ge3A_302 = arith.cmpi sge, %add3A_300, %ge3A_301 : vector<16xi32>
        %add3A_303 = arith.constant 50000 : i32
        %add3A_304 = arith.addi %mul3A_0, %add3A_303 : i32
        %lt3A_305 = vector.broadcast %add3A_304 : i32 to vector<16xi32>
        %lt3A_306 = arith.cmpi slt, %add3A_300, %lt3A_305 : vector<16xi32>
        %and3A_307 = arith.andi %ge3A_302, %lt3A_306 : vector<16xi1>
        %sub3A_308 = vector.broadcast %mul3A_0 : i32 to vector<16xi32>
        %sub3A_309 = arith.subi %add3A_300, %sub3A_308 : vector<16xi32>
        %add3A_310 = arith.constant 50000 : i32
        %add3A_311 = arith.addi %add3A_310, %arg1 : i32
        %broadcast_in_dim3A = vector.broadcast %add3A_311 : i32 to vector<16xi32>
        %select_n3A_312 = arith.select %and3A_307, %sub3A_309, %broadcast_in_dim3A : vector<16xi1>, vector<16xi32>
        %mul3A_313 = arith.constant 16 : i32
        %mul3A_314 = arith.muli %scan3A_280, %mul3A_313 : i32
        %swap3A = arith.constant 0 : i32
        %swap3A_315 = arith.constant 0 : i32
        %swap3A_316 = arith.index_cast %swap3A : i32 to index
        %swap3A_317 = arith.index_cast %swap3A_315 : i32 to index
        %swap3A_318 = arith.index_cast %mul3A_314 : i32 to index
        %swap3A_319 = tpu.vector_load %arg7[%swap3A_316, %swap3A_317, %swap3A_318] {strides = array<i32>} : memref<2x2x128xi32, #tpu.memory_space<vmem>>, vector<1x1x16xi32>,
        %swap3A_320 = vector.shape_cast %swap3A_319 : vector<1x1x16xi32> to vector<16xi32>
        %swap3A_321 = vector.shape_cast %select_n3A_312 : vector<16xi32> to vector<1x1x16xi32>
        tpu.vector_store %arg7[%swap3A_316, %swap3A_317, %swap3A_318], %swap3A_321 {strides = array<i32>} : memref<2x2x128xi32, #tpu.memory_space<vmem>>, vector<1x1x16xi32>,
      }
      %scan3A_156 = arith.constant 8 : i32
      %scan3A_157 = arith.constant 0 : i32
      %scan3A_158 = arith.constant 0 : i32
      %scan3A_159 = arith.constant 8 : i32
      %scan3A_160 = arith.addi %scan3A_158, %scan3A_159 : i32
      %scan3A_161 = arith.constant 1 : i32
      scf.for %scan3A_280 = %scan3A_158 to %scan3A_160 step %scan3A_161  : i32 {
        %add3A_281 = arith.constant 128 : i32
        %add3A_282 = arith.addi %add3A_150, %add3A_281 : i32
        %mul3A_283 = arith.constant 16 : i32
        %mul3A_284 = arith.muli %scan3A_280, %mul3A_283 : i32
        %add3A_285 = arith.addi %add3A_282, %mul3A_284 : i32
        %ge3A_286 = arith.constant 1600000 : i32
        %ge3A_287 = arith.cmpi sge, %add3A_285, %ge3A_286 : i32
        %convert_element_type3A_288 = arith.extui %ge3A_287 : i1 to i32
        %mul3A_289 = arith.constant 200000 : i32
        %mul3A_290 = arith.muli %convert_element_type3A_288, %mul3A_289 : i32
        %mul3A_291 = arith.constant 16 : i32
        %mul3A_292 = arith.muli %scan3A_280, %mul3A_291 : i32
        %get3A = arith.constant 0 : i32
        %get3A_293 = arith.constant 1 : i32
        %get3A_294 = arith.index_cast %get3A : i32 to index
        %get3A_295 = arith.index_cast %get3A_293 : i32 to index
        %get3A_296 = arith.index_cast %mul3A_292 : i32 to index
        %get3A_297 = tpu.vector_load %arg6[%get3A_294, %get3A_295, %get3A_296] {strides = array<i32>} : memref<2x2x128xi32, #tpu.memory_space<vmem>>, vector<1x1x16xi32>,
        %get3A_298 = vector.shape_cast %get3A_297 : vector<1x1x16xi32> to vector<16xi32>
        %add3A_299 = vector.broadcast %mul3A_290 : i32 to vector<16xi32>
        %add3A_300 = arith.addi %get3A_298, %add3A_299 : vector<16xi32>
        %ge3A_301 = vector.broadcast %mul3A_0 : i32 to vector<16xi32>
        %ge3A_302 = arith.cmpi sge, %add3A_300, %ge3A_301 : vector<16xi32>
        %add3A_303 = arith.constant 50000 : i32
        %add3A_304 = arith.addi %mul3A_0, %add3A_303 : i32
        %lt3A_305 = vector.broadcast %add3A_304 : i32 to vector<16xi32>
        %lt3A_306 = arith.cmpi slt, %add3A_300, %lt3A_305 : vector<16xi32>
        %and3A_307 = arith.andi %ge3A_302, %lt3A_306 : vector<16xi1>
        %sub3A_308 = vector.broadcast %mul3A_0 : i32 to vector<16xi32>
        %sub3A_309 = arith.subi %add3A_300, %sub3A_308 : vector<16xi32>
        %add3A_310 = arith.constant 50000 : i32
        %add3A_311 = arith.addi %add3A_310, %arg1 : i32
        %broadcast_in_dim3A = vector.broadcast %add3A_311 : i32 to vector<16xi32>
        %select_n3A_312 = arith.select %and3A_307, %sub3A_309, %broadcast_in_dim3A : vector<16xi1>, vector<16xi32>
        %mul3A_313 = arith.constant 16 : i32
        %mul3A_314 = arith.muli %scan3A_280, %mul3A_313 : i32
        %swap3A = arith.constant 0 : i32
        %swap3A_315 = arith.constant 1 : i32
        %swap3A_316 = arith.index_cast %swap3A : i32 to index
        %swap3A_317 = arith.index_cast %swap3A_315 : i32 to index
        %swap3A_318 = arith.index_cast %mul3A_314 : i32 to index
        %swap3A_319 = tpu.vector_load %arg7[%swap3A_316, %swap3A_317, %swap3A_318] {strides = array<i32>} : memref<2x2x128xi32, #tpu.memory_space<vmem>>, vector<1x1x16xi32>,
        %swap3A_320 = vector.shape_cast %swap3A_319 : vector<1x1x16xi32> to vector<16xi32>
        %swap3A_321 = vector.shape_cast %select_n3A_312 : vector<16xi32> to vector<1x1x16xi32>
        tpu.vector_store %arg7[%swap3A_316, %swap3A_317, %swap3A_318], %swap3A_321 {strides = array<i32>} : memref<2x2x128xi32, #tpu.memory_space<vmem>>, vector<1x1x16xi32>,
      }
      %scan3A_162 = arith.constant 8 : i32
      %ge3A = arith.constant 2 : i32
      %ge3A_163 = arith.cmpi sge, %add3A_113, %ge3A : i32
      %convert_element_type3A_164 = arith.extui %ge3A_163 : i1 to i32
      %cond3A_165 = arith.constant 0 : i32
      %cond3A_166 = arith.cmpi ne, %convert_element_type3A_164, %cond3A_165 : i32
      scf.if %cond3A_166 {
        %dma_wait3A_280 = arith.constant 0 : i32
        %dma_wait3A_281 = arith.constant 0 : i32
        %dma_wait3A_282 = arith.constant 0 : i32
        %dma_wait3A_283 = arith.constant 0 : i32
        %dma_wait3A_284 = arith.constant 0 : i32
        %dma_wait3A_285 = tpu.memref_slice %arg8[%dma_wait3A_280, %dma_wait3A_283, %dma_wait3A_284] : memref<2x256x32xf32, #tpu.memory_space<vmem>> -> memref<1x128x32xf32, #tpu.memory_space<vmem>>
        %dma_wait3A_286 = tpu.memref_squeeze %dma_wait3A_285 : memref<1x128x32xf32, #tpu.memory_space<vmem>> -> memref<128x32xf32, #tpu.memory_space<vmem>>
        %dma_wait3A_287 = arith.constant 0 : i32
        %dma_wait3A_288 = tpu.memref_slice %arg7[%dma_wait3A_281, %dma_wait3A_282, %dma_wait3A_287] : memref<2x2x128xi32, #tpu.memory_space<vmem>> -> memref<1x1x128xi32, #tpu.memory_space<vmem>>
        %dma_wait3A_289 = tpu.memref_squeeze %dma_wait3A_288 : memref<1x1x128xi32, #tpu.memory_space<vmem>> -> memref<128xi32, #tpu.memory_space<vmem>>
        %dma_wait3A_290 = arith.constant 0 : i32
        %dma_wait3A_291 = arith.constant 0 : i32
        %dma_wait3A_292 = tpu.memref_slice %arg9[%dma_wait3A_290, %dma_wait3A_291] : memref<50016x32xf32, #tpu.memory_space<vmem_shared>> -> memref<50016x32xf32, #tpu.memory_space<vmem_shared>>
        tpu.wait_indirect_dma semaphore(%arg12 : memref<!tpu.dma_semaphore, #tpu.memory_space<semaphore_mem>>) src(%dma_wait3A_286 : memref<128x32xf32, #tpu.memory_space<vmem>>) dst(%dma_wait3A_292 : memref<50016x32xf32, #tpu.memory_space<vmem_shared>>)
        %dma_wait3A_293 = arith.constant 0 : i32
        %dma_wait3A_294 = arith.constant 0 : i32
        %dma_wait3A_295 = arith.constant 1 : i32
        %dma_wait3A_296 = arith.constant 128 : i32
        %dma_wait3A_297 = arith.constant 0 : i32
        %dma_wait3A_298 = tpu.memref_slice %arg8[%dma_wait3A_293, %dma_wait3A_296, %dma_wait3A_297] : memref<2x256x32xf32, #tpu.memory_space<vmem>> -> memref<1x128x32xf32, #tpu.memory_space<vmem>>
        %dma_wait3A_299 = tpu.memref_squeeze %dma_wait3A_298 : memref<1x128x32xf32, #tpu.memory_space<vmem>> -> memref<128x32xf32, #tpu.memory_space<vmem>>
        %dma_wait3A_300 = arith.constant 0 : i32
        %dma_wait3A_301 = tpu.memref_slice %arg7[%dma_wait3A_294, %dma_wait3A_295, %dma_wait3A_300] : memref<2x2x128xi32, #tpu.memory_space<vmem>> -> memref<1x1x128xi32, #tpu.memory_space<vmem>>
        %dma_wait3A_302 = tpu.memref_squeeze %dma_wait3A_301 : memref<1x1x128xi32, #tpu.memory_space<vmem>> -> memref<128xi32, #tpu.memory_space<vmem>>
        %dma_wait3A_303 = arith.constant 0 : i32
        %dma_wait3A_304 = arith.constant 0 : i32
        %dma_wait3A_305 = tpu.memref_slice %arg9[%dma_wait3A_303, %dma_wait3A_304] : memref<50016x32xf32, #tpu.memory_space<vmem_shared>> -> memref<50016x32xf32, #tpu.memory_space<vmem_shared>>
        tpu.wait_indirect_dma semaphore(%arg12 : memref<!tpu.dma_semaphore, #tpu.memory_space<semaphore_mem>>) src(%dma_wait3A_299 : memref<128x32xf32, #tpu.memory_space<vmem>>) dst(%dma_wait3A_305 : memref<50016x32xf32, #tpu.memory_space<vmem_shared>>)
      } else {
      }
      %dma_start3A_167 = arith.constant 0 : i32
      %dma_start3A_168 = arith.constant 0 : i32
      %dma_start3A_169 = arith.constant 0 : i32
      %dma_start3A_170 = arith.constant 0 : i32
      %dma_start3A_171 = arith.constant 0 : i32
      %dma_start3A_172 = tpu.memref_slice %arg8[%dma_start3A_167, %dma_start3A_170, %dma_start3A_171] : memref<2x256x32xf32, #tpu.memory_space<vmem>> -> memref<1x128x32xf32, #tpu.memory_space<vmem>>
      %dma_start3A_173 = tpu.memref_squeeze %dma_start3A_172 : memref<1x128x32xf32, #tpu.memory_space<vmem>> -> memref<128x32xf32, #tpu.memory_space<vmem>>
      %dma_start3A_174 = arith.constant 0 : i32
      %dma_start3A_175 = tpu.memref_slice %arg7[%dma_start3A_168, %dma_start3A_169, %dma_start3A_174] : memref<2x2x128xi32, #tpu.memory_space<vmem>> -> memref<1x1x128xi32, #tpu.memory_space<vmem>>
      %dma_start3A_176 = tpu.memref_squeeze %dma_start3A_175 : memref<1x1x128xi32, #tpu.memory_space<vmem>> -> memref<128xi32, #tpu.memory_space<vmem>>
      %dma_start3A_177 = arith.constant 0 : i32
      %dma_start3A_178 = arith.constant 0 : i32
      %dma_start3A_179 = tpu.memref_slice %arg9[%dma_start3A_177, %dma_start3A_178] : memref<50016x32xf32, #tpu.memory_space<vmem_shared>> -> memref<50016x32xf32, #tpu.memory_space<vmem_shared>>
      tpu.enqueue_indirect_dma source(%dma_start3A_173 : memref<128x32xf32, #tpu.memory_space<vmem>>) target(%dma_start3A_179 : memref<50016x32xf32, #tpu.memory_space<vmem_shared>>) offsets(%dma_start3A_176 : memref<128xi32, #tpu.memory_space<vmem>>) semaphore(%arg12 : memref<!tpu.dma_semaphore, #tpu.memory_space<semaphore_mem>>) {add = true}
      %dma_start3A_180 = arith.constant 0 : i32
      %dma_start3A_181 = arith.constant 0 : i32
      %dma_start3A_182 = arith.constant 1 : i32
      %dma_start3A_183 = arith.constant 128 : i32
      %dma_start3A_184 = arith.constant 0 : i32
      %dma_start3A_185 = tpu.memref_slice %arg8[%dma_start3A_180, %dma_start3A_183, %dma_start3A_184] : memref<2x256x32xf32, #tpu.memory_space<vmem>> -> memref<1x128x32xf32, #tpu.memory_space<vmem>>
      %dma_start3A_186 = tpu.memref_squeeze %dma_start3A_185 : memref<1x128x32xf32, #tpu.memory_space<vmem>> -> memref<128x32xf32, #tpu.memory_space<vmem>>
      %dma_start3A_187 = arith.constant 0 : i32
      %dma_start3A_188 = tpu.memref_slice %arg7[%dma_start3A_181, %dma_start3A_182, %dma_start3A_187] : memref<2x2x128xi32, #tpu.memory_space<vmem>> -> memref<1x1x128xi32, #tpu.memory_space<vmem>>
      %dma_start3A_189 = tpu.memref_squeeze %dma_start3A_188 : memref<1x1x128xi32, #tpu.memory_space<vmem>> -> memref<128xi32, #tpu.memory_space<vmem>>
      %dma_start3A_190 = arith.constant 0 : i32
      %dma_start3A_191 = arith.constant 0 : i32
      %dma_start3A_192 = tpu.memref_slice %arg9[%dma_start3A_190, %dma_start3A_191] : memref<50016x32xf32, #tpu.memory_space<vmem_shared>> -> memref<50016x32xf32, #tpu.memory_space<vmem_shared>>
      tpu.enqueue_indirect_dma source(%dma_start3A_186 : memref<128x32xf32, #tpu.memory_space<vmem>>) target(%dma_start3A_192 : memref<50016x32xf32, #tpu.memory_space<vmem_shared>>) offsets(%dma_start3A_189 : memref<128xi32, #tpu.memory_space<vmem>>) semaphore(%arg12 : memref<!tpu.dma_semaphore, #tpu.memory_space<semaphore_mem>>) {add = true}
      %mul3A_193 = arith.constant 2 : i32
      %mul3A_194 = arith.muli %scan3A_109, %mul3A_193 : i32
      %add3A_195 = arith.constant 1 : i32
      %add3A_196 = arith.addi %mul3A_194, %add3A_195 : i32
      %dma_wait3A_197 = arith.constant 1 : i32
      %dma_wait3A_198 = arith.constant 0 : i32
      %dma_wait3A_199 = arith.constant 0 : i32
      %dma_wait3A_200 = tpu.memref_slice %arg6[%dma_wait3A_197, %dma_wait3A_198, %dma_wait3A_199] : memref<2x2x128xi32, #tpu.memory_space<vmem>> -> memref<1x2x128xi32, #tpu.memory_space<vmem>>
      %dma_wait3A_201 = tpu.memref_squeeze %dma_wait3A_200 : memref<1x2x128xi32, #tpu.memory_space<vmem>> -> memref<2x128xi32, #tpu.memory_space<vmem>>
      %dma_wait3A_202 = arith.constant 0 : i32
      %dma_wait3A_203 = arith.constant 0 : i32
      %dma_wait3A_204 = tpu.memref_slice %arg3[%dma_wait3A_202, %dma_wait3A_203] : memref<12544x128xi32, #tpu.memory_space<hbm>> -> memref<2x128xi32, #tpu.memory_space<hbm>>
      %dma_wait3A_205 = arith.constant 0 : i32
      %dma_wait3A_206 = arith.constant 0 : i32
      %dma_wait3A_207 = tpu.memref_slice %arg6[%dma_wait3A_197, %dma_wait3A_205, %dma_wait3A_206] : memref<2x2x128xi32, #tpu.memory_space<vmem>> -> memref<1x2x128xi32, #tpu.memory_space<vmem>>
      %dma_wait3A_208 = tpu.memref_squeeze %dma_wait3A_207 : memref<1x2x128xi32, #tpu.memory_space<vmem>> -> memref<2x128xi32, #tpu.memory_space<vmem>>
      %dma_wait3A_209 = arith.constant 0 : i32
      %dma_wait3A_210 = arith.constant 0 : i32
      %dma_wait3A_211 = tpu.memref_slice %arg3[%dma_wait3A_209, %dma_wait3A_210] : memref<12544x128xi32, #tpu.memory_space<hbm>> -> memref<2x128xi32, #tpu.memory_space<hbm>>
      tpu.wait_dma2 semaphore(%arg11 : memref<!tpu.dma_semaphore, #tpu.memory_space<semaphore_mem>>) src(%dma_wait3A_211 : memref<2x128xi32, #tpu.memory_space<hbm>>) dst(%dma_wait3A_208 : memref<2x128xi32, #tpu.memory_space<vmem>>)
      %dma_wait3A_212 = arith.constant 1 : i32
      %dma_wait3A_213 = arith.constant 0 : i32
      %dma_wait3A_214 = arith.constant 0 : i32
      %dma_wait3A_215 = tpu.memref_slice %arg8[%dma_wait3A_212, %dma_wait3A_213, %dma_wait3A_214] : memref<2x256x32xf32, #tpu.memory_space<vmem>> -> memref<1x256x32xf32, #tpu.memory_space<vmem>>
      %dma_wait3A_216 = tpu.memref_squeeze %dma_wait3A_215 : memref<1x256x32xf32, #tpu.memory_space<vmem>> -> memref<256x32xf32, #tpu.memory_space<vmem>>
      %dma_wait3A_217 = arith.constant 0 : i32
      %dma_wait3A_218 = arith.constant 0 : i32
      %dma_wait3A_219 = tpu.memref_slice %arg2[%dma_wait3A_217, %dma_wait3A_218] : memref<1605632x32xf32, #tpu.memory_space<hbm>> -> memref<256x32xf32, #tpu.memory_space<hbm>>
      %dma_wait3A_220 = arith.constant 0 : i32
      %dma_wait3A_221 = arith.constant 0 : i32
      %dma_wait3A_222 = tpu.memref_slice %arg8[%dma_wait3A_212, %dma_wait3A_220, %dma_wait3A_221] : memref<2x256x32xf32, #tpu.memory_space<vmem>> -> memref<1x256x32xf32, #tpu.memory_space<vmem>>
      %dma_wait3A_223 = tpu.memref_squeeze %dma_wait3A_222 : memref<1x256x32xf32, #tpu.memory_space<vmem>> -> memref<256x32xf32, #tpu.memory_space<vmem>>
      %dma_wait3A_224 = arith.constant 0 : i32
      %dma_wait3A_225 = arith.constant 0 : i32
      %dma_wait3A_226 = tpu.memref_slice %arg2[%dma_wait3A_224, %dma_wait3A_225] : memref<1605632x32xf32, #tpu.memory_space<hbm>> -> memref<256x32xf32, #tpu.memory_space<hbm>>
      tpu.wait_dma2 semaphore(%arg11 : memref<!tpu.dma_semaphore, #tpu.memory_space<semaphore_mem>>) src(%dma_wait3A_226 : memref<256x32xf32, #tpu.memory_space<hbm>>) dst(%dma_wait3A_223 : memref<256x32xf32, #tpu.memory_space<vmem>>)
      %add3A_227 = arith.constant 1 : i32
      %add3A_228 = arith.addi %add3A_196, %add3A_227 : i32
      %lt3A_229 = arith.constant 392 : i32
      %lt3A_230 = arith.cmpi slt, %add3A_228, %lt3A_229 : i32
      %convert_element_type3A_231 = arith.extui %lt3A_230 : i1 to i32
      %cond3A_232 = arith.constant 0 : i32
      %cond3A_233 = arith.cmpi ne, %convert_element_type3A_231, %cond3A_232 : i32
      scf.if %cond3A_233 {
        %add3A_280 = arith.constant 1 : i32
        %add3A_281 = arith.addi %add3A_196, %add3A_280 : i32
        %mul3A_282 = arith.constant 256 : i32
        %mul3A_283 = arith.muli %add3A_281, %mul3A_282 : i32
        %add3A_284 = arith.addi %mul3A_4, %mul3A_283 : i32
        %jit3A_285 = arith.constant 128 : i32
        %div3A_286 = arith.divsi %add3A_284, %jit3A_285 : i32
        %sign3A_287 = arith.constant 0 : i32
        %sign3A_288 = arith.cmpi sgt, %add3A_284, %sign3A_287 : i32
        %sign3A_289 = arith.extui %sign3A_288 : i1 to i32
        %sign3A_290 = arith.constant 0 : i32
        %sign3A_291 = arith.cmpi slt, %add3A_284, %sign3A_290 : i32
        %sign3A_292 = arith.extui %sign3A_291 : i1 to i32
        %sign3A_293 = arith.subi %sign3A_289, %sign3A_292 : i32
        %sign3A_294 = arith.constant 0 : i32
        %sign3A_295 = arith.cmpi sgt, %jit3A_285, %sign3A_294 : i32
        %sign3A_296 = arith.extui %sign3A_295 : i1 to i32
        %sign3A_297 = arith.constant 0 : i32
        %sign3A_298 = arith.cmpi slt, %jit3A_285, %sign3A_297 : i32
        %sign3A_299 = arith.extui %sign3A_298 : i1 to i32
        %sign3A_300 = arith.subi %sign3A_296, %sign3A_299 : i32
        %ne3A_301 = arith.cmpi ne, %sign3A_293, %sign3A_300 : i32
        %rem3A_302 = arith.remsi %add3A_284, %jit3A_285 : i32
        %ne3A_303 = arith.constant 0 : i32
        %ne3A_304 = arith.cmpi ne, %rem3A_302, %ne3A_303 : i32
        %and3A_305 = arith.andi %ne3A_301, %ne3A_304 : i1
        %sub3A_306 = arith.constant 1 : i32
        %sub3A_307 = arith.subi %div3A_286, %sub3A_306 : i32
        %select_n3A_308 = arith.select %and3A_305, %sub3A_307, %div3A_286 : i32
        %dma_start3A_309 = arith.constant 0 : i32
        %dma_start3A_310 = arith.constant 0 : i32
        %dma_start3A_311 = arith.constant 0 : i32
        %dma_start3A_312 = tpu.memref_slice %arg6[%dma_start3A_309, %dma_start3A_310, %dma_start3A_311] : memref<2x2x128xi32, #tpu.memory_space<vmem>> -> memref<1x2x128xi32, #tpu.memory_space<vmem>>
        %dma_start3A_313 = tpu.memref_squeeze %dma_start3A_312 : memref<1x2x128xi32, #tpu.memory_space<vmem>> -> memref<2x128xi32, #tpu.memory_space<vmem>>
        %dma_start3A_314 = arith.constant 0 : i32
        %dma_start3A_315 = tpu.memref_slice %arg3[%select_n3A_308, %dma_start3A_314] : memref<12544x128xi32, #tpu.memory_space<hbm>> -> memref<2x128xi32, #tpu.memory_space<hbm>>
        %dma_start3A_316 = arith.constant 0 : i32
        %dma_start3A_317 = arith.constant 0 : i32
        %dma_start3A_318 = tpu.memref_slice %arg6[%dma_start3A_309, %dma_start3A_316, %dma_start3A_317] : memref<2x2x128xi32, #tpu.memory_space<vmem>> -> memref<1x2x128xi32, #tpu.memory_space<vmem>>
        %dma_start3A_319 = tpu.memref_squeeze %dma_start3A_318 : memref<1x2x128xi32, #tpu.memory_space<vmem>> -> memref<2x128xi32, #tpu.memory_space<vmem>>
        %dma_start3A_320 = arith.constant 0 : i32
        %dma_start3A_321 = tpu.memref_slice %arg3[%select_n3A_308, %dma_start3A_320] : memref<12544x128xi32, #tpu.memory_space<hbm>> -> memref<2x128xi32, #tpu.memory_space<hbm>>
        tpu.enqueue_dma source(%dma_start3A_321 : memref<2x128xi32, #tpu.memory_space<hbm>>) target(%dma_start3A_319 : memref<2x128xi32, #tpu.memory_space<vmem>>) target_semaphore(%arg10 : memref<!tpu.dma_semaphore, #tpu.memory_space<semaphore_mem>>)
        %dma_start3A_322 = arith.constant 0 : i32
        %dma_start3A_323 = arith.constant 0 : i32
        %dma_start3A_324 = arith.constant 0 : i32
        %dma_start3A_325 = tpu.memref_slice %arg8[%dma_start3A_322, %dma_start3A_323, %dma_start3A_324] : memref<2x256x32xf32, #tpu.memory_space<vmem>> -> memref<1x256x32xf32, #tpu.memory_space<vmem>>
        %dma_start3A_326 = tpu.memref_squeeze %dma_start3A_325 : memref<1x256x32xf32, #tpu.memory_space<vmem>> -> memref<256x32xf32, #tpu.memory_space<vmem>>
        %dma_start3A_327 = arith.constant 0 : i32
        %dma_start3A_328 = tpu.memref_slice %arg2[%add3A_284, %dma_start3A_327] : memref<1605632x32xf32, #tpu.memory_space<hbm>> -> memref<256x32xf32, #tpu.memory_space<hbm>>
        %dma_start3A_329 = arith.constant 0 : i32
        %dma_start3A_330 = arith.constant 0 : i32
        %dma_start3A_331 = tpu.memref_slice %arg8[%dma_start3A_322, %dma_start3A_329, %dma_start3A_330] : memref<2x256x32xf32, #tpu.memory_space<vmem>> -> memref<1x256x32xf32, #tpu.memory_space<vmem>>
        %dma_start3A_332 = tpu.memref_squeeze %dma_start3A_331 : memref<1x256x32xf32, #tpu.memory_space<vmem>> -> memref<256x32xf32, #tpu.memory_space<vmem>>
        %dma_start3A_333 = arith.constant 0 : i32
        %dma_start3A_334 = tpu.memref_slice %arg2[%add3A_284, %dma_start3A_333] : memref<1605632x32xf32, #tpu.memory_space<hbm>> -> memref<256x32xf32, #tpu.memory_space<hbm>>
        tpu.enqueue_dma source(%dma_start3A_334 : memref<256x32xf32, #tpu.memory_space<hbm>>) target(%dma_start3A_332 : memref<256x32xf32, #tpu.memory_space<vmem>>) target_semaphore(%arg10 : memref<!tpu.dma_semaphore, #tpu.memory_space<semaphore_mem>>)
      } else {
      }
      %mul3A_234 = arith.constant 256 : i32
      %mul3A_235 = arith.muli %add3A_196, %mul3A_234 : i32
      %add3A_236 = arith.addi %mul3A_4, %mul3A_235 : i32
      %scan3A_237 = arith.constant 0 : i32
      %scan3A_238 = arith.constant 0 : i32
      %scan3A_239 = arith.constant 8 : i32
      %scan3A_240 = arith.addi %scan3A_238, %scan3A_239 : i32
      %scan3A_241 = arith.constant 1 : i32
      scf.for %scan3A_280 = %scan3A_238 to %scan3A_240 step %scan3A_241  : i32 {
        %add3A_281 = arith.constant 0 : i32
        %add3A_282 = arith.addi %add3A_236, %add3A_281 : i32
        %mul3A_283 = arith.constant 16 : i32
        %mul3A_284 = arith.muli %scan3A_280, %mul3A_283 : i32
        %add3A_285 = arith.addi %add3A_282, %mul3A_284 : i32
        %ge3A_286 = arith.constant 1600000 : i32
        %ge3A_287 = arith.cmpi sge, %add3A_285, %ge3A_286 : i32
        %convert_element_type3A_288 = arith.extui %ge3A_287 : i1 to i32
        %mul3A_289 = arith.constant 200000 : i32
        %mul3A_290 = arith.muli %convert_element_type3A_288, %mul3A_289 : i32
        %mul3A_291 = arith.constant 16 : i32
        %mul3A_292 = arith.muli %scan3A_280, %mul3A_291 : i32
        %get3A = arith.constant 1 : i32
        %get3A_293 = arith.constant 0 : i32
        %get3A_294 = arith.index_cast %get3A : i32 to index
        %get3A_295 = arith.index_cast %get3A_293 : i32 to index
        %get3A_296 = arith.index_cast %mul3A_292 : i32 to index
        %get3A_297 = tpu.vector_load %arg6[%get3A_294, %get3A_295, %get3A_296] {strides = array<i32>} : memref<2x2x128xi32, #tpu.memory_space<vmem>>, vector<1x1x16xi32>,
        %get3A_298 = vector.shape_cast %get3A_297 : vector<1x1x16xi32> to vector<16xi32>
        %add3A_299 = vector.broadcast %mul3A_290 : i32 to vector<16xi32>
        %add3A_300 = arith.addi %get3A_298, %add3A_299 : vector<16xi32>
        %ge3A_301 = vector.broadcast %mul3A_0 : i32 to vector<16xi32>
        %ge3A_302 = arith.cmpi sge, %add3A_300, %ge3A_301 : vector<16xi32>
        %add3A_303 = arith.constant 50000 : i32
        %add3A_304 = arith.addi %mul3A_0, %add3A_303 : i32
        %lt3A_305 = vector.broadcast %add3A_304 : i32 to vector<16xi32>
        %lt3A_306 = arith.cmpi slt, %add3A_300, %lt3A_305 : vector<16xi32>
        %and3A_307 = arith.andi %ge3A_302, %lt3A_306 : vector<16xi1>
        %sub3A_308 = vector.broadcast %mul3A_0 : i32 to vector<16xi32>
        %sub3A_309 = arith.subi %add3A_300, %sub3A_308 : vector<16xi32>
        %add3A_310 = arith.constant 50000 : i32
        %add3A_311 = arith.addi %add3A_310, %arg1 : i32
        %broadcast_in_dim3A = vector.broadcast %add3A_311 : i32 to vector<16xi32>
        %select_n3A_312 = arith.select %and3A_307, %sub3A_309, %broadcast_in_dim3A : vector<16xi1>, vector<16xi32>
        %mul3A_313 = arith.constant 16 : i32
        %mul3A_314 = arith.muli %scan3A_280, %mul3A_313 : i32
        %swap3A = arith.constant 1 : i32
        %swap3A_315 = arith.constant 0 : i32
        %swap3A_316 = arith.index_cast %swap3A : i32 to index
        %swap3A_317 = arith.index_cast %swap3A_315 : i32 to index
        %swap3A_318 = arith.index_cast %mul3A_314 : i32 to index
        %swap3A_319 = tpu.vector_load %arg7[%swap3A_316, %swap3A_317, %swap3A_318] {strides = array<i32>} : memref<2x2x128xi32, #tpu.memory_space<vmem>>, vector<1x1x16xi32>,
        %swap3A_320 = vector.shape_cast %swap3A_319 : vector<1x1x16xi32> to vector<16xi32>
        %swap3A_321 = vector.shape_cast %select_n3A_312 : vector<16xi32> to vector<1x1x16xi32>
        tpu.vector_store %arg7[%swap3A_316, %swap3A_317, %swap3A_318], %swap3A_321 {strides = array<i32>} : memref<2x2x128xi32, #tpu.memory_space<vmem>>, vector<1x1x16xi32>,
      }
      %scan3A_242 = arith.constant 8 : i32
      %scan3A_243 = arith.constant 0 : i32
      %scan3A_244 = arith.constant 0 : i32
      %scan3A_245 = arith.constant 8 : i32
      %scan3A_246 = arith.addi %scan3A_244, %scan3A_245 : i32
      %scan3A_247 = arith.constant 1 : i32
      scf.for %scan3A_280 = %scan3A_244 to %scan3A_246 step %scan3A_247  : i32 {
        %add3A_281 = arith.constant 128 : i32
        %add3A_282 = arith.addi %add3A_236, %add3A_281 : i32
        %mul3A_283 = arith.constant 16 : i32
        %mul3A_284 = arith.muli %scan3A_280, %mul3A_283 : i32
        %add3A_285 = arith.addi %add3A_282, %mul3A_284 : i32
        %ge3A_286 = arith.constant 1600000 : i32
        %ge3A_287 = arith.cmpi sge, %add3A_285, %ge3A_286 : i32
        %convert_element_type3A_288 = arith.extui %ge3A_287 : i1 to i32
        %mul3A_289 = arith.constant 200000 : i32
        %mul3A_290 = arith.muli %convert_element_type3A_288, %mul3A_289 : i32
        %mul3A_291 = arith.constant 16 : i32
        %mul3A_292 = arith.muli %scan3A_280, %mul3A_291 : i32
        %get3A = arith.constant 1 : i32
        %get3A_293 = arith.constant 1 : i32
        %get3A_294 = arith.index_cast %get3A : i32 to index
        %get3A_295 = arith.index_cast %get3A_293 : i32 to index
        %get3A_296 = arith.index_cast %mul3A_292 : i32 to index
        %get3A_297 = tpu.vector_load %arg6[%get3A_294, %get3A_295, %get3A_296] {strides = array<i32>} : memref<2x2x128xi32, #tpu.memory_space<vmem>>, vector<1x1x16xi32>,
        %get3A_298 = vector.shape_cast %get3A_297 : vector<1x1x16xi32> to vector<16xi32>
        %add3A_299 = vector.broadcast %mul3A_290 : i32 to vector<16xi32>
        %add3A_300 = arith.addi %get3A_298, %add3A_299 : vector<16xi32>
        %ge3A_301 = vector.broadcast %mul3A_0 : i32 to vector<16xi32>
        %ge3A_302 = arith.cmpi sge, %add3A_300, %ge3A_301 : vector<16xi32>
        %add3A_303 = arith.constant 50000 : i32
        %add3A_304 = arith.addi %mul3A_0, %add3A_303 : i32
        %lt3A_305 = vector.broadcast %add3A_304 : i32 to vector<16xi32>
        %lt3A_306 = arith.cmpi slt, %add3A_300, %lt3A_305 : vector<16xi32>
        %and3A_307 = arith.andi %ge3A_302, %lt3A_306 : vector<16xi1>
        %sub3A_308 = vector.broadcast %mul3A_0 : i32 to vector<16xi32>
        %sub3A_309 = arith.subi %add3A_300, %sub3A_308 : vector<16xi32>
        %add3A_310 = arith.constant 50000 : i32
        %add3A_311 = arith.addi %add3A_310, %arg1 : i32
        %broadcast_in_dim3A = vector.broadcast %add3A_311 : i32 to vector<16xi32>
        %select_n3A_312 = arith.select %and3A_307, %sub3A_309, %broadcast_in_dim3A : vector<16xi1>, vector<16xi32>
        %mul3A_313 = arith.constant 16 : i32
        %mul3A_314 = arith.muli %scan3A_280, %mul3A_313 : i32
        %swap3A = arith.constant 1 : i32
        %swap3A_315 = arith.constant 1 : i32
        %swap3A_316 = arith.index_cast %swap3A : i32 to index
        %swap3A_317 = arith.index_cast %swap3A_315 : i32 to index
        %swap3A_318 = arith.index_cast %mul3A_314 : i32 to index
        %swap3A_319 = tpu.vector_load %arg7[%swap3A_316, %swap3A_317, %swap3A_318] {strides = array<i32>} : memref<2x2x128xi32, #tpu.memory_space<vmem>>, vector<1x1x16xi32>,
        %swap3A_320 = vector.shape_cast %swap3A_319 : vector<1x1x16xi32> to vector<16xi32>
        %swap3A_321 = vector.shape_cast %select_n3A_312 : vector<16xi32> to vector<1x1x16xi32>
        tpu.vector_store %arg7[%swap3A_316, %swap3A_317, %swap3A_318], %swap3A_321 {strides = array<i32>} : memref<2x2x128xi32, #tpu.memory_space<vmem>>, vector<1x1x16xi32>,
      }
      %scan3A_248 = arith.constant 8 : i32
      %ge3A_249 = arith.constant 2 : i32
      %ge3A_250 = arith.cmpi sge, %add3A_196, %ge3A_249 : i32
      %convert_element_type3A_251 = arith.extui %ge3A_250 : i1 to i32
      %cond3A_252 = arith.constant 0 : i32
      %cond3A_253 = arith.cmpi ne, %convert_element_type3A_251, %cond3A_252 : i32
      scf.if %cond3A_253 {
        %dma_wait3A_280 = arith.constant 1 : i32
        %dma_wait3A_281 = arith.constant 1 : i32
        %dma_wait3A_282 = arith.constant 0 : i32
        %dma_wait3A_283 = arith.constant 0 : i32
        %dma_wait3A_284 = arith.constant 0 : i32
        %dma_wait3A_285 = tpu.memref_slice %arg8[%dma_wait3A_280, %dma_wait3A_283, %dma_wait3A_284] : memref<2x256x32xf32, #tpu.memory_space<vmem>> -> memref<1x128x32xf32, #tpu.memory_space<vmem>>
        %dma_wait3A_286 = tpu.memref_squeeze %dma_wait3A_285 : memref<1x128x32xf32, #tpu.memory_space<vmem>> -> memref<128x32xf32, #tpu.memory_space<vmem>>
        %dma_wait3A_287 = arith.constant 0 : i32
        %dma_wait3A_288 = tpu.memref_slice %arg7[%dma_wait3A_281, %dma_wait3A_282, %dma_wait3A_287] : memref<2x2x128xi32, #tpu.memory_space<vmem>> -> memref<1x1x128xi32, #tpu.memory_space<vmem>>
        %dma_wait3A_289 = tpu.memref_squeeze %dma_wait3A_288 : memref<1x1x128xi32, #tpu.memory_space<vmem>> -> memref<128xi32, #tpu.memory_space<vmem>>
        %dma_wait3A_290 = arith.constant 0 : i32
        %dma_wait3A_291 = arith.constant 0 : i32
        %dma_wait3A_292 = tpu.memref_slice %arg9[%dma_wait3A_290, %dma_wait3A_291] : memref<50016x32xf32, #tpu.memory_space<vmem_shared>> -> memref<50016x32xf32, #tpu.memory_space<vmem_shared>>
        tpu.wait_indirect_dma semaphore(%arg13 : memref<!tpu.dma_semaphore, #tpu.memory_space<semaphore_mem>>) src(%dma_wait3A_286 : memref<128x32xf32, #tpu.memory_space<vmem>>) dst(%dma_wait3A_292 : memref<50016x32xf32, #tpu.memory_space<vmem_shared>>)
        %dma_wait3A_293 = arith.constant 1 : i32
        %dma_wait3A_294 = arith.constant 1 : i32
        %dma_wait3A_295 = arith.constant 1 : i32
        %dma_wait3A_296 = arith.constant 128 : i32
        %dma_wait3A_297 = arith.constant 0 : i32
        %dma_wait3A_298 = tpu.memref_slice %arg8[%dma_wait3A_293, %dma_wait3A_296, %dma_wait3A_297] : memref<2x256x32xf32, #tpu.memory_space<vmem>> -> memref<1x128x32xf32, #tpu.memory_space<vmem>>
        %dma_wait3A_299 = tpu.memref_squeeze %dma_wait3A_298 : memref<1x128x32xf32, #tpu.memory_space<vmem>> -> memref<128x32xf32, #tpu.memory_space<vmem>>
        %dma_wait3A_300 = arith.constant 0 : i32
        %dma_wait3A_301 = tpu.memref_slice %arg7[%dma_wait3A_294, %dma_wait3A_295, %dma_wait3A_300] : memref<2x2x128xi32, #tpu.memory_space<vmem>> -> memref<1x1x128xi32, #tpu.memory_space<vmem>>
        %dma_wait3A_302 = tpu.memref_squeeze %dma_wait3A_301 : memref<1x1x128xi32, #tpu.memory_space<vmem>> -> memref<128xi32, #tpu.memory_space<vmem>>
        %dma_wait3A_303 = arith.constant 0 : i32
        %dma_wait3A_304 = arith.constant 0 : i32
        %dma_wait3A_305 = tpu.memref_slice %arg9[%dma_wait3A_303, %dma_wait3A_304] : memref<50016x32xf32, #tpu.memory_space<vmem_shared>> -> memref<50016x32xf32, #tpu.memory_space<vmem_shared>>
        tpu.wait_indirect_dma semaphore(%arg13 : memref<!tpu.dma_semaphore, #tpu.memory_space<semaphore_mem>>) src(%dma_wait3A_299 : memref<128x32xf32, #tpu.memory_space<vmem>>) dst(%dma_wait3A_305 : memref<50016x32xf32, #tpu.memory_space<vmem_shared>>)
      } else {
      }
      %dma_start3A_254 = arith.constant 1 : i32
      %dma_start3A_255 = arith.constant 1 : i32
      %dma_start3A_256 = arith.constant 0 : i32
      %dma_start3A_257 = arith.constant 0 : i32
      %dma_start3A_258 = arith.constant 0 : i32
      %dma_start3A_259 = tpu.memref_slice %arg8[%dma_start3A_254, %dma_start3A_257, %dma_start3A_258] : memref<2x256x32xf32, #tpu.memory_space<vmem>> -> memref<1x128x32xf32, #tpu.memory_space<vmem>>
      %dma_start3A_260 = tpu.memref_squeeze %dma_start3A_259 : memref<1x128x32xf32, #tpu.memory_space<vmem>> -> memref<128x32xf32, #tpu.memory_space<vmem>>
      %dma_start3A_261 = arith.constant 0 : i32
      %dma_start3A_262 = tpu.memref_slice %arg7[%dma_start3A_255, %dma_start3A_256, %dma_start3A_261] : memref<2x2x128xi32, #tpu.memory_space<vmem>> -> memref<1x1x128xi32, #tpu.memory_space<vmem>>
      %dma_start3A_263 = tpu.memref_squeeze %dma_start3A_262 : memref<1x1x128xi32, #tpu.memory_space<vmem>> -> memref<128xi32, #tpu.memory_space<vmem>>
      %dma_start3A_264 = arith.constant 0 : i32
      %dma_start3A_265 = arith.constant 0 : i32
      %dma_start3A_266 = tpu.memref_slice %arg9[%dma_start3A_264, %dma_start3A_265] : memref<50016x32xf32, #tpu.memory_space<vmem_shared>> -> memref<50016x32xf32, #tpu.memory_space<vmem_shared>>
      tpu.enqueue_indirect_dma source(%dma_start3A_260 : memref<128x32xf32, #tpu.memory_space<vmem>>) target(%dma_start3A_266 : memref<50016x32xf32, #tpu.memory_space<vmem_shared>>) offsets(%dma_start3A_263 : memref<128xi32, #tpu.memory_space<vmem>>) semaphore(%arg13 : memref<!tpu.dma_semaphore, #tpu.memory_space<semaphore_mem>>) {add = true}
      %dma_start3A_267 = arith.constant 1 : i32
      %dma_start3A_268 = arith.constant 1 : i32
      %dma_start3A_269 = arith.constant 1 : i32
      %dma_start3A_270 = arith.constant 128 : i32
      %dma_start3A_271 = arith.constant 0 : i32
      %dma_start3A_272 = tpu.memref_slice %arg8[%dma_start3A_267, %dma_start3A_270, %dma_start3A_271] : memref<2x256x32xf32, #tpu.memory_space<vmem>> -> memref<1x128x32xf32, #tpu.memory_space<vmem>>
      %dma_start3A_273 = tpu.memref_squeeze %dma_start3A_272 : memref<1x128x32xf32, #tpu.memory_space<vmem>> -> memref<128x32xf32, #tpu.memory_space<vmem>>
      %dma_start3A_274 = arith.constant 0 : i32
      %dma_start3A_275 = tpu.memref_slice %arg7[%dma_start3A_268, %dma_start3A_269, %dma_start3A_274] : memref<2x2x128xi32, #tpu.memory_space<vmem>> -> memref<1x1x128xi32, #tpu.memory_space<vmem>>
      %dma_start3A_276 = tpu.memref_squeeze %dma_start3A_275 : memref<1x1x128xi32, #tpu.memory_space<vmem>> -> memref<128xi32, #tpu.memory_space<vmem>>
      %dma_start3A_277 = arith.constant 0 : i32
      %dma_start3A_278 = arith.constant 0 : i32
      %dma_start3A_279 = tpu.memref_slice %arg9[%dma_start3A_277, %dma_start3A_278] : memref<50016x32xf32, #tpu.memory_space<vmem_shared>> -> memref<50016x32xf32, #tpu.memory_space<vmem_shared>>
      tpu.enqueue_indirect_dma source(%dma_start3A_273 : memref<128x32xf32, #tpu.memory_space<vmem>>) target(%dma_start3A_279 : memref<50016x32xf32, #tpu.memory_space<vmem_shared>>) offsets(%dma_start3A_276 : memref<128xi32, #tpu.memory_space<vmem>>) semaphore(%arg13 : memref<!tpu.dma_semaphore, #tpu.memory_space<semaphore_mem>>) {add = true}
    }
    %scan3A_51 = arith.constant 196 : i32
    %dma_wait3A = arith.constant 0 : i32
    %dma_wait3A_52 = arith.constant 0 : i32
    %dma_wait3A_53 = arith.constant 0 : i32
    %dma_wait3A_54 = arith.constant 0 : i32
    %dma_wait3A_55 = arith.constant 0 : i32
    %dma_wait3A_56 = tpu.memref_slice %arg8[%dma_wait3A, %dma_wait3A_54, %dma_wait3A_55] : memref<2x256x32xf32, #tpu.memory_space<vmem>> -> memref<1x128x32xf32, #tpu.memory_space<vmem>>
    %dma_wait3A_57 = tpu.memref_squeeze %dma_wait3A_56 : memref<1x128x32xf32, #tpu.memory_space<vmem>> -> memref<128x32xf32, #tpu.memory_space<vmem>>
    %dma_wait3A_58 = arith.constant 0 : i32
    %dma_wait3A_59 = tpu.memref_slice %arg7[%dma_wait3A_52, %dma_wait3A_53, %dma_wait3A_58] : memref<2x2x128xi32, #tpu.memory_space<vmem>> -> memref<1x1x128xi32, #tpu.memory_space<vmem>>
    %dma_wait3A_60 = tpu.memref_squeeze %dma_wait3A_59 : memref<1x1x128xi32, #tpu.memory_space<vmem>> -> memref<128xi32, #tpu.memory_space<vmem>>
    %dma_wait3A_61 = arith.constant 0 : i32
    %dma_wait3A_62 = arith.constant 0 : i32
    %dma_wait3A_63 = tpu.memref_slice %arg9[%dma_wait3A_61, %dma_wait3A_62] : memref<50016x32xf32, #tpu.memory_space<vmem_shared>> -> memref<50016x32xf32, #tpu.memory_space<vmem_shared>>
    tpu.wait_indirect_dma semaphore(%arg12 : memref<!tpu.dma_semaphore, #tpu.memory_space<semaphore_mem>>) src(%dma_wait3A_57 : memref<128x32xf32, #tpu.memory_space<vmem>>) dst(%dma_wait3A_63 : memref<50016x32xf32, #tpu.memory_space<vmem_shared>>)
    %dma_wait3A_64 = arith.constant 0 : i32
    %dma_wait3A_65 = arith.constant 0 : i32
    %dma_wait3A_66 = arith.constant 1 : i32
    %dma_wait3A_67 = arith.constant 128 : i32
    %dma_wait3A_68 = arith.constant 0 : i32
    %dma_wait3A_69 = tpu.memref_slice %arg8[%dma_wait3A_64, %dma_wait3A_67, %dma_wait3A_68] : memref<2x256x32xf32, #tpu.memory_space<vmem>> -> memref<1x128x32xf32, #tpu.memory_space<vmem>>
    %dma_wait3A_70 = tpu.memref_squeeze %dma_wait3A_69 : memref<1x128x32xf32, #tpu.memory_space<vmem>> -> memref<128x32xf32, #tpu.memory_space<vmem>>
    %dma_wait3A_71 = arith.constant 0 : i32
    %dma_wait3A_72 = tpu.memref_slice %arg7[%dma_wait3A_65, %dma_wait3A_66, %dma_wait3A_71] : memref<2x2x128xi32, #tpu.memory_space<vmem>> -> memref<1x1x128xi32, #tpu.memory_space<vmem>>
    %dma_wait3A_73 = tpu.memref_squeeze %dma_wait3A_72 : memref<1x1x128xi32, #tpu.memory_space<vmem>> -> memref<128xi32, #tpu.memory_space<vmem>>
    %dma_wait3A_74 = arith.constant 0 : i32
    %dma_wait3A_75 = arith.constant 0 : i32
    %dma_wait3A_76 = tpu.memref_slice %arg9[%dma_wait3A_74, %dma_wait3A_75] : memref<50016x32xf32, #tpu.memory_space<vmem_shared>> -> memref<50016x32xf32, #tpu.memory_space<vmem_shared>>
    tpu.wait_indirect_dma semaphore(%arg12 : memref<!tpu.dma_semaphore, #tpu.memory_space<semaphore_mem>>) src(%dma_wait3A_70 : memref<128x32xf32, #tpu.memory_space<vmem>>) dst(%dma_wait3A_76 : memref<50016x32xf32, #tpu.memory_space<vmem_shared>>)
    %dma_wait3A_77 = arith.constant 1 : i32
    %dma_wait3A_78 = arith.constant 1 : i32
    %dma_wait3A_79 = arith.constant 0 : i32
    %dma_wait3A_80 = arith.constant 0 : i32
    %dma_wait3A_81 = arith.constant 0 : i32
    %dma_wait3A_82 = tpu.memref_slice %arg8[%dma_wait3A_77, %dma_wait3A_80, %dma_wait3A_81] : memref<2x256x32xf32, #tpu.memory_space<vmem>> -> memref<1x128x32xf32, #tpu.memory_space<vmem>>
    %dma_wait3A_83 = tpu.memref_squeeze %dma_wait3A_82 : memref<1x128x32xf32, #tpu.memory_space<vmem>> -> memref<128x32xf32, #tpu.memory_space<vmem>>
    %dma_wait3A_84 = arith.constant 0 : i32
    %dma_wait3A_85 = tpu.memref_slice %arg7[%dma_wait3A_78, %dma_wait3A_79, %dma_wait3A_84] : memref<2x2x128xi32, #tpu.memory_space<vmem>> -> memref<1x1x128xi32, #tpu.memory_space<vmem>>
    %dma_wait3A_86 = tpu.memref_squeeze %dma_wait3A_85 : memref<1x1x128xi32, #tpu.memory_space<vmem>> -> memref<128xi32, #tpu.memory_space<vmem>>
    %dma_wait3A_87 = arith.constant 0 : i32
    %dma_wait3A_88 = arith.constant 0 : i32
    %dma_wait3A_89 = tpu.memref_slice %arg9[%dma_wait3A_87, %dma_wait3A_88] : memref<50016x32xf32, #tpu.memory_space<vmem_shared>> -> memref<50016x32xf32, #tpu.memory_space<vmem_shared>>
    tpu.wait_indirect_dma semaphore(%arg13 : memref<!tpu.dma_semaphore, #tpu.memory_space<semaphore_mem>>) src(%dma_wait3A_83 : memref<128x32xf32, #tpu.memory_space<vmem>>) dst(%dma_wait3A_89 : memref<50016x32xf32, #tpu.memory_space<vmem_shared>>)
    %dma_wait3A_90 = arith.constant 1 : i32
    %dma_wait3A_91 = arith.constant 1 : i32
    %dma_wait3A_92 = arith.constant 1 : i32
    %dma_wait3A_93 = arith.constant 128 : i32
    %dma_wait3A_94 = arith.constant 0 : i32
    %dma_wait3A_95 = tpu.memref_slice %arg8[%dma_wait3A_90, %dma_wait3A_93, %dma_wait3A_94] : memref<2x256x32xf32, #tpu.memory_space<vmem>> -> memref<1x128x32xf32, #tpu.memory_space<vmem>>
    %dma_wait3A_96 = tpu.memref_squeeze %dma_wait3A_95 : memref<1x128x32xf32, #tpu.memory_space<vmem>> -> memref<128x32xf32, #tpu.memory_space<vmem>>
    %dma_wait3A_97 = arith.constant 0 : i32
    %dma_wait3A_98 = tpu.memref_slice %arg7[%dma_wait3A_91, %dma_wait3A_92, %dma_wait3A_97] : memref<2x2x128xi32, #tpu.memory_space<vmem>> -> memref<1x1x128xi32, #tpu.memory_space<vmem>>
    %dma_wait3A_99 = tpu.memref_squeeze %dma_wait3A_98 : memref<1x1x128xi32, #tpu.memory_space<vmem>> -> memref<128xi32, #tpu.memory_space<vmem>>
    %dma_wait3A_100 = arith.constant 0 : i32
    %dma_wait3A_101 = arith.constant 0 : i32
    %dma_wait3A_102 = tpu.memref_slice %arg9[%dma_wait3A_100, %dma_wait3A_101] : memref<50016x32xf32, #tpu.memory_space<vmem_shared>> -> memref<50016x32xf32, #tpu.memory_space<vmem_shared>>
    tpu.wait_indirect_dma semaphore(%arg13 : memref<!tpu.dma_semaphore, #tpu.memory_space<semaphore_mem>>) src(%dma_wait3A_96 : memref<128x32xf32, #tpu.memory_space<vmem>>) dst(%dma_wait3A_102 : memref<50016x32xf32, #tpu.memory_space<vmem_shared>>)
    %barrier3A_103 = arith.constant 0 : index
    tpu.barrier barrier_id(%barrier3A_103)
    %mul3A_104 = arith.constant 3125 : i32
    %mul3A_105 = arith.muli %arg1, %mul3A_104 : i32
    %mul3A_106 = arith.constant 3125 : i32
    %mul3A_107 = arith.muli %arg1, %mul3A_106 : i32
    %add3A_108 = arith.addi %mul3A_0, %mul3A_107 : i32
    "tpu.region"() ({
      %run_scoped3A = tpu.sem_alloc : memref<!tpu.dma_semaphore, #tpu.memory_space<semaphore_mem>>
      %dma_start3A_109 = arith.constant 0 : i32
      %dma_start3A_110 = tpu.memref_slice %arg5[%add3A_108, %dma_start3A_109] : memref<100000x32xf32, #tpu.memory_space<hbm>> -> memref<3125x32xf32, #tpu.memory_space<hbm>>
      %dma_start3A_111 = arith.constant 0 : i32
      %dma_start3A_112 = tpu.memref_slice %arg9[%mul3A_105, %dma_start3A_111] : memref<50016x32xf32, #tpu.memory_space<vmem_shared>> -> memref<3125x32xf32, #tpu.memory_space<vmem_shared>>
      tpu.enqueue_dma source(%dma_start3A_112 : memref<3125x32xf32, #tpu.memory_space<vmem_shared>>) target(%dma_start3A_110 : memref<3125x32xf32, #tpu.memory_space<hbm>>) target_semaphore(%run_scoped3A : memref<!tpu.dma_semaphore, #tpu.memory_space<semaphore_mem>>)
      %dma_wait3A_113 = arith.constant 0 : i32
      %dma_wait3A_114 = tpu.memref_slice %arg5[%add3A_108, %dma_wait3A_113] : memref<100000x32xf32, #tpu.memory_space<hbm>> -> memref<3125x32xf32, #tpu.memory_space<hbm>>
      %dma_wait3A_115 = arith.constant 0 : i32
      %dma_wait3A_116 = tpu.memref_slice %arg9[%mul3A_105, %dma_wait3A_115] : memref<50016x32xf32, #tpu.memory_space<vmem_shared>> -> memref<3125x32xf32, #tpu.memory_space<vmem_shared>>
      tpu.wait_dma2 semaphore(%run_scoped3A : memref<!tpu.dma_semaphore, #tpu.memory_space<semaphore_mem>>) src(%dma_wait3A_116 : memref<3125x32xf32, #tpu.memory_space<vmem_shared>>) dst(%dma_wait3A_114 : memref<3125x32xf32, #tpu.memory_space<hbm>>)
      tpu.yield
    }) : () -> ()
    return
  }
}

#map = affine_map<(d0, d1) -> (0, 0)>
module attributes {stable_mosaic.version = 14 : i64} {
  func.func @k(%arg0: i32, %arg1: i32, %arg2: memref<100000x32xf32, #tpu.memory_space<hbm>>, %arg3: memref<3584x448xi32, #tpu.memory_space<hbm>>, %arg4: memref<3584x448xi32, #tpu.memory_space<hbm>>, %arg5: memref<1605632x32xf32, #tpu.memory_space<hbm>>, %arg6: memref<1605632x32xf32, #tpu.memory_space<hbm>>, %arg7: memref<2x1x448xi32, #tpu.memory_space<vmem>>, %arg8: memref<2x1x448xi32, #tpu.memory_space<vmem>>, %arg9: memref<2x448x32xf32, #tpu.memory_space<vmem>>, %arg10: memref<2x448x32xf32, #tpu.memory_space<vmem>>, %arg11: memref<!tpu.dma_semaphore, #tpu.memory_space<semaphore_mem>>, %arg12: memref<!tpu.dma_semaphore, #tpu.memory_space<semaphore_mem>>, %arg13: memref<!tpu.dma_semaphore, #tpu.memory_space<semaphore_mem>>, %arg14: memref<!tpu.dma_semaphore, #tpu.memory_space<semaphore_mem>>, %arg15: memref<!tpu.dma_semaphore, #tpu.memory_space<semaphore_mem>>) attributes {dimension_semantics = [#tpu.dimension_semantics<core_parallel>, #tpu.dimension_semantics<subcore_parallel>], iteration_bounds = array<i64: 2, 16>, scalar_prefetch = 0 : i64, scratch_operands = 9 : i64, tpu.core_type = #tpu.core_type<sc_vector_subcore>, window_params = [{transform_indices = #map}, {transform_indices = #map}, {transform_indices = #map}, {transform_indices = #map}, {transform_indices = #map}]} {
    %mul3A = arith.constant 2 : i32
    %mul3A_0 = arith.muli %arg1, %mul3A : i32
    %add3A = arith.addi %mul3A_0, %arg0 : i32
    %mul3A_1 = arith.constant 50176 : i32
    %mul3A_2 = arith.muli %add3A, %mul3A_1 : i32
    %add3A_3 = arith.constant 0 : i32
    %add3A_4 = arith.addi %mul3A_2, %add3A_3 : i32
    %jit3A = arith.constant 448 : i32
    %div3A = arith.divsi %add3A_4, %jit3A : i32
    %sign3A = arith.constant 0 : i32
    %sign3A_5 = arith.cmpi sgt, %add3A_4, %sign3A : i32
    %sign3A_6 = arith.extui %sign3A_5 : i1 to i32
    %sign3A_7 = arith.constant 0 : i32
    %sign3A_8 = arith.cmpi slt, %add3A_4, %sign3A_7 : i32
    %sign3A_9 = arith.extui %sign3A_8 : i1 to i32
    %sign3A_10 = arith.subi %sign3A_6, %sign3A_9 : i32
    %sign3A_11 = arith.constant 0 : i32
    %sign3A_12 = arith.cmpi sgt, %jit3A, %sign3A_11 : i32
    %sign3A_13 = arith.extui %sign3A_12 : i1 to i32
    %sign3A_14 = arith.constant 0 : i32
    %sign3A_15 = arith.cmpi slt, %jit3A, %sign3A_14 : i32
    %sign3A_16 = arith.extui %sign3A_15 : i1 to i32
    %sign3A_17 = arith.subi %sign3A_13, %sign3A_16 : i32
    %ne3A = arith.cmpi ne, %sign3A_10, %sign3A_17 : i32
    %rem3A = arith.remsi %add3A_4, %jit3A : i32
    %ne3A_18 = arith.constant 0 : i32
    %ne3A_19 = arith.cmpi ne, %rem3A, %ne3A_18 : i32
    %and3A = arith.andi %ne3A, %ne3A_19 : i1
    %sub3A = arith.constant 1 : i32
    %sub3A_20 = arith.subi %div3A, %sub3A : i32
    %select_n3A = arith.select %and3A, %sub3A_20, %div3A : i32
    %dma_start3A = arith.constant 0 : i32
    %dma_start3A_21 = arith.constant 0 : i32
    %dma_start3A_22 = arith.constant 0 : i32
    %dma_start3A_23 = tpu.memref_slice %arg7[%dma_start3A, %dma_start3A_21, %dma_start3A_22] : memref<2x1x448xi32, #tpu.memory_space<vmem>> -> memref<1x1x448xi32, #tpu.memory_space<vmem>>
    %dma_start3A_24 = tpu.memref_squeeze %dma_start3A_23 : memref<1x1x448xi32, #tpu.memory_space<vmem>> -> memref<1x448xi32, #tpu.memory_space<vmem>>
    %dma_start3A_25 = arith.constant 0 : i32
    %dma_start3A_26 = tpu.memref_slice %arg3[%select_n3A, %dma_start3A_25] : memref<3584x448xi32, #tpu.memory_space<hbm>> -> memref<1x448xi32, #tpu.memory_space<hbm>>
    %dma_start3A_27 = arith.constant 0 : i32
    %dma_start3A_28 = arith.constant 0 : i32
    %dma_start3A_29 = tpu.memref_slice %arg7[%dma_start3A, %dma_start3A_27, %dma_start3A_28] : memref<2x1x448xi32, #tpu.memory_space<vmem>> -> memref<1x1x448xi32, #tpu.memory_space<vmem>>
    %dma_start3A_30 = tpu.memref_squeeze %dma_start3A_29 : memref<1x1x448xi32, #tpu.memory_space<vmem>> -> memref<1x448xi32, #tpu.memory_space<vmem>>
    %dma_start3A_31 = arith.constant 0 : i32
    %dma_start3A_32 = tpu.memref_slice %arg3[%select_n3A, %dma_start3A_31] : memref<3584x448xi32, #tpu.memory_space<hbm>> -> memref<1x448xi32, #tpu.memory_space<hbm>>
    tpu.enqueue_dma source(%dma_start3A_32 : memref<1x448xi32, #tpu.memory_space<hbm>>) target(%dma_start3A_30 : memref<1x448xi32, #tpu.memory_space<vmem>>) target_semaphore(%arg11 : memref<!tpu.dma_semaphore, #tpu.memory_space<semaphore_mem>>)
    %dma_start3A_33 = arith.constant 0 : i32
    %dma_start3A_34 = arith.constant 0 : i32
    %dma_start3A_35 = arith.constant 0 : i32
    %dma_start3A_36 = tpu.memref_slice %arg8[%dma_start3A_33, %dma_start3A_34, %dma_start3A_35] : memref<2x1x448xi32, #tpu.memory_space<vmem>> -> memref<1x1x448xi32, #tpu.memory_space<vmem>>
    %dma_start3A_37 = tpu.memref_squeeze %dma_start3A_36 : memref<1x1x448xi32, #tpu.memory_space<vmem>> -> memref<1x448xi32, #tpu.memory_space<vmem>>
    %dma_start3A_38 = arith.constant 0 : i32
    %dma_start3A_39 = tpu.memref_slice %arg4[%select_n3A, %dma_start3A_38] : memref<3584x448xi32, #tpu.memory_space<hbm>> -> memref<1x448xi32, #tpu.memory_space<hbm>>
    %dma_start3A_40 = arith.constant 0 : i32
    %dma_start3A_41 = arith.constant 0 : i32
    %dma_start3A_42 = tpu.memref_slice %arg8[%dma_start3A_33, %dma_start3A_40, %dma_start3A_41] : memref<2x1x448xi32, #tpu.memory_space<vmem>> -> memref<1x1x448xi32, #tpu.memory_space<vmem>>
    %dma_start3A_43 = tpu.memref_squeeze %dma_start3A_42 : memref<1x1x448xi32, #tpu.memory_space<vmem>> -> memref<1x448xi32, #tpu.memory_space<vmem>>
    %dma_start3A_44 = arith.constant 0 : i32
    %dma_start3A_45 = tpu.memref_slice %arg4[%select_n3A, %dma_start3A_44] : memref<3584x448xi32, #tpu.memory_space<hbm>> -> memref<1x448xi32, #tpu.memory_space<hbm>>
    tpu.enqueue_dma source(%dma_start3A_45 : memref<1x448xi32, #tpu.memory_space<hbm>>) target(%dma_start3A_43 : memref<1x448xi32, #tpu.memory_space<vmem>>) target_semaphore(%arg11 : memref<!tpu.dma_semaphore, #tpu.memory_space<semaphore_mem>>)
    %scan3A = arith.constant 0 : i32
    %scan3A_46 = arith.constant 0 : i32
    %scan3A_47 = arith.constant 56 : i32
    %scan3A_48 = arith.addi %scan3A_46, %scan3A_47 : i32
    %scan3A_49 = arith.constant 1 : i32
    scf.for %scan3A_110 = %scan3A_46 to %scan3A_48 step %scan3A_49  : i32 {
      %mul3A_111 = arith.constant 2 : i32
      %mul3A_112 = arith.muli %scan3A_110, %mul3A_111 : i32
      %add3A_113 = arith.constant 0 : i32
      %add3A_114 = arith.addi %mul3A_112, %add3A_113 : i32
      %dma_wait3A_115 = arith.constant 0 : i32
      %dma_wait3A_116 = arith.constant 0 : i32
      %dma_wait3A_117 = arith.constant 0 : i32
      %dma_wait3A_118 = tpu.memref_slice %arg7[%dma_wait3A_115, %dma_wait3A_116, %dma_wait3A_117] : memref<2x1x448xi32, #tpu.memory_space<vmem>> -> memref<1x1x448xi32, #tpu.memory_space<vmem>>
      %dma_wait3A_119 = tpu.memref_squeeze %dma_wait3A_118 : memref<1x1x448xi32, #tpu.memory_space<vmem>> -> memref<1x448xi32, #tpu.memory_space<vmem>>
      %dma_wait3A_120 = arith.constant 0 : i32
      %dma_wait3A_121 = arith.constant 0 : i32
      %dma_wait3A_122 = tpu.memref_slice %arg3[%dma_wait3A_120, %dma_wait3A_121] : memref<3584x448xi32, #tpu.memory_space<hbm>> -> memref<1x448xi32, #tpu.memory_space<hbm>>
      %dma_wait3A_123 = arith.constant 0 : i32
      %dma_wait3A_124 = arith.constant 0 : i32
      %dma_wait3A_125 = tpu.memref_slice %arg7[%dma_wait3A_115, %dma_wait3A_123, %dma_wait3A_124] : memref<2x1x448xi32, #tpu.memory_space<vmem>> -> memref<1x1x448xi32, #tpu.memory_space<vmem>>
      %dma_wait3A_126 = tpu.memref_squeeze %dma_wait3A_125 : memref<1x1x448xi32, #tpu.memory_space<vmem>> -> memref<1x448xi32, #tpu.memory_space<vmem>>
      %dma_wait3A_127 = arith.constant 0 : i32
      %dma_wait3A_128 = arith.constant 0 : i32
      %dma_wait3A_129 = tpu.memref_slice %arg3[%dma_wait3A_127, %dma_wait3A_128] : memref<3584x448xi32, #tpu.memory_space<hbm>> -> memref<1x448xi32, #tpu.memory_space<hbm>>
      tpu.wait_dma2 semaphore(%arg11 : memref<!tpu.dma_semaphore, #tpu.memory_space<semaphore_mem>>) src(%dma_wait3A_129 : memref<1x448xi32, #tpu.memory_space<hbm>>) dst(%dma_wait3A_126 : memref<1x448xi32, #tpu.memory_space<vmem>>)
      %dma_wait3A_130 = arith.constant 0 : i32
      %dma_wait3A_131 = arith.constant 0 : i32
      %dma_wait3A_132 = arith.constant 0 : i32
      %dma_wait3A_133 = tpu.memref_slice %arg8[%dma_wait3A_130, %dma_wait3A_131, %dma_wait3A_132] : memref<2x1x448xi32, #tpu.memory_space<vmem>> -> memref<1x1x448xi32, #tpu.memory_space<vmem>>
      %dma_wait3A_134 = tpu.memref_squeeze %dma_wait3A_133 : memref<1x1x448xi32, #tpu.memory_space<vmem>> -> memref<1x448xi32, #tpu.memory_space<vmem>>
      %dma_wait3A_135 = arith.constant 0 : i32
      %dma_wait3A_136 = arith.constant 0 : i32
      %dma_wait3A_137 = tpu.memref_slice %arg4[%dma_wait3A_135, %dma_wait3A_136] : memref<3584x448xi32, #tpu.memory_space<hbm>> -> memref<1x448xi32, #tpu.memory_space<hbm>>
      %dma_wait3A_138 = arith.constant 0 : i32
      %dma_wait3A_139 = arith.constant 0 : i32
      %dma_wait3A_140 = tpu.memref_slice %arg8[%dma_wait3A_130, %dma_wait3A_138, %dma_wait3A_139] : memref<2x1x448xi32, #tpu.memory_space<vmem>> -> memref<1x1x448xi32, #tpu.memory_space<vmem>>
      %dma_wait3A_141 = tpu.memref_squeeze %dma_wait3A_140 : memref<1x1x448xi32, #tpu.memory_space<vmem>> -> memref<1x448xi32, #tpu.memory_space<vmem>>
      %dma_wait3A_142 = arith.constant 0 : i32
      %dma_wait3A_143 = arith.constant 0 : i32
      %dma_wait3A_144 = tpu.memref_slice %arg4[%dma_wait3A_142, %dma_wait3A_143] : memref<3584x448xi32, #tpu.memory_space<hbm>> -> memref<1x448xi32, #tpu.memory_space<hbm>>
      tpu.wait_dma2 semaphore(%arg11 : memref<!tpu.dma_semaphore, #tpu.memory_space<semaphore_mem>>) src(%dma_wait3A_144 : memref<1x448xi32, #tpu.memory_space<hbm>>) dst(%dma_wait3A_141 : memref<1x448xi32, #tpu.memory_space<vmem>>)
      %add3A_145 = arith.constant 1 : i32
      %add3A_146 = arith.addi %add3A_114, %add3A_145 : i32
      %lt3A = arith.constant 112 : i32
      %lt3A_147 = arith.cmpi slt, %add3A_146, %lt3A : i32
      %convert_element_type3A = arith.extui %lt3A_147 : i1 to i32
      %cond3A = arith.constant 0 : i32
      %cond3A_148 = arith.cmpi ne, %convert_element_type3A, %cond3A : i32
      scf.if %cond3A_148 {
        %add3A_361 = arith.constant 1 : i32
        %add3A_362 = arith.addi %add3A_114, %add3A_361 : i32
        %mul3A_363 = arith.constant 448 : i32
        %mul3A_364 = arith.muli %add3A_362, %mul3A_363 : i32
        %add3A_365 = arith.addi %mul3A_2, %mul3A_364 : i32
        %jit3A_366 = arith.constant 448 : i32
        %div3A_367 = arith.divsi %add3A_365, %jit3A_366 : i32
        %sign3A_368 = arith.constant 0 : i32
        %sign3A_369 = arith.cmpi sgt, %add3A_365, %sign3A_368 : i32
        %sign3A_370 = arith.extui %sign3A_369 : i1 to i32
        %sign3A_371 = arith.constant 0 : i32
        %sign3A_372 = arith.cmpi slt, %add3A_365, %sign3A_371 : i32
        %sign3A_373 = arith.extui %sign3A_372 : i1 to i32
        %sign3A_374 = arith.subi %sign3A_370, %sign3A_373 : i32
        %sign3A_375 = arith.constant 0 : i32
        %sign3A_376 = arith.cmpi sgt, %jit3A_366, %sign3A_375 : i32
        %sign3A_377 = arith.extui %sign3A_376 : i1 to i32
        %sign3A_378 = arith.constant 0 : i32
        %sign3A_379 = arith.cmpi slt, %jit3A_366, %sign3A_378 : i32
        %sign3A_380 = arith.extui %sign3A_379 : i1 to i32
        %sign3A_381 = arith.subi %sign3A_377, %sign3A_380 : i32
        %ne3A_382 = arith.cmpi ne, %sign3A_374, %sign3A_381 : i32
        %rem3A_383 = arith.remsi %add3A_365, %jit3A_366 : i32
        %ne3A_384 = arith.constant 0 : i32
        %ne3A_385 = arith.cmpi ne, %rem3A_383, %ne3A_384 : i32
        %and3A_386 = arith.andi %ne3A_382, %ne3A_385 : i1
        %sub3A_387 = arith.constant 1 : i32
        %sub3A_388 = arith.subi %div3A_367, %sub3A_387 : i32
        %select_n3A_389 = arith.select %and3A_386, %sub3A_388, %div3A_367 : i32
        %dma_start3A_390 = arith.constant 1 : i32
        %dma_start3A_391 = arith.constant 0 : i32
        %dma_start3A_392 = arith.constant 0 : i32
        %dma_start3A_393 = tpu.memref_slice %arg7[%dma_start3A_390, %dma_start3A_391, %dma_start3A_392] : memref<2x1x448xi32, #tpu.memory_space<vmem>> -> memref<1x1x448xi32, #tpu.memory_space<vmem>>
        %dma_start3A_394 = tpu.memref_squeeze %dma_start3A_393 : memref<1x1x448xi32, #tpu.memory_space<vmem>> -> memref<1x448xi32, #tpu.memory_space<vmem>>
        %dma_start3A_395 = arith.constant 0 : i32
        %dma_start3A_396 = tpu.memref_slice %arg3[%select_n3A_389, %dma_start3A_395] : memref<3584x448xi32, #tpu.memory_space<hbm>> -> memref<1x448xi32, #tpu.memory_space<hbm>>
        %dma_start3A_397 = arith.constant 0 : i32
        %dma_start3A_398 = arith.constant 0 : i32
        %dma_start3A_399 = tpu.memref_slice %arg7[%dma_start3A_390, %dma_start3A_397, %dma_start3A_398] : memref<2x1x448xi32, #tpu.memory_space<vmem>> -> memref<1x1x448xi32, #tpu.memory_space<vmem>>
        %dma_start3A_400 = tpu.memref_squeeze %dma_start3A_399 : memref<1x1x448xi32, #tpu.memory_space<vmem>> -> memref<1x448xi32, #tpu.memory_space<vmem>>
        %dma_start3A_401 = arith.constant 0 : i32
        %dma_start3A_402 = tpu.memref_slice %arg3[%select_n3A_389, %dma_start3A_401] : memref<3584x448xi32, #tpu.memory_space<hbm>> -> memref<1x448xi32, #tpu.memory_space<hbm>>
        tpu.enqueue_dma source(%dma_start3A_402 : memref<1x448xi32, #tpu.memory_space<hbm>>) target(%dma_start3A_400 : memref<1x448xi32, #tpu.memory_space<vmem>>) target_semaphore(%arg12 : memref<!tpu.dma_semaphore, #tpu.memory_space<semaphore_mem>>)
        %dma_start3A_403 = arith.constant 1 : i32
        %dma_start3A_404 = arith.constant 0 : i32
        %dma_start3A_405 = arith.constant 0 : i32
        %dma_start3A_406 = tpu.memref_slice %arg8[%dma_start3A_403, %dma_start3A_404, %dma_start3A_405] : memref<2x1x448xi32, #tpu.memory_space<vmem>> -> memref<1x1x448xi32, #tpu.memory_space<vmem>>
        %dma_start3A_407 = tpu.memref_squeeze %dma_start3A_406 : memref<1x1x448xi32, #tpu.memory_space<vmem>> -> memref<1x448xi32, #tpu.memory_space<vmem>>
        %dma_start3A_408 = arith.constant 0 : i32
        %dma_start3A_409 = tpu.memref_slice %arg4[%select_n3A_389, %dma_start3A_408] : memref<3584x448xi32, #tpu.memory_space<hbm>> -> memref<1x448xi32, #tpu.memory_space<hbm>>
        %dma_start3A_410 = arith.constant 0 : i32
        %dma_start3A_411 = arith.constant 0 : i32
        %dma_start3A_412 = tpu.memref_slice %arg8[%dma_start3A_403, %dma_start3A_410, %dma_start3A_411] : memref<2x1x448xi32, #tpu.memory_space<vmem>> -> memref<1x1x448xi32, #tpu.memory_space<vmem>>
        %dma_start3A_413 = tpu.memref_squeeze %dma_start3A_412 : memref<1x1x448xi32, #tpu.memory_space<vmem>> -> memref<1x448xi32, #tpu.memory_space<vmem>>
        %dma_start3A_414 = arith.constant 0 : i32
        %dma_start3A_415 = tpu.memref_slice %arg4[%select_n3A_389, %dma_start3A_414] : memref<3584x448xi32, #tpu.memory_space<hbm>> -> memref<1x448xi32, #tpu.memory_space<hbm>>
        tpu.enqueue_dma source(%dma_start3A_415 : memref<1x448xi32, #tpu.memory_space<hbm>>) target(%dma_start3A_413 : memref<1x448xi32, #tpu.memory_space<vmem>>) target_semaphore(%arg12 : memref<!tpu.dma_semaphore, #tpu.memory_space<semaphore_mem>>)
      } else {
      }
      %ge3A = arith.constant 2 : i32
      %ge3A_149 = arith.cmpi sge, %add3A_114, %ge3A : i32
      %convert_element_type3A_150 = arith.extui %ge3A_149 : i1 to i32
      %cond3A_151 = arith.constant 0 : i32
      %cond3A_152 = arith.cmpi ne, %convert_element_type3A_150, %cond3A_151 : i32
      scf.if %cond3A_152 {
        %dma_wait3A_361 = arith.constant 0 : i32
        %dma_wait3A_362 = arith.constant 0 : i32
        %dma_wait3A_363 = arith.constant 0 : i32
        %dma_wait3A_364 = tpu.memref_slice %arg9[%dma_wait3A_361, %dma_wait3A_362, %dma_wait3A_363] : memref<2x448x32xf32, #tpu.memory_space<vmem>> -> memref<1x448x32xf32, #tpu.memory_space<vmem>>
        %dma_wait3A_365 = tpu.memref_squeeze %dma_wait3A_364 : memref<1x448x32xf32, #tpu.memory_space<vmem>> -> memref<448x32xf32, #tpu.memory_space<vmem>>
        %dma_wait3A_366 = arith.constant 0 : i32
        %dma_wait3A_367 = arith.constant 0 : i32
        %dma_wait3A_368 = tpu.memref_slice %arg5[%dma_wait3A_366, %dma_wait3A_367] : memref<1605632x32xf32, #tpu.memory_space<hbm>> -> memref<448x32xf32, #tpu.memory_space<hbm>>
        %dma_wait3A_369 = arith.constant 0 : i32
        %dma_wait3A_370 = arith.constant 0 : i32
        %dma_wait3A_371 = tpu.memref_slice %arg5[%dma_wait3A_369, %dma_wait3A_370] : memref<1605632x32xf32, #tpu.memory_space<hbm>> -> memref<448x32xf32, #tpu.memory_space<hbm>>
        %dma_wait3A_372 = arith.constant 0 : i32
        %dma_wait3A_373 = arith.constant 0 : i32
        %dma_wait3A_374 = tpu.memref_slice %arg9[%dma_wait3A_361, %dma_wait3A_372, %dma_wait3A_373] : memref<2x448x32xf32, #tpu.memory_space<vmem>> -> memref<1x448x32xf32, #tpu.memory_space<vmem>>
        %dma_wait3A_375 = tpu.memref_squeeze %dma_wait3A_374 : memref<1x448x32xf32, #tpu.memory_space<vmem>> -> memref<448x32xf32, #tpu.memory_space<vmem>>
        tpu.wait_dma2 semaphore(%arg13 : memref<!tpu.dma_semaphore, #tpu.memory_space<semaphore_mem>>) src(%dma_wait3A_375 : memref<448x32xf32, #tpu.memory_space<vmem>>) dst(%dma_wait3A_371 : memref<448x32xf32, #tpu.memory_space<hbm>>)
        %dma_wait3A_376 = arith.constant 0 : i32
        %dma_wait3A_377 = arith.constant 0 : i32
        %dma_wait3A_378 = arith.constant 0 : i32
        %dma_wait3A_379 = tpu.memref_slice %arg10[%dma_wait3A_376, %dma_wait3A_377, %dma_wait3A_378] : memref<2x448x32xf32, #tpu.memory_space<vmem>> -> memref<1x448x32xf32, #tpu.memory_space<vmem>>
        %dma_wait3A_380 = tpu.memref_squeeze %dma_wait3A_379 : memref<1x448x32xf32, #tpu.memory_space<vmem>> -> memref<448x32xf32, #tpu.memory_space<vmem>>
        %dma_wait3A_381 = arith.constant 0 : i32
        %dma_wait3A_382 = arith.constant 0 : i32
        %dma_wait3A_383 = tpu.memref_slice %arg6[%dma_wait3A_381, %dma_wait3A_382] : memref<1605632x32xf32, #tpu.memory_space<hbm>> -> memref<448x32xf32, #tpu.memory_space<hbm>>
        %dma_wait3A_384 = arith.constant 0 : i32
        %dma_wait3A_385 = arith.constant 0 : i32
        %dma_wait3A_386 = tpu.memref_slice %arg6[%dma_wait3A_384, %dma_wait3A_385] : memref<1605632x32xf32, #tpu.memory_space<hbm>> -> memref<448x32xf32, #tpu.memory_space<hbm>>
        %dma_wait3A_387 = arith.constant 0 : i32
        %dma_wait3A_388 = arith.constant 0 : i32
        %dma_wait3A_389 = tpu.memref_slice %arg10[%dma_wait3A_376, %dma_wait3A_387, %dma_wait3A_388] : memref<2x448x32xf32, #tpu.memory_space<vmem>> -> memref<1x448x32xf32, #tpu.memory_space<vmem>>
        %dma_wait3A_390 = tpu.memref_squeeze %dma_wait3A_389 : memref<1x448x32xf32, #tpu.memory_space<vmem>> -> memref<448x32xf32, #tpu.memory_space<vmem>>
        tpu.wait_dma2 semaphore(%arg13 : memref<!tpu.dma_semaphore, #tpu.memory_space<semaphore_mem>>) src(%dma_wait3A_390 : memref<448x32xf32, #tpu.memory_space<vmem>>) dst(%dma_wait3A_386 : memref<448x32xf32, #tpu.memory_space<hbm>>)
      } else {
      }
      %dma_start3A_153 = arith.constant 0 : i32
      %dma_start3A_154 = arith.constant 0 : i32
      %dma_start3A_155 = arith.constant 0 : i32
      %dma_start3A_156 = arith.constant 0 : i32
      %dma_start3A_157 = arith.constant 0 : i32
      %dma_start3A_158 = tpu.memref_slice %arg9[%dma_start3A_155, %dma_start3A_156, %dma_start3A_157] : memref<2x448x32xf32, #tpu.memory_space<vmem>> -> memref<1x448x32xf32, #tpu.memory_space<vmem>>
      %dma_start3A_159 = tpu.memref_squeeze %dma_start3A_158 : memref<1x448x32xf32, #tpu.memory_space<vmem>> -> memref<448x32xf32, #tpu.memory_space<vmem>>
      %dma_start3A_160 = arith.constant 0 : i32
      %dma_start3A_161 = tpu.memref_slice %arg7[%dma_start3A_153, %dma_start3A_154, %dma_start3A_160] : memref<2x1x448xi32, #tpu.memory_space<vmem>> -> memref<1x1x448xi32, #tpu.memory_space<vmem>>
      %dma_start3A_162 = tpu.memref_squeeze %dma_start3A_161 : memref<1x1x448xi32, #tpu.memory_space<vmem>> -> memref<448xi32, #tpu.memory_space<vmem>>
      %dma_start3A_163 = arith.constant 0 : i32
      %dma_start3A_164 = arith.constant 0 : i32
      %dma_start3A_165 = tpu.memref_slice %arg2[%dma_start3A_163, %dma_start3A_164] : memref<100000x32xf32, #tpu.memory_space<hbm>> -> memref<100000x32xf32, #tpu.memory_space<hbm>>
      tpu.enqueue_indirect_dma source(%dma_start3A_165 : memref<100000x32xf32, #tpu.memory_space<hbm>>) target(%dma_start3A_159 : memref<448x32xf32, #tpu.memory_space<vmem>>) offsets(%dma_start3A_162 : memref<448xi32, #tpu.memory_space<vmem>>) semaphore(%arg15 : memref<!tpu.dma_semaphore, #tpu.memory_space<semaphore_mem>>)
      %dma_start3A_166 = arith.constant 0 : i32
      %dma_start3A_167 = arith.constant 0 : i32
      %dma_start3A_168 = arith.constant 0 : i32
      %dma_start3A_169 = arith.constant 0 : i32
      %dma_start3A_170 = arith.constant 0 : i32
      %dma_start3A_171 = tpu.memref_slice %arg10[%dma_start3A_168, %dma_start3A_169, %dma_start3A_170] : memref<2x448x32xf32, #tpu.memory_space<vmem>> -> memref<1x448x32xf32, #tpu.memory_space<vmem>>
      %dma_start3A_172 = tpu.memref_squeeze %dma_start3A_171 : memref<1x448x32xf32, #tpu.memory_space<vmem>> -> memref<448x32xf32, #tpu.memory_space<vmem>>
      %dma_start3A_173 = arith.constant 0 : i32
      %dma_start3A_174 = tpu.memref_slice %arg8[%dma_start3A_166, %dma_start3A_167, %dma_start3A_173] : memref<2x1x448xi32, #tpu.memory_space<vmem>> -> memref<1x1x448xi32, #tpu.memory_space<vmem>>
      %dma_start3A_175 = tpu.memref_squeeze %dma_start3A_174 : memref<1x1x448xi32, #tpu.memory_space<vmem>> -> memref<448xi32, #tpu.memory_space<vmem>>
      %dma_start3A_176 = arith.constant 0 : i32
      %dma_start3A_177 = arith.constant 0 : i32
      %dma_start3A_178 = tpu.memref_slice %arg2[%dma_start3A_176, %dma_start3A_177] : memref<100000x32xf32, #tpu.memory_space<hbm>> -> memref<100000x32xf32, #tpu.memory_space<hbm>>
      tpu.enqueue_indirect_dma source(%dma_start3A_178 : memref<100000x32xf32, #tpu.memory_space<hbm>>) target(%dma_start3A_172 : memref<448x32xf32, #tpu.memory_space<vmem>>) offsets(%dma_start3A_175 : memref<448xi32, #tpu.memory_space<vmem>>) semaphore(%arg15 : memref<!tpu.dma_semaphore, #tpu.memory_space<semaphore_mem>>)
      %dma_wait3A_179 = arith.constant 0 : i32
      %dma_wait3A_180 = arith.constant 0 : i32
      %dma_wait3A_181 = arith.constant 0 : i32
      %dma_wait3A_182 = arith.constant 0 : i32
      %dma_wait3A_183 = arith.constant 0 : i32
      %dma_wait3A_184 = tpu.memref_slice %arg9[%dma_wait3A_181, %dma_wait3A_182, %dma_wait3A_183] : memref<2x448x32xf32, #tpu.memory_space<vmem>> -> memref<1x448x32xf32, #tpu.memory_space<vmem>>
      %dma_wait3A_185 = tpu.memref_squeeze %dma_wait3A_184 : memref<1x448x32xf32, #tpu.memory_space<vmem>> -> memref<448x32xf32, #tpu.memory_space<vmem>>
      %dma_wait3A_186 = arith.constant 0 : i32
      %dma_wait3A_187 = tpu.memref_slice %arg7[%dma_wait3A_179, %dma_wait3A_180, %dma_wait3A_186] : memref<2x1x448xi32, #tpu.memory_space<vmem>> -> memref<1x1x448xi32, #tpu.memory_space<vmem>>
      %dma_wait3A_188 = tpu.memref_squeeze %dma_wait3A_187 : memref<1x1x448xi32, #tpu.memory_space<vmem>> -> memref<448xi32, #tpu.memory_space<vmem>>
      %dma_wait3A_189 = arith.constant 0 : i32
      %dma_wait3A_190 = arith.constant 0 : i32
      %dma_wait3A_191 = tpu.memref_slice %arg2[%dma_wait3A_189, %dma_wait3A_190] : memref<100000x32xf32, #tpu.memory_space<hbm>> -> memref<100000x32xf32, #tpu.memory_space<hbm>>
      tpu.wait_indirect_dma semaphore(%arg15 : memref<!tpu.dma_semaphore, #tpu.memory_space<semaphore_mem>>) src(%dma_wait3A_191 : memref<100000x32xf32, #tpu.memory_space<hbm>>) dst(%dma_wait3A_185 : memref<448x32xf32, #tpu.memory_space<vmem>>)
      %dma_wait3A_192 = arith.constant 0 : i32
      %dma_wait3A_193 = arith.constant 0 : i32
      %dma_wait3A_194 = arith.constant 0 : i32
      %dma_wait3A_195 = arith.constant 0 : i32
      %dma_wait3A_196 = arith.constant 0 : i32
      %dma_wait3A_197 = tpu.memref_slice %arg10[%dma_wait3A_194, %dma_wait3A_195, %dma_wait3A_196] : memref<2x448x32xf32, #tpu.memory_space<vmem>> -> memref<1x448x32xf32, #tpu.memory_space<vmem>>
      %dma_wait3A_198 = tpu.memref_squeeze %dma_wait3A_197 : memref<1x448x32xf32, #tpu.memory_space<vmem>> -> memref<448x32xf32, #tpu.memory_space<vmem>>
      %dma_wait3A_199 = arith.constant 0 : i32
      %dma_wait3A_200 = tpu.memref_slice %arg8[%dma_wait3A_192, %dma_wait3A_193, %dma_wait3A_199] : memref<2x1x448xi32, #tpu.memory_space<vmem>> -> memref<1x1x448xi32, #tpu.memory_space<vmem>>
      %dma_wait3A_201 = tpu.memref_squeeze %dma_wait3A_200 : memref<1x1x448xi32, #tpu.memory_space<vmem>> -> memref<448xi32, #tpu.memory_space<vmem>>
      %dma_wait3A_202 = arith.constant 0 : i32
      %dma_wait3A_203 = arith.constant 0 : i32
      %dma_wait3A_204 = tpu.memref_slice %arg2[%dma_wait3A_202, %dma_wait3A_203] : memref<100000x32xf32, #tpu.memory_space<hbm>> -> memref<100000x32xf32, #tpu.memory_space<hbm>>
      tpu.wait_indirect_dma semaphore(%arg15 : memref<!tpu.dma_semaphore, #tpu.memory_space<semaphore_mem>>) src(%dma_wait3A_204 : memref<100000x32xf32, #tpu.memory_space<hbm>>) dst(%dma_wait3A_198 : memref<448x32xf32, #tpu.memory_space<vmem>>)
      %mul3A_205 = arith.constant 448 : i32
      %mul3A_206 = arith.muli %add3A_114, %mul3A_205 : i32
      %add3A_207 = arith.addi %mul3A_2, %mul3A_206 : i32
      %dma_start3A_208 = arith.constant 0 : i32
      %dma_start3A_209 = arith.constant 0 : i32
      %dma_start3A_210 = arith.constant 0 : i32
      %dma_start3A_211 = tpu.memref_slice %arg9[%dma_start3A_208, %dma_start3A_209, %dma_start3A_210] : memref<2x448x32xf32, #tpu.memory_space<vmem>> -> memref<1x448x32xf32, #tpu.memory_space<vmem>>
      %dma_start3A_212 = tpu.memref_squeeze %dma_start3A_211 : memref<1x448x32xf32, #tpu.memory_space<vmem>> -> memref<448x32xf32, #tpu.memory_space<vmem>>
      %dma_start3A_213 = arith.constant 0 : i32
      %dma_start3A_214 = tpu.memref_slice %arg5[%add3A_207, %dma_start3A_213] : memref<1605632x32xf32, #tpu.memory_space<hbm>> -> memref<448x32xf32, #tpu.memory_space<hbm>>
      %dma_start3A_215 = arith.constant 0 : i32
      %dma_start3A_216 = tpu.memref_slice %arg5[%add3A_207, %dma_start3A_215] : memref<1605632x32xf32, #tpu.memory_space<hbm>> -> memref<448x32xf32, #tpu.memory_space<hbm>>
      %dma_start3A_217 = arith.constant 0 : i32
      %dma_start3A_218 = arith.constant 0 : i32
      %dma_start3A_219 = tpu.memref_slice %arg9[%dma_start3A_208, %dma_start3A_217, %dma_start3A_218] : memref<2x448x32xf32, #tpu.memory_space<vmem>> -> memref<1x448x32xf32, #tpu.memory_space<vmem>>
      %dma_start3A_220 = tpu.memref_squeeze %dma_start3A_219 : memref<1x448x32xf32, #tpu.memory_space<vmem>> -> memref<448x32xf32, #tpu.memory_space<vmem>>
      tpu.enqueue_dma source(%dma_start3A_220 : memref<448x32xf32, #tpu.memory_space<vmem>>) target(%dma_start3A_216 : memref<448x32xf32, #tpu.memory_space<hbm>>) target_semaphore(%arg13 : memref<!tpu.dma_semaphore, #tpu.memory_space<semaphore_mem>>)
      %dma_start3A_221 = arith.constant 0 : i32
      %dma_start3A_222 = arith.constant 0 : i32
      %dma_start3A_223 = arith.constant 0 : i32
      %dma_start3A_224 = tpu.memref_slice %arg10[%dma_start3A_221, %dma_start3A_222, %dma_start3A_223] : memref<2x448x32xf32, #tpu.memory_space<vmem>> -> memref<1x448x32xf32, #tpu.memory_space<vmem>>
      %dma_start3A_225 = tpu.memref_squeeze %dma_start3A_224 : memref<1x448x32xf32, #tpu.memory_space<vmem>> -> memref<448x32xf32, #tpu.memory_space<vmem>>
      %dma_start3A_226 = arith.constant 0 : i32
      %dma_start3A_227 = tpu.memref_slice %arg6[%add3A_207, %dma_start3A_226] : memref<1605632x32xf32, #tpu.memory_space<hbm>> -> memref<448x32xf32, #tpu.memory_space<hbm>>
      %dma_start3A_228 = arith.constant 0 : i32
      %dma_start3A_229 = tpu.memref_slice %arg6[%add3A_207, %dma_start3A_228] : memref<1605632x32xf32, #tpu.memory_space<hbm>> -> memref<448x32xf32, #tpu.memory_space<hbm>>
      %dma_start3A_230 = arith.constant 0 : i32
      %dma_start3A_231 = arith.constant 0 : i32
      %dma_start3A_232 = tpu.memref_slice %arg10[%dma_start3A_221, %dma_start3A_230, %dma_start3A_231] : memref<2x448x32xf32, #tpu.memory_space<vmem>> -> memref<1x448x32xf32, #tpu.memory_space<vmem>>
      %dma_start3A_233 = tpu.memref_squeeze %dma_start3A_232 : memref<1x448x32xf32, #tpu.memory_space<vmem>> -> memref<448x32xf32, #tpu.memory_space<vmem>>
      tpu.enqueue_dma source(%dma_start3A_233 : memref<448x32xf32, #tpu.memory_space<vmem>>) target(%dma_start3A_229 : memref<448x32xf32, #tpu.memory_space<hbm>>) target_semaphore(%arg13 : memref<!tpu.dma_semaphore, #tpu.memory_space<semaphore_mem>>)
      %mul3A_234 = arith.constant 2 : i32
      %mul3A_235 = arith.muli %scan3A_110, %mul3A_234 : i32
      %add3A_236 = arith.constant 1 : i32
      %add3A_237 = arith.addi %mul3A_235, %add3A_236 : i32
      %dma_wait3A_238 = arith.constant 1 : i32
      %dma_wait3A_239 = arith.constant 0 : i32
      %dma_wait3A_240 = arith.constant 0 : i32
      %dma_wait3A_241 = tpu.memref_slice %arg7[%dma_wait3A_238, %dma_wait3A_239, %dma_wait3A_240] : memref<2x1x448xi32, #tpu.memory_space<vmem>> -> memref<1x1x448xi32, #tpu.memory_space<vmem>>
      %dma_wait3A_242 = tpu.memref_squeeze %dma_wait3A_241 : memref<1x1x448xi32, #tpu.memory_space<vmem>> -> memref<1x448xi32, #tpu.memory_space<vmem>>
      %dma_wait3A_243 = arith.constant 0 : i32
      %dma_wait3A_244 = arith.constant 0 : i32
      %dma_wait3A_245 = tpu.memref_slice %arg3[%dma_wait3A_243, %dma_wait3A_244] : memref<3584x448xi32, #tpu.memory_space<hbm>> -> memref<1x448xi32, #tpu.memory_space<hbm>>
      %dma_wait3A_246 = arith.constant 0 : i32
      %dma_wait3A_247 = arith.constant 0 : i32
      %dma_wait3A_248 = tpu.memref_slice %arg7[%dma_wait3A_238, %dma_wait3A_246, %dma_wait3A_247] : memref<2x1x448xi32, #tpu.memory_space<vmem>> -> memref<1x1x448xi32, #tpu.memory_space<vmem>>
      %dma_wait3A_249 = tpu.memref_squeeze %dma_wait3A_248 : memref<1x1x448xi32, #tpu.memory_space<vmem>> -> memref<1x448xi32, #tpu.memory_space<vmem>>
      %dma_wait3A_250 = arith.constant 0 : i32
      %dma_wait3A_251 = arith.constant 0 : i32
      %dma_wait3A_252 = tpu.memref_slice %arg3[%dma_wait3A_250, %dma_wait3A_251] : memref<3584x448xi32, #tpu.memory_space<hbm>> -> memref<1x448xi32, #tpu.memory_space<hbm>>
      tpu.wait_dma2 semaphore(%arg12 : memref<!tpu.dma_semaphore, #tpu.memory_space<semaphore_mem>>) src(%dma_wait3A_252 : memref<1x448xi32, #tpu.memory_space<hbm>>) dst(%dma_wait3A_249 : memref<1x448xi32, #tpu.memory_space<vmem>>)
      %dma_wait3A_253 = arith.constant 1 : i32
      %dma_wait3A_254 = arith.constant 0 : i32
      %dma_wait3A_255 = arith.constant 0 : i32
      %dma_wait3A_256 = tpu.memref_slice %arg8[%dma_wait3A_253, %dma_wait3A_254, %dma_wait3A_255] : memref<2x1x448xi32, #tpu.memory_space<vmem>> -> memref<1x1x448xi32, #tpu.memory_space<vmem>>
      %dma_wait3A_257 = tpu.memref_squeeze %dma_wait3A_256 : memref<1x1x448xi32, #tpu.memory_space<vmem>> -> memref<1x448xi32, #tpu.memory_space<vmem>>
      %dma_wait3A_258 = arith.constant 0 : i32
      %dma_wait3A_259 = arith.constant 0 : i32
      %dma_wait3A_260 = tpu.memref_slice %arg4[%dma_wait3A_258, %dma_wait3A_259] : memref<3584x448xi32, #tpu.memory_space<hbm>> -> memref<1x448xi32, #tpu.memory_space<hbm>>
      %dma_wait3A_261 = arith.constant 0 : i32
      %dma_wait3A_262 = arith.constant 0 : i32
      %dma_wait3A_263 = tpu.memref_slice %arg8[%dma_wait3A_253, %dma_wait3A_261, %dma_wait3A_262] : memref<2x1x448xi32, #tpu.memory_space<vmem>> -> memref<1x1x448xi32, #tpu.memory_space<vmem>>
      %dma_wait3A_264 = tpu.memref_squeeze %dma_wait3A_263 : memref<1x1x448xi32, #tpu.memory_space<vmem>> -> memref<1x448xi32, #tpu.memory_space<vmem>>
      %dma_wait3A_265 = arith.constant 0 : i32
      %dma_wait3A_266 = arith.constant 0 : i32
      %dma_wait3A_267 = tpu.memref_slice %arg4[%dma_wait3A_265, %dma_wait3A_266] : memref<3584x448xi32, #tpu.memory_space<hbm>> -> memref<1x448xi32, #tpu.memory_space<hbm>>
      tpu.wait_dma2 semaphore(%arg12 : memref<!tpu.dma_semaphore, #tpu.memory_space<semaphore_mem>>) src(%dma_wait3A_267 : memref<1x448xi32, #tpu.memory_space<hbm>>) dst(%dma_wait3A_264 : memref<1x448xi32, #tpu.memory_space<vmem>>)
      %add3A_268 = arith.constant 1 : i32
      %add3A_269 = arith.addi %add3A_237, %add3A_268 : i32
      %lt3A_270 = arith.constant 112 : i32
      %lt3A_271 = arith.cmpi slt, %add3A_269, %lt3A_270 : i32
      %convert_element_type3A_272 = arith.extui %lt3A_271 : i1 to i32
      %cond3A_273 = arith.constant 0 : i32
      %cond3A_274 = arith.cmpi ne, %convert_element_type3A_272, %cond3A_273 : i32
      scf.if %cond3A_274 {
        %add3A_361 = arith.constant 1 : i32
        %add3A_362 = arith.addi %add3A_237, %add3A_361 : i32
        %mul3A_363 = arith.constant 448 : i32
        %mul3A_364 = arith.muli %add3A_362, %mul3A_363 : i32
        %add3A_365 = arith.addi %mul3A_2, %mul3A_364 : i32
        %jit3A_366 = arith.constant 448 : i32
        %div3A_367 = arith.divsi %add3A_365, %jit3A_366 : i32
        %sign3A_368 = arith.constant 0 : i32
        %sign3A_369 = arith.cmpi sgt, %add3A_365, %sign3A_368 : i32
        %sign3A_370 = arith.extui %sign3A_369 : i1 to i32
        %sign3A_371 = arith.constant 0 : i32
        %sign3A_372 = arith.cmpi slt, %add3A_365, %sign3A_371 : i32
        %sign3A_373 = arith.extui %sign3A_372 : i1 to i32
        %sign3A_374 = arith.subi %sign3A_370, %sign3A_373 : i32
        %sign3A_375 = arith.constant 0 : i32
        %sign3A_376 = arith.cmpi sgt, %jit3A_366, %sign3A_375 : i32
        %sign3A_377 = arith.extui %sign3A_376 : i1 to i32
        %sign3A_378 = arith.constant 0 : i32
        %sign3A_379 = arith.cmpi slt, %jit3A_366, %sign3A_378 : i32
        %sign3A_380 = arith.extui %sign3A_379 : i1 to i32
        %sign3A_381 = arith.subi %sign3A_377, %sign3A_380 : i32
        %ne3A_382 = arith.cmpi ne, %sign3A_374, %sign3A_381 : i32
        %rem3A_383 = arith.remsi %add3A_365, %jit3A_366 : i32
        %ne3A_384 = arith.constant 0 : i32
        %ne3A_385 = arith.cmpi ne, %rem3A_383, %ne3A_384 : i32
        %and3A_386 = arith.andi %ne3A_382, %ne3A_385 : i1
        %sub3A_387 = arith.constant 1 : i32
        %sub3A_388 = arith.subi %div3A_367, %sub3A_387 : i32
        %select_n3A_389 = arith.select %and3A_386, %sub3A_388, %div3A_367 : i32
        %dma_start3A_390 = arith.constant 0 : i32
        %dma_start3A_391 = arith.constant 0 : i32
        %dma_start3A_392 = arith.constant 0 : i32
        %dma_start3A_393 = tpu.memref_slice %arg7[%dma_start3A_390, %dma_start3A_391, %dma_start3A_392] : memref<2x1x448xi32, #tpu.memory_space<vmem>> -> memref<1x1x448xi32, #tpu.memory_space<vmem>>
        %dma_start3A_394 = tpu.memref_squeeze %dma_start3A_393 : memref<1x1x448xi32, #tpu.memory_space<vmem>> -> memref<1x448xi32, #tpu.memory_space<vmem>>
        %dma_start3A_395 = arith.constant 0 : i32
        %dma_start3A_396 = tpu.memref_slice %arg3[%select_n3A_389, %dma_start3A_395] : memref<3584x448xi32, #tpu.memory_space<hbm>> -> memref<1x448xi32, #tpu.memory_space<hbm>>
        %dma_start3A_397 = arith.constant 0 : i32
        %dma_start3A_398 = arith.constant 0 : i32
        %dma_start3A_399 = tpu.memref_slice %arg7[%dma_start3A_390, %dma_start3A_397, %dma_start3A_398] : memref<2x1x448xi32, #tpu.memory_space<vmem>> -> memref<1x1x448xi32, #tpu.memory_space<vmem>>
        %dma_start3A_400 = tpu.memref_squeeze %dma_start3A_399 : memref<1x1x448xi32, #tpu.memory_space<vmem>> -> memref<1x448xi32, #tpu.memory_space<vmem>>
        %dma_start3A_401 = arith.constant 0 : i32
        %dma_start3A_402 = tpu.memref_slice %arg3[%select_n3A_389, %dma_start3A_401] : memref<3584x448xi32, #tpu.memory_space<hbm>> -> memref<1x448xi32, #tpu.memory_space<hbm>>
        tpu.enqueue_dma source(%dma_start3A_402 : memref<1x448xi32, #tpu.memory_space<hbm>>) target(%dma_start3A_400 : memref<1x448xi32, #tpu.memory_space<vmem>>) target_semaphore(%arg11 : memref<!tpu.dma_semaphore, #tpu.memory_space<semaphore_mem>>)
        %dma_start3A_403 = arith.constant 0 : i32
        %dma_start3A_404 = arith.constant 0 : i32
        %dma_start3A_405 = arith.constant 0 : i32
        %dma_start3A_406 = tpu.memref_slice %arg8[%dma_start3A_403, %dma_start3A_404, %dma_start3A_405] : memref<2x1x448xi32, #tpu.memory_space<vmem>> -> memref<1x1x448xi32, #tpu.memory_space<vmem>>
        %dma_start3A_407 = tpu.memref_squeeze %dma_start3A_406 : memref<1x1x448xi32, #tpu.memory_space<vmem>> -> memref<1x448xi32, #tpu.memory_space<vmem>>
        %dma_start3A_408 = arith.constant 0 : i32
        %dma_start3A_409 = tpu.memref_slice %arg4[%select_n3A_389, %dma_start3A_408] : memref<3584x448xi32, #tpu.memory_space<hbm>> -> memref<1x448xi32, #tpu.memory_space<hbm>>
        %dma_start3A_410 = arith.constant 0 : i32
        %dma_start3A_411 = arith.constant 0 : i32
        %dma_start3A_412 = tpu.memref_slice %arg8[%dma_start3A_403, %dma_start3A_410, %dma_start3A_411] : memref<2x1x448xi32, #tpu.memory_space<vmem>> -> memref<1x1x448xi32, #tpu.memory_space<vmem>>
        %dma_start3A_413 = tpu.memref_squeeze %dma_start3A_412 : memref<1x1x448xi32, #tpu.memory_space<vmem>> -> memref<1x448xi32, #tpu.memory_space<vmem>>
        %dma_start3A_414 = arith.constant 0 : i32
        %dma_start3A_415 = tpu.memref_slice %arg4[%select_n3A_389, %dma_start3A_414] : memref<3584x448xi32, #tpu.memory_space<hbm>> -> memref<1x448xi32, #tpu.memory_space<hbm>>
        tpu.enqueue_dma source(%dma_start3A_415 : memref<1x448xi32, #tpu.memory_space<hbm>>) target(%dma_start3A_413 : memref<1x448xi32, #tpu.memory_space<vmem>>) target_semaphore(%arg11 : memref<!tpu.dma_semaphore, #tpu.memory_space<semaphore_mem>>)
      } else {
      }
      %ge3A_275 = arith.constant 2 : i32
      %ge3A_276 = arith.cmpi sge, %add3A_237, %ge3A_275 : i32
      %convert_element_type3A_277 = arith.extui %ge3A_276 : i1 to i32
      %cond3A_278 = arith.constant 0 : i32
      %cond3A_279 = arith.cmpi ne, %convert_element_type3A_277, %cond3A_278 : i32
      scf.if %cond3A_279 {
        %dma_wait3A_361 = arith.constant 1 : i32
        %dma_wait3A_362 = arith.constant 0 : i32
        %dma_wait3A_363 = arith.constant 0 : i32
        %dma_wait3A_364 = tpu.memref_slice %arg9[%dma_wait3A_361, %dma_wait3A_362, %dma_wait3A_363] : memref<2x448x32xf32, #tpu.memory_space<vmem>> -> memref<1x448x32xf32, #tpu.memory_space<vmem>>
        %dma_wait3A_365 = tpu.memref_squeeze %dma_wait3A_364 : memref<1x448x32xf32, #tpu.memory_space<vmem>> -> memref<448x32xf32, #tpu.memory_space<vmem>>
        %dma_wait3A_366 = arith.constant 0 : i32
        %dma_wait3A_367 = arith.constant 0 : i32
        %dma_wait3A_368 = tpu.memref_slice %arg5[%dma_wait3A_366, %dma_wait3A_367] : memref<1605632x32xf32, #tpu.memory_space<hbm>> -> memref<448x32xf32, #tpu.memory_space<hbm>>
        %dma_wait3A_369 = arith.constant 0 : i32
        %dma_wait3A_370 = arith.constant 0 : i32
        %dma_wait3A_371 = tpu.memref_slice %arg5[%dma_wait3A_369, %dma_wait3A_370] : memref<1605632x32xf32, #tpu.memory_space<hbm>> -> memref<448x32xf32, #tpu.memory_space<hbm>>
        %dma_wait3A_372 = arith.constant 0 : i32
        %dma_wait3A_373 = arith.constant 0 : i32
        %dma_wait3A_374 = tpu.memref_slice %arg9[%dma_wait3A_361, %dma_wait3A_372, %dma_wait3A_373] : memref<2x448x32xf32, #tpu.memory_space<vmem>> -> memref<1x448x32xf32, #tpu.memory_space<vmem>>
        %dma_wait3A_375 = tpu.memref_squeeze %dma_wait3A_374 : memref<1x448x32xf32, #tpu.memory_space<vmem>> -> memref<448x32xf32, #tpu.memory_space<vmem>>
        tpu.wait_dma2 semaphore(%arg14 : memref<!tpu.dma_semaphore, #tpu.memory_space<semaphore_mem>>) src(%dma_wait3A_375 : memref<448x32xf32, #tpu.memory_space<vmem>>) dst(%dma_wait3A_371 : memref<448x32xf32, #tpu.memory_space<hbm>>)
        %dma_wait3A_376 = arith.constant 1 : i32
        %dma_wait3A_377 = arith.constant 0 : i32
        %dma_wait3A_378 = arith.constant 0 : i32
        %dma_wait3A_379 = tpu.memref_slice %arg10[%dma_wait3A_376, %dma_wait3A_377, %dma_wait3A_378] : memref<2x448x32xf32, #tpu.memory_space<vmem>> -> memref<1x448x32xf32, #tpu.memory_space<vmem>>
        %dma_wait3A_380 = tpu.memref_squeeze %dma_wait3A_379 : memref<1x448x32xf32, #tpu.memory_space<vmem>> -> memref<448x32xf32, #tpu.memory_space<vmem>>
        %dma_wait3A_381 = arith.constant 0 : i32
        %dma_wait3A_382 = arith.constant 0 : i32
        %dma_wait3A_383 = tpu.memref_slice %arg6[%dma_wait3A_381, %dma_wait3A_382] : memref<1605632x32xf32, #tpu.memory_space<hbm>> -> memref<448x32xf32, #tpu.memory_space<hbm>>
        %dma_wait3A_384 = arith.constant 0 : i32
        %dma_wait3A_385 = arith.constant 0 : i32
        %dma_wait3A_386 = tpu.memref_slice %arg6[%dma_wait3A_384, %dma_wait3A_385] : memref<1605632x32xf32, #tpu.memory_space<hbm>> -> memref<448x32xf32, #tpu.memory_space<hbm>>
        %dma_wait3A_387 = arith.constant 0 : i32
        %dma_wait3A_388 = arith.constant 0 : i32
        %dma_wait3A_389 = tpu.memref_slice %arg10[%dma_wait3A_376, %dma_wait3A_387, %dma_wait3A_388] : memref<2x448x32xf32, #tpu.memory_space<vmem>> -> memref<1x448x32xf32, #tpu.memory_space<vmem>>
        %dma_wait3A_390 = tpu.memref_squeeze %dma_wait3A_389 : memref<1x448x32xf32, #tpu.memory_space<vmem>> -> memref<448x32xf32, #tpu.memory_space<vmem>>
        tpu.wait_dma2 semaphore(%arg14 : memref<!tpu.dma_semaphore, #tpu.memory_space<semaphore_mem>>) src(%dma_wait3A_390 : memref<448x32xf32, #tpu.memory_space<vmem>>) dst(%dma_wait3A_386 : memref<448x32xf32, #tpu.memory_space<hbm>>)
      } else {
      }
      %dma_start3A_280 = arith.constant 1 : i32
      %dma_start3A_281 = arith.constant 0 : i32
      %dma_start3A_282 = arith.constant 1 : i32
      %dma_start3A_283 = arith.constant 0 : i32
      %dma_start3A_284 = arith.constant 0 : i32
      %dma_start3A_285 = tpu.memref_slice %arg9[%dma_start3A_282, %dma_start3A_283, %dma_start3A_284] : memref<2x448x32xf32, #tpu.memory_space<vmem>> -> memref<1x448x32xf32, #tpu.memory_space<vmem>>
      %dma_start3A_286 = tpu.memref_squeeze %dma_start3A_285 : memref<1x448x32xf32, #tpu.memory_space<vmem>> -> memref<448x32xf32, #tpu.memory_space<vmem>>
      %dma_start3A_287 = arith.constant 0 : i32
      %dma_start3A_288 = tpu.memref_slice %arg7[%dma_start3A_280, %dma_start3A_281, %dma_start3A_287] : memref<2x1x448xi32, #tpu.memory_space<vmem>> -> memref<1x1x448xi32, #tpu.memory_space<vmem>>
      %dma_start3A_289 = tpu.memref_squeeze %dma_start3A_288 : memref<1x1x448xi32, #tpu.memory_space<vmem>> -> memref<448xi32, #tpu.memory_space<vmem>>
      %dma_start3A_290 = arith.constant 0 : i32
      %dma_start3A_291 = arith.constant 0 : i32
      %dma_start3A_292 = tpu.memref_slice %arg2[%dma_start3A_290, %dma_start3A_291] : memref<100000x32xf32, #tpu.memory_space<hbm>> -> memref<100000x32xf32, #tpu.memory_space<hbm>>
      tpu.enqueue_indirect_dma source(%dma_start3A_292 : memref<100000x32xf32, #tpu.memory_space<hbm>>) target(%dma_start3A_286 : memref<448x32xf32, #tpu.memory_space<vmem>>) offsets(%dma_start3A_289 : memref<448xi32, #tpu.memory_space<vmem>>) semaphore(%arg15 : memref<!tpu.dma_semaphore, #tpu.memory_space<semaphore_mem>>)
      %dma_start3A_293 = arith.constant 1 : i32
      %dma_start3A_294 = arith.constant 0 : i32
      %dma_start3A_295 = arith.constant 1 : i32
      %dma_start3A_296 = arith.constant 0 : i32
      %dma_start3A_297 = arith.constant 0 : i32
      %dma_start3A_298 = tpu.memref_slice %arg10[%dma_start3A_295, %dma_start3A_296, %dma_start3A_297] : memref<2x448x32xf32, #tpu.memory_space<vmem>> -> memref<1x448x32xf32, #tpu.memory_space<vmem>>
      %dma_start3A_299 = tpu.memref_squeeze %dma_start3A_298 : memref<1x448x32xf32, #tpu.memory_space<vmem>> -> memref<448x32xf32, #tpu.memory_space<vmem>>
      %dma_start3A_300 = arith.constant 0 : i32
      %dma_start3A_301 = tpu.memref_slice %arg8[%dma_start3A_293, %dma_start3A_294, %dma_start3A_300] : memref<2x1x448xi32, #tpu.memory_space<vmem>> -> memref<1x1x448xi32, #tpu.memory_space<vmem>>
      %dma_start3A_302 = tpu.memref_squeeze %dma_start3A_301 : memref<1x1x448xi32, #tpu.memory_space<vmem>> -> memref<448xi32, #tpu.memory_space<vmem>>
      %dma_start3A_303 = arith.constant 0 : i32
      %dma_start3A_304 = arith.constant 0 : i32
      %dma_start3A_305 = tpu.memref_slice %arg2[%dma_start3A_303, %dma_start3A_304] : memref<100000x32xf32, #tpu.memory_space<hbm>> -> memref<100000x32xf32, #tpu.memory_space<hbm>>
      tpu.enqueue_indirect_dma source(%dma_start3A_305 : memref<100000x32xf32, #tpu.memory_space<hbm>>) target(%dma_start3A_299 : memref<448x32xf32, #tpu.memory_space<vmem>>) offsets(%dma_start3A_302 : memref<448xi32, #tpu.memory_space<vmem>>) semaphore(%arg15 : memref<!tpu.dma_semaphore, #tpu.memory_space<semaphore_mem>>)
      %dma_wait3A_306 = arith.constant 1 : i32
      %dma_wait3A_307 = arith.constant 0 : i32
      %dma_wait3A_308 = arith.constant 1 : i32
      %dma_wait3A_309 = arith.constant 0 : i32
      %dma_wait3A_310 = arith.constant 0 : i32
      %dma_wait3A_311 = tpu.memref_slice %arg9[%dma_wait3A_308, %dma_wait3A_309, %dma_wait3A_310] : memref<2x448x32xf32, #tpu.memory_space<vmem>> -> memref<1x448x32xf32, #tpu.memory_space<vmem>>
      %dma_wait3A_312 = tpu.memref_squeeze %dma_wait3A_311 : memref<1x448x32xf32, #tpu.memory_space<vmem>> -> memref<448x32xf32, #tpu.memory_space<vmem>>
      %dma_wait3A_313 = arith.constant 0 : i32
      %dma_wait3A_314 = tpu.memref_slice %arg7[%dma_wait3A_306, %dma_wait3A_307, %dma_wait3A_313] : memref<2x1x448xi32, #tpu.memory_space<vmem>> -> memref<1x1x448xi32, #tpu.memory_space<vmem>>
      %dma_wait3A_315 = tpu.memref_squeeze %dma_wait3A_314 : memref<1x1x448xi32, #tpu.memory_space<vmem>> -> memref<448xi32, #tpu.memory_space<vmem>>
      %dma_wait3A_316 = arith.constant 0 : i32
      %dma_wait3A_317 = arith.constant 0 : i32
      %dma_wait3A_318 = tpu.memref_slice %arg2[%dma_wait3A_316, %dma_wait3A_317] : memref<100000x32xf32, #tpu.memory_space<hbm>> -> memref<100000x32xf32, #tpu.memory_space<hbm>>
      tpu.wait_indirect_dma semaphore(%arg15 : memref<!tpu.dma_semaphore, #tpu.memory_space<semaphore_mem>>) src(%dma_wait3A_318 : memref<100000x32xf32, #tpu.memory_space<hbm>>) dst(%dma_wait3A_312 : memref<448x32xf32, #tpu.memory_space<vmem>>)
      %dma_wait3A_319 = arith.constant 1 : i32
      %dma_wait3A_320 = arith.constant 0 : i32
      %dma_wait3A_321 = arith.constant 1 : i32
      %dma_wait3A_322 = arith.constant 0 : i32
      %dma_wait3A_323 = arith.constant 0 : i32
      %dma_wait3A_324 = tpu.memref_slice %arg10[%dma_wait3A_321, %dma_wait3A_322, %dma_wait3A_323] : memref<2x448x32xf32, #tpu.memory_space<vmem>> -> memref<1x448x32xf32, #tpu.memory_space<vmem>>
      %dma_wait3A_325 = tpu.memref_squeeze %dma_wait3A_324 : memref<1x448x32xf32, #tpu.memory_space<vmem>> -> memref<448x32xf32, #tpu.memory_space<vmem>>
      %dma_wait3A_326 = arith.constant 0 : i32
      %dma_wait3A_327 = tpu.memref_slice %arg8[%dma_wait3A_319, %dma_wait3A_320, %dma_wait3A_326] : memref<2x1x448xi32, #tpu.memory_space<vmem>> -> memref<1x1x448xi32, #tpu.memory_space<vmem>>
      %dma_wait3A_328 = tpu.memref_squeeze %dma_wait3A_327 : memref<1x1x448xi32, #tpu.memory_space<vmem>> -> memref<448xi32, #tpu.memory_space<vmem>>
      %dma_wait3A_329 = arith.constant 0 : i32
      %dma_wait3A_330 = arith.constant 0 : i32
      %dma_wait3A_331 = tpu.memref_slice %arg2[%dma_wait3A_329, %dma_wait3A_330] : memref<100000x32xf32, #tpu.memory_space<hbm>> -> memref<100000x32xf32, #tpu.memory_space<hbm>>
      tpu.wait_indirect_dma semaphore(%arg15 : memref<!tpu.dma_semaphore, #tpu.memory_space<semaphore_mem>>) src(%dma_wait3A_331 : memref<100000x32xf32, #tpu.memory_space<hbm>>) dst(%dma_wait3A_325 : memref<448x32xf32, #tpu.memory_space<vmem>>)
      %mul3A_332 = arith.constant 448 : i32
      %mul3A_333 = arith.muli %add3A_237, %mul3A_332 : i32
      %add3A_334 = arith.addi %mul3A_2, %mul3A_333 : i32
      %dma_start3A_335 = arith.constant 1 : i32
      %dma_start3A_336 = arith.constant 0 : i32
      %dma_start3A_337 = arith.constant 0 : i32
      %dma_start3A_338 = tpu.memref_slice %arg9[%dma_start3A_335, %dma_start3A_336, %dma_start3A_337] : memref<2x448x32xf32, #tpu.memory_space<vmem>> -> memref<1x448x32xf32, #tpu.memory_space<vmem>>
      %dma_start3A_339 = tpu.memref_squeeze %dma_start3A_338 : memref<1x448x32xf32, #tpu.memory_space<vmem>> -> memref<448x32xf32, #tpu.memory_space<vmem>>
      %dma_start3A_340 = arith.constant 0 : i32
      %dma_start3A_341 = tpu.memref_slice %arg5[%add3A_334, %dma_start3A_340] : memref<1605632x32xf32, #tpu.memory_space<hbm>> -> memref<448x32xf32, #tpu.memory_space<hbm>>
      %dma_start3A_342 = arith.constant 0 : i32
      %dma_start3A_343 = tpu.memref_slice %arg5[%add3A_334, %dma_start3A_342] : memref<1605632x32xf32, #tpu.memory_space<hbm>> -> memref<448x32xf32, #tpu.memory_space<hbm>>
      %dma_start3A_344 = arith.constant 0 : i32
      %dma_start3A_345 = arith.constant 0 : i32
      %dma_start3A_346 = tpu.memref_slice %arg9[%dma_start3A_335, %dma_start3A_344, %dma_start3A_345] : memref<2x448x32xf32, #tpu.memory_space<vmem>> -> memref<1x448x32xf32, #tpu.memory_space<vmem>>
      %dma_start3A_347 = tpu.memref_squeeze %dma_start3A_346 : memref<1x448x32xf32, #tpu.memory_space<vmem>> -> memref<448x32xf32, #tpu.memory_space<vmem>>
      tpu.enqueue_dma source(%dma_start3A_347 : memref<448x32xf32, #tpu.memory_space<vmem>>) target(%dma_start3A_343 : memref<448x32xf32, #tpu.memory_space<hbm>>) target_semaphore(%arg14 : memref<!tpu.dma_semaphore, #tpu.memory_space<semaphore_mem>>)
      %dma_start3A_348 = arith.constant 1 : i32
      %dma_start3A_349 = arith.constant 0 : i32
      %dma_start3A_350 = arith.constant 0 : i32
      %dma_start3A_351 = tpu.memref_slice %arg10[%dma_start3A_348, %dma_start3A_349, %dma_start3A_350] : memref<2x448x32xf32, #tpu.memory_space<vmem>> -> memref<1x448x32xf32, #tpu.memory_space<vmem>>
      %dma_start3A_352 = tpu.memref_squeeze %dma_start3A_351 : memref<1x448x32xf32, #tpu.memory_space<vmem>> -> memref<448x32xf32, #tpu.memory_space<vmem>>
      %dma_start3A_353 = arith.constant 0 : i32
      %dma_start3A_354 = tpu.memref_slice %arg6[%add3A_334, %dma_start3A_353] : memref<1605632x32xf32, #tpu.memory_space<hbm>> -> memref<448x32xf32, #tpu.memory_space<hbm>>
      %dma_start3A_355 = arith.constant 0 : i32
      %dma_start3A_356 = tpu.memref_slice %arg6[%add3A_334, %dma_start3A_355] : memref<1605632x32xf32, #tpu.memory_space<hbm>> -> memref<448x32xf32, #tpu.memory_space<hbm>>
      %dma_start3A_357 = arith.constant 0 : i32
      %dma_start3A_358 = arith.constant 0 : i32
      %dma_start3A_359 = tpu.memref_slice %arg10[%dma_start3A_348, %dma_start3A_357, %dma_start3A_358] : memref<2x448x32xf32, #tpu.memory_space<vmem>> -> memref<1x448x32xf32, #tpu.memory_space<vmem>>
      %dma_start3A_360 = tpu.memref_squeeze %dma_start3A_359 : memref<1x448x32xf32, #tpu.memory_space<vmem>> -> memref<448x32xf32, #tpu.memory_space<vmem>>
      tpu.enqueue_dma source(%dma_start3A_360 : memref<448x32xf32, #tpu.memory_space<vmem>>) target(%dma_start3A_356 : memref<448x32xf32, #tpu.memory_space<hbm>>) target_semaphore(%arg14 : memref<!tpu.dma_semaphore, #tpu.memory_space<semaphore_mem>>)
    }
    %scan3A_50 = arith.constant 56 : i32
    %dma_wait3A = arith.constant 0 : i32
    %dma_wait3A_51 = arith.constant 0 : i32
    %dma_wait3A_52 = arith.constant 0 : i32
    %dma_wait3A_53 = tpu.memref_slice %arg9[%dma_wait3A, %dma_wait3A_51, %dma_wait3A_52] : memref<2x448x32xf32, #tpu.memory_space<vmem>> -> memref<1x448x32xf32, #tpu.memory_space<vmem>>
    %dma_wait3A_54 = tpu.memref_squeeze %dma_wait3A_53 : memref<1x448x32xf32, #tpu.memory_space<vmem>> -> memref<448x32xf32, #tpu.memory_space<vmem>>
    %dma_wait3A_55 = arith.constant 0 : i32
    %dma_wait3A_56 = arith.constant 0 : i32
    %dma_wait3A_57 = tpu.memref_slice %arg5[%dma_wait3A_55, %dma_wait3A_56] : memref<1605632x32xf32, #tpu.memory_space<hbm>> -> memref<448x32xf32, #tpu.memory_space<hbm>>
    %dma_wait3A_58 = arith.constant 0 : i32
    %dma_wait3A_59 = arith.constant 0 : i32
    %dma_wait3A_60 = tpu.memref_slice %arg5[%dma_wait3A_58, %dma_wait3A_59] : memref<1605632x32xf32, #tpu.memory_space<hbm>> -> memref<448x32xf32, #tpu.memory_space<hbm>>
    %dma_wait3A_61 = arith.constant 0 : i32
    %dma_wait3A_62 = arith.constant 0 : i32
    %dma_wait3A_63 = tpu.memref_slice %arg9[%dma_wait3A, %dma_wait3A_61, %dma_wait3A_62] : memref<2x448x32xf32, #tpu.memory_space<vmem>> -> memref<1x448x32xf32, #tpu.memory_space<vmem>>
    %dma_wait3A_64 = tpu.memref_squeeze %dma_wait3A_63 : memref<1x448x32xf32, #tpu.memory_space<vmem>> -> memref<448x32xf32, #tpu.memory_space<vmem>>
    tpu.wait_dma2 semaphore(%arg13 : memref<!tpu.dma_semaphore, #tpu.memory_space<semaphore_mem>>) src(%dma_wait3A_64 : memref<448x32xf32, #tpu.memory_space<vmem>>) dst(%dma_wait3A_60 : memref<448x32xf32, #tpu.memory_space<hbm>>)
    %dma_wait3A_65 = arith.constant 0 : i32
    %dma_wait3A_66 = arith.constant 0 : i32
    %dma_wait3A_67 = arith.constant 0 : i32
    %dma_wait3A_68 = tpu.memref_slice %arg10[%dma_wait3A_65, %dma_wait3A_66, %dma_wait3A_67] : memref<2x448x32xf32, #tpu.memory_space<vmem>> -> memref<1x448x32xf32, #tpu.memory_space<vmem>>
    %dma_wait3A_69 = tpu.memref_squeeze %dma_wait3A_68 : memref<1x448x32xf32, #tpu.memory_space<vmem>> -> memref<448x32xf32, #tpu.memory_space<vmem>>
    %dma_wait3A_70 = arith.constant 0 : i32
    %dma_wait3A_71 = arith.constant 0 : i32
    %dma_wait3A_72 = tpu.memref_slice %arg6[%dma_wait3A_70, %dma_wait3A_71] : memref<1605632x32xf32, #tpu.memory_space<hbm>> -> memref<448x32xf32, #tpu.memory_space<hbm>>
    %dma_wait3A_73 = arith.constant 0 : i32
    %dma_wait3A_74 = arith.constant 0 : i32
    %dma_wait3A_75 = tpu.memref_slice %arg6[%dma_wait3A_73, %dma_wait3A_74] : memref<1605632x32xf32, #tpu.memory_space<hbm>> -> memref<448x32xf32, #tpu.memory_space<hbm>>
    %dma_wait3A_76 = arith.constant 0 : i32
    %dma_wait3A_77 = arith.constant 0 : i32
    %dma_wait3A_78 = tpu.memref_slice %arg10[%dma_wait3A_65, %dma_wait3A_76, %dma_wait3A_77] : memref<2x448x32xf32, #tpu.memory_space<vmem>> -> memref<1x448x32xf32, #tpu.memory_space<vmem>>
    %dma_wait3A_79 = tpu.memref_squeeze %dma_wait3A_78 : memref<1x448x32xf32, #tpu.memory_space<vmem>> -> memref<448x32xf32, #tpu.memory_space<vmem>>
    tpu.wait_dma2 semaphore(%arg13 : memref<!tpu.dma_semaphore, #tpu.memory_space<semaphore_mem>>) src(%dma_wait3A_79 : memref<448x32xf32, #tpu.memory_space<vmem>>) dst(%dma_wait3A_75 : memref<448x32xf32, #tpu.memory_space<hbm>>)
    %dma_wait3A_80 = arith.constant 1 : i32
    %dma_wait3A_81 = arith.constant 0 : i32
    %dma_wait3A_82 = arith.constant 0 : i32
    %dma_wait3A_83 = tpu.memref_slice %arg9[%dma_wait3A_80, %dma_wait3A_81, %dma_wait3A_82] : memref<2x448x32xf32, #tpu.memory_space<vmem>> -> memref<1x448x32xf32, #tpu.memory_space<vmem>>
    %dma_wait3A_84 = tpu.memref_squeeze %dma_wait3A_83 : memref<1x448x32xf32, #tpu.memory_space<vmem>> -> memref<448x32xf32, #tpu.memory_space<vmem>>
    %dma_wait3A_85 = arith.constant 0 : i32
    %dma_wait3A_86 = arith.constant 0 : i32
    %dma_wait3A_87 = tpu.memref_slice %arg5[%dma_wait3A_85, %dma_wait3A_86] : memref<1605632x32xf32, #tpu.memory_space<hbm>> -> memref<448x32xf32, #tpu.memory_space<hbm>>
    %dma_wait3A_88 = arith.constant 0 : i32
    %dma_wait3A_89 = arith.constant 0 : i32
    %dma_wait3A_90 = tpu.memref_slice %arg5[%dma_wait3A_88, %dma_wait3A_89] : memref<1605632x32xf32, #tpu.memory_space<hbm>> -> memref<448x32xf32, #tpu.memory_space<hbm>>
    %dma_wait3A_91 = arith.constant 0 : i32
    %dma_wait3A_92 = arith.constant 0 : i32
    %dma_wait3A_93 = tpu.memref_slice %arg9[%dma_wait3A_80, %dma_wait3A_91, %dma_wait3A_92] : memref<2x448x32xf32, #tpu.memory_space<vmem>> -> memref<1x448x32xf32, #tpu.memory_space<vmem>>
    %dma_wait3A_94 = tpu.memref_squeeze %dma_wait3A_93 : memref<1x448x32xf32, #tpu.memory_space<vmem>> -> memref<448x32xf32, #tpu.memory_space<vmem>>
    tpu.wait_dma2 semaphore(%arg14 : memref<!tpu.dma_semaphore, #tpu.memory_space<semaphore_mem>>) src(%dma_wait3A_94 : memref<448x32xf32, #tpu.memory_space<vmem>>) dst(%dma_wait3A_90 : memref<448x32xf32, #tpu.memory_space<hbm>>)
    %dma_wait3A_95 = arith.constant 1 : i32
    %dma_wait3A_96 = arith.constant 0 : i32
    %dma_wait3A_97 = arith.constant 0 : i32
    %dma_wait3A_98 = tpu.memref_slice %arg10[%dma_wait3A_95, %dma_wait3A_96, %dma_wait3A_97] : memref<2x448x32xf32, #tpu.memory_space<vmem>> -> memref<1x448x32xf32, #tpu.memory_space<vmem>>
    %dma_wait3A_99 = tpu.memref_squeeze %dma_wait3A_98 : memref<1x448x32xf32, #tpu.memory_space<vmem>> -> memref<448x32xf32, #tpu.memory_space<vmem>>
    %dma_wait3A_100 = arith.constant 0 : i32
    %dma_wait3A_101 = arith.constant 0 : i32
    %dma_wait3A_102 = tpu.memref_slice %arg6[%dma_wait3A_100, %dma_wait3A_101] : memref<1605632x32xf32, #tpu.memory_space<hbm>> -> memref<448x32xf32, #tpu.memory_space<hbm>>
    %dma_wait3A_103 = arith.constant 0 : i32
    %dma_wait3A_104 = arith.constant 0 : i32
    %dma_wait3A_105 = tpu.memref_slice %arg6[%dma_wait3A_103, %dma_wait3A_104] : memref<1605632x32xf32, #tpu.memory_space<hbm>> -> memref<448x32xf32, #tpu.memory_space<hbm>>
    %dma_wait3A_106 = arith.constant 0 : i32
    %dma_wait3A_107 = arith.constant 0 : i32
    %dma_wait3A_108 = tpu.memref_slice %arg10[%dma_wait3A_95, %dma_wait3A_106, %dma_wait3A_107] : memref<2x448x32xf32, #tpu.memory_space<vmem>> -> memref<1x448x32xf32, #tpu.memory_space<vmem>>
    %dma_wait3A_109 = tpu.memref_squeeze %dma_wait3A_108 : memref<1x448x32xf32, #tpu.memory_space<vmem>> -> memref<448x32xf32, #tpu.memory_space<vmem>>
    tpu.wait_dma2 semaphore(%arg14 : memref<!tpu.dma_semaphore, #tpu.memory_space<semaphore_mem>>) src(%dma_wait3A_109 : memref<448x32xf32, #tpu.memory_space<vmem>>) dst(%dma_wait3A_105 : memref<448x32xf32, #tpu.memory_space<hbm>>)
    return
  }
}

module attributes {stable_mosaic.version = 14 : i64} {
  func.func @body(%arg0: i32, %arg1: memref<2000x6xf32, #tpu.memory_space<vmem>>, %arg2: memref<6x32xf32, #tpu.memory_space<vmem>>, %arg3: memref<1x32xf32, #tpu.memory_space<vmem>>, %arg4: memref<32x32xf32, #tpu.memory_space<vmem>>, %arg5: memref<1x32xf32, #tpu.memory_space<vmem>>, %arg6: memref<32x32xf32, #tpu.memory_space<vmem>>, %arg7: memref<1x32xf32, #tpu.memory_space<vmem>>, %arg8: memref<2000x32xf32, #tpu.memory_space<vmem>>) attributes {dimension_semantics = [#tpu.dimension_semantics<arbitrary>], iteration_bounds = array<i64: 50>, scalar_prefetch = 0 : i64, scratch_operands = 0 : i64, tpu.core_type = #tpu.core_type<tc>, window_params = [{transform_indices = @transform_0, window_bounds = array<i64: 2000, 6>}, {pipeline_mode = #tpu.pipeline_mode<synchronous>, transform_indices = @transform_1, window_bounds = array<i64: 6, 32>}, {pipeline_mode = #tpu.pipeline_mode<synchronous>, transform_indices = @transform_2, window_bounds = array<i64: 1, 32>}, {pipeline_mode = #tpu.pipeline_mode<synchronous>, transform_indices = @transform_3, window_bounds = array<i64: 32, 32>}, {pipeline_mode = #tpu.pipeline_mode<synchronous>, transform_indices = @transform_4, window_bounds = array<i64: 1, 32>}, {pipeline_mode = #tpu.pipeline_mode<synchronous>, transform_indices = @transform_5, window_bounds = array<i64: 32, 32>}, {pipeline_mode = #tpu.pipeline_mode<synchronous>, transform_indices = @transform_6, window_bounds = array<i64: 1, 32>}, {transform_indices = @transform_7, window_bounds = array<i64: 2000, 32>}]} {
    %get3A = arith.constant 0 : index
    %get3A_0 = arith.constant 0 : index
    %get3A_1 = vector.load %arg1[%get3A, %get3A_0] : memref<2000x6xf32, #tpu.memory_space<vmem>>, vector<2000x6xf32>
    %get3A_2 = arith.constant 0 : index
    %get3A_3 = arith.constant 0 : index
    %get3A_4 = vector.load %arg2[%get3A_2, %get3A_3] : memref<6x32xf32, #tpu.memory_space<vmem>>, vector<6x32xf32>
    %dot_general3A = arith.constant dense<0.000000e+00> : vector<2000x32xf32>
    %dot_general3A_5 = tpu.matmul %get3A_1, %get3A_4, %dot_general3A {dimension_numbers = #tpu.dot_dimension_numbers<[1], [0], [0], [1], [0, 0, 1, 1], [], []>, transpose_lhs_hint = false} : vector<2000x6xf32>, vector<6x32xf32>, vector<2000x32xf32> -> vector<2000x32xf32>
    %get3A_6 = arith.constant 0 : index
    %get3A_7 = arith.constant 0 : index
    %get3A_8 = vector.load %arg3[%get3A_6, %get3A_7] : memref<1x32xf32, #tpu.memory_space<vmem>>, vector<1x32xf32>
    %add3A = vector.broadcast %get3A_8 : vector<1x32xf32> to vector<2000x32xf32>
    %add3A_9 = arith.addf %dot_general3A_5, %add3A : vector<2000x32xf32>
    %logistic3A = arith.negf %add3A_9 : vector<2000x32xf32>
    %logistic3A_10 = math.exp %logistic3A : vector<2000x32xf32>
    %logistic3A_11 = arith.constant 1.000000e+00 : f32
    %logistic3A_12 = vector.broadcast %logistic3A_11 : f32 to vector<2000x32xf32>
    %logistic3A_13 = arith.addf %logistic3A_12, %logistic3A_10 : vector<2000x32xf32>
    %logistic3A_14 = arith.divf %logistic3A_12, %logistic3A_13 : vector<2000x32xf32>
    %mul3A = arith.mulf %add3A_9, %logistic3A_14 : vector<2000x32xf32>
    %get3A_15 = arith.constant 0 : index
    %get3A_16 = arith.constant 0 : index
    %get3A_17 = vector.load %arg4[%get3A_15, %get3A_16] : memref<32x32xf32, #tpu.memory_space<vmem>>, vector<32x32xf32>
    %dot_general3A_18 = arith.constant dense<0.000000e+00> : vector<2000x32xf32>
    %dot_general3A_19 = tpu.matmul %mul3A, %get3A_17, %dot_general3A_18 {dimension_numbers = #tpu.dot_dimension_numbers<[1], [0], [0], [1], [0, 0, 1, 1], [], []>, transpose_lhs_hint = false} : vector<2000x32xf32>, vector<32x32xf32>, vector<2000x32xf32> -> vector<2000x32xf32>
    %get3A_20 = arith.constant 0 : index
    %get3A_21 = arith.constant 0 : index
    %get3A_22 = vector.load %arg5[%get3A_20, %get3A_21] : memref<1x32xf32, #tpu.memory_space<vmem>>, vector<1x32xf32>
    %add3A_23 = vector.broadcast %get3A_22 : vector<1x32xf32> to vector<2000x32xf32>
    %add3A_24 = arith.addf %dot_general3A_19, %add3A_23 : vector<2000x32xf32>
    %logistic3A_25 = arith.negf %add3A_24 : vector<2000x32xf32>
    %logistic3A_26 = math.exp %logistic3A_25 : vector<2000x32xf32>
    %logistic3A_27 = arith.constant 1.000000e+00 : f32
    %logistic3A_28 = vector.broadcast %logistic3A_27 : f32 to vector<2000x32xf32>
    %logistic3A_29 = arith.addf %logistic3A_28, %logistic3A_26 : vector<2000x32xf32>
    %logistic3A_30 = arith.divf %logistic3A_28, %logistic3A_29 : vector<2000x32xf32>
    %mul3A_31 = arith.mulf %add3A_24, %logistic3A_30 : vector<2000x32xf32>
    %get3A_32 = arith.constant 0 : index
    %get3A_33 = arith.constant 0 : index
    %get3A_34 = vector.load %arg6[%get3A_32, %get3A_33] : memref<32x32xf32, #tpu.memory_space<vmem>>, vector<32x32xf32>
    %dot_general3A_35 = arith.constant dense<0.000000e+00> : vector<2000x32xf32>
    %dot_general3A_36 = tpu.matmul %mul3A_31, %get3A_34, %dot_general3A_35 {dimension_numbers = #tpu.dot_dimension_numbers<[1], [0], [0], [1], [0, 0, 1, 1], [], []>, transpose_lhs_hint = false} : vector<2000x32xf32>, vector<32x32xf32>, vector<2000x32xf32> -> vector<2000x32xf32>
    %get3A_37 = arith.constant 0 : index
    %get3A_38 = arith.constant 0 : index
    %get3A_39 = vector.load %arg7[%get3A_37, %get3A_38] : memref<1x32xf32, #tpu.memory_space<vmem>>, vector<1x32xf32>
    %add3A_40 = vector.broadcast %get3A_39 : vector<1x32xf32> to vector<2000x32xf32>
    %add3A_41 = arith.addf %dot_general3A_36, %add3A_40 : vector<2000x32xf32>
    %swap3A = arith.constant 0 : index
    %swap3A_42 = arith.constant 0 : index
    %swap3A_43 = vector.load %arg8[%swap3A, %swap3A_42] : memref<2000x32xf32, #tpu.memory_space<vmem>>, vector<2000x32xf32>
    tpu.vector_store %arg8[%swap3A, %swap3A_42], %add3A_41 {strides = array<i32>} : memref<2000x32xf32, #tpu.memory_space<vmem>>, vector<2000x32xf32>,
    return
  }
  func.func @transform_0(%arg0: i32) -> (i32, i32) {
    %c0_i32 = arith.constant 0 : i32
    %c0_i32_0 = arith.constant 0 : i32
    return %arg0, %c0_i32 : i32, i32
  }
  func.func @transform_1(%arg0: i32) -> (i32, i32) {
    %c0_i32 = arith.constant 0 : i32
    %c0_i32_0 = arith.constant 0 : i32
    %c0_i32_1 = arith.constant 0 : i32
    return %c0_i32, %c0_i32_0 : i32, i32
  }
  func.func @transform_2(%arg0: i32) -> (i32, i32) {
    %c0_i32 = arith.constant 0 : i32
    %c0_i32_0 = arith.constant 0 : i32
    %c0_i32_1 = arith.constant 0 : i32
    return %c0_i32, %c0_i32_0 : i32, i32
  }
  func.func @transform_3(%arg0: i32) -> (i32, i32) {
    %c0_i32 = arith.constant 0 : i32
    %c0_i32_0 = arith.constant 0 : i32
    %c0_i32_1 = arith.constant 0 : i32
    return %c0_i32, %c0_i32_0 : i32, i32
  }
  func.func @transform_4(%arg0: i32) -> (i32, i32) {
    %c0_i32 = arith.constant 0 : i32
    %c0_i32_0 = arith.constant 0 : i32
    %c0_i32_1 = arith.constant 0 : i32
    return %c0_i32, %c0_i32_0 : i32, i32
  }
  func.func @transform_5(%arg0: i32) -> (i32, i32) {
    %c0_i32 = arith.constant 0 : i32
    %c0_i32_0 = arith.constant 0 : i32
    %c0_i32_1 = arith.constant 0 : i32
    return %c0_i32, %c0_i32_0 : i32, i32
  }
  func.func @transform_6(%arg0: i32) -> (i32, i32) {
    %c0_i32 = arith.constant 0 : i32
    %c0_i32_0 = arith.constant 0 : i32
    %c0_i32_1 = arith.constant 0 : i32
    return %c0_i32, %c0_i32_0 : i32, i32
  }
  func.func @transform_7(%arg0: i32) -> (i32, i32) {
    %c0_i32 = arith.constant 0 : i32
    %c0_i32_0 = arith.constant 0 : i32
    return %arg0, %c0_i32 : i32, i32
  }
}

module attributes {stable_mosaic.version = 14 : i64} {
  func.func @body(%arg0: i32, %arg1: memref<1024x128xf32, #tpu.memory_space<vmem>>, %arg2: memref<1024x128xf32, #tpu.memory_space<vmem>>, %arg3: memref<1024x128xf32, #tpu.memory_space<vmem>>, %arg4: memref<1024x128xf32, #tpu.memory_space<vmem>>, %arg5: memref<128x128xf32, #tpu.memory_space<vmem>>, %arg6: memref<128x128xf32, #tpu.memory_space<vmem>>, %arg7: memref<1x128xf32, #tpu.memory_space<vmem>>, %arg8: memref<1x128xf32, #tpu.memory_space<vmem>>, %arg9: memref<128x128xf32, #tpu.memory_space<vmem>>, %arg10: memref<1x128xf32, #tpu.memory_space<vmem>>, %arg11: memref<128x128xf32, #tpu.memory_space<vmem>>, %arg12: memref<1x128xf32, #tpu.memory_space<vmem>>, %arg13: memref<384x128xf32, #tpu.memory_space<vmem>>, %arg14: memref<1x128xf32, #tpu.memory_space<vmem>>, %arg15: memref<128x128xf32, #tpu.memory_space<vmem>>, %arg16: memref<1x128xf32, #tpu.memory_space<vmem>>, %arg17: memref<128x128xf32, #tpu.memory_space<vmem>>, %arg18: memref<1x128xf32, #tpu.memory_space<vmem>>, %arg19: memref<1024x128xf32, #tpu.memory_space<vmem>>, %arg20: memref<1024x128xf32, #tpu.memory_space<vmem>>) attributes {dimension_semantics = [#tpu.dimension_semantics<arbitrary>], iteration_bounds = array<i64: 392>, scalar_prefetch = 0 : i64, scratch_operands = 0 : i64, tpu.core_type = #tpu.core_type<tc>, window_params = [{transform_indices = @transform_0, window_bounds = array<i64: 1024, 128>}, {transform_indices = @transform_1, window_bounds = array<i64: 1024, 128>}, {transform_indices = @transform_2, window_bounds = array<i64: 1024, 128>}, {transform_indices = @transform_3, window_bounds = array<i64: 1024, 128>}, {pipeline_mode = #tpu.pipeline_mode<synchronous>, transform_indices = @transform_4, window_bounds = array<i64: 128, 128>}, {pipeline_mode = #tpu.pipeline_mode<synchronous>, transform_indices = @transform_5, window_bounds = array<i64: 128, 128>}, {pipeline_mode = #tpu.pipeline_mode<synchronous>, transform_indices = @transform_6, window_bounds = array<i64: 1, 128>}, {pipeline_mode = #tpu.pipeline_mode<synchronous>, transform_indices = @transform_7, window_bounds = array<i64: 1, 128>}, {pipeline_mode = #tpu.pipeline_mode<synchronous>, transform_indices = @transform_8, window_bounds = array<i64: 128, 128>}, {pipeline_mode = #tpu.pipeline_mode<synchronous>, transform_indices = @transform_9, window_bounds = array<i64: 1, 128>}, {pipeline_mode = #tpu.pipeline_mode<synchronous>, transform_indices = @transform_10, window_bounds = array<i64: 128, 128>}, {pipeline_mode = #tpu.pipeline_mode<synchronous>, transform_indices = @transform_11, window_bounds = array<i64: 1, 128>}, {pipeline_mode = #tpu.pipeline_mode<synchronous>, transform_indices = @transform_12, window_bounds = array<i64: 384, 128>}, {pipeline_mode = #tpu.pipeline_mode<synchronous>, transform_indices = @transform_13, window_bounds = array<i64: 1, 128>}, {pipeline_mode = #tpu.pipeline_mode<synchronous>, transform_indices = @transform_14, window_bounds = array<i64: 128, 128>}, {pipeline_mode = #tpu.pipeline_mode<synchronous>, transform_indices = @transform_15, window_bounds = array<i64: 1, 128>}, {pipeline_mode = #tpu.pipeline_mode<synchronous>, transform_indices = @transform_16, window_bounds = array<i64: 128, 128>}, {pipeline_mode = #tpu.pipeline_mode<synchronous>, transform_indices = @transform_17, window_bounds = array<i64: 1, 128>}, {transform_indices = @transform_18, window_bounds = array<i64: 1024, 128>}, {transform_indices = @transform_19, window_bounds = array<i64: 1024, 128>}]} {
    %get3A = arith.constant 0 : index
    %get3A_0 = arith.constant 0 : index
    %get3A_1 = vector.load %arg1[%get3A, %get3A_0] : memref<1024x128xf32, #tpu.memory_space<vmem>>, vector<1024x128xf32>
    %get3A_2 = arith.constant 0 : index
    %get3A_3 = arith.constant 0 : index
    %get3A_4 = vector.load %arg2[%get3A_2, %get3A_3] : memref<1024x128xf32, #tpu.memory_space<vmem>>, vector<1024x128xf32>
    %sub3A = arith.subf %get3A_1, %get3A_4 : vector<1024x128xf32>
    %mul3A = arith.mulf %sub3A, %sub3A : vector<1024x128xf32>
    %get3A_5 = arith.constant 0 : index
    %get3A_6 = arith.constant 0 : index
    %get3A_7 = vector.load %arg6[%get3A_5, %get3A_6] : memref<128x128xf32, #tpu.memory_space<vmem>>, vector<128x128xf32>
    %dot_general3A = arith.constant dense<0.000000e+00> : vector<1024x128xf32>
    %dot_general3A_8 = tpu.matmul %mul3A, %get3A_7, %dot_general3A {dimension_numbers = #tpu.dot_dimension_numbers<[1], [0], [0], [1], [0, 0, 1, 1], [], []>, transpose_lhs_hint = false} : vector<1024x128xf32>, vector<128x128xf32>, vector<1024x128xf32> -> vector<1024x128xf32>
    %sqrt3A = math.sqrt %dot_general3A_8 : vector<1024x128xf32>
    %get3A_9 = arith.constant 0 : index
    %get3A_10 = arith.constant 0 : index
    %get3A_11 = vector.load %arg5[%get3A_9, %get3A_10] : memref<128x128xf32, #tpu.memory_space<vmem>>, vector<128x128xf32>
    %dot_general3A_12 = arith.constant dense<0.000000e+00> : vector<1024x128xf32>
    %dot_general3A_13 = tpu.matmul %sub3A, %get3A_11, %dot_general3A_12 {dimension_numbers = #tpu.dot_dimension_numbers<[1], [0], [0], [1], [0, 0, 1, 1], [], []>, transpose_lhs_hint = false} : vector<1024x128xf32>, vector<128x128xf32>, vector<1024x128xf32> -> vector<1024x128xf32>
    %get3A_14 = arith.constant 0 : index
    %get3A_15 = arith.constant 0 : index
    %get3A_16 = vector.load %arg7[%get3A_14, %get3A_15] : memref<1x128xf32, #tpu.memory_space<vmem>>, vector<1x128xf32>
    %mul3A_17 = vector.broadcast %get3A_16 : vector<1x128xf32> to vector<1024x128xf32>
    %mul3A_18 = arith.mulf %sqrt3A, %mul3A_17 : vector<1024x128xf32>
    %add3A = arith.addf %dot_general3A_13, %mul3A_18 : vector<1024x128xf32>
    %get3A_19 = arith.constant 0 : index
    %get3A_20 = arith.constant 0 : index
    %get3A_21 = vector.load %arg8[%get3A_19, %get3A_20] : memref<1x128xf32, #tpu.memory_space<vmem>>, vector<1x128xf32>
    %add3A_22 = vector.broadcast %get3A_21 : vector<1x128xf32> to vector<1024x128xf32>
    %add3A_23 = arith.addf %add3A, %add3A_22 : vector<1024x128xf32>
    %logistic3A = arith.negf %add3A_23 : vector<1024x128xf32>
    %logistic3A_24 = math.exp %logistic3A : vector<1024x128xf32>
    %logistic3A_25 = arith.constant 1.000000e+00 : f32
    %logistic3A_26 = vector.broadcast %logistic3A_25 : f32 to vector<1024x128xf32>
    %logistic3A_27 = arith.addf %logistic3A_26, %logistic3A_24 : vector<1024x128xf32>
    %logistic3A_28 = arith.divf %logistic3A_26, %logistic3A_27 : vector<1024x128xf32>
    %mul3A_29 = arith.mulf %add3A_23, %logistic3A_28 : vector<1024x128xf32>
    %get3A_30 = arith.constant 0 : index
    %get3A_31 = arith.constant 0 : index
    %get3A_32 = vector.load %arg9[%get3A_30, %get3A_31] : memref<128x128xf32, #tpu.memory_space<vmem>>, vector<128x128xf32>
    %dot_general3A_33 = arith.constant dense<0.000000e+00> : vector<1024x128xf32>
    %dot_general3A_34 = tpu.matmul %mul3A_29, %get3A_32, %dot_general3A_33 {dimension_numbers = #tpu.dot_dimension_numbers<[1], [0], [0], [1], [0, 0, 1, 1], [], []>, transpose_lhs_hint = false} : vector<1024x128xf32>, vector<128x128xf32>, vector<1024x128xf32> -> vector<1024x128xf32>
    %get3A_35 = arith.constant 0 : index
    %get3A_36 = arith.constant 0 : index
    %get3A_37 = vector.load %arg10[%get3A_35, %get3A_36] : memref<1x128xf32, #tpu.memory_space<vmem>>, vector<1x128xf32>
    %add3A_38 = vector.broadcast %get3A_37 : vector<1x128xf32> to vector<1024x128xf32>
    %add3A_39 = arith.addf %dot_general3A_34, %add3A_38 : vector<1024x128xf32>
    %logistic3A_40 = arith.negf %add3A_39 : vector<1024x128xf32>
    %logistic3A_41 = math.exp %logistic3A_40 : vector<1024x128xf32>
    %logistic3A_42 = arith.constant 1.000000e+00 : f32
    %logistic3A_43 = vector.broadcast %logistic3A_42 : f32 to vector<1024x128xf32>
    %logistic3A_44 = arith.addf %logistic3A_43, %logistic3A_41 : vector<1024x128xf32>
    %logistic3A_45 = arith.divf %logistic3A_43, %logistic3A_44 : vector<1024x128xf32>
    %mul3A_46 = arith.mulf %add3A_39, %logistic3A_45 : vector<1024x128xf32>
    %get3A_47 = arith.constant 0 : index
    %get3A_48 = arith.constant 0 : index
    %get3A_49 = vector.load %arg11[%get3A_47, %get3A_48] : memref<128x128xf32, #tpu.memory_space<vmem>>, vector<128x128xf32>
    %dot_general3A_50 = arith.constant dense<0.000000e+00> : vector<1024x128xf32>
    %dot_general3A_51 = tpu.matmul %mul3A_46, %get3A_49, %dot_general3A_50 {dimension_numbers = #tpu.dot_dimension_numbers<[1], [0], [0], [1], [0, 0, 1, 1], [], []>, transpose_lhs_hint = false} : vector<1024x128xf32>, vector<128x128xf32>, vector<1024x128xf32> -> vector<1024x128xf32>
    %get3A_52 = arith.constant 0 : index
    %get3A_53 = arith.constant 0 : index
    %get3A_54 = vector.load %arg12[%get3A_52, %get3A_53] : memref<1x128xf32, #tpu.memory_space<vmem>>, vector<1x128xf32>
    %add3A_55 = vector.broadcast %get3A_54 : vector<1x128xf32> to vector<1024x128xf32>
    %add3A_56 = arith.addf %dot_general3A_51, %add3A_55 : vector<1024x128xf32>
    %get3A_57 = arith.constant 0 : index
    %get3A_58 = arith.constant 0 : index
    %get3A_59 = vector.load %arg3[%get3A_57, %get3A_58] : memref<1024x128xf32, #tpu.memory_space<vmem>>, vector<1024x128xf32>
    %get3A_60 = arith.constant 0 : index
    %get3A_61 = arith.constant 0 : index
    %get3A_62 = vector.load %arg4[%get3A_60, %get3A_61] : memref<1024x128xf32, #tpu.memory_space<vmem>>, vector<1024x128xf32>
    %concatenate3A = tpu.concatenate %add3A_56, %get3A_59, %get3A_62 in 1 : vector<1024x128xf32>, vector<1024x128xf32>, vector<1024x128xf32> -> vector<1024x384xf32>
    %get3A_63 = arith.constant 0 : index
    %get3A_64 = arith.constant 0 : index
    %get3A_65 = vector.load %arg13[%get3A_63, %get3A_64] : memref<384x128xf32, #tpu.memory_space<vmem>>, vector<384x128xf32>
    %dot_general3A_66 = arith.constant dense<0.000000e+00> : vector<1024x128xf32>
    %dot_general3A_67 = tpu.matmul %concatenate3A, %get3A_65, %dot_general3A_66 {dimension_numbers = #tpu.dot_dimension_numbers<[1], [0], [0], [1], [0, 0, 1, 1], [], []>, transpose_lhs_hint = false} : vector<1024x384xf32>, vector<384x128xf32>, vector<1024x128xf32> -> vector<1024x128xf32>
    %get3A_68 = arith.constant 0 : index
    %get3A_69 = arith.constant 0 : index
    %get3A_70 = vector.load %arg14[%get3A_68, %get3A_69] : memref<1x128xf32, #tpu.memory_space<vmem>>, vector<1x128xf32>
    %add3A_71 = vector.broadcast %get3A_70 : vector<1x128xf32> to vector<1024x128xf32>
    %add3A_72 = arith.addf %dot_general3A_67, %add3A_71 : vector<1024x128xf32>
    %logistic3A_73 = arith.negf %add3A_72 : vector<1024x128xf32>
    %logistic3A_74 = math.exp %logistic3A_73 : vector<1024x128xf32>
    %logistic3A_75 = arith.constant 1.000000e+00 : f32
    %logistic3A_76 = vector.broadcast %logistic3A_75 : f32 to vector<1024x128xf32>
    %logistic3A_77 = arith.addf %logistic3A_76, %logistic3A_74 : vector<1024x128xf32>
    %logistic3A_78 = arith.divf %logistic3A_76, %logistic3A_77 : vector<1024x128xf32>
    %mul3A_79 = arith.mulf %add3A_72, %logistic3A_78 : vector<1024x128xf32>
    %get3A_80 = arith.constant 0 : index
    %get3A_81 = arith.constant 0 : index
    %get3A_82 = vector.load %arg15[%get3A_80, %get3A_81] : memref<128x128xf32, #tpu.memory_space<vmem>>, vector<128x128xf32>
    %dot_general3A_83 = arith.constant dense<0.000000e+00> : vector<1024x128xf32>
    %dot_general3A_84 = tpu.matmul %mul3A_79, %get3A_82, %dot_general3A_83 {dimension_numbers = #tpu.dot_dimension_numbers<[1], [0], [0], [1], [0, 0, 1, 1], [], []>, transpose_lhs_hint = false} : vector<1024x128xf32>, vector<128x128xf32>, vector<1024x128xf32> -> vector<1024x128xf32>
    %get3A_85 = arith.constant 0 : index
    %get3A_86 = arith.constant 0 : index
    %get3A_87 = vector.load %arg16[%get3A_85, %get3A_86] : memref<1x128xf32, #tpu.memory_space<vmem>>, vector<1x128xf32>
    %add3A_88 = vector.broadcast %get3A_87 : vector<1x128xf32> to vector<1024x128xf32>
    %add3A_89 = arith.addf %dot_general3A_84, %add3A_88 : vector<1024x128xf32>
    %logistic3A_90 = arith.negf %add3A_89 : vector<1024x128xf32>
    %logistic3A_91 = math.exp %logistic3A_90 : vector<1024x128xf32>
    %logistic3A_92 = arith.constant 1.000000e+00 : f32
    %logistic3A_93 = vector.broadcast %logistic3A_92 : f32 to vector<1024x128xf32>
    %logistic3A_94 = arith.addf %logistic3A_93, %logistic3A_91 : vector<1024x128xf32>
    %logistic3A_95 = arith.divf %logistic3A_93, %logistic3A_94 : vector<1024x128xf32>
    %mul3A_96 = arith.mulf %add3A_89, %logistic3A_95 : vector<1024x128xf32>
    %get3A_97 = arith.constant 0 : index
    %get3A_98 = arith.constant 0 : index
    %get3A_99 = vector.load %arg17[%get3A_97, %get3A_98] : memref<128x128xf32, #tpu.memory_space<vmem>>, vector<128x128xf32>
    %dot_general3A_100 = arith.constant dense<0.000000e+00> : vector<1024x128xf32>
    %dot_general3A_101 = tpu.matmul %mul3A_96, %get3A_99, %dot_general3A_100 {dimension_numbers = #tpu.dot_dimension_numbers<[1], [0], [0], [1], [0, 0, 1, 1], [], []>, transpose_lhs_hint = false} : vector<1024x128xf32>, vector<128x128xf32>, vector<1024x128xf32> -> vector<1024x128xf32>
    %get3A_102 = arith.constant 0 : index
    %get3A_103 = arith.constant 0 : index
    %get3A_104 = vector.load %arg18[%get3A_102, %get3A_103] : memref<1x128xf32, #tpu.memory_space<vmem>>, vector<1x128xf32>
    %add3A_105 = vector.broadcast %get3A_104 : vector<1x128xf32> to vector<1024x128xf32>
    %add3A_106 = arith.addf %dot_general3A_101, %add3A_105 : vector<1024x128xf32>
    %swap3A = arith.constant 0 : index
    %swap3A_107 = arith.constant 0 : index
    %swap3A_108 = vector.load %arg19[%swap3A, %swap3A_107] : memref<1024x128xf32, #tpu.memory_space<vmem>>, vector<1024x128xf32>
    tpu.vector_store %arg19[%swap3A, %swap3A_107], %add3A_106 {strides = array<i32>} : memref<1024x128xf32, #tpu.memory_space<vmem>>, vector<1024x128xf32>,
    %add3A_109 = arith.addf %add3A_56, %add3A_106 : vector<1024x128xf32>
    %swap3A_110 = arith.constant 0 : index
    %swap3A_111 = arith.constant 0 : index
    %swap3A_112 = vector.load %arg20[%swap3A_110, %swap3A_111] : memref<1024x128xf32, #tpu.memory_space<vmem>>, vector<1024x128xf32>
    tpu.vector_store %arg20[%swap3A_110, %swap3A_111], %add3A_109 {strides = array<i32>} : memref<1024x128xf32, #tpu.memory_space<vmem>>, vector<1024x128xf32>,
    return
  }
  func.func @transform_0(%arg0: i32) -> (i32, i32) {
    %c0_i32 = arith.constant 0 : i32
    %c0_i32_0 = arith.constant 0 : i32
    return %arg0, %c0_i32 : i32, i32
  }
  func.func @transform_1(%arg0: i32) -> (i32, i32) {
    %c0_i32 = arith.constant 0 : i32
    %c0_i32_0 = arith.constant 0 : i32
    return %arg0, %c0_i32 : i32, i32
  }
  func.func @transform_2(%arg0: i32) -> (i32, i32) {
    %c0_i32 = arith.constant 0 : i32
    %c0_i32_0 = arith.constant 0 : i32
    return %arg0, %c0_i32 : i32, i32
  }
  func.func @transform_3(%arg0: i32) -> (i32, i32) {
    %c0_i32 = arith.constant 0 : i32
    %c0_i32_0 = arith.constant 0 : i32
    return %arg0, %c0_i32 : i32, i32
  }
  func.func @transform_4(%arg0: i32) -> (i32, i32) {
    %c0_i32 = arith.constant 0 : i32
    %c0_i32_0 = arith.constant 0 : i32
    %c0_i32_1 = arith.constant 0 : i32
    return %c0_i32, %c0_i32_0 : i32, i32
  }
  func.func @transform_5(%arg0: i32) -> (i32, i32) {
    %c0_i32 = arith.constant 0 : i32
    %c0_i32_0 = arith.constant 0 : i32
    %c0_i32_1 = arith.constant 0 : i32
    return %c0_i32, %c0_i32_0 : i32, i32
  }
  func.func @transform_6(%arg0: i32) -> (i32, i32) {
    %c0_i32 = arith.constant 0 : i32
    %c0_i32_0 = arith.constant 0 : i32
    %c0_i32_1 = arith.constant 0 : i32
    return %c0_i32, %c0_i32_0 : i32, i32
  }
  func.func @transform_7(%arg0: i32) -> (i32, i32) {
    %c0_i32 = arith.constant 0 : i32
    %c0_i32_0 = arith.constant 0 : i32
    %c0_i32_1 = arith.constant 0 : i32
    return %c0_i32, %c0_i32_0 : i32, i32
  }
  func.func @transform_8(%arg0: i32) -> (i32, i32) {
    %c0_i32 = arith.constant 0 : i32
    %c0_i32_0 = arith.constant 0 : i32
    %c0_i32_1 = arith.constant 0 : i32
    return %c0_i32, %c0_i32_0 : i32, i32
  }
  func.func @transform_9(%arg0: i32) -> (i32, i32) {
    %c0_i32 = arith.constant 0 : i32
    %c0_i32_0 = arith.constant 0 : i32
    %c0_i32_1 = arith.constant 0 : i32
    return %c0_i32, %c0_i32_0 : i32, i32
  }
  func.func @transform_10(%arg0: i32) -> (i32, i32) {
    %c0_i32 = arith.constant 0 : i32
    %c0_i32_0 = arith.constant 0 : i32
    %c0_i32_1 = arith.constant 0 : i32
    return %c0_i32, %c0_i32_0 : i32, i32
  }
  func.func @transform_11(%arg0: i32) -> (i32, i32) {
    %c0_i32 = arith.constant 0 : i32
    %c0_i32_0 = arith.constant 0 : i32
    %c0_i32_1 = arith.constant 0 : i32
    return %c0_i32, %c0_i32_0 : i32, i32
  }
  func.func @transform_12(%arg0: i32) -> (i32, i32) {
    %c0_i32 = arith.constant 0 : i32
    %c0_i32_0 = arith.constant 0 : i32
    %c0_i32_1 = arith.constant 0 : i32
    return %c0_i32, %c0_i32_0 : i32, i32
  }
  func.func @transform_13(%arg0: i32) -> (i32, i32) {
    %c0_i32 = arith.constant 0 : i32
    %c0_i32_0 = arith.constant 0 : i32
    %c0_i32_1 = arith.constant 0 : i32
    return %c0_i32, %c0_i32_0 : i32, i32
  }
  func.func @transform_14(%arg0: i32) -> (i32, i32) {
    %c0_i32 = arith.constant 0 : i32
    %c0_i32_0 = arith.constant 0 : i32
    %c0_i32_1 = arith.constant 0 : i32
    return %c0_i32, %c0_i32_0 : i32, i32
  }
  func.func @transform_15(%arg0: i32) -> (i32, i32) {
    %c0_i32 = arith.constant 0 : i32
    %c0_i32_0 = arith.constant 0 : i32
    %c0_i32_1 = arith.constant 0 : i32
    return %c0_i32, %c0_i32_0 : i32, i32
  }
  func.func @transform_16(%arg0: i32) -> (i32, i32) {
    %c0_i32 = arith.constant 0 : i32
    %c0_i32_0 = arith.constant 0 : i32
    %c0_i32_1 = arith.constant 0 : i32
    return %c0_i32, %c0_i32_0 : i32, i32
  }
  func.func @transform_17(%arg0: i32) -> (i32, i32) {
    %c0_i32 = arith.constant 0 : i32
    %c0_i32_0 = arith.constant 0 : i32
    %c0_i32_1 = arith.constant 0 : i32
    return %c0_i32, %c0_i32_0 : i32, i32
  }
  func.func @transform_18(%arg0: i32) -> (i32, i32) {
    %c0_i32 = arith.constant 0 : i32
    %c0_i32_0 = arith.constant 0 : i32
    return %arg0, %c0_i32 : i32, i32
  }
  func.func @transform_19(%arg0: i32) -> (i32, i32) {
    %c0_i32 = arith.constant 0 : i32
    %c0_i32_0 = arith.constant 0 : i32
    return %arg0, %c0_i32 : i32, i32
  }
}

module attributes {stable_mosaic.version = 14 : i64} {
  func.func @body(%arg0: i32, %arg1: memref<2000x32xf32, #tpu.memory_space<vmem>>, %arg2: memref<2000x32xf32, #tpu.memory_space<vmem>>, %arg3: memref<32x32xf32, #tpu.memory_space<vmem>>, %arg4: memref<32x32xf32, #tpu.memory_space<vmem>>, %arg5: memref<1x32xf32, #tpu.memory_space<vmem>>, %arg6: memref<32x32xf32, #tpu.memory_space<vmem>>, %arg7: memref<1x32xf32, #tpu.memory_space<vmem>>, %arg8: memref<32x32xf32, #tpu.memory_space<vmem>>, %arg9: memref<1x32xf32, #tpu.memory_space<vmem>>, %arg10: memref<2000x32xf32, #tpu.memory_space<vmem>>) attributes {dimension_semantics = [#tpu.dimension_semantics<arbitrary>], iteration_bounds = array<i64: 50>, scalar_prefetch = 0 : i64, scratch_operands = 0 : i64, tpu.core_type = #tpu.core_type<tc>, window_params = [{transform_indices = @transform_0, window_bounds = array<i64: 2000, 32>}, {transform_indices = @transform_1, window_bounds = array<i64: 2000, 32>}, {pipeline_mode = #tpu.pipeline_mode<synchronous>, transform_indices = @transform_2, window_bounds = array<i64: 32, 32>}, {pipeline_mode = #tpu.pipeline_mode<synchronous>, transform_indices = @transform_3, window_bounds = array<i64: 32, 32>}, {pipeline_mode = #tpu.pipeline_mode<synchronous>, transform_indices = @transform_4, window_bounds = array<i64: 1, 32>}, {pipeline_mode = #tpu.pipeline_mode<synchronous>, transform_indices = @transform_5, window_bounds = array<i64: 32, 32>}, {pipeline_mode = #tpu.pipeline_mode<synchronous>, transform_indices = @transform_6, window_bounds = array<i64: 1, 32>}, {pipeline_mode = #tpu.pipeline_mode<synchronous>, transform_indices = @transform_7, window_bounds = array<i64: 32, 32>}, {pipeline_mode = #tpu.pipeline_mode<synchronous>, transform_indices = @transform_8, window_bounds = array<i64: 1, 32>}, {transform_indices = @transform_9, window_bounds = array<i64: 2000, 32>}]} {
    %get3A = arith.constant 0 : index
    %get3A_0 = arith.constant 0 : index
    %get3A_1 = vector.load %arg1[%get3A, %get3A_0] : memref<2000x32xf32, #tpu.memory_space<vmem>>, vector<2000x32xf32>
    %get3A_2 = arith.constant 0 : index
    %get3A_3 = arith.constant 0 : index
    %get3A_4 = vector.load %arg3[%get3A_2, %get3A_3] : memref<32x32xf32, #tpu.memory_space<vmem>>, vector<32x32xf32>
    %dot_general3A = arith.constant dense<0.000000e+00> : vector<2000x32xf32>
    %dot_general3A_5 = tpu.matmul %get3A_1, %get3A_4, %dot_general3A {dimension_numbers = #tpu.dot_dimension_numbers<[1], [0], [0], [1], [0, 0, 1, 1], [], []>, transpose_lhs_hint = false} : vector<2000x32xf32>, vector<32x32xf32>, vector<2000x32xf32> -> vector<2000x32xf32>
    %get3A_6 = arith.constant 0 : index
    %get3A_7 = arith.constant 0 : index
    %get3A_8 = vector.load %arg2[%get3A_6, %get3A_7] : memref<2000x32xf32, #tpu.memory_space<vmem>>, vector<2000x32xf32>
    %get3A_9 = arith.constant 0 : index
    %get3A_10 = arith.constant 0 : index
    %get3A_11 = vector.load %arg4[%get3A_9, %get3A_10] : memref<32x32xf32, #tpu.memory_space<vmem>>, vector<32x32xf32>
    %dot_general3A_12 = arith.constant dense<0.000000e+00> : vector<2000x32xf32>
    %dot_general3A_13 = tpu.matmul %get3A_8, %get3A_11, %dot_general3A_12 {dimension_numbers = #tpu.dot_dimension_numbers<[1], [0], [0], [1], [0, 0, 1, 1], [], []>, transpose_lhs_hint = false} : vector<2000x32xf32>, vector<32x32xf32>, vector<2000x32xf32> -> vector<2000x32xf32>
    %add3A = arith.addf %dot_general3A_5, %dot_general3A_13 : vector<2000x32xf32>
    %get3A_14 = arith.constant 0 : index
    %get3A_15 = arith.constant 0 : index
    %get3A_16 = vector.load %arg5[%get3A_14, %get3A_15] : memref<1x32xf32, #tpu.memory_space<vmem>>, vector<1x32xf32>
    %add3A_17 = vector.broadcast %get3A_16 : vector<1x32xf32> to vector<2000x32xf32>
    %add3A_18 = arith.addf %add3A, %add3A_17 : vector<2000x32xf32>
    %logistic3A = arith.negf %add3A_18 : vector<2000x32xf32>
    %logistic3A_19 = math.exp %logistic3A : vector<2000x32xf32>
    %logistic3A_20 = arith.constant 1.000000e+00 : f32
    %logistic3A_21 = vector.broadcast %logistic3A_20 : f32 to vector<2000x32xf32>
    %logistic3A_22 = arith.addf %logistic3A_21, %logistic3A_19 : vector<2000x32xf32>
    %logistic3A_23 = arith.divf %logistic3A_21, %logistic3A_22 : vector<2000x32xf32>
    %mul3A = arith.mulf %add3A_18, %logistic3A_23 : vector<2000x32xf32>
    %get3A_24 = arith.constant 0 : index
    %get3A_25 = arith.constant 0 : index
    %get3A_26 = vector.load %arg6[%get3A_24, %get3A_25] : memref<32x32xf32, #tpu.memory_space<vmem>>, vector<32x32xf32>
    %dot_general3A_27 = arith.constant dense<0.000000e+00> : vector<2000x32xf32>
    %dot_general3A_28 = tpu.matmul %mul3A, %get3A_26, %dot_general3A_27 {dimension_numbers = #tpu.dot_dimension_numbers<[1], [0], [0], [1], [0, 0, 1, 1], [], []>, transpose_lhs_hint = false} : vector<2000x32xf32>, vector<32x32xf32>, vector<2000x32xf32> -> vector<2000x32xf32>
    %get3A_29 = arith.constant 0 : index
    %get3A_30 = arith.constant 0 : index
    %get3A_31 = vector.load %arg7[%get3A_29, %get3A_30] : memref<1x32xf32, #tpu.memory_space<vmem>>, vector<1x32xf32>
    %add3A_32 = vector.broadcast %get3A_31 : vector<1x32xf32> to vector<2000x32xf32>
    %add3A_33 = arith.addf %dot_general3A_28, %add3A_32 : vector<2000x32xf32>
    %logistic3A_34 = arith.negf %add3A_33 : vector<2000x32xf32>
    %logistic3A_35 = math.exp %logistic3A_34 : vector<2000x32xf32>
    %logistic3A_36 = arith.constant 1.000000e+00 : f32
    %logistic3A_37 = vector.broadcast %logistic3A_36 : f32 to vector<2000x32xf32>
    %logistic3A_38 = arith.addf %logistic3A_37, %logistic3A_35 : vector<2000x32xf32>
    %logistic3A_39 = arith.divf %logistic3A_37, %logistic3A_38 : vector<2000x32xf32>
    %mul3A_40 = arith.mulf %add3A_33, %logistic3A_39 : vector<2000x32xf32>
    %get3A_41 = arith.constant 0 : index
    %get3A_42 = arith.constant 0 : index
    %get3A_43 = vector.load %arg1[%get3A_41, %get3A_42] : memref<2000x32xf32, #tpu.memory_space<vmem>>, vector<2000x32xf32>
    %get3A_44 = arith.constant 0 : index
    %get3A_45 = arith.constant 0 : index
    %get3A_46 = vector.load %arg8[%get3A_44, %get3A_45] : memref<32x32xf32, #tpu.memory_space<vmem>>, vector<32x32xf32>
    %dot_general3A_47 = arith.constant dense<0.000000e+00> : vector<2000x32xf32>
    %dot_general3A_48 = tpu.matmul %mul3A_40, %get3A_46, %dot_general3A_47 {dimension_numbers = #tpu.dot_dimension_numbers<[1], [0], [0], [1], [0, 0, 1, 1], [], []>, transpose_lhs_hint = false} : vector<2000x32xf32>, vector<32x32xf32>, vector<2000x32xf32> -> vector<2000x32xf32>
    %add3A_49 = arith.addf %get3A_43, %dot_general3A_48 : vector<2000x32xf32>
    %get3A_50 = arith.constant 0 : index
    %get3A_51 = arith.constant 0 : index
    %get3A_52 = vector.load %arg9[%get3A_50, %get3A_51] : memref<1x32xf32, #tpu.memory_space<vmem>>, vector<1x32xf32>
    %add3A_53 = vector.broadcast %get3A_52 : vector<1x32xf32> to vector<2000x32xf32>
    %add3A_54 = arith.addf %add3A_49, %add3A_53 : vector<2000x32xf32>
    %swap3A = arith.constant 0 : index
    %swap3A_55 = arith.constant 0 : index
    %swap3A_56 = vector.load %arg10[%swap3A, %swap3A_55] : memref<2000x32xf32, #tpu.memory_space<vmem>>, vector<2000x32xf32>
    tpu.vector_store %arg10[%swap3A, %swap3A_55], %add3A_54 {strides = array<i32>} : memref<2000x32xf32, #tpu.memory_space<vmem>>, vector<2000x32xf32>,
    return
  }
  func.func @transform_0(%arg0: i32) -> (i32, i32) {
    %c0_i32 = arith.constant 0 : i32
    %c0_i32_0 = arith.constant 0 : i32
    return %arg0, %c0_i32 : i32, i32
  }
  func.func @transform_1(%arg0: i32) -> (i32, i32) {
    %c0_i32 = arith.constant 0 : i32
    %c0_i32_0 = arith.constant 0 : i32
    return %arg0, %c0_i32 : i32, i32
  }
  func.func @transform_2(%arg0: i32) -> (i32, i32) {
    %c0_i32 = arith.constant 0 : i32
    %c0_i32_0 = arith.constant 0 : i32
    %c0_i32_1 = arith.constant 0 : i32
    return %c0_i32, %c0_i32_0 : i32, i32
  }
  func.func @transform_3(%arg0: i32) -> (i32, i32) {
    %c0_i32 = arith.constant 0 : i32
    %c0_i32_0 = arith.constant 0 : i32
    %c0_i32_1 = arith.constant 0 : i32
    return %c0_i32, %c0_i32_0 : i32, i32
  }
  func.func @transform_4(%arg0: i32) -> (i32, i32) {
    %c0_i32 = arith.constant 0 : i32
    %c0_i32_0 = arith.constant 0 : i32
    %c0_i32_1 = arith.constant 0 : i32
    return %c0_i32, %c0_i32_0 : i32, i32
  }
  func.func @transform_5(%arg0: i32) -> (i32, i32) {
    %c0_i32 = arith.constant 0 : i32
    %c0_i32_0 = arith.constant 0 : i32
    %c0_i32_1 = arith.constant 0 : i32
    return %c0_i32, %c0_i32_0 : i32, i32
  }
  func.func @transform_6(%arg0: i32) -> (i32, i32) {
    %c0_i32 = arith.constant 0 : i32
    %c0_i32_0 = arith.constant 0 : i32
    %c0_i32_1 = arith.constant 0 : i32
    return %c0_i32, %c0_i32_0 : i32, i32
  }
  func.func @transform_7(%arg0: i32) -> (i32, i32) {
    %c0_i32 = arith.constant 0 : i32
    %c0_i32_0 = arith.constant 0 : i32
    %c0_i32_1 = arith.constant 0 : i32
    return %c0_i32, %c0_i32_0 : i32, i32
  }
  func.func @transform_8(%arg0: i32) -> (i32, i32) {
    %c0_i32 = arith.constant 0 : i32
    %c0_i32_0 = arith.constant 0 : i32
    %c0_i32_1 = arith.constant 0 : i32
    return %c0_i32, %c0_i32_0 : i32, i32
  }
  func.func @transform_9(%arg0: i32) -> (i32, i32) {
    %c0_i32 = arith.constant 0 : i32
    %c0_i32_0 = arith.constant 0 : i32
    return %arg0, %c0_i32 : i32, i32
  }
}

module attributes {stable_mosaic.version = 14 : i64} {
  func.func @body(%arg0: i32, %arg1: memref<1024x128xf32, #tpu.memory_space<vmem>>, %arg2: memref<1024x128xf32, #tpu.memory_space<vmem>>, %arg3: memref<1024x128xf32, #tpu.memory_space<vmem>>, %arg4: memref<384x128xf32, #tpu.memory_space<vmem>>, %arg5: memref<1x128xf32, #tpu.memory_space<vmem>>, %arg6: memref<128x128xf32, #tpu.memory_space<vmem>>, %arg7: memref<1x128xf32, #tpu.memory_space<vmem>>, %arg8: memref<128x128xf32, #tpu.memory_space<vmem>>, %arg9: memref<1x128xf32, #tpu.memory_space<vmem>>, %arg10: memref<1024x128xf32, #tpu.memory_space<vmem>>) attributes {dimension_semantics = [#tpu.dimension_semantics<arbitrary>], iteration_bounds = array<i64: 392>, scalar_prefetch = 0 : i64, scratch_operands = 0 : i64, tpu.core_type = #tpu.core_type<tc>, window_params = [{transform_indices = @transform_0, window_bounds = array<i64: 1024, 128>}, {transform_indices = @transform_1, window_bounds = array<i64: 1024, 128>}, {transform_indices = @transform_2, window_bounds = array<i64: 1024, 128>}, {pipeline_mode = #tpu.pipeline_mode<synchronous>, transform_indices = @transform_3, window_bounds = array<i64: 384, 128>}, {pipeline_mode = #tpu.pipeline_mode<synchronous>, transform_indices = @transform_4, window_bounds = array<i64: 1, 128>}, {pipeline_mode = #tpu.pipeline_mode<synchronous>, transform_indices = @transform_5, window_bounds = array<i64: 128, 128>}, {pipeline_mode = #tpu.pipeline_mode<synchronous>, transform_indices = @transform_6, window_bounds = array<i64: 1, 128>}, {pipeline_mode = #tpu.pipeline_mode<synchronous>, transform_indices = @transform_7, window_bounds = array<i64: 128, 128>}, {pipeline_mode = #tpu.pipeline_mode<synchronous>, transform_indices = @transform_8, window_bounds = array<i64: 1, 128>}, {transform_indices = @transform_9, window_bounds = array<i64: 1024, 128>}]} {
    %get3A = arith.constant 0 : index
    %get3A_0 = arith.constant 0 : index
    %get3A_1 = vector.load %arg1[%get3A, %get3A_0] : memref<1024x128xf32, #tpu.memory_space<vmem>>, vector<1024x128xf32>
    %get3A_2 = arith.constant 0 : index
    %get3A_3 = arith.constant 0 : index
    %get3A_4 = vector.load %arg2[%get3A_2, %get3A_3] : memref<1024x128xf32, #tpu.memory_space<vmem>>, vector<1024x128xf32>
    %get3A_5 = arith.constant 0 : index
    %get3A_6 = arith.constant 0 : index
    %get3A_7 = vector.load %arg3[%get3A_5, %get3A_6] : memref<1024x128xf32, #tpu.memory_space<vmem>>, vector<1024x128xf32>
    %concatenate3A = tpu.concatenate %get3A_1, %get3A_4, %get3A_7 in 1 : vector<1024x128xf32>, vector<1024x128xf32>, vector<1024x128xf32> -> vector<1024x384xf32>
    %get3A_8 = arith.constant 0 : index
    %get3A_9 = arith.constant 0 : index
    %get3A_10 = vector.load %arg4[%get3A_8, %get3A_9] : memref<384x128xf32, #tpu.memory_space<vmem>>, vector<384x128xf32>
    %dot_general3A = arith.constant dense<0.000000e+00> : vector<1024x128xf32>
    %dot_general3A_11 = tpu.matmul %concatenate3A, %get3A_10, %dot_general3A {dimension_numbers = #tpu.dot_dimension_numbers<[1], [0], [0], [1], [0, 0, 1, 1], [], []>, transpose_lhs_hint = false} : vector<1024x384xf32>, vector<384x128xf32>, vector<1024x128xf32> -> vector<1024x128xf32>
    %get3A_12 = arith.constant 0 : index
    %get3A_13 = arith.constant 0 : index
    %get3A_14 = vector.load %arg5[%get3A_12, %get3A_13] : memref<1x128xf32, #tpu.memory_space<vmem>>, vector<1x128xf32>
    %add3A = vector.broadcast %get3A_14 : vector<1x128xf32> to vector<1024x128xf32>
    %add3A_15 = arith.addf %dot_general3A_11, %add3A : vector<1024x128xf32>
    %logistic3A = arith.negf %add3A_15 : vector<1024x128xf32>
    %logistic3A_16 = math.exp %logistic3A : vector<1024x128xf32>
    %logistic3A_17 = arith.constant 1.000000e+00 : f32
    %logistic3A_18 = vector.broadcast %logistic3A_17 : f32 to vector<1024x128xf32>
    %logistic3A_19 = arith.addf %logistic3A_18, %logistic3A_16 : vector<1024x128xf32>
    %logistic3A_20 = arith.divf %logistic3A_18, %logistic3A_19 : vector<1024x128xf32>
    %mul3A = arith.mulf %add3A_15, %logistic3A_20 : vector<1024x128xf32>
    %get3A_21 = arith.constant 0 : index
    %get3A_22 = arith.constant 0 : index
    %get3A_23 = vector.load %arg6[%get3A_21, %get3A_22] : memref<128x128xf32, #tpu.memory_space<vmem>>, vector<128x128xf32>
    %dot_general3A_24 = arith.constant dense<0.000000e+00> : vector<1024x128xf32>
    %dot_general3A_25 = tpu.matmul %mul3A, %get3A_23, %dot_general3A_24 {dimension_numbers = #tpu.dot_dimension_numbers<[1], [0], [0], [1], [0, 0, 1, 1], [], []>, transpose_lhs_hint = false} : vector<1024x128xf32>, vector<128x128xf32>, vector<1024x128xf32> -> vector<1024x128xf32>
    %get3A_26 = arith.constant 0 : index
    %get3A_27 = arith.constant 0 : index
    %get3A_28 = vector.load %arg7[%get3A_26, %get3A_27] : memref<1x128xf32, #tpu.memory_space<vmem>>, vector<1x128xf32>
    %add3A_29 = vector.broadcast %get3A_28 : vector<1x128xf32> to vector<1024x128xf32>
    %add3A_30 = arith.addf %dot_general3A_25, %add3A_29 : vector<1024x128xf32>
    %logistic3A_31 = arith.negf %add3A_30 : vector<1024x128xf32>
    %logistic3A_32 = math.exp %logistic3A_31 : vector<1024x128xf32>
    %logistic3A_33 = arith.constant 1.000000e+00 : f32
    %logistic3A_34 = vector.broadcast %logistic3A_33 : f32 to vector<1024x128xf32>
    %logistic3A_35 = arith.addf %logistic3A_34, %logistic3A_32 : vector<1024x128xf32>
    %logistic3A_36 = arith.divf %logistic3A_34, %logistic3A_35 : vector<1024x128xf32>
    %mul3A_37 = arith.mulf %add3A_30, %logistic3A_36 : vector<1024x128xf32>
    %get3A_38 = arith.constant 0 : index
    %get3A_39 = arith.constant 0 : index
    %get3A_40 = vector.load %arg8[%get3A_38, %get3A_39] : memref<128x128xf32, #tpu.memory_space<vmem>>, vector<128x128xf32>
    %dot_general3A_41 = arith.constant dense<0.000000e+00> : vector<1024x128xf32>
    %dot_general3A_42 = tpu.matmul %mul3A_37, %get3A_40, %dot_general3A_41 {dimension_numbers = #tpu.dot_dimension_numbers<[1], [0], [0], [1], [0, 0, 1, 1], [], []>, transpose_lhs_hint = false} : vector<1024x128xf32>, vector<128x128xf32>, vector<1024x128xf32> -> vector<1024x128xf32>
    %get3A_43 = arith.constant 0 : index
    %get3A_44 = arith.constant 0 : index
    %get3A_45 = vector.load %arg9[%get3A_43, %get3A_44] : memref<1x128xf32, #tpu.memory_space<vmem>>, vector<1x128xf32>
    %add3A_46 = vector.broadcast %get3A_45 : vector<1x128xf32> to vector<1024x128xf32>
    %add3A_47 = arith.addf %dot_general3A_42, %add3A_46 : vector<1024x128xf32>
    %swap3A = arith.constant 0 : index
    %swap3A_48 = arith.constant 0 : index
    %swap3A_49 = vector.load %arg10[%swap3A, %swap3A_48] : memref<1024x128xf32, #tpu.memory_space<vmem>>, vector<1024x128xf32>
    tpu.vector_store %arg10[%swap3A, %swap3A_48], %add3A_47 {strides = array<i32>} : memref<1024x128xf32, #tpu.memory_space<vmem>>, vector<1024x128xf32>,
    return
  }
  func.func @transform_0(%arg0: i32) -> (i32, i32) {
    %c0_i32 = arith.constant 0 : i32
    %c0_i32_0 = arith.constant 0 : i32
    return %arg0, %c0_i32 : i32, i32
  }
  func.func @transform_1(%arg0: i32) -> (i32, i32) {
    %c0_i32 = arith.constant 0 : i32
    %c0_i32_0 = arith.constant 0 : i32
    return %arg0, %c0_i32 : i32, i32
  }
  func.func @transform_2(%arg0: i32) -> (i32, i32) {
    %c0_i32 = arith.constant 0 : i32
    %c0_i32_0 = arith.constant 0 : i32
    return %arg0, %c0_i32 : i32, i32
  }
  func.func @transform_3(%arg0: i32) -> (i32, i32) {
    %c0_i32 = arith.constant 0 : i32
    %c0_i32_0 = arith.constant 0 : i32
    %c0_i32_1 = arith.constant 0 : i32
    return %c0_i32, %c0_i32_0 : i32, i32
  }
  func.func @transform_4(%arg0: i32) -> (i32, i32) {
    %c0_i32 = arith.constant 0 : i32
    %c0_i32_0 = arith.constant 0 : i32
    %c0_i32_1 = arith.constant 0 : i32
    return %c0_i32, %c0_i32_0 : i32, i32
  }
  func.func @transform_5(%arg0: i32) -> (i32, i32) {
    %c0_i32 = arith.constant 0 : i32
    %c0_i32_0 = arith.constant 0 : i32
    %c0_i32_1 = arith.constant 0 : i32
    return %c0_i32, %c0_i32_0 : i32, i32
  }
  func.func @transform_6(%arg0: i32) -> (i32, i32) {
    %c0_i32 = arith.constant 0 : i32
    %c0_i32_0 = arith.constant 0 : i32
    %c0_i32_1 = arith.constant 0 : i32
    return %c0_i32, %c0_i32_0 : i32, i32
  }
  func.func @transform_7(%arg0: i32) -> (i32, i32) {
    %c0_i32 = arith.constant 0 : i32
    %c0_i32_0 = arith.constant 0 : i32
    %c0_i32_1 = arith.constant 0 : i32
    return %c0_i32, %c0_i32_0 : i32, i32
  }
  func.func @transform_8(%arg0: i32) -> (i32, i32) {
    %c0_i32 = arith.constant 0 : i32
    %c0_i32_0 = arith.constant 0 : i32
    %c0_i32_1 = arith.constant 0 : i32
    return %c0_i32, %c0_i32_0 : i32, i32
  }
  func.func @transform_9(%arg0: i32) -> (i32, i32) {
    %c0_i32 = arith.constant 0 : i32
    %c0_i32_0 = arith.constant 0 : i32
    return %arg0, %c0_i32 : i32, i32
  }
}

module attributes {stable_mosaic.version = 14 : i64} {
  func.func @body(%arg0: i32, %arg1: memref<2000x32xf32, #tpu.memory_space<vmem>>, %arg2: memref<2000x32xf32, #tpu.memory_space<vmem>>, %arg3: memref<32x32xf32, #tpu.memory_space<vmem>>, %arg4: memref<32x32xf32, #tpu.memory_space<vmem>>, %arg5: memref<1x32xf32, #tpu.memory_space<vmem>>, %arg6: memref<32x32xf32, #tpu.memory_space<vmem>>, %arg7: memref<1x32xf32, #tpu.memory_space<vmem>>, %arg8: memref<32x32xf32, #tpu.memory_space<vmem>>, %arg9: memref<1x32xf32, #tpu.memory_space<vmem>>, %arg10: memref<32x32xf32, #tpu.memory_space<vmem>>, %arg11: memref<1x32xf32, #tpu.memory_space<vmem>>, %arg12: memref<32x32xf32, #tpu.memory_space<vmem>>, %arg13: memref<1x32xf32, #tpu.memory_space<vmem>>, %arg14: memref<32x3xf32, #tpu.memory_space<vmem>>, %arg15: memref<1x3xf32, #tpu.memory_space<vmem>>, %arg16: memref<2000x3xf32, #tpu.memory_space<vmem>>) attributes {dimension_semantics = [#tpu.dimension_semantics<arbitrary>], iteration_bounds = array<i64: 50>, scalar_prefetch = 0 : i64, scratch_operands = 0 : i64, tpu.core_type = #tpu.core_type<tc>, window_params = [{transform_indices = @transform_0, window_bounds = array<i64: 2000, 32>}, {transform_indices = @transform_1, window_bounds = array<i64: 2000, 32>}, {pipeline_mode = #tpu.pipeline_mode<synchronous>, transform_indices = @transform_2, window_bounds = array<i64: 32, 32>}, {pipeline_mode = #tpu.pipeline_mode<synchronous>, transform_indices = @transform_3, window_bounds = array<i64: 32, 32>}, {pipeline_mode = #tpu.pipeline_mode<synchronous>, transform_indices = @transform_4, window_bounds = array<i64: 1, 32>}, {pipeline_mode = #tpu.pipeline_mode<synchronous>, transform_indices = @transform_5, window_bounds = array<i64: 32, 32>}, {pipeline_mode = #tpu.pipeline_mode<synchronous>, transform_indices = @transform_6, window_bounds = array<i64: 1, 32>}, {pipeline_mode = #tpu.pipeline_mode<synchronous>, transform_indices = @transform_7, window_bounds = array<i64: 32, 32>}, {pipeline_mode = #tpu.pipeline_mode<synchronous>, transform_indices = @transform_8, window_bounds = array<i64: 1, 32>}, {pipeline_mode = #tpu.pipeline_mode<synchronous>, transform_indices = @transform_9, window_bounds = array<i64: 32, 32>}, {pipeline_mode = #tpu.pipeline_mode<synchronous>, transform_indices = @transform_10, window_bounds = array<i64: 1, 32>}, {pipeline_mode = #tpu.pipeline_mode<synchronous>, transform_indices = @transform_11, window_bounds = array<i64: 32, 32>}, {pipeline_mode = #tpu.pipeline_mode<synchronous>, transform_indices = @transform_12, window_bounds = array<i64: 1, 32>}, {pipeline_mode = #tpu.pipeline_mode<synchronous>, transform_indices = @transform_13, window_bounds = array<i64: 32, 3>}, {pipeline_mode = #tpu.pipeline_mode<synchronous>, transform_indices = @transform_14, window_bounds = array<i64: 1, 3>}, {transform_indices = @transform_15, window_bounds = array<i64: 2000, 3>}]} {
    %get3A = arith.constant 0 : index
    %get3A_0 = arith.constant 0 : index
    %get3A_1 = vector.load %arg1[%get3A, %get3A_0] : memref<2000x32xf32, #tpu.memory_space<vmem>>, vector<2000x32xf32>
    %get3A_2 = arith.constant 0 : index
    %get3A_3 = arith.constant 0 : index
    %get3A_4 = vector.load %arg3[%get3A_2, %get3A_3] : memref<32x32xf32, #tpu.memory_space<vmem>>, vector<32x32xf32>
    %dot_general3A = arith.constant dense<0.000000e+00> : vector<2000x32xf32>
    %dot_general3A_5 = tpu.matmul %get3A_1, %get3A_4, %dot_general3A {dimension_numbers = #tpu.dot_dimension_numbers<[1], [0], [0], [1], [0, 0, 1, 1], [], []>, transpose_lhs_hint = false} : vector<2000x32xf32>, vector<32x32xf32>, vector<2000x32xf32> -> vector<2000x32xf32>
    %get3A_6 = arith.constant 0 : index
    %get3A_7 = arith.constant 0 : index
    %get3A_8 = vector.load %arg2[%get3A_6, %get3A_7] : memref<2000x32xf32, #tpu.memory_space<vmem>>, vector<2000x32xf32>
    %get3A_9 = arith.constant 0 : index
    %get3A_10 = arith.constant 0 : index
    %get3A_11 = vector.load %arg4[%get3A_9, %get3A_10] : memref<32x32xf32, #tpu.memory_space<vmem>>, vector<32x32xf32>
    %dot_general3A_12 = arith.constant dense<0.000000e+00> : vector<2000x32xf32>
    %dot_general3A_13 = tpu.matmul %get3A_8, %get3A_11, %dot_general3A_12 {dimension_numbers = #tpu.dot_dimension_numbers<[1], [0], [0], [1], [0, 0, 1, 1], [], []>, transpose_lhs_hint = false} : vector<2000x32xf32>, vector<32x32xf32>, vector<2000x32xf32> -> vector<2000x32xf32>
    %add3A = arith.addf %dot_general3A_5, %dot_general3A_13 : vector<2000x32xf32>
    %get3A_14 = arith.constant 0 : index
    %get3A_15 = arith.constant 0 : index
    %get3A_16 = vector.load %arg5[%get3A_14, %get3A_15] : memref<1x32xf32, #tpu.memory_space<vmem>>, vector<1x32xf32>
    %add3A_17 = vector.broadcast %get3A_16 : vector<1x32xf32> to vector<2000x32xf32>
    %add3A_18 = arith.addf %add3A, %add3A_17 : vector<2000x32xf32>
    %logistic3A = arith.negf %add3A_18 : vector<2000x32xf32>
    %logistic3A_19 = math.exp %logistic3A : vector<2000x32xf32>
    %logistic3A_20 = arith.constant 1.000000e+00 : f32
    %logistic3A_21 = vector.broadcast %logistic3A_20 : f32 to vector<2000x32xf32>
    %logistic3A_22 = arith.addf %logistic3A_21, %logistic3A_19 : vector<2000x32xf32>
    %logistic3A_23 = arith.divf %logistic3A_21, %logistic3A_22 : vector<2000x32xf32>
    %mul3A = arith.mulf %add3A_18, %logistic3A_23 : vector<2000x32xf32>
    %get3A_24 = arith.constant 0 : index
    %get3A_25 = arith.constant 0 : index
    %get3A_26 = vector.load %arg6[%get3A_24, %get3A_25] : memref<32x32xf32, #tpu.memory_space<vmem>>, vector<32x32xf32>
    %dot_general3A_27 = arith.constant dense<0.000000e+00> : vector<2000x32xf32>
    %dot_general3A_28 = tpu.matmul %mul3A, %get3A_26, %dot_general3A_27 {dimension_numbers = #tpu.dot_dimension_numbers<[1], [0], [0], [1], [0, 0, 1, 1], [], []>, transpose_lhs_hint = false} : vector<2000x32xf32>, vector<32x32xf32>, vector<2000x32xf32> -> vector<2000x32xf32>
    %get3A_29 = arith.constant 0 : index
    %get3A_30 = arith.constant 0 : index
    %get3A_31 = vector.load %arg7[%get3A_29, %get3A_30] : memref<1x32xf32, #tpu.memory_space<vmem>>, vector<1x32xf32>
    %add3A_32 = vector.broadcast %get3A_31 : vector<1x32xf32> to vector<2000x32xf32>
    %add3A_33 = arith.addf %dot_general3A_28, %add3A_32 : vector<2000x32xf32>
    %logistic3A_34 = arith.negf %add3A_33 : vector<2000x32xf32>
    %logistic3A_35 = math.exp %logistic3A_34 : vector<2000x32xf32>
    %logistic3A_36 = arith.constant 1.000000e+00 : f32
    %logistic3A_37 = vector.broadcast %logistic3A_36 : f32 to vector<2000x32xf32>
    %logistic3A_38 = arith.addf %logistic3A_37, %logistic3A_35 : vector<2000x32xf32>
    %logistic3A_39 = arith.divf %logistic3A_37, %logistic3A_38 : vector<2000x32xf32>
    %mul3A_40 = arith.mulf %add3A_33, %logistic3A_39 : vector<2000x32xf32>
    %get3A_41 = arith.constant 0 : index
    %get3A_42 = arith.constant 0 : index
    %get3A_43 = vector.load %arg1[%get3A_41, %get3A_42] : memref<2000x32xf32, #tpu.memory_space<vmem>>, vector<2000x32xf32>
    %get3A_44 = arith.constant 0 : index
    %get3A_45 = arith.constant 0 : index
    %get3A_46 = vector.load %arg8[%get3A_44, %get3A_45] : memref<32x32xf32, #tpu.memory_space<vmem>>, vector<32x32xf32>
    %dot_general3A_47 = arith.constant dense<0.000000e+00> : vector<2000x32xf32>
    %dot_general3A_48 = tpu.matmul %mul3A_40, %get3A_46, %dot_general3A_47 {dimension_numbers = #tpu.dot_dimension_numbers<[1], [0], [0], [1], [0, 0, 1, 1], [], []>, transpose_lhs_hint = false} : vector<2000x32xf32>, vector<32x32xf32>, vector<2000x32xf32> -> vector<2000x32xf32>
    %add3A_49 = arith.addf %get3A_43, %dot_general3A_48 : vector<2000x32xf32>
    %get3A_50 = arith.constant 0 : index
    %get3A_51 = arith.constant 0 : index
    %get3A_52 = vector.load %arg9[%get3A_50, %get3A_51] : memref<1x32xf32, #tpu.memory_space<vmem>>, vector<1x32xf32>
    %add3A_53 = vector.broadcast %get3A_52 : vector<1x32xf32> to vector<2000x32xf32>
    %add3A_54 = arith.addf %add3A_49, %add3A_53 : vector<2000x32xf32>
    %get3A_55 = arith.constant 0 : index
    %get3A_56 = arith.constant 0 : index
    %get3A_57 = vector.load %arg10[%get3A_55, %get3A_56] : memref<32x32xf32, #tpu.memory_space<vmem>>, vector<32x32xf32>
    %dot_general3A_58 = arith.constant dense<0.000000e+00> : vector<2000x32xf32>
    %dot_general3A_59 = tpu.matmul %add3A_54, %get3A_57, %dot_general3A_58 {dimension_numbers = #tpu.dot_dimension_numbers<[1], [0], [0], [1], [0, 0, 1, 1], [], []>, transpose_lhs_hint = false} : vector<2000x32xf32>, vector<32x32xf32>, vector<2000x32xf32> -> vector<2000x32xf32>
    %get3A_60 = arith.constant 0 : index
    %get3A_61 = arith.constant 0 : index
    %get3A_62 = vector.load %arg11[%get3A_60, %get3A_61] : memref<1x32xf32, #tpu.memory_space<vmem>>, vector<1x32xf32>
    %add3A_63 = vector.broadcast %get3A_62 : vector<1x32xf32> to vector<2000x32xf32>
    %add3A_64 = arith.addf %dot_general3A_59, %add3A_63 : vector<2000x32xf32>
    %logistic3A_65 = arith.negf %add3A_64 : vector<2000x32xf32>
    %logistic3A_66 = math.exp %logistic3A_65 : vector<2000x32xf32>
    %logistic3A_67 = arith.constant 1.000000e+00 : f32
    %logistic3A_68 = vector.broadcast %logistic3A_67 : f32 to vector<2000x32xf32>
    %logistic3A_69 = arith.addf %logistic3A_68, %logistic3A_66 : vector<2000x32xf32>
    %logistic3A_70 = arith.divf %logistic3A_68, %logistic3A_69 : vector<2000x32xf32>
    %mul3A_71 = arith.mulf %add3A_64, %logistic3A_70 : vector<2000x32xf32>
    %get3A_72 = arith.constant 0 : index
    %get3A_73 = arith.constant 0 : index
    %get3A_74 = vector.load %arg12[%get3A_72, %get3A_73] : memref<32x32xf32, #tpu.memory_space<vmem>>, vector<32x32xf32>
    %dot_general3A_75 = arith.constant dense<0.000000e+00> : vector<2000x32xf32>
    %dot_general3A_76 = tpu.matmul %mul3A_71, %get3A_74, %dot_general3A_75 {dimension_numbers = #tpu.dot_dimension_numbers<[1], [0], [0], [1], [0, 0, 1, 1], [], []>, transpose_lhs_hint = false} : vector<2000x32xf32>, vector<32x32xf32>, vector<2000x32xf32> -> vector<2000x32xf32>
    %get3A_77 = arith.constant 0 : index
    %get3A_78 = arith.constant 0 : index
    %get3A_79 = vector.load %arg13[%get3A_77, %get3A_78] : memref<1x32xf32, #tpu.memory_space<vmem>>, vector<1x32xf32>
    %add3A_80 = vector.broadcast %get3A_79 : vector<1x32xf32> to vector<2000x32xf32>
    %add3A_81 = arith.addf %dot_general3A_76, %add3A_80 : vector<2000x32xf32>
    %logistic3A_82 = arith.negf %add3A_81 : vector<2000x32xf32>
    %logistic3A_83 = math.exp %logistic3A_82 : vector<2000x32xf32>
    %logistic3A_84 = arith.constant 1.000000e+00 : f32
    %logistic3A_85 = vector.broadcast %logistic3A_84 : f32 to vector<2000x32xf32>
    %logistic3A_86 = arith.addf %logistic3A_85, %logistic3A_83 : vector<2000x32xf32>
    %logistic3A_87 = arith.divf %logistic3A_85, %logistic3A_86 : vector<2000x32xf32>
    %mul3A_88 = arith.mulf %add3A_81, %logistic3A_87 : vector<2000x32xf32>
    %get3A_89 = arith.constant 0 : index
    %get3A_90 = arith.constant 0 : index
    %get3A_91 = vector.load %arg14[%get3A_89, %get3A_90] : memref<32x3xf32, #tpu.memory_space<vmem>>, vector<32x3xf32>
    %dot_general3A_92 = arith.constant dense<0.000000e+00> : vector<2000x3xf32>
    %dot_general3A_93 = tpu.matmul %mul3A_88, %get3A_91, %dot_general3A_92 {dimension_numbers = #tpu.dot_dimension_numbers<[1], [0], [0], [1], [0, 0, 1, 1], [], []>, transpose_lhs_hint = false} : vector<2000x32xf32>, vector<32x3xf32>, vector<2000x3xf32> -> vector<2000x3xf32>
    %get3A_94 = arith.constant 0 : index
    %get3A_95 = arith.constant 0 : index
    %get3A_96 = vector.load %arg15[%get3A_94, %get3A_95] : memref<1x3xf32, #tpu.memory_space<vmem>>, vector<1x3xf32>
    %add3A_97 = vector.broadcast %get3A_96 : vector<1x3xf32> to vector<2000x3xf32>
    %add3A_98 = arith.addf %dot_general3A_93, %add3A_97 : vector<2000x3xf32>
    %swap3A = arith.constant 0 : index
    %swap3A_99 = arith.constant 0 : index
    %swap3A_100 = vector.load %arg16[%swap3A, %swap3A_99] : memref<2000x3xf32, #tpu.memory_space<vmem>>, vector<2000x3xf32>
    tpu.vector_store %arg16[%swap3A, %swap3A_99], %add3A_98 {strides = array<i32>} : memref<2000x3xf32, #tpu.memory_space<vmem>>, vector<2000x3xf32>,
    return
  }
  func.func @transform_0(%arg0: i32) -> (i32, i32) {
    %c0_i32 = arith.constant 0 : i32
    %c0_i32_0 = arith.constant 0 : i32
    return %arg0, %c0_i32 : i32, i32
  }
  func.func @transform_1(%arg0: i32) -> (i32, i32) {
    %c0_i32 = arith.constant 0 : i32
    %c0_i32_0 = arith.constant 0 : i32
    return %arg0, %c0_i32 : i32, i32
  }
  func.func @transform_2(%arg0: i32) -> (i32, i32) {
    %c0_i32 = arith.constant 0 : i32
    %c0_i32_0 = arith.constant 0 : i32
    %c0_i32_1 = arith.constant 0 : i32
    return %c0_i32, %c0_i32_0 : i32, i32
  }
  func.func @transform_3(%arg0: i32) -> (i32, i32) {
    %c0_i32 = arith.constant 0 : i32
    %c0_i32_0 = arith.constant 0 : i32
    %c0_i32_1 = arith.constant 0 : i32
    return %c0_i32, %c0_i32_0 : i32, i32
  }
  func.func @transform_4(%arg0: i32) -> (i32, i32) {
    %c0_i32 = arith.constant 0 : i32
    %c0_i32_0 = arith.constant 0 : i32
    %c0_i32_1 = arith.constant 0 : i32
    return %c0_i32, %c0_i32_0 : i32, i32
  }
  func.func @transform_5(%arg0: i32) -> (i32, i32) {
    %c0_i32 = arith.constant 0 : i32
    %c0_i32_0 = arith.constant 0 : i32
    %c0_i32_1 = arith.constant 0 : i32
    return %c0_i32, %c0_i32_0 : i32, i32
  }
  func.func @transform_6(%arg0: i32) -> (i32, i32) {
    %c0_i32 = arith.constant 0 : i32
    %c0_i32_0 = arith.constant 0 : i32
    %c0_i32_1 = arith.constant 0 : i32
    return %c0_i32, %c0_i32_0 : i32, i32
  }
  func.func @transform_7(%arg0: i32) -> (i32, i32) {
    %c0_i32 = arith.constant 0 : i32
    %c0_i32_0 = arith.constant 0 : i32
    %c0_i32_1 = arith.constant 0 : i32
    return %c0_i32, %c0_i32_0 : i32, i32
  }
  func.func @transform_8(%arg0: i32) -> (i32, i32) {
    %c0_i32 = arith.constant 0 : i32
    %c0_i32_0 = arith.constant 0 : i32
    %c0_i32_1 = arith.constant 0 : i32
    return %c0_i32, %c0_i32_0 : i32, i32
  }
  func.func @transform_9(%arg0: i32) -> (i32, i32) {
    %c0_i32 = arith.constant 0 : i32
    %c0_i32_0 = arith.constant 0 : i32
    %c0_i32_1 = arith.constant 0 : i32
    return %c0_i32, %c0_i32_0 : i32, i32
  }
  func.func @transform_10(%arg0: i32) -> (i32, i32) {
    %c0_i32 = arith.constant 0 : i32
    %c0_i32_0 = arith.constant 0 : i32
    %c0_i32_1 = arith.constant 0 : i32
    return %c0_i32, %c0_i32_0 : i32, i32
  }
  func.func @transform_11(%arg0: i32) -> (i32, i32) {
    %c0_i32 = arith.constant 0 : i32
    %c0_i32_0 = arith.constant 0 : i32
    %c0_i32_1 = arith.constant 0 : i32
    return %c0_i32, %c0_i32_0 : i32, i32
  }
  func.func @transform_12(%arg0: i32) -> (i32, i32) {
    %c0_i32 = arith.constant 0 : i32
    %c0_i32_0 = arith.constant 0 : i32
    %c0_i32_1 = arith.constant 0 : i32
    return %c0_i32, %c0_i32_0 : i32, i32
  }
  func.func @transform_13(%arg0: i32) -> (i32, i32) {
    %c0_i32 = arith.constant 0 : i32
    %c0_i32_0 = arith.constant 0 : i32
    %c0_i32_1 = arith.constant 0 : i32
    return %c0_i32, %c0_i32_0 : i32, i32
  }
  func.func @transform_14(%arg0: i32) -> (i32, i32) {
    %c0_i32 = arith.constant 0 : i32
    %c0_i32_0 = arith.constant 0 : i32
    %c0_i32_1 = arith.constant 0 : i32
    return %c0_i32, %c0_i32_0 : i32, i32
  }
  func.func @transform_15(%arg0: i32) -> (i32, i32) {
    %c0_i32 = arith.constant 0 : i32
    %c0_i32_0 = arith.constant 0 : i32
    return %arg0, %c0_i32 : i32, i32
  }
}

</mosaic_0001>

<sc_bundles>
// kernel: kernel.11.cloned.1.call-start
scs
__scs_entry_jumppad:
0x0: {  	(pc) =	sbr.rel $0x88, $3  }
0x1: {  	(tag) =	ssettag $0x0;
	lr =	simm.s32 $0x1  }
0x2: {  	[smem:$0x3F73] =	sst lr;
	_ =	strace $0xD0000000  }
0x3: {  	_ = 	snop  }
0x4: {  	_ = 	snop  }
0x5: {  	_ = 	snop  }
0x6: {  	_ = 	snop  }
0x7: {  	_ = 	snop  }
__scs_overlays_trampoline_lowered:
0x8: {  	[smem:$0x3F82] =	sst s0  }
0x9: {  	[smem:$0x3F83] =	sst s1  }
0xa: {  	[smem:$0x3F84] =	sst s2  }
0xb: {  	[smem:$0x3F85] =	sst s3  }
0xc: {  	[smem:$0x3F86] =	sst s4  }
0xd: {  	[smem:$0x3F87] =	sst s5  }
0xe: {  	[smem:$0x3F88] =	sst s6  }
0xf: {  	[smem:$0x3F89] =	sst s7  }
0x10: {  	[smem:$0x3F8A] =	sst s8  }
0x11: {  	[smem:$0x3F8B] =	sst s9;
	s0 =	simm.s32 @!p0 $0x0  }
0x12: {  	s1 =	sld [smem:$0x3F71];
	s0 =	simm.s32 @p0 $0x1  }
0x13: {  	[smem:$0x3F8C] =	sst s0;
	s0 =	simm.s32 @!p1 $0x0  }
0x14: {  	s2 =	sld [smem:$0x3F70];
	s0 =	simm.s32 @p1 $0x1  }
0x15: {  	[smem:$0x3F8D] =	sst s0;
	s0 =	simm.s32 @!p2 $0x0  }
0x16: {  	s3 =	sld [smem:$0x3FDB];
	s0 =	simm.s32 @p2 $0x1  }
0x17: {  	s4 =	simm.s32 $0x1BF5;
	[smem:$0x3F8F] =	sst s0  }
0x18: {  	s0 =	sld [smem:$0x3F72];
	_ =	swait.ge [sflag:s4], $0x0  }
0x19: {  	s7 =	sld [smem:$0x3F73]  }
0x1a: {  	s8 =	sadd.s32 $0xFFFFE003, lr  }
0x1b: {  	s9 =	sadd.s32 $0xFFFFFEF7, lr;
	s5 =	simm.s32 $0xFFFFFFFF;
	p2 =	slt.u32 s8, $0xFFFFF086  }
0x1c: {  	p1 =	slt.u32 s9, $0xF7A;
	s5 =	simm.s32 @!p2 $0x0  }
0x1d: {  	s5 =	simm.s32 @p1 $0x1;
	p0 =	seq.s32 s7, s2  }
0x1e: {  	s7 =	smul.u32 @!p0 $0xF7A, s2;
	p2 =	seq.s32 @!p0 s5, $0x0  }
0x1f: {  	s9 =	smul.u32 $0xF7A, s1;
	s8 =	simm.s32 @!p0 $0x1BF5;
	p2 =	por !p2, p0  }
0x20: {  	[sflag:s8] =	ssyncset.s32 @!p0 $0xFFFFF086;
	s6 =	sadd.s32 @!p0 s3, s7;
	s7 =	simm.s32 @!p0 $0x108  }
0x21: {  	s3 =	sadd.s32 s3, s9;
	s6 =	sadd.s32 @!p0 $0x88, s6;
	s7 =	simm.s32 @p2 $0x1082  }
0x22: {  	[simem:s7], [sflag:s8] =	dma.local @!p0 [hbm:s6], $0xF7A  }
0x23: {  	s9 =	sor.u32 $0xD0000000, s2;
	s6 =	simm.s32 $0x108;
	_ =	swait.ge @!p0 [sflag:s8], $0x0  }
0x24: {  	s3 =	sadd.s32 $0x88, s3;
	s6 =	simm.s32 @!p1 $0x1082;
	[sflag:s4] =	ssyncset.s32 $0xFFFFF086  }
0x25: {  	[simem:s6], [sflag:s4] =	dma.local [hbm:s3], $0xF7A  }
0x26: {  	[smem:$0x3F73] =	sst s1;
	(tag) =	ssettag s2;
	_ =	strace s9  }
0x27: {  	s1 =	sld [smem:$0x3F83]  }
0x28: {  	s2 =	sld [smem:$0x3F84]  }
0x29: {  	s4 =	sld [smem:$0x3F86]  }
0x2a: {  	p0 =	seq.s32 s5, $0x0;
	s5 =	sld [smem:$0x3F87]  }
0x2b: {  	s6 =	sld [smem:$0x3F88]  }
0x2c: {  	s7 =	sld [smem:$0x3F89]  }
0x2d: {  	s3 =	simm.s32 $0x108;
	s8 =	sld [smem:$0x3F8A]  }
0x2e: {  	s3 =	simm.s32 @!p0 $0x1082;
	s9 =	sld [smem:$0x3F8B]  }
0x2f: {  	lr =	sadd.s32 s0, s3;
	s0 =	sld [smem:$0x3F82]  }
0x30: {  	s3 =	sld [smem:$0x3F85]  }
0x31: {  	[smem:$0x3F8E] =	sst s10  }
0x32: {  	s10 =	sld [smem:$0x3F8C];
	_ =	sdelay $0x3  }
0x33: {  	p0 =	seq.s32 s10, $0x1;
	s10 =	sld [smem:$0x3F8E];
	_ =	sdelay $0x3  }
0x34: {  	[smem:$0x3F8E] =	sst s10  }
0x35: {  	s10 =	sld [smem:$0x3F8D];
	_ =	sdelay $0x3  }
0x36: {  	p1 =	seq.s32 s10, $0x1;
	s10 =	sld [smem:$0x3F8E];
	_ =	sdelay $0x3  }
0x37: {  	[smem:$0x3F8E] =	sst s10  }
0x38: {  	s10 =	sld [smem:$0x3F8F]  }
0x39: {  	_ = 	snop;
	(pc) =	sbr.ind lr, $3  }
0x3a: {  	_ = 	snop  }
0x3b: {  	_ = 	snop  }
0x3c: {  	p2 =	seq.s32 s10, $0x1;
	s10 =	sld [smem:$0x3F8E]  }
0x3d: {  	_ =	shalt  }
0x3e: {  	_ =	shalt  }
0x3f: {  	_ =	shalt  }
0x40: {  	_ =	shalt  }
0x41: {  	_ =	shalt  }
0x42: {  	_ =	shalt  }
0x43: {  	_ =	shalt  }
0x44: {  	_ =	shalt  }
0x45: {  	_ =	shalt  }
0x46: {  	_ =	shalt  }
0x47: {  	_ =	shalt  }
0x48: {  	_ =	shalt  }
0x49: {  	_ =	shalt  }
0x4a: {  	_ =	shalt  }
0x4b: {  	_ =	shalt  }
0x4c: {  	_ =	shalt  }
0x4d: {  	_ =	shalt  }
0x4e: {  	_ =	shalt  }
0x4f: {  	_ =	shalt  }
0x50: {  	_ =	shalt  }
0x51: {  	_ =	shalt  }
0x52: {  	_ =	shalt  }
0x53: {  	_ =	shalt  }
0x54: {  	_ =	shalt  }
0x55: {  	_ =	shalt  }
0x56: {  	_ =	shalt  }
0x57: {  	_ =	shalt  }
0x58: {  	_ =	shalt  }
0x59: {  	_ =	shalt  }
0x5a: {  	_ =	shalt  }
0x5b: {  	_ =	shalt  }
0x5c: {  	_ =	shalt  }
0x5d: {  	_ =	shalt  }
0x5e: {  	_ =	shalt  }
0x5f: {  	_ =	shalt  }
0x60: {  	_ =	shalt  }
0x61: {  	_ =	shalt  }
0x62: {  	_ =	shalt  }
0x63: {  	_ =	shalt  }
0x64: {  	_ =	shalt  }
0x65: {  	_ =	shalt  }
0x66: {  	_ =	shalt  }
0x67: {  	_ =	shalt  }
0x68: {  	_ =	shalt  }
0x69: {  	_ =	shalt  }
0x6a: {  	_ =	shalt  }
0x6b: {  	_ =	shalt  }
0x6c: {  	_ =	shalt  }
0x6d: {  	_ =	shalt  }
0x6e: {  	_ =	shalt  }
0x6f: {  	_ =	shalt  }
0x70: {  	_ =	shalt  }
0x71: {  	_ =	shalt  }
0x72: {  	_ =	shalt  }
0x73: {  	_ =	shalt  }
0x74: {  	_ =	shalt  }
0x75: {  	_ =	shalt  }
0x76: {  	_ =	shalt  }
0x77: {  	_ =	shalt  }
0x78: {  	_ =	shalt  }
0x79: {  	_ =	shalt  }
0x7a: {  	_ =	shalt  }
0x7b: {  	_ =	shalt  }
0x7c: {  	_ =	shalt  }
0x7d: {  	_ =	shalt  }
0x7e: {  	_ =	shalt  }
0x7f: {  	_ =	shalt  }
0x80: {  	_ =	shalt  }
0x81: {  	_ =	shalt  }
0x82: {  	_ =	shalt  }
0x83: {  	_ =	shalt  }
0x84: {  	_ =	shalt  }
0x85: {  	_ =	shalt  }
0x86: {  	_ =	shalt  }
0x87: {  	_ =	shalt  }
.Lfunc_end0:
.L_simem_size_0:
called_computation_lowered:
.L_overlay_start_0:
0x88: {  	s2 =	sld [smem:$0x3FD9]  }
0x89: {  	s3 =	sld [smem:$0x3FFE];
	_ =	sdelay $0x1  }
0x8a: {  	s1 =	srdreg.scid  }
0x8b: {  	s0 =	sand.u32 $0x1, s1  }
0x8c: {  	s16 =	sshll.u32 s0, $0xA;
	s2 =	sadd.s32 s3, s2  }
0x8d: {  	s2 =	sadd.s32 s2, s16  }
0x8e: {  	[smem:$0x3F9A] =	sst s2  }
0x8f: {  	_ = 	snop  }
0x90: {  	(tm) =	ssettm $0x1  }
0x91: {  	s17 =	sld [smem:$0x3FFB];
	_ =	sdelay $0x3  }
0x92: {  	_ =	strace s17  }
0x93: {  	s2 =	sld [smem:$0x3FFC];
	_ =	sdelay $0x3  }
0x94: {  	_ =	strace s2  }
0x95: {  	s2 =	sld [smem:$0x3FFD];
	_ =	sdelay $0x3  }
0x96: {  	_ =	strace s2  }
0x97: {  	_ =	strace $0x8FFFFFFF  }
0x98: {  	s18 =	sld [smem:$0x3FDB];
	_ =	sdelay $0x1  }
0x99: {  	s19 =	simm.s32 $_scs_section_size  }
0x9a: {  	s4 =	simm.s32 $_size__tile_overlayer_lowered;
	s5 =	simm.s32 $_tile_overlayer_lowered  }
0x9b: {  	s22 =	simm.s32 $0x1BFF;
	s21 =	sshll.u32 s5, $0x1;
	s2 =	sadd.s32 s19, s18  }
0x9c: {  	s6 =	simm.s32 $0x0;
	s20 =	sshll.u32 s4, $0x1;
	s4 =	sadd.s32 s21, s2  }
0x9d: {  	[timem:s6], [sflag:s22] =	dma.local [hbm:s4], s20  }
0x9e: {  	_ =	swait.ge [sflag:s22], s20  }
0x9f: {  	s3 =	ssub.s32 $0x0, s20;
	[sflag:s22] =	ssyncset.done $0x0  }
0xa0: {  	[sflag:s22] =	ssyncadd.s32 s3;
	_ =	sdelay $0x1  }
0xa1: {  	s23 =	simm.s32 $0x1B8B  }
0xa2: {  	_ =	swait.ge [sflag:s23], $0x1  }
0xa3: {  	[sflag:s23] =	ssyncset.done $0x0  }
0xa4: {  	s25 =	simm.s32 $0x1B8E;
	s24 =	sld [smem:$0x3FFE];
	[sflag:s23] =	ssyncadd.s32 $0xFFFFFFFF  }
0xa5: {  	s26 =	simm.s32 $execute0_lowered;
	[smem:$0x3FD2] =	sst s25  }
0xa6: {  	s4 =	sshll.u32 s26, $0x1;
	_ =	strace $0x80000046;
	[dreg:$0x1] =	wrdreg $0xFFFFFFFF  }
0xa7: {  	s28 =	simm.s32 $_size_execute0_lowered;
	s2 =	sadd.s32 s2, s4;
	[dreg:$0x0] =	wrdreg $0x0  }
0xa8: {  	s4 =	sshll.u32 s28, $0x1;
	[dreg:$0x2] =	wrdreg s2  }
0xa9: {  	[dreg:$0x3] =	wrdreg s4  }
0xaa: {  	[dreg:$0x4] =	wrdreg $0xC0  }
0xab: {  	_ =	task [dreg:s6], $0x5FFFF  }
0xac: {  	[dreg:$0x1] =	wrdreg $0xFFFFFFFF  }
0xad: {  	[dreg:$0x0] =	wrdreg $0x60  }
0xae: {  	[dreg:$0x2] =	wrdreg s24  }
0xaf: {  	[dreg:$0x3] =	wrdreg $0x9  }
0xb0: {  	_ =	task.clear_ibuf [dreg:s6], $0x4FFFF;
	_ =	strace $0x90000046  }
0xb1: {  	s29 =	simm.s32 $0x9;
	_ =	strace $0x80000048  }
0xb2: {  	_ =	swait.ge [sflag:s29], $0x1  }
0xb3: {  	[sflag:s29] =	ssyncadd.s32 $0xFFFFFFFF  }
0xb4: {  	_ =	strace $0x90000048  }
0xb5: {  	_ =	sfence  }
0xb6: {  	s30 =	sld [smem:$0x0];
	_ =	sdelay $0x2  }
0xb7: {  	s31 =	sshll.u32 s1, $0xD;
	s1 =	sshrl.u32 s1, $0x2  }
0xb8: {  	s3 =	sand.u32 $0x4000, s31;
	s1 =	sadd.s32 s1, s30  }
0xb9: {  	s0 =	sor.u32 s3, s0;
	s1 =	sshll.u32 s1, $0x11  }
0xba: {  	s0 =	sor.u32 s1, s0  }
0xbb: {  	s0 =	sadd.s32 $0x8F2B, s0  }
0xbc: {  	[sflag:s0] =	ssyncadd.remote.s32 $0x1  }
0xbd: {  	_ =	sfence.sel $0xFFFF  }
0xbe: {  	[dreg:$0x0] =	wrdreg $0xFFFFFFFF;
	(pc) =	sbr.abs _section_cstart, $3  }
0xbf: {  	[dreg:$0x1] =	wrdreg $0xFFFFFFFF  }
0xc0: {  	_ =	task.clear_ibuf [dreg:s6], $0x2FFFF;
	_ =	strace $0x9FFFFFFF  }
0xc1: {  	(tm) =	ssettm $0x7FFFFFFF  }
tec
execute0_lowered:
.L_overlay_start_1:
0x0: {  	(tag) =	ssettag $0x1  }
0x1: {  	s0 =	rddreg [dreg:$0x0];
	s1 =	simm.s32 $0x0;
	s3 =	srdreg.scid  }
0x2: {  	s7 =	stileid.u32;
	s28 =	simm.s32 $0x5;
	s30 =	simm.s32 $0x3F00  }
0x3: {  	s31 =	simm.s32 $0xAF00;
	[smem:$0x7FF] =	sst s1;
	s2 =	sadd.s32 $0xCBA00, s0  }
0x4: {  	s4 =	sadd.s32 $0x69E00, s0;
	s5 =	sadd.s32 $0x38E00, s0;
	s6 =	sadd.s32 $0x7E00, s0  }
0x5: {  	s29 =	simm.s32 $0x2;
	s8 =	sadd.s32 $0x377200, s0;
	s16 =	sadd.s32 $0x997200, s0  }
0x6: {  	s3 =	sand.u32 $0x1, s3;
	s14 =	sadd.s32 $0xFB7200, s0;
	s18 =	smul.u32 $0x62000, s7  }
0x7: {  	s9 =	sshll.u32 s7, $0x1;
	s15 =	sadd.s32 $0x15D7200, s0;
	s23 =	smul.u32 $0x18800, s7  }
0x8: {  	_ =	strace $0x80000047;
	s11 =	ssub.s32 $0x2, s3;
	s21 =	smul.u32 $0x31000, s3  }
0x9: {  	s10 =	sor.u32 s3, s9;
	[dreg:$0x3] =	wrdreg s15;
	s3 =	smul.u32 $0xC400, s3  }
0xa: {  	[dreg:$0x2] =	wrdreg s14;
	s12 =	sshrl.u32 s11, $0x1;
	s13 =	smul.u32 $0x1880, s10  }
0xb: {  	s22 =	sadd.s32 s18, s15;
	s24 =	sadd.s32 s18, s14;
	s14 =	smov.u32 s16  }
0xc: {  	s25 =	sadd.s32 s18, s16;
	s10 =	smov.u32 s8;
	s17 =	ssub.s32 s11, s12  }
0xd: {  	s15 =	sadd.s32 s21, s24;
	s11 =	sadd.s32 s18, s8;
	s16 =	sadd.s32 s21, s25  }
0xe: {  	s26 =	sadd.s32 s3, s23;
	s23 =	simm.s32 $0x700;
	s24 =	simm.s32 $0x7700  }
0xf: {  	s25 =	simm.s32 $0xE700;
	s3 =	simm.s32 $0x18F00;
	s19 =	sadd.s32 s5, s13  }
0x10: {  	s12 =	simm.s32 $0x4;
	s20 =	sadd.s32 s6, s13;
	[dreg:$0x4] =	wrdreg s19  }
0x11: {  	s8 =	simm.s32 $0x0;
	s0 =	smax.u32 s17, $0x1;
	[dreg:$0x5] =	wrdreg s20  }
0x12: {  	s17 =	sadd.s32 s21, s11;
	[dreg:$0x6] =	wrdreg s0;
	s0 =	sadd.s32 s21, s22  }
0x13: {  	s19 =	simm.s32 $0x380;
	s20 =	simm.s32 $0x1;
	s21 =	simm.s32 $0x1C0  }
0x14: {  	s22 =	simm.s32 $0x540;
	[dreg:$0x7] =	wrdreg s0;
	s0 =	sor.u32 $0x380, s26  }
0x15: {  	s26 =	simm.s32 $0x15700;
	[dreg:$0x8] =	wrdreg s0;
	s0 =	simm.s32 $0x11F00  }
.LBB2_1:
0x16: {  	[dreg:$0x9] =	wrdreg s8  }
0x17: {  	s7 =	rddreg [dreg:$0x4]  }
0x18: {  	[tilespmem:s1], [sflag:$0x1] =	stream.linear.gather [hbm4b:s7+s1], $0x1C0, $0x38;
	[tilespmem:$0x1C700] =	vst v63  }
0x19: {  	s18 =	rddreg [dreg:$0x5]  }
0x1a: {  	[tilespmem:s19], [sflag:$0x1] =	stream.linear.gather [hbm4b:s18+s1], $0x1C0, $0x38;
	[tilespmem:$0x1C700] =	vst v63  }
0x1b: {  	s11 =	simm.s32 $0x0;
	s18 =	rddreg [dreg:$0x8]  }
.LBB2_2:
0x1c: {  	s13 =	sadd.s32 $0xFFFFFE40, s18  }
0x1d: {  	s7 =	sshrl.u32 s13, $0x6  }
0x1e: {  	_ =	swait.ge [sflag:s20], $0x1C0;
	s7 =	smulhi.u32 $0x24924925, s7  }
0x1f: {  	[sflag:s20] =	ssyncset.done $0x0  }
0x20: {  	[sflag:s20] =	ssyncadd.s32 $0xFFFFFE40;
	s7 =	smul.u32 $0x1C0, s7  }
0x21: {  	_ =	swait.ge [sflag:s20], $0x1C0  }
0x22: {  	[sflag:s20] =	ssyncset.done $0x0;
	s7 =	sshrl.u32 s7, $0x3  }
0x23: {  	[sflag:s20] =	ssyncadd.s32 $0xFFFFFE40;
	s8 =	sadd.s32 s5, s7  }
0x24: {  	[tilespmem:s21], [sflag:$0x2] =	stream.linear.gather [hbm4b:s8+s1], $0x1C0, $0x38;
	[tilespmem:$0x1C700] =	vst v63  }
0x25: {  	p0 =	seq.s32 s11, $0x0;
	s7 =	sadd.s32 s6, s7  }
0x26: {  	[tilespmem:s22], [sflag:$0x2] =	stream.linear.gather [hbm4b:s7+s1], $0x1C0, $0x38;
	[tilespmem:$0x1C700] =	vst v63  }
0x27: {  	s7 =	simm.s32 @!p0 $0x3  }
0x28: {  	_ =	swait.ge @!p0 [sflag:s7], $0x3800  }
0x29: {  	[sflag:s7] =	ssyncset.done @!p0 $0x0  }
0x2a: {  	[sflag:s7] =	ssyncadd.s32 @!p0 $0xFFFFC800  }
0x2b: {  	_ =	swait.ge @!p0 [sflag:s7], $0x3800  }
0x2c: {  	[sflag:s7] =	ssyncset.done @!p0 $0x0  }
0x2d: {  	[sflag:s7] =	ssyncadd.s32 @!p0 $0xFFFFC800  }
0x2e: {  	_ =	swait.ge @!p0 [sflag:s7], $0x3800  }
0x2f: {  	[sflag:s7] =	ssyncset.done @!p0 $0x0  }
0x30: {  	[sflag:s7] =	ssyncadd.s32 @!p0 $0xFFFFC800  }
0x31: {  	_ =	swait.ge @!p0 [sflag:s7], $0x3800  }
0x32: {  	[sflag:s7] =	ssyncset.done @!p0 $0x0  }
0x33: {  	[sflag:s7] =	ssyncadd.s32 @!p0 $0xFFFFC800  }
0x34: {  	[tilespmem:s23], [sflag:$0x5] =	stream.indirect.gather [hbm4b:s2+s21], $0x20, s1, s21, $0xb8;
	[tilespmem:$0x1C700] =	vst v63  }
0x35: {  	_ = 	snop  }
0x36: {  	[tilespmem:s24], [sflag:$0x5] =	stream.indirect.gather [hbm4b:s2+s21], $0x20, s19, s21, $0xb8;
	[tilespmem:$0x1C700] =	vst v63  }
0x37: {  	_ = 	snop  }
0x38: {  	[tilespmem:s25], [sflag:$0x5] =	stream.indirect.gather [hbm4b:s4+s21], $0x20, s1, s21, $0xb8;
	[tilespmem:$0x1C700] =	vst v63  }
0x39: {  	_ = 	snop  }
0x3a: {  	[tilespmem:s26], [sflag:$0x5] =	stream.indirect.gather [hbm4b:s4+s21], $0x20, s19, s21, $0xb8;
	[tilespmem:$0x1C700] =	vst v63  }
0x3b: {  	_ =	swait.ge [sflag:s28], $0x3800  }
0x3c: {  	[sflag:s28] =	ssyncset.done $0x0  }
0x3d: {  	[sflag:s28] =	ssyncadd.s32 $0xFFFFC800  }
0x3e: {  	_ =	swait.ge [sflag:s28], $0x3800  }
0x3f: {  	[sflag:s28] =	ssyncset.done $0x0  }
0x40: {  	[sflag:s28] =	ssyncadd.s32 $0xFFFFC800  }
0x41: {  	_ =	swait.ge [sflag:s28], $0x3800  }
0x42: {  	[sflag:s28] =	ssyncset.done $0x0  }
0x43: {  	[sflag:s28] =	ssyncadd.s32 $0xFFFFC800  }
0x44: {  	_ =	swait.ge [sflag:s28], $0x3800  }
0x45: {  	[sflag:s28] =	ssyncset.done $0x0  }
0x46: {  	s8 =	sadd.s32 s11, s17;
	[sflag:s28] =	ssyncadd.s32 $0xFFFFC800  }
0x47: {  	[hbm4b:s8+s1] =	stream.linear.scatter [tilespmem:s23], [sflag:$0x3], $0x3800, $0x38;
	[tilespmem:$0x1C700] =	vst v63  }
0x48: {  	s9 =	sadd.s32 s11, s16  }
0x49: {  	[hbm4b:s9+s1] =	stream.linear.scatter [tilespmem:s24], [sflag:$0x3], $0x3800, $0x38;
	[tilespmem:$0x1C700] =	vst v63  }
0x4a: {  	s8 =	sadd.s32 s11, s15;
	s9 =	rddreg [dreg:$0x7]  }
0x4b: {  	[hbm4b:s8+s1] =	stream.linear.scatter [tilespmem:s25], [sflag:$0x3], $0x3800, $0x38;
	[tilespmem:$0x1C700] =	vst v63  }
0x4c: {  	p0 =	seq.s32 s11, $0x30200;
	s7 =	sadd.s32 s11, s9  }
0x4d: {  	[hbm4b:s7+s1] =	stream.linear.scatter [tilespmem:s26], [sflag:$0x3], $0x3800, $0x38;
	[tilespmem:$0x1C700] =	vst v63  }
0x4e: {  	s7 =	sshrl.u32 @!p0 s18, $0x6  }
0x4f: {  	_ =	swait.ge [sflag:s29], $0x1C0;
	s7 =	smulhi.u32 @!p0 $0x24924925, s7  }
0x50: {  	[sflag:s29] =	ssyncset.done $0x0  }
0x51: {  	[sflag:s29] =	ssyncadd.s32 $0xFFFFFE40;
	s7 =	smul.u32 @!p0 $0x1C0, s7  }
0x52: {  	_ =	swait.ge [sflag:s29], $0x1C0  }
0x53: {  	[sflag:s29] =	ssyncset.done $0x0;
	s7 =	sshrl.u32 @!p0 s7, $0x3  }
0x54: {  	s9 =	simm.s32 @!p0 $0x0;
	[sflag:s29] =	ssyncadd.s32 $0xFFFFFE40;
	s8 =	sadd.s32 @!p0 s5, s7  }
0x55: {  	[tilespmem:s9], [sflag:$0x1] =	stream.linear.gather @!p0 [hbm4b:s8+s9], $0x1C0, $0x38;
	[tilespmem:$0x1C700] =	vst v63  }
0x56: {  	p1 =	seq.s32 @!p0 s11, $0x0;
	s7 =	sadd.s32 @!p0 s6, s7;
	s8 =	simm.s32 @!p0 $0x380  }
0x57: {  	[tilespmem:s8], [sflag:$0x1] =	stream.linear.gather @!p0 [hbm4b:s7+s9], $0x1C0, $0x38;
	[tilespmem:$0x1C700] =	vst v63  }
0x58: {  	p0 =	por p0, !p1  }
0x59: {  	_ =	swait.ge @p0 [sflag:s12], $0x3800  }
0x5a: {  	[sflag:s12] =	ssyncset.done @p0 $0x0  }
0x5b: {  	[sflag:s12] =	ssyncadd.s32 @p0 $0xFFFFC800  }
0x5c: {  	_ =	swait.ge @p0 [sflag:s12], $0x3800  }
0x5d: {  	[sflag:s12] =	ssyncset.done @p0 $0x0  }
0x5e: {  	[sflag:s12] =	ssyncadd.s32 @p0 $0xFFFFC800  }
0x5f: {  	_ =	swait.ge @p0 [sflag:s12], $0x3800  }
0x60: {  	[sflag:s12] =	ssyncset.done @p0 $0x0  }
0x61: {  	[sflag:s12] =	ssyncadd.s32 @p0 $0xFFFFC800  }
0x62: {  	_ =	swait.ge @p0 [sflag:s12], $0x3800  }
0x63: {  	[sflag:s12] =	ssyncset.done @p0 $0x0  }
0x64: {  	[sflag:s12] =	ssyncadd.s32 @p0 $0xFFFFC800  }
0x65: {  	[tilespmem:s30], [sflag:$0x5] =	stream.indirect.gather [hbm4b:s2+s21], $0x20, s21, s21, $0xb8;
	[tilespmem:$0x1C700] =	vst v63  }
0x66: {  	_ = 	snop  }
0x67: {  	[tilespmem:s31], [sflag:$0x5] =	stream.indirect.gather [hbm4b:s2+s21], $0x20, s22, s21, $0xb8;
	[tilespmem:$0x1C700] =	vst v63  }
0x68: {  	_ = 	snop  }
0x69: {  	[tilespmem:s0], [sflag:$0x5] =	stream.indirect.gather [hbm4b:s4+s21], $0x20, s21, s21, $0xb8;
	[tilespmem:$0x1C700] =	vst v63  }
0x6a: {  	_ = 	snop  }
0x6b: {  	[tilespmem:s3], [sflag:$0x5] =	stream.indirect.gather [hbm4b:s4+s21], $0x20, s22, s21, $0xb8;
	[tilespmem:$0x1C700] =	vst v63  }
0x6c: {  	_ =	swait.ge [sflag:s28], $0x3800  }
0x6d: {  	[sflag:s28] =	ssyncset.done $0x0  }
0x6e: {  	[sflag:s28] =	ssyncadd.s32 $0xFFFFC800  }
0x6f: {  	_ =	swait.ge [sflag:s28], $0x3800  }
0x70: {  	[sflag:s28] =	ssyncset.done $0x0  }
0x71: {  	[sflag:s28] =	ssyncadd.s32 $0xFFFFC800  }
0x72: {  	_ =	swait.ge [sflag:s28], $0x3800  }
0x73: {  	[sflag:s28] =	ssyncset.done $0x0  }
0x74: {  	[sflag:s28] =	ssyncadd.s32 $0xFFFFC800  }
0x75: {  	s8 =	sshll.u32 s13, $0x2;
	_ =	swait.ge [sflag:s28], $0x3800  }
0x76: {  	s7 =	sand.u32 $0x1FFFFF00, s8;
	[sflag:s28] =	ssyncset.done $0x0  }
0x77: {  	s11 =	sadd.s32 $0xE00, s11;
	s9 =	sadd.s32 s10, s7;
	[sflag:s28] =	ssyncadd.s32 $0xFFFFC800  }
0x78: {  	[hbm4b:s9+s1] =	stream.linear.scatter [tilespmem:s30], [sflag:$0x4], $0x3800, $0x38;
	[tilespmem:$0x1C700] =	vst v63  }
0x79: {  	s13 =	sadd.s32 s14, s7;
	p0 =	sne.s32 s11, $0x31000  }
0x7a: {  	[hbm4b:s13+s1] =	stream.linear.scatter [tilespmem:s31], [sflag:$0x4], $0x3800, $0x38;
	[tilespmem:$0x1C700] =	vst v63  }
.Ltmp0:
0x7b: {  	s9 =	rddreg [dreg:$0x2];
	(pc) =	sbr.rel @p0 .LBB2_2-.Ltmp0, $4  }
0x7c: {  	s8 =	sadd.s32 s9, s7;
	s13 =	rddreg [dreg:$0x3]  }
0x7d: {  	[hbm4b:s8+s1] =	stream.linear.scatter [tilespmem:s0], [sflag:$0x4], $0x3800, $0x38;
	[tilespmem:$0x1C700] =	vst v63  }
0x7e: {  	s18 =	sadd.s32 $0x380, s18;
	s7 =	sadd.s32 s13, s7  }
0x7f: {  	[hbm4b:s7+s1] =	stream.linear.scatter [tilespmem:s3], [sflag:$0x4], $0x3800, $0x38;
	[tilespmem:$0x1C700] =	vst v63  }
0x80: {  	s7 =	simm.s32 $0x3  }
0x81: {  	_ =	swait.ge [sflag:s7], $0x3800  }
0x82: {  	[sflag:s7] =	ssyncset.done $0x0  }
0x83: {  	[sflag:s7] =	ssyncadd.s32 $0xFFFFC800  }
0x84: {  	_ =	swait.ge [sflag:s7], $0x3800  }
0x85: {  	[sflag:s7] =	ssyncset.done $0x0  }
0x86: {  	[sflag:s7] =	ssyncadd.s32 $0xFFFFC800  }
0x87: {  	_ =	swait.ge [sflag:s7], $0x3800  }
0x88: {  	[sflag:s7] =	ssyncset.done $0x0  }
0x89: {  	[sflag:s7] =	ssyncadd.s32 $0xFFFFC800  }
0x8a: {  	_ =	swait.ge [sflag:s7], $0x3800  }
0x8b: {  	[sflag:s7] =	ssyncset.done $0x0  }
0x8c: {  	[sflag:s7] =	ssyncadd.s32 $0xFFFFC800  }
0x8d: {  	_ =	swait.ge [sflag:s12], $0x3800  }
0x8e: {  	[sflag:s12] =	ssyncset.done $0x0  }
0x8f: {  	[sflag:s12] =	ssyncadd.s32 $0xFFFFC800  }
0x90: {  	_ =	swait.ge [sflag:s12], $0x3800  }
0x91: {  	[sflag:s12] =	ssyncset.done $0x0  }
0x92: {  	[sflag:s12] =	ssyncadd.s32 $0xFFFFC800  }
0x93: {  	_ =	swait.ge [sflag:s12], $0x3800  }
0x94: {  	[sflag:s12] =	ssyncset.done $0x0  }
0x95: {  	[sflag:s12] =	ssyncadd.s32 $0xFFFFC800  }
0x96: {  	_ =	swait.ge [sflag:s12], $0x3800  }
0x97: {  	s8 =	rddreg [dreg:$0x9]  }
0x98: {  	s18 =	rddreg [dreg:$0x6];
	s8 =	sadd.s32 $0x1, s8  }
0x99: {  	p0 =	sne.s32 s8, s18  }
.Ltmp1:
0x9a: {  	_ = 	snop;
	(pc) =	sbr.rel @p0 .LBB2_1-.Ltmp1, $3  }
0x9b: {  	_ =	sdelay $0x1  }
0x9c: {  	[sflag:s12] =	ssyncset.done $0x0  }
0x9d: {  	[sflag:s12] =	ssyncadd.s32 $0xFFFFC800  }
0x9e: {  	_ =	sfence.sel $0x180000  }
0x9f: {  	[bflag:$0x0] =	sbarrier.arrive $0xFFFF  }
0xa0: {  	_ =	strace $0x90000047  }
0xa1: {  	s0 =	stileid.u32;
	[bflag:$0x2] =	sbarrier.arrive $0xFFFF  }
0xa2: {  	p0 =	sne.s32 s0, $0x0;
	s0 =	rddreg [dreg:$0x1]  }
0xa3: {  	s0 =	sadd.s32 @!p0 $0x100000, s0  }
0xa4: {  	[sflag:s0] =	ssyncadd.tile.s32 @!p0 $0x1;
	_ =	shalt  }
.Lfunc_end2:
_tile_overlayer_lowered:
.L_overlay_start_2:
0xa5: {  	(tag) =	ssettag $0x2  }
0xa6: {  	s0 =	rddreg [dreg:$0x0];
	s2 =	stileid.u32  }
0xa7: {  	s1 =	rddreg [dreg:$0x1];
	p0 =	sne.s32 s2, $0x0  }
0xa8: {  	s3 =	rddreg [dreg:$0x2];
	[bflag:$0x3] =	sbarrier.arrive $0xFFFF;
	s2 =	simm.s32 @!p0 $0x1C06  }
0xa9: {  	[timem:s3], [sflag:s2] =	dma.local @!p0 [hbm:s0], s1  }
0xaa: {  	s0 =	simm.s32 @!p0 $0x6  }
0xab: {  	_ =	swait.ge @!p0 [sflag:s0], s1  }
0xac: {  	s1 =	ssub.s32 @!p0 $0x0, s1;
	[sflag:s0] =	ssyncset.done @!p0 $0x0  }
0xad: {  	[sflag:s0] =	ssyncadd.s32 @!p0 s1  }
0xae: {  	[bflag:$0x3] =	sbarrier.arrive $0xFFFF  }
0xaf: {  	_ =	shalt  }

// kernel: kernel.14.cloned.1.call-start
scs
__scs_entry_jumppad:
0x0: {  	(pc) =	sbr.rel $0x88, $3  }
0x1: {  	(tag) =	ssettag $0x0;
	lr =	simm.s32 $0x1  }
0x2: {  	[smem:$0x3F73] =	sst lr;
	_ =	strace $0xD0000000  }
0x3: {  	_ = 	snop  }
0x4: {  	_ = 	snop  }
0x5: {  	_ = 	snop  }
0x6: {  	_ = 	snop  }
0x7: {  	_ = 	snop  }
__scs_overlays_trampoline_lowered:
0x8: {  	[smem:$0x3F82] =	sst s0  }
0x9: {  	[smem:$0x3F83] =	sst s1  }
0xa: {  	[smem:$0x3F84] =	sst s2  }
0xb: {  	[smem:$0x3F85] =	sst s3  }
0xc: {  	[smem:$0x3F86] =	sst s4  }
0xd: {  	[smem:$0x3F87] =	sst s5  }
0xe: {  	[smem:$0x3F88] =	sst s6  }
0xf: {  	[smem:$0x3F89] =	sst s7  }
0x10: {  	[smem:$0x3F8A] =	sst s8  }
0x11: {  	[smem:$0x3F8B] =	sst s9;
	s0 =	simm.s32 @!p0 $0x0  }
0x12: {  	s1 =	sld [smem:$0x3F71];
	s0 =	simm.s32 @p0 $0x1  }
0x13: {  	[smem:$0x3F8C] =	sst s0;
	s0 =	simm.s32 @!p1 $0x0  }
0x14: {  	s2 =	sld [smem:$0x3F70];
	s0 =	simm.s32 @p1 $0x1  }
0x15: {  	[smem:$0x3F8D] =	sst s0;
	s0 =	simm.s32 @!p2 $0x0  }
0x16: {  	s3 =	sld [smem:$0x3FDB];
	s0 =	simm.s32 @p2 $0x1  }
0x17: {  	s4 =	simm.s32 $0x1BF5;
	[smem:$0x3F8F] =	sst s0  }
0x18: {  	s0 =	sld [smem:$0x3F72];
	_ =	swait.ge [sflag:s4], $0x0  }
0x19: {  	s7 =	sld [smem:$0x3F73]  }
0x1a: {  	s8 =	sadd.s32 $0xFFFFE003, lr  }
0x1b: {  	s9 =	sadd.s32 $0xFFFFFEF7, lr;
	s5 =	simm.s32 $0xFFFFFFFF;
	p2 =	slt.u32 s8, $0xFFFFF086  }
0x1c: {  	p1 =	slt.u32 s9, $0xF7A;
	s5 =	simm.s32 @!p2 $0x0  }
0x1d: {  	s5 =	simm.s32 @p1 $0x1;
	p0 =	seq.s32 s7, s2  }
0x1e: {  	s7 =	smul.u32 @!p0 $0xF7A, s2;
	p2 =	seq.s32 @!p0 s5, $0x0  }
0x1f: {  	s9 =	smul.u32 $0xF7A, s1;
	s8 =	simm.s32 @!p0 $0x1BF5;
	p2 =	por !p2, p0  }
0x20: {  	[sflag:s8] =	ssyncset.s32 @!p0 $0xFFFFF086;
	s6 =	sadd.s32 @!p0 s3, s7;
	s7 =	simm.s32 @!p0 $0x108  }
0x21: {  	s3 =	sadd.s32 s3, s9;
	s6 =	sadd.s32 @!p0 $0x88, s6;
	s7 =	simm.s32 @p2 $0x1082  }
0x22: {  	[simem:s7], [sflag:s8] =	dma.local @!p0 [hbm:s6], $0xF7A  }
0x23: {  	s9 =	sor.u32 $0xD0000000, s2;
	s6 =	simm.s32 $0x108;
	_ =	swait.ge @!p0 [sflag:s8], $0x0  }
0x24: {  	s3 =	sadd.s32 $0x88, s3;
	s6 =	simm.s32 @!p1 $0x1082;
	[sflag:s4] =	ssyncset.s32 $0xFFFFF086  }
0x25: {  	[simem:s6], [sflag:s4] =	dma.local [hbm:s3], $0xF7A  }
0x26: {  	[smem:$0x3F73] =	sst s1;
	(tag) =	ssettag s2;
	_ =	strace s9  }
0x27: {  	s1 =	sld [smem:$0x3F83]  }
0x28: {  	s2 =	sld [smem:$0x3F84]  }
0x29: {  	s4 =	sld [smem:$0x3F86]  }
0x2a: {  	p0 =	seq.s32 s5, $0x0;
	s5 =	sld [smem:$0x3F87]  }
0x2b: {  	s6 =	sld [smem:$0x3F88]  }
0x2c: {  	s7 =	sld [smem:$0x3F89]  }
0x2d: {  	s3 =	simm.s32 $0x108;
	s8 =	sld [smem:$0x3F8A]  }
0x2e: {  	s3 =	simm.s32 @!p0 $0x1082;
	s9 =	sld [smem:$0x3F8B]  }
0x2f: {  	lr =	sadd.s32 s0, s3;
	s0 =	sld [smem:$0x3F82]  }
0x30: {  	s3 =	sld [smem:$0x3F85]  }
0x31: {  	[smem:$0x3F8E] =	sst s10  }
0x32: {  	s10 =	sld [smem:$0x3F8C];
	_ =	sdelay $0x3  }
0x33: {  	p0 =	seq.s32 s10, $0x1;
	s10 =	sld [smem:$0x3F8E];
	_ =	sdelay $0x3  }
0x34: {  	[smem:$0x3F8E] =	sst s10  }
0x35: {  	s10 =	sld [smem:$0x3F8D];
	_ =	sdelay $0x3  }
0x36: {  	p1 =	seq.s32 s10, $0x1;
	s10 =	sld [smem:$0x3F8E];
	_ =	sdelay $0x3  }
0x37: {  	[smem:$0x3F8E] =	sst s10  }
0x38: {  	s10 =	sld [smem:$0x3F8F]  }
0x39: {  	_ = 	snop;
	(pc) =	sbr.ind lr, $3  }
0x3a: {  	_ = 	snop  }
0x3b: {  	_ = 	snop  }
0x3c: {  	p2 =	seq.s32 s10, $0x1;
	s10 =	sld [smem:$0x3F8E]  }
0x3d: {  	_ =	shalt  }
0x3e: {  	_ =	shalt  }
0x3f: {  	_ =	shalt  }
0x40: {  	_ =	shalt  }
0x41: {  	_ =	shalt  }
0x42: {  	_ =	shalt  }
0x43: {  	_ =	shalt  }
0x44: {  	_ =	shalt  }
0x45: {  	_ =	shalt  }
0x46: {  	_ =	shalt  }
0x47: {  	_ =	shalt  }
0x48: {  	_ =	shalt  }
0x49: {  	_ =	shalt  }
0x4a: {  	_ =	shalt  }
0x4b: {  	_ =	shalt  }
0x4c: {  	_ =	shalt  }
0x4d: {  	_ =	shalt  }
0x4e: {  	_ =	shalt  }
0x4f: {  	_ =	shalt  }
0x50: {  	_ =	shalt  }
0x51: {  	_ =	shalt  }
0x52: {  	_ =	shalt  }
0x53: {  	_ =	shalt  }
0x54: {  	_ =	shalt  }
0x55: {  	_ =	shalt  }
0x56: {  	_ =	shalt  }
0x57: {  	_ =	shalt  }
0x58: {  	_ =	shalt  }
0x59: {  	_ =	shalt  }
0x5a: {  	_ =	shalt  }
0x5b: {  	_ =	shalt  }
0x5c: {  	_ =	shalt  }
0x5d: {  	_ =	shalt  }
0x5e: {  	_ =	shalt  }
0x5f: {  	_ =	shalt  }
0x60: {  	_ =	shalt  }
0x61: {  	_ =	shalt  }
0x62: {  	_ =	shalt  }
0x63: {  	_ =	shalt  }
0x64: {  	_ =	shalt  }
0x65: {  	_ =	shalt  }
0x66: {  	_ =	shalt  }
0x67: {  	_ =	shalt  }
0x68: {  	_ =	shalt  }
0x69: {  	_ =	shalt  }
0x6a: {  	_ =	shalt  }
0x6b: {  	_ =	shalt  }
0x6c: {  	_ =	shalt  }
0x6d: {  	_ =	shalt  }
0x6e: {  	_ =	shalt  }
0x6f: {  	_ =	shalt  }
0x70: {  	_ =	shalt  }
0x71: {  	_ =	shalt  }
0x72: {  	_ =	shalt  }
0x73: {  	_ =	shalt  }
0x74: {  	_ =	shalt  }
0x75: {  	_ =	shalt  }
0x76: {  	_ =	shalt  }
0x77: {  	_ =	shalt  }
0x78: {  	_ =	shalt  }
0x79: {  	_ =	shalt  }
0x7a: {  	_ =	shalt  }
0x7b: {  	_ =	shalt  }
0x7c: {  	_ =	shalt  }
0x7d: {  	_ =	shalt  }
0x7e: {  	_ =	shalt  }
0x7f: {  	_ =	shalt  }
0x80: {  	_ =	shalt  }
0x81: {  	_ =	shalt  }
0x82: {  	_ =	shalt  }
0x83: {  	_ =	shalt  }
0x84: {  	_ =	shalt  }
0x85: {  	_ =	shalt  }
0x86: {  	_ =	shalt  }
0x87: {  	_ =	shalt  }
.Lfunc_end0:
.L_simem_size_0:
called_computation.1_lowered:
.L_overlay_start_0:
0x88: {  	s2 =	sld [smem:$0x3FD9]  }
0x89: {  	s3 =	sld [smem:$0x3FFE];
	_ =	sdelay $0x1  }
0x8a: {  	s1 =	srdreg.scid  }
0x8b: {  	s0 =	sand.u32 $0x1, s1  }
0x8c: {  	s17 =	sshll.u32 s0, $0xA;
	s2 =	sadd.s32 s3, s2  }
0x8d: {  	s2 =	sadd.s32 s2, s17  }
0x8e: {  	[smem:$0x3F9A] =	sst s2  }
0x8f: {  	_ = 	snop  }
0x90: {  	s2 =	sld [smem:$0x3FD0];
	(tm) =	ssettm $0x1  }
0x91: {  	s18 =	sld [smem:$0x3FFB];
	_ =	sdelay $0x3  }
0x92: {  	_ =	strace s18  }
0x93: {  	s3 =	sld [smem:$0x3FFC];
	_ =	sdelay $0x3  }
0x94: {  	_ =	strace s3  }
0x95: {  	s3 =	sld [smem:$0x3FFD];
	_ =	sdelay $0x3  }
0x96: {  	_ =	strace s3  }
0x97: {  	_ =	strace $0x8FFFFFFF  }
0x98: {  	s19 =	sld [smem:$0x3FDB];
	_ =	sdelay $0x1  }
0x99: {  	s4 =	simm.s32 $_scs_section_size  }
0x9a: {  	s5 =	simm.s32 $_size__tile_overlayer_lowered;
	s6 =	simm.s32 $_tile_overlayer_lowered  }
0x9b: {  	s22 =	simm.s32 $0x1BFF;
	s21 =	sshll.u32 s6, $0x1;
	s3 =	sadd.s32 s4, s19  }
0x9c: {  	s7 =	simm.s32 $0x0;
	s20 =	sshll.u32 s5, $0x1;
	s5 =	sadd.s32 s21, s3  }
0x9d: {  	[timem:s7], [sflag:s22] =	dma.local [hbm:s5], s20  }
0x9e: {  	_ =	swait.ge [sflag:s22], s20  }
0x9f: {  	s4 =	ssub.s32 $0x0, s20;
	[sflag:s22] =	ssyncset.done $0x0  }
0xa0: {  	[sflag:s22] =	ssyncadd.s32 s4;
	_ =	sdelay $0x1  }
0xa1: {  	s23 =	simm.s32 $0x1B8B  }
0xa2: {  	_ =	swait.ge [sflag:s23], $0x1  }
0xa3: {  	[sflag:s23] =	ssyncset.done $0x0  }
0xa4: {  	s25 =	simm.s32 $0x1B8E;
	s24 =	sld [smem:$0x3FFE];
	[sflag:s23] =	ssyncadd.s32 $0xFFFFFFFF  }
0xa5: {  	s26 =	simm.s32 $execute0_lowered;
	[smem:$0x3FD2] =	sst s25  }
0xa6: {  	s5 =	sshll.u32 s26, $0x1;
	_ =	strace $0x80000049;
	[dreg:$0x1] =	wrdreg $0xFFFFFFFF  }
0xa7: {  	s28 =	simm.s32 $_size_execute0_lowered;
	s3 =	sadd.s32 s3, s5;
	[dreg:$0x0] =	wrdreg $0x0  }
0xa8: {  	s5 =	sshll.u32 s28, $0x1;
	[dreg:$0x2] =	wrdreg s3  }
0xa9: {  	[dreg:$0x3] =	wrdreg s5  }
0xaa: {  	[dreg:$0x4] =	wrdreg $0xC0  }
0xab: {  	_ =	task [dreg:s7], $0x5FFFF  }
0xac: {  	[dreg:$0x1] =	wrdreg $0xFFFFFFFF  }
0xad: {  	[dreg:$0x0] =	wrdreg $0x60  }
0xae: {  	[dreg:$0x2] =	wrdreg s24  }
0xaf: {  	[dreg:$0x3] =	wrdreg s2  }
0xb0: {  	[dreg:$0x4] =	wrdreg $0x44000  }
0xb1: {  	[dreg:$0x5] =	wrdreg $0x9  }
0xb2: {  	_ =	task.clear_ibuf [dreg:s7], $0x6FFFF;
	_ =	strace $0x90000049  }
0xb3: {  	s29 =	simm.s32 $0x9;
	_ =	strace $0x8000004B  }
0xb4: {  	_ =	swait.ge [sflag:s29], $0x1  }
0xb5: {  	[sflag:s29] =	ssyncadd.s32 $0xFFFFFFFF  }
0xb6: {  	_ =	strace $0x9000004B  }
0xb7: {  	_ =	sfence  }
0xb8: {  	s30 =	sld [smem:$0x0];
	_ =	sdelay $0x2  }
0xb9: {  	s31 =	sshll.u32 s1, $0xD;
	s1 =	sshrl.u32 s1, $0x2  }
0xba: {  	s3 =	sand.u32 $0x4000, s31;
	s1 =	sadd.s32 s1, s30  }
0xbb: {  	s0 =	sor.u32 s3, s0;
	s1 =	sshll.u32 s1, $0x11  }
0xbc: {  	s0 =	sor.u32 s1, s0  }
0xbd: {  	s0 =	sadd.s32 $0x8F2B, s0  }
0xbe: {  	[sflag:s0] =	ssyncadd.remote.s32 $0x1  }
0xbf: {  	_ =	sfence.sel $0xFFFF  }
0xc0: {  	[dreg:$0x0] =	wrdreg $0xFFFFFFFF;
	(pc) =	sbr.abs _section_cstart, $3  }
0xc1: {  	[dreg:$0x1] =	wrdreg $0xFFFFFFFF  }
0xc2: {  	_ =	task.clear_ibuf [dreg:s7], $0x2FFFF;
	_ =	strace $0x9FFFFFFF  }
0xc3: {  	(tm) =	ssettm $0x7FFFFFFF  }
tec
execute0_lowered:
.L_overlay_start_1:
0x0: {  	(tag) =	ssettag $0x1  }
0x1: {  	s0 =	rddreg [dreg:$0x0]  }
0x2: {  	s2 =	rddreg [dreg:$0x2];
	s1 =	srdreg.scid  }
0x3: {  	s4 =	simm.s32 $0x0;
	s11 =	stileid.u32;
	s23 =	simm.s32 $0x200  }
0x4: {  	s24 =	simm.s32 $0x280;
	s28 =	simm.s32 $0x300;
	s16 =	smul.u32 $0xC35, s11  }
0x5: {  	s29 =	simm.s32 $0x380;
	s30 =	simm.s32 $0x3400;
	s7 =	smul.u32 $0x61B00, s11  }
0x6: {  	s31 =	simm.s32 $0x3;
	s1 =	sand.u32 $0x1, s1;
	s12 =	smul.u32 $0x18800, s11  }
0x7: {  	[smem:$0x7FF] =	sst s4;
	s5 =	sadd.s32 $0x1BF7200, s0;
	s10 =	smul.u32 $0x62000, s11  }
0x8: {  	s6 =	sadd.s32 $0x7E00, s0;
	s18 =	sshll.u32 s11, $0x6;
	s20 =	smul.u32 $0x61A80, s11  }
0x9: {  	s11 =	sor.u32 $0xC350, s11;
	s3 =	smul.u32 $0xC350, s1;
	s1 =	ssub.s32 $0x2, s1  }
0xa: {  	_ =	strace $0x8000004A;
	s8 =	sshrl.u32 s1, $0x1;
	s7 =	sshrl.u32 s7, $0x2  }
0xb: {  	s9 =	sshrl.u32 s12, $0x3;
	s21 =	sadd.s32 s5, s10;
	[dreg:$0x4] =	wrdreg s12  }
0xc: {  	s4 =	sadd.s32 s16, s3;
	s17 =	ssub.s32 s1, s8;
	s7 =	sadd.s32 s7, s2  }
0xd: {  	s8 =	sor.u32 $0x1C05, s18;
	s19 =	sadd.s32 s6, s9;
	[dreg:$0x7] =	wrdreg s21  }
0xe: {  	s1 =	sor.u32 $0x100, s12;
	s22 =	sadd.s32 $0xC350, s3;
	s12 =	sor.u32 $0x200, s12  }
0xf: {  	s9 =	sshrl.u32 s20, $0x2;
	s16 =	simm.s32 $0x5;
	s18 =	simm.s32 $0x1  }
0x10: {  	s20 =	simm.s32 $0x2400;
	s21 =	simm.s32 $0x80;
	v0 =	vmov s3;
	s3 =	simm.s32 $0x0  }
0x11: {  	s4 =	sshll.u32 s4, $0x2;
	[dreg:$0x6] =	wrdreg s19;
	s25 =	sadd.s32 s9, s2  }
0x12: {  	s26 =	sshrl.u32 s7, $0x3;
	s19 =	simm.s32 $0x100;
	[dreg:$0x5] =	wrdreg s8  }
0x13: {  	s0 =	sadd.s32 s4, s0;
	s4 =	smax.u32 s17, $0x1;
	[dreg:$0xa] =	wrdreg s26  }
0x14: {  	s17 =	simm.s32 $0x400;
	s0 =	sadd.s32 $0x12FE00, s0;
	[dreg:$0x9] =	wrdreg s4  }
0x15: {  	s26 =	simm.s32 $0x2;
	[dreg:$0x8] =	wrdreg s0;
	s0 =	sshrl.u32 s25, $0x3  }
0x16: {  	v2 =	vmov s11;
	v1 =	vmov s22;
	s25 =	simm.s32 $0x1400;
	[dreg:$0xb] =	wrdreg s0;
	s0 =	simm.s32 $0x4  }
.LBB2_1:
0x17: {  	s4 =	rddreg [dreg:$0x1]  }
0x18: {  	s7 =	rddreg [dreg:$0xa]  }
0x19: {  	[spmem:s7], [sflag:s8] =	dma.local [hbm:s4], $0x30D8  }
0x1a: {  	_ =	swait.ge [sflag:s16], $0x30D8  }
0x1b: {  	[sflag:s16] =	ssyncset.done $0x0  }
0x1c: {  	[sflag:s16] =	ssyncadd.s32 $0xFFFFCF28  }
0x1d: {  	[bflag:$0x0] =	sbarrier.arrive $0xFFFF  }
0x1e: {  	s15 =	rddreg [dreg:$0x6]  }
0x1f: {  	s14 =	simm.s32 $0x0;
	s22 =	rddreg [dreg:$0x7]  }
0x20: {  	[tilespmem:s14], [sflag:$0x1] =	stream.linear.gather [hbm4b:s15+s14], $0x100, $0x38;
	[tilespmem:$0x1CAC0] =	vst v63  }
0x21: {  	s11 =	smov.u32 s1;
	s9 =	simm.s32 $0x0;
	s4 =	rddreg [dreg:$0x4]  }
0x22: {  	[tilespmem:s17], [sflag:$0x1] =	stream.linear.gather [hbm4b:s22+s14], $0x2000, $0x38;
	[tilespmem:$0x1CAC0] =	vst v63  }
.LBB2_2:
0x23: {  	_ =	swait.ge [sflag:s18], $0x100  }
0x24: {  	[sflag:s18] =	ssyncset.done $0x0  }
0x25: {  	s10 =	sshll.u32 s9, $0x9;
	[sflag:s18] =	ssyncadd.s32 $0xFFFFFF00  }
0x26: {  	s7 =	sadd.s32 s10, s1;
	_ =	swait.ge [sflag:s18], $0x2000  }
0x27: {  	s14 =	simm.s32 $0x0;
	s13 =	sshrl.u32 s7, $0x3;
	[sflag:s18] =	ssyncset.done $0x0  }
0x28: {  	s7 =	sshll.u32 s7, $0x2;
	s13 =	sadd.s32 s6, s13;
	[sflag:s18] =	ssyncadd.s32 $0xFFFFE000  }
0x29: {  	[tilespmem:s19], [sflag:$0x2] =	stream.linear.gather [hbm4b:s13+s14], $0x100, $0x38;
	[tilespmem:$0x1CAC0] =	vst v63  }
0x2a: {  	s7 =	sadd.s32 s5, s7;
	s13 =	simm.s32 $0x0  }
0x2b: {  	[tilespmem:s20], [sflag:$0x2] =	stream.linear.gather [hbm4b:s7+s14], $0x2000, $0x38;
	[tilespmem:$0x1CAC0] =	vst v63  }
0x2c: {  	v3 =	vld [tilespmem:s13+$0x0];
	_ =	sdelay $0x2  }
0x2d: {  	p0 =	sgt.u32 s4, $0x1869FF;
	s22 =	simm.s32 $0x30D40;
	s15 =	simm.s32 $0x40  }
0x2e: {  	s22 =	simm.s32 @!p0 $0x0;
	s7 =	smov.u32 s4;
	s14 =	simm.s32 $0x0  }
.LBB2_3:
0x2f: {  	s8 =	sshra.s32 s15, $0x2;
	p1 =	sne.s32 s15, $0x1C0;
	s15 =	sadd.s32 $0x40, s15;
	v4 =	vadd.s32 s22, v3  }
.Ltmp0:
0x30: {  	v3 =	vld [tilespmem:s8+$0x0];
	vm0 =	vge.s32 v4, v0;
	vm1 =	vlt.s32 v4, v1;
	(pc) =	sbr.rel @p1 .LBB2_3-.Ltmp0, $4  }
0x31: {  	v4 =	vsub.s32 v4, v0;
	vm0 =	vmand vm0, vm1  }
0x32: {  	s7 =	sadd.s32 $0x10, s7;
	v4 =	vsel vm0, v4, v2  }
0x33: {  	s22 =	simm.s32 $0x30D40;
	p2 =	sgt.u32 s7, $0x1869FF;
	[tilespmem:s14+$0x200] =	vst v4;
	s14 =	smov.u32 s8  }
0x34: {  	s22 =	simm.s32 @!p2 $0x0  }
0x35: {  	v3 =	vadd.s32 s22, v3  }
0x36: {  	vm0 =	vge.s32 v3, v0;
	vm1 =	vlt.s32 v3, v1  }
0x37: {  	v3 =	vsub.s32 v3, v0;
	vm0 =	vmand vm0, vm1  }
0x38: {  	v3 =	vsel vm0, v3, v2  }
0x39: {  	[tilespmem:s14+$0x200] =	vst v3  }
0x3a: {  	v3 =	vld [tilespmem:s13+$0x80];
	_ =	sdelay $0x2  }
0x3b: {  	s15 =	simm.s32 $0x30D40  }
0x3c: {  	s7 =	smov.u32 s4;
	s15 =	simm.s32 @!p0 $0x0;
	s14 =	simm.s32 $0x40  }
.LBB2_5:
0x3d: {  	s8 =	sshra.s32 s14, $0x2;
	p0 =	sne.s32 s14, $0x1C0;
	s14 =	sadd.s32 $0x40, s14;
	v4 =	vadd.s32 s15, v3  }
.Ltmp1:
0x3e: {  	v3 =	vld [tilespmem:s8+$0x80];
	vm0 =	vge.s32 v4, v0;
	vm1 =	vlt.s32 v4, v1;
	(pc) =	sbr.rel @p0 .LBB2_5-.Ltmp1, $4  }
0x3f: {  	v4 =	vsub.s32 v4, v0;
	vm0 =	vmand vm0, vm1  }
0x40: {  	s7 =	sadd.s32 $0x10, s7;
	v4 =	vsel vm0, v4, v2  }
0x41: {  	s15 =	simm.s32 $0x30D40;
	p1 =	sgt.u32 s7, $0x1869FF;
	[tilespmem:s13+$0x280] =	vst v4;
	s13 =	smov.u32 s8  }
0x42: {  	s15 =	simm.s32 @!p1 $0x0  }
0x43: {  	v3 =	vadd.s32 s15, v3  }
0x44: {  	vm0 =	vge.s32 v3, v0;
	vm1 =	vlt.s32 v3, v1  }
0x45: {  	v3 =	vsub.s32 v3, v0;
	vm0 =	vmand vm0, vm1  }
0x46: {  	p0 =	seq.s32 s9, $0x0;
	v3 =	vsel vm0, v3, v2  }
0x47: {  	s7 =	simm.s32 @!p0 $0x3;
	[tilespmem:s13+$0x280] =	vst v3  }
0x48: {  	_ =	swait.ge @!p0 [sflag:s7], $0x1000  }
0x49: {  	[sflag:s7] =	ssyncset.done @!p0 $0x0  }
0x4a: {  	[sflag:s7] =	ssyncadd.s32 @!p0 $0xFFFFF000  }
0x4b: {  	_ =	swait.ge @!p0 [sflag:s7], $0x1000  }
0x4c: {  	[sflag:s7] =	ssyncset.done @!p0 $0x0  }
0x4d: {  	[sflag:s7] =	ssyncadd.s32 @!p0 $0xFFFFF000  }
0x4e: {  	[spmem:s2] =	stream.indirect.scatter.add.f32 [tilespmem:s17], [sflag:$0x3], $0x20, s23, s21, $0xb8;
	[tilespmem:$0x1CAC0] =	vst v63  }
0x4f: {  	_ = 	snop  }
0x50: {  	[spmem:s2] =	stream.indirect.scatter.add.f32 [tilespmem:s25], [sflag:$0x3], $0x20, s24, s21, $0xb8;
	[tilespmem:$0x1CAC0] =	vst v63  }
0x51: {  	_ =	swait.ge [sflag:s26], $0x100  }
0x52: {  	[sflag:s26] =	ssyncset.done $0x0  }
0x53: {  	p1 =	seq.s32 s9, $0xC3;
	[sflag:s26] =	ssyncadd.s32 $0xFFFFFF00  }
0x54: {  	s7 =	sadd.s32 @!p1 s10, s12;
	_ =	swait.ge [sflag:s26], $0x2000  }
0x55: {  	s10 =	simm.s32 @!p1 $0x0;
	s8 =	sshrl.u32 @!p1 s7, $0x3;
	[sflag:s26] =	ssyncset.done $0x0  }
0x56: {  	s7 =	sshll.u32 @!p1 s7, $0x2;
	s8 =	sadd.s32 @!p1 s6, s8;
	[sflag:s26] =	ssyncadd.s32 $0xFFFFE000  }
0x57: {  	[tilespmem:s10], [sflag:$0x1] =	stream.linear.gather @!p1 [hbm4b:s8+s10], $0x100, $0x38;
	[tilespmem:$0x1CAC0] =	vst v63  }
0x58: {  	s7 =	sadd.s32 @!p1 s5, s7;
	s8 =	simm.s32 @!p1 $0x400  }
0x59: {  	[tilespmem:s8], [sflag:$0x1] =	stream.linear.gather @!p1 [hbm4b:s7+s10], $0x2000, $0x38;
	[tilespmem:$0x1CAC0] =	vst v63  }
0x5a: {  	s10 =	simm.s32 $0x0  }
0x5b: {  	v3 =	vld [tilespmem:s10+$0x100];
	_ =	sdelay $0x2  }
0x5c: {  	s15 =	simm.s32 $0x30D40;
	s14 =	simm.s32 $0x40;
	p1 =	sgt.u32 s11, $0x1869FF  }
0x5d: {  	s13 =	simm.s32 $0x0;
	s7 =	smov.u32 s11;
	s15 =	simm.s32 @!p1 $0x0  }
.LBB2_7:
0x5e: {  	s8 =	sshra.s32 s14, $0x2;
	p2 =	sne.s32 s14, $0x1C0;
	s14 =	sadd.s32 $0x40, s14;
	v4 =	vadd.s32 s15, v3  }
.Ltmp2:
0x5f: {  	v3 =	vld [tilespmem:s8+$0x100];
	vm0 =	vge.s32 v4, v0;
	vm1 =	vlt.s32 v4, v1;
	(pc) =	sbr.rel @p2 .LBB2_7-.Ltmp2, $4  }
0x60: {  	v4 =	vsub.s32 v4, v0;
	vm0 =	vmand vm0, vm1  }
0x61: {  	s7 =	sadd.s32 $0x10, s7;
	v4 =	vsel vm0, v4, v2  }
0x62: {  	s15 =	simm.s32 $0x30D40;
	p3 =	sgt.u32 s7, $0x1869FF;
	[tilespmem:s13+$0x300] =	vst v4;
	s13 =	smov.u32 s8  }
0x63: {  	s15 =	simm.s32 @!p3 $0x0  }
0x64: {  	v3 =	vadd.s32 s15, v3  }
0x65: {  	vm0 =	vge.s32 v3, v0;
	vm1 =	vlt.s32 v3, v1  }
0x66: {  	v3 =	vsub.s32 v3, v0;
	vm0 =	vmand vm0, vm1  }
0x67: {  	v3 =	vsel vm0, v3, v2  }
0x68: {  	[tilespmem:s13+$0x300] =	vst v3  }
0x69: {  	v3 =	vld [tilespmem:s10+$0x180];
	_ =	sdelay $0x2  }
0x6a: {  	s14 =	simm.s32 $0x30D40  }
0x6b: {  	s7 =	smov.u32 s11;
	s14 =	simm.s32 @!p1 $0x0;
	s13 =	simm.s32 $0x40  }
.LBB2_9:
0x6c: {  	s8 =	sshra.s32 s13, $0x2;
	p1 =	sne.s32 s13, $0x1C0;
	s13 =	sadd.s32 $0x40, s13;
	v4 =	vadd.s32 s14, v3  }
.Ltmp3:
0x6d: {  	v3 =	vld [tilespmem:s8+$0x180];
	vm0 =	vge.s32 v4, v0;
	vm1 =	vlt.s32 v4, v1;
	(pc) =	sbr.rel @p1 .LBB2_9-.Ltmp3, $4  }
0x6e: {  	v4 =	vsub.s32 v4, v0;
	vm0 =	vmand vm0, vm1  }
0x6f: {  	s7 =	sadd.s32 $0x10, s7;
	v4 =	vsel vm0, v4, v2  }
0x70: {  	s14 =	simm.s32 $0x30D40;
	p2 =	sgt.u32 s7, $0x1869FF;
	[tilespmem:s10+$0x380] =	vst v4;
	s10 =	smov.u32 s8  }
0x71: {  	s14 =	simm.s32 @!p2 $0x0  }
0x72: {  	v3 =	vadd.s32 s14, v3  }
0x73: {  	vm0 =	vge.s32 v3, v0;
	vm1 =	vlt.s32 v3, v1  }
0x74: {  	v3 =	vsub.s32 v3, v0;
	vm0 =	vmand vm0, vm1  }
0x75: {  	v3 =	vsel vm0, v3, v2  }
0x76: {  	s7 =	simm.s32 @!p0 $0x4;
	[tilespmem:s10+$0x380] =	vst v3  }
0x77: {  	_ =	swait.ge @!p0 [sflag:s7], $0x1000  }
0x78: {  	[sflag:s7] =	ssyncset.done @!p0 $0x0  }
0x79: {  	[sflag:s7] =	ssyncadd.s32 @!p0 $0xFFFFF000  }
0x7a: {  	_ =	swait.ge @!p0 [sflag:s7], $0x1000  }
0x7b: {  	s9 =	sadd.s32 $0x1, s9;
	[sflag:s7] =	ssyncset.done @!p0 $0x0  }
0x7c: {  	[sflag:s7] =	ssyncadd.s32 @!p0 $0xFFFFF000;
	p0 =	sne.s32 s9, $0xC4  }
.Ltmp4:
0x7d: {  	_ = 	snop;
	(pc) =	sbr.rel @p0 .LBB2_2-.Ltmp4, $4  }
0x7e: {  	_ = 	snop  }
0x7f: {  	[spmem:s2] =	stream.indirect.scatter.add.f32 [tilespmem:s20], [sflag:$0x4], $0x20, s28, s21, $0xb8;
	[tilespmem:$0x1CAC0] =	vst v63  }
0x80: {  	s4 =	sadd.s32 $0x200, s4;
	s11 =	sadd.s32 $0x200, s11  }
0x81: {  	[spmem:s2] =	stream.indirect.scatter.add.f32 [tilespmem:s30], [sflag:$0x4], $0x20, s29, s21, $0xb8;
	[tilespmem:$0x1CAC0] =	vst v63  }
0x82: {  	_ =	swait.ge [sflag:s31], $0x1000  }
0x83: {  	[sflag:s31] =	ssyncset.done $0x0  }
0x84: {  	[sflag:s31] =	ssyncadd.s32 $0xFFFFF000  }
0x85: {  	_ =	swait.ge [sflag:s31], $0x1000  }
0x86: {  	[sflag:s31] =	ssyncset.done $0x0  }
0x87: {  	[sflag:s31] =	ssyncadd.s32 $0xFFFFF000  }
0x88: {  	_ =	swait.ge [sflag:s0], $0x1000  }
0x89: {  	[sflag:s0] =	ssyncset.done $0x0  }
0x8a: {  	[sflag:s0] =	ssyncadd.s32 $0xFFFFF000  }
0x8b: {  	_ =	swait.ge [sflag:s0], $0x1000  }
0x8c: {  	[sflag:s0] =	ssyncset.done $0x0  }
0x8d: {  	[sflag:s0] =	ssyncadd.s32 $0xFFFFF000  }
0x8e: {  	[bflag:$0x0] =	sbarrier.arrive $0xFFFF  }
0x8f: {  	s8 =	rddreg [dreg:$0x5]  }
0x90: {  	s4 =	rddreg [dreg:$0x8]  }
0x91: {  	s7 =	rddreg [dreg:$0xb]  }
0x92: {  	[hbm:s4], [sflag:s8] =	dma.local [spmem:s7], $0x30D4  }
0x93: {  	_ =	swait.ge [sflag:s16], $0x30D4  }
0x94: {  	s3 =	sadd.s32 $0x1, s3;
	s22 =	rddreg [dreg:$0x9]  }
0x95: {  	p0 =	sne.s32 s3, s22  }
.Ltmp5:
0x96: {  	_ = 	snop;
	(pc) =	sbr.rel @p0 .LBB2_1-.Ltmp5, $3  }
0x97: {  	_ =	sdelay $0x1  }
0x98: {  	[sflag:s16] =	ssyncset.done $0x0  }
0x99: {  	[sflag:s16] =	ssyncadd.s32 $0xFFFFCF2C  }
0x9a: {  	_ =	sfence.sel $0x180000  }
0x9b: {  	[bflag:$0x0] =	sbarrier.arrive $0xFFFF  }
0x9c: {  	_ =	strace $0x9000004A  }
0x9d: {  	s0 =	stileid.u32;
	[bflag:$0x2] =	sbarrier.arrive $0xFFFF  }
0x9e: {  	p0 =	sne.s32 s0, $0x0;
	s0 =	rddreg [dreg:$0x3]  }
0x9f: {  	s0 =	sadd.s32 @!p0 $0x100000, s0  }
0xa0: {  	[sflag:s0] =	ssyncadd.tile.s32 @!p0 $0x1;
	_ =	shalt  }
.Lfunc_end2:
_tile_overlayer_lowered:
.L_overlay_start_2:
0xa1: {  	(tag) =	ssettag $0x2  }
0xa2: {  	s0 =	rddreg [dreg:$0x0];
	s2 =	stileid.u32  }
0xa3: {  	s1 =	rddreg [dreg:$0x1];
	p0 =	sne.s32 s2, $0x0  }
0xa4: {  	s3 =	rddreg [dreg:$0x2];
	[bflag:$0x3] =	sbarrier.arrive $0xFFFF;
	s2 =	simm.s32 @!p0 $0x1C05  }
0xa5: {  	[timem:s3], [sflag:s2] =	dma.local @!p0 [hbm:s0], s1  }
0xa6: {  	s0 =	simm.s32 @!p0 $0x5  }
0xa7: {  	_ =	swait.ge @!p0 [sflag:s0], s1  }
0xa8: {  	s1 =	ssub.s32 @!p0 $0x0, s1;
	[sflag:s0] =	ssyncset.done @!p0 $0x0  }
0xa9: {  	[sflag:s0] =	ssyncadd.s32 @!p0 s1  }
0xaa: {  	[bflag:$0x3] =	sbarrier.arrive $0xFFFF  }
0xab: {  	_ =	shalt  }

// kernel: kernel.17.cloned.1.call-start
scs
__scs_entry_jumppad:
0x0: {  	(pc) =	sbr.rel $0x88, $3  }
0x1: {  	(tag) =	ssettag $0x0;
	lr =	simm.s32 $0x1  }
0x2: {  	[smem:$0x3F73] =	sst lr;
	_ =	strace $0xD0000000  }
0x3: {  	_ = 	snop  }
0x4: {  	_ = 	snop  }
0x5: {  	_ = 	snop  }
0x6: {  	_ = 	snop  }
0x7: {  	_ = 	snop  }
__scs_overlays_trampoline_lowered:
0x8: {  	[smem:$0x3F82] =	sst s0  }
0x9: {  	[smem:$0x3F83] =	sst s1  }
0xa: {  	[smem:$0x3F84] =	sst s2  }
0xb: {  	[smem:$0x3F85] =	sst s3  }
0xc: {  	[smem:$0x3F86] =	sst s4  }
0xd: {  	[smem:$0x3F87] =	sst s5  }
0xe: {  	[smem:$0x3F88] =	sst s6  }
0xf: {  	[smem:$0x3F89] =	sst s7  }
0x10: {  	[smem:$0x3F8A] =	sst s8  }
0x11: {  	[smem:$0x3F8B] =	sst s9;
	s0 =	simm.s32 @!p0 $0x0  }
0x12: {  	s1 =	sld [smem:$0x3F71];
	s0 =	simm.s32 @p0 $0x1  }
0x13: {  	[smem:$0x3F8C] =	sst s0;
	s0 =	simm.s32 @!p1 $0x0  }
0x14: {  	s2 =	sld [smem:$0x3F70];
	s0 =	simm.s32 @p1 $0x1  }
0x15: {  	[smem:$0x3F8D] =	sst s0;
	s0 =	simm.s32 @!p2 $0x0  }
0x16: {  	s3 =	sld [smem:$0x3FDB];
	s0 =	simm.s32 @p2 $0x1  }
0x17: {  	s4 =	simm.s32 $0x1BF5;
	[smem:$0x3F8F] =	sst s0  }
0x18: {  	s0 =	sld [smem:$0x3F72];
	_ =	swait.ge [sflag:s4], $0x0  }
0x19: {  	s7 =	sld [smem:$0x3F73]  }
0x1a: {  	s8 =	sadd.s32 $0xFFFFE003, lr  }
0x1b: {  	s9 =	sadd.s32 $0xFFFFFEF7, lr;
	s5 =	simm.s32 $0xFFFFFFFF;
	p2 =	slt.u32 s8, $0xFFFFF086  }
0x1c: {  	p1 =	slt.u32 s9, $0xF7A;
	s5 =	simm.s32 @!p2 $0x0  }
0x1d: {  	s5 =	simm.s32 @p1 $0x1;
	p0 =	seq.s32 s7, s2  }
0x1e: {  	s7 =	smul.u32 @!p0 $0xF7A, s2;
	p2 =	seq.s32 @!p0 s5, $0x0  }
0x1f: {  	s9 =	smul.u32 $0xF7A, s1;
	s8 =	simm.s32 @!p0 $0x1BF5;
	p2 =	por !p2, p0  }
0x20: {  	[sflag:s8] =	ssyncset.s32 @!p0 $0xFFFFF086;
	s6 =	sadd.s32 @!p0 s3, s7;
	s7 =	simm.s32 @!p0 $0x108  }
0x21: {  	s3 =	sadd.s32 s3, s9;
	s6 =	sadd.s32 @!p0 $0x88, s6;
	s7 =	simm.s32 @p2 $0x1082  }
0x22: {  	[simem:s7], [sflag:s8] =	dma.local @!p0 [hbm:s6], $0xF7A  }
0x23: {  	s9 =	sor.u32 $0xD0000000, s2;
	s6 =	simm.s32 $0x108;
	_ =	swait.ge @!p0 [sflag:s8], $0x0  }
0x24: {  	s3 =	sadd.s32 $0x88, s3;
	s6 =	simm.s32 @!p1 $0x1082;
	[sflag:s4] =	ssyncset.s32 $0xFFFFF086  }
0x25: {  	[simem:s6], [sflag:s4] =	dma.local [hbm:s3], $0xF7A  }
0x26: {  	[smem:$0x3F73] =	sst s1;
	(tag) =	ssettag s2;
	_ =	strace s9  }
0x27: {  	s1 =	sld [smem:$0x3F83]  }
0x28: {  	s2 =	sld [smem:$0x3F84]  }
0x29: {  	s4 =	sld [smem:$0x3F86]  }
0x2a: {  	p0 =	seq.s32 s5, $0x0;
	s5 =	sld [smem:$0x3F87]  }
0x2b: {  	s6 =	sld [smem:$0x3F88]  }
0x2c: {  	s7 =	sld [smem:$0x3F89]  }
0x2d: {  	s3 =	simm.s32 $0x108;
	s8 =	sld [smem:$0x3F8A]  }
0x2e: {  	s3 =	simm.s32 @!p0 $0x1082;
	s9 =	sld [smem:$0x3F8B]  }
0x2f: {  	lr =	sadd.s32 s0, s3;
	s0 =	sld [smem:$0x3F82]  }
0x30: {  	s3 =	sld [smem:$0x3F85]  }
0x31: {  	[smem:$0x3F8E] =	sst s10  }
0x32: {  	s10 =	sld [smem:$0x3F8C];
	_ =	sdelay $0x3  }
0x33: {  	p0 =	seq.s32 s10, $0x1;
	s10 =	sld [smem:$0x3F8E];
	_ =	sdelay $0x3  }
0x34: {  	[smem:$0x3F8E] =	sst s10  }
0x35: {  	s10 =	sld [smem:$0x3F8D];
	_ =	sdelay $0x3  }
0x36: {  	p1 =	seq.s32 s10, $0x1;
	s10 =	sld [smem:$0x3F8E];
	_ =	sdelay $0x3  }
0x37: {  	[smem:$0x3F8E] =	sst s10  }
0x38: {  	s10 =	sld [smem:$0x3F8F]  }
0x39: {  	_ = 	snop;
	(pc) =	sbr.ind lr, $3  }
0x3a: {  	_ = 	snop  }
0x3b: {  	_ = 	snop  }
0x3c: {  	p2 =	seq.s32 s10, $0x1;
	s10 =	sld [smem:$0x3F8E]  }
0x3d: {  	_ =	shalt  }
0x3e: {  	_ =	shalt  }
0x3f: {  	_ =	shalt  }
0x40: {  	_ =	shalt  }
0x41: {  	_ =	shalt  }
0x42: {  	_ =	shalt  }
0x43: {  	_ =	shalt  }
0x44: {  	_ =	shalt  }
0x45: {  	_ =	shalt  }
0x46: {  	_ =	shalt  }
0x47: {  	_ =	shalt  }
0x48: {  	_ =	shalt  }
0x49: {  	_ =	shalt  }
0x4a: {  	_ =	shalt  }
0x4b: {  	_ =	shalt  }
0x4c: {  	_ =	shalt  }
0x4d: {  	_ =	shalt  }
0x4e: {  	_ =	shalt  }
0x4f: {  	_ =	shalt  }
0x50: {  	_ =	shalt  }
0x51: {  	_ =	shalt  }
0x52: {  	_ =	shalt  }
0x53: {  	_ =	shalt  }
0x54: {  	_ =	shalt  }
0x55: {  	_ =	shalt  }
0x56: {  	_ =	shalt  }
0x57: {  	_ =	shalt  }
0x58: {  	_ =	shalt  }
0x59: {  	_ =	shalt  }
0x5a: {  	_ =	shalt  }
0x5b: {  	_ =	shalt  }
0x5c: {  	_ =	shalt  }
0x5d: {  	_ =	shalt  }
0x5e: {  	_ =	shalt  }
0x5f: {  	_ =	shalt  }
0x60: {  	_ =	shalt  }
0x61: {  	_ =	shalt  }
0x62: {  	_ =	shalt  }
0x63: {  	_ =	shalt  }
0x64: {  	_ =	shalt  }
0x65: {  	_ =	shalt  }
0x66: {  	_ =	shalt  }
0x67: {  	_ =	shalt  }
0x68: {  	_ =	shalt  }
0x69: {  	_ =	shalt  }
0x6a: {  	_ =	shalt  }
0x6b: {  	_ =	shalt  }
0x6c: {  	_ =	shalt  }
0x6d: {  	_ =	shalt  }
0x6e: {  	_ =	shalt  }
0x6f: {  	_ =	shalt  }
0x70: {  	_ =	shalt  }
0x71: {  	_ =	shalt  }
0x72: {  	_ =	shalt  }
0x73: {  	_ =	shalt  }
0x74: {  	_ =	shalt  }
0x75: {  	_ =	shalt  }
0x76: {  	_ =	shalt  }
0x77: {  	_ =	shalt  }
0x78: {  	_ =	shalt  }
0x79: {  	_ =	shalt  }
0x7a: {  	_ =	shalt  }
0x7b: {  	_ =	shalt  }
0x7c: {  	_ =	shalt  }
0x7d: {  	_ =	shalt  }
0x7e: {  	_ =	shalt  }
0x7f: {  	_ =	shalt  }
0x80: {  	_ =	shalt  }
0x81: {  	_ =	shalt  }
0x82: {  	_ =	shalt  }
0x83: {  	_ =	shalt  }
0x84: {  	_ =	shalt  }
0x85: {  	_ =	shalt  }
0x86: {  	_ =	shalt  }
0x87: {  	_ =	shalt  }
.Lfunc_end0:
.L_simem_size_0:
called_computation.2_lowered:
.L_overlay_start_0:
0x88: {  	s2 =	sld [smem:$0x3FD9]  }
0x89: {  	s3 =	sld [smem:$0x3FFE];
	_ =	sdelay $0x1  }
0x8a: {  	s1 =	srdreg.scid  }
0x8b: {  	s0 =	sand.u32 $0x1, s1  }
0x8c: {  	s16 =	sshll.u32 s0, $0xA;
	s2 =	sadd.s32 s3, s2  }
0x8d: {  	s2 =	sadd.s32 s2, s16  }
0x8e: {  	[smem:$0x3F9A] =	sst s2  }
0x8f: {  	_ = 	snop  }
0x90: {  	(tm) =	ssettm $0x1  }
0x91: {  	s17 =	sld [smem:$0x3FFB];
	_ =	sdelay $0x3  }
0x92: {  	_ =	strace s17  }
0x93: {  	s2 =	sld [smem:$0x3FFC];
	_ =	sdelay $0x3  }
0x94: {  	_ =	strace s2  }
0x95: {  	s2 =	sld [smem:$0x3FFD];
	_ =	sdelay $0x3  }
0x96: {  	_ =	strace s2  }
0x97: {  	_ =	strace $0x8FFFFFFF  }
0x98: {  	s18 =	sld [smem:$0x3FDB];
	_ =	sdelay $0x1  }
0x99: {  	s19 =	simm.s32 $_scs_section_size  }
0x9a: {  	s4 =	simm.s32 $_size__tile_overlayer_lowered;
	s5 =	simm.s32 $_tile_overlayer_lowered  }
0x9b: {  	s22 =	simm.s32 $0x1BFF;
	s21 =	sshll.u32 s5, $0x1;
	s2 =	sadd.s32 s19, s18  }
0x9c: {  	s6 =	simm.s32 $0x0;
	s20 =	sshll.u32 s4, $0x1;
	s4 =	sadd.s32 s21, s2  }
0x9d: {  	[timem:s6], [sflag:s22] =	dma.local [hbm:s4], s20  }
0x9e: {  	_ =	swait.ge [sflag:s22], s20  }
0x9f: {  	s3 =	ssub.s32 $0x0, s20;
	[sflag:s22] =	ssyncset.done $0x0  }
0xa0: {  	[sflag:s22] =	ssyncadd.s32 s3;
	_ =	sdelay $0x1  }
0xa1: {  	s23 =	simm.s32 $0x1B8B  }
0xa2: {  	_ =	swait.ge [sflag:s23], $0x1  }
0xa3: {  	[sflag:s23] =	ssyncset.done $0x0  }
0xa4: {  	s25 =	simm.s32 $0x1B8E;
	s24 =	sld [smem:$0x3FFE];
	[sflag:s23] =	ssyncadd.s32 $0xFFFFFFFF  }
0xa5: {  	s26 =	simm.s32 $execute0_lowered;
	[smem:$0x3FD2] =	sst s25  }
0xa6: {  	s4 =	sshll.u32 s26, $0x1;
	_ =	strace $0x8000004C;
	[dreg:$0x1] =	wrdreg $0xFFFFFFFF  }
0xa7: {  	s28 =	simm.s32 $_size_execute0_lowered;
	s2 =	sadd.s32 s2, s4;
	[dreg:$0x0] =	wrdreg $0x0  }
0xa8: {  	s4 =	sshll.u32 s28, $0x1;
	[dreg:$0x2] =	wrdreg s2  }
0xa9: {  	[dreg:$0x3] =	wrdreg s4  }
0xaa: {  	[dreg:$0x4] =	wrdreg $0xC0  }
0xab: {  	_ =	task [dreg:s6], $0x5FFFF  }
0xac: {  	[dreg:$0x1] =	wrdreg $0xFFFFFFFF  }
0xad: {  	[dreg:$0x0] =	wrdreg $0x60  }
0xae: {  	[dreg:$0x2] =	wrdreg s24  }
0xaf: {  	[dreg:$0x3] =	wrdreg $0x9  }
0xb0: {  	_ =	task.clear_ibuf [dreg:s6], $0x4FFFF;
	_ =	strace $0x9000004C  }
0xb1: {  	s29 =	simm.s32 $0x9;
	_ =	strace $0x8000004E  }
0xb2: {  	_ =	swait.ge [sflag:s29], $0x1  }
0xb3: {  	[sflag:s29] =	ssyncadd.s32 $0xFFFFFFFF  }
0xb4: {  	_ =	strace $0x9000004E  }
0xb5: {  	_ =	sfence  }
0xb6: {  	s30 =	sld [smem:$0x0];
	_ =	sdelay $0x2  }
0xb7: {  	s31 =	sshll.u32 s1, $0xD;
	s1 =	sshrl.u32 s1, $0x2  }
0xb8: {  	s3 =	sand.u32 $0x4000, s31;
	s1 =	sadd.s32 s1, s30  }
0xb9: {  	s0 =	sor.u32 s3, s0;
	s1 =	sshll.u32 s1, $0x11  }
0xba: {  	s0 =	sor.u32 s1, s0  }
0xbb: {  	s0 =	sadd.s32 $0x8F2B, s0  }
0xbc: {  	[sflag:s0] =	ssyncadd.remote.s32 $0x1  }
0xbd: {  	_ =	sfence.sel $0xFFFF  }
0xbe: {  	[dreg:$0x0] =	wrdreg $0xFFFFFFFF;
	(pc) =	sbr.abs _section_cstart, $3  }
0xbf: {  	[dreg:$0x1] =	wrdreg $0xFFFFFFFF  }
0xc0: {  	_ =	task.clear_ibuf [dreg:s6], $0x2FFFF;
	_ =	strace $0x9FFFFFFF  }
0xc1: {  	(tm) =	ssettm $0x7FFFFFFF  }
tec
execute0_lowered:
.L_overlay_start_1:
0x0: {  	(tag) =	ssettag $0x1  }
0x1: {  	s7 =	rddreg [dreg:$0x0];
	s3 =	srdreg.scid  }
0x2: {  	s0 =	stileid.u32;
	s2 =	simm.s32 $0x0;
	s16 =	simm.s32 $0x1C0  }
0x3: {  	s17 =	simm.s32 $0x540;
	s18 =	simm.s32 $0x700;
	s19 =	simm.s32 $0x7700  }
0x4: {  	s20 =	simm.s32 $0x5;
	s21 =	simm.s32 $0x2;
	s22 =	simm.s32 $0x3F00  }
0x5: {  	s23 =	simm.s32 $0xAF00;
	s24 =	simm.s32 $0x3;
	s25 =	simm.s32 $0x4  }
0x6: {  	s26 =	simm.s32 $0x0;
	s9 =	sand.u32 $0x1, s3;
	s12 =	smul.u32 $0x62000, s0  }
0x7: {  	s30 =	sshll.u32 s0, $0x1;
	[smem:$0x7FF] =	sst s2;
	s14 =	smul.u32 $0x18800, s0  }
0x8: {  	s3 =	sadd.s32 $0x69E00, s7;
	s5 =	sadd.s32 $0x7E00, s7;
	s13 =	smul.u32 $0x31000, s9  }
0x9: {  	s6 =	sadd.s32 $0x684600, s7;
	s4 =	sor.u32 s9, s30;
	s15 =	smul.u32 $0xC400, s9  }
0xa: {  	_ =	strace $0x8000004D;
	s8 =	ssub.s32 $0x2, s9;
	s10 =	smul.u32 $0x1880, s4  }
0xb: {  	s4 =	sadd.s32 $0x38E00, s7;
	s7 =	sadd.s32 $0xCA4600, s7;
	s11 =	sshrl.u32 s8, $0x1  }
0xc: {  	s11 =	ssub.s32 s8, s11;
	s31 =	sadd.s32 s12, s7;
	s12 =	sadd.s32 s12, s6  }
0xd: {  	s14 =	sadd.s32 s15, s14;
	s15 =	simm.s32 $0x1;
	s8 =	sadd.s32 s4, s10  }
0xe: {  	s9 =	sadd.s32 s5, s10;
	s10 =	smax.u32 s11, $0x1;
	s11 =	sadd.s32 s13, s31  }
0xf: {  	s12 =	sadd.s32 s13, s12;
	s13 =	sor.u32 $0x380, s14;
	s14 =	simm.s32 $0x380  }
.LBB2_1:
0x10: {  	[tilespmem:s2], [sflag:$0x1] =	stream.linear.gather [hbm4b:s8+s2], $0x1C0, $0x38;
	[tilespmem:$0xE700] =	vst v63  }
0x11: {  	s28 =	smov.u32 s13;
	s29 =	simm.s32 $0x0  }
0x12: {  	[tilespmem:s14], [sflag:$0x1] =	stream.linear.gather [hbm4b:s9+s2], $0x1C0, $0x38;
	[tilespmem:$0xE700] =	vst v63  }
.LBB2_2:
0x13: {  	s30 =	sadd.s32 $0xFFFFFE40, s28  }
0x14: {  	s31 =	sshrl.u32 s30, $0x6  }
0x15: {  	_ =	swait.ge [sflag:s15], $0x1C0;
	s31 =	smulhi.u32 $0x24924925, s31  }
0x16: {  	[sflag:s15] =	ssyncset.done $0x0  }
0x17: {  	[sflag:s15] =	ssyncadd.s32 $0xFFFFFE40;
	s31 =	smul.u32 $0x1C0, s31  }
0x18: {  	_ =	swait.ge [sflag:s15], $0x1C0  }
0x19: {  	[sflag:s15] =	ssyncset.done $0x0;
	s31 =	sshrl.u32 s31, $0x3  }
0x1a: {  	p0 =	seq.s32 s29, $0x0;
	[sflag:s15] =	ssyncadd.s32 $0xFFFFFE40;
	s0 =	sadd.s32 s4, s31  }
0x1b: {  	[tilespmem:s16], [sflag:$0x2] =	stream.linear.gather [hbm4b:s0+s2], $0x1C0, $0x38;
	[tilespmem:$0xE700] =	vst v63  }
0x1c: {  	s1 =	sadd.s32 s5, s31;
	s0 =	simm.s32 @!p0 $0x3  }
0x1d: {  	[tilespmem:s17], [sflag:$0x2] =	stream.linear.gather [hbm4b:s1+s2], $0x1C0, $0x38;
	[tilespmem:$0xE700] =	vst v63  }
0x1e: {  	_ =	swait.ge @!p0 [sflag:s0], $0x3800  }
0x1f: {  	[sflag:s0] =	ssyncset.done @!p0 $0x0  }
0x20: {  	[sflag:s0] =	ssyncadd.s32 @!p0 $0xFFFFC800  }
0x21: {  	_ =	swait.ge @!p0 [sflag:s0], $0x3800  }
0x22: {  	[sflag:s0] =	ssyncset.done @!p0 $0x0  }
0x23: {  	[sflag:s0] =	ssyncadd.s32 @!p0 $0xFFFFC800  }
0x24: {  	[tilespmem:s18], [sflag:$0x5] =	stream.indirect.gather [hbm4b:s3+s16], $0x20, s2, s16, $0xb8;
	[tilespmem:$0xE700] =	vst v63  }
0x25: {  	_ = 	snop  }
0x26: {  	[tilespmem:s19], [sflag:$0x5] =	stream.indirect.gather [hbm4b:s3+s16], $0x20, s14, s16, $0xb8;
	[tilespmem:$0xE700] =	vst v63  }
0x27: {  	_ =	swait.ge [sflag:s20], $0x3800  }
0x28: {  	[sflag:s20] =	ssyncset.done $0x0  }
0x29: {  	[sflag:s20] =	ssyncadd.s32 $0xFFFFC800  }
0x2a: {  	_ =	swait.ge [sflag:s20], $0x3800  }
0x2b: {  	[sflag:s20] =	ssyncset.done $0x0  }
0x2c: {  	s31 =	sadd.s32 s29, s12;
	p0 =	seq.s32 s29, $0x30200;
	[sflag:s20] =	ssyncadd.s32 $0xFFFFC800  }
0x2d: {  	[hbm4b:s31+s2] =	stream.linear.scatter [tilespmem:s18], [sflag:$0x3], $0x3800, $0x38;
	[tilespmem:$0xE700] =	vst v63  }
0x2e: {  	s1 =	sadd.s32 s29, s11;
	s0 =	sshrl.u32 @!p0 s28, $0x6  }
0x2f: {  	[hbm4b:s1+s2] =	stream.linear.scatter [tilespmem:s19], [sflag:$0x3], $0x3800, $0x38;
	[tilespmem:$0xE700] =	vst v63  }
0x30: {  	s0 =	smulhi.u32 @!p0 $0x24924925, s0;
	_ =	swait.ge [sflag:s21], $0x1C0  }
0x31: {  	[sflag:s21] =	ssyncset.done $0x0  }
0x32: {  	s0 =	smul.u32 @!p0 $0x1C0, s0;
	[sflag:s21] =	ssyncadd.s32 $0xFFFFFE40  }
0x33: {  	_ =	swait.ge [sflag:s21], $0x1C0  }
0x34: {  	s0 =	sshrl.u32 @!p0 s0, $0x3;
	[sflag:s21] =	ssyncset.done $0x0  }
0x35: {  	s31 =	sadd.s32 @!p0 s4, s0;
	s1 =	simm.s32 @!p0 $0x0;
	[sflag:s21] =	ssyncadd.s32 $0xFFFFFE40  }
0x36: {  	[tilespmem:s1], [sflag:$0x1] =	stream.linear.gather @!p0 [hbm4b:s31+s1], $0x1C0, $0x38;
	[tilespmem:$0xE700] =	vst v63  }
0x37: {  	p1 =	seq.s32 @!p0 s29, $0x0;
	s0 =	sadd.s32 @!p0 s5, s0;
	s31 =	simm.s32 @!p0 $0x380  }
0x38: {  	[tilespmem:s31], [sflag:$0x1] =	stream.linear.gather @!p0 [hbm4b:s0+s1], $0x1C0, $0x38;
	[tilespmem:$0xE700] =	vst v63  }
0x39: {  	p0 =	por p0, !p1  }
0x3a: {  	_ =	swait.ge @p0 [sflag:s25], $0x3800  }
0x3b: {  	[sflag:s25] =	ssyncset.done @p0 $0x0  }
0x3c: {  	[sflag:s25] =	ssyncadd.s32 @p0 $0xFFFFC800  }
0x3d: {  	_ =	swait.ge @p0 [sflag:s25], $0x3800  }
0x3e: {  	[sflag:s25] =	ssyncset.done @p0 $0x0  }
0x3f: {  	[sflag:s25] =	ssyncadd.s32 @p0 $0xFFFFC800  }
0x40: {  	[tilespmem:s22], [sflag:$0x5] =	stream.indirect.gather [hbm4b:s3+s16], $0x20, s16, s16, $0xb8;
	[tilespmem:$0xE700] =	vst v63  }
0x41: {  	_ = 	snop  }
0x42: {  	[tilespmem:s23], [sflag:$0x5] =	stream.indirect.gather [hbm4b:s3+s16], $0x20, s17, s16, $0xb8;
	[tilespmem:$0xE700] =	vst v63  }
0x43: {  	_ =	swait.ge [sflag:s20], $0x3800  }
0x44: {  	[sflag:s20] =	ssyncset.done $0x0  }
0x45: {  	s29 =	sadd.s32 $0xE00, s29;
	[sflag:s20] =	ssyncadd.s32 $0xFFFFC800  }
0x46: {  	s30 =	sshll.u32 s30, $0x2;
	p0 =	sne.s32 s29, $0x31000;
	_ =	swait.ge [sflag:s20], $0x3800  }
.Ltmp0:
0x47: {  	s0 =	sand.u32 $0x1FFFFF00, s30;
	[sflag:s20] =	ssyncset.done $0x0;
	(pc) =	sbr.rel @p0 .LBB2_2-.Ltmp0, $4  }
0x48: {  	s31 =	sadd.s32 s6, s0;
	[sflag:s20] =	ssyncadd.s32 $0xFFFFC800  }
0x49: {  	[hbm4b:s31+s2] =	stream.linear.scatter [tilespmem:s22], [sflag:$0x4], $0x3800, $0x38;
	[tilespmem:$0xE700] =	vst v63  }
0x4a: {  	s28 =	sadd.s32 $0x380, s28;
	s0 =	sadd.s32 s7, s0  }
0x4b: {  	[hbm4b:s0+s2] =	stream.linear.scatter [tilespmem:s23], [sflag:$0x4], $0x3800, $0x38;
	[tilespmem:$0xE700] =	vst v63  }
0x4c: {  	_ =	swait.ge [sflag:s24], $0x3800  }
0x4d: {  	[sflag:s24] =	ssyncset.done $0x0  }
0x4e: {  	[sflag:s24] =	ssyncadd.s32 $0xFFFFC800  }
0x4f: {  	_ =	swait.ge [sflag:s24], $0x3800  }
0x50: {  	[sflag:s24] =	ssyncset.done $0x0  }
0x51: {  	s26 =	sadd.s32 $0x1, s26;
	[sflag:s24] =	ssyncadd.s32 $0xFFFFC800  }
0x52: {  	p0 =	sne.s32 s26, s10;
	_ =	swait.ge [sflag:s25], $0x3800  }
.Ltmp1:
0x53: {  	[sflag:s25] =	ssyncset.done $0x0;
	(pc) =	sbr.rel @p0 .LBB2_1-.Ltmp1, $4  }
0x54: {  	[sflag:s25] =	ssyncadd.s32 $0xFFFFC800  }
0x55: {  	_ =	swait.ge [sflag:s25], $0x3800  }
0x56: {  	[sflag:s25] =	ssyncset.done $0x0  }
0x57: {  	[sflag:s25] =	ssyncadd.s32 $0xFFFFC800  }
0x58: {  	_ =	sfence.sel $0x180000  }
0x59: {  	[bflag:$0x0] =	sbarrier.arrive $0xFFFF  }
0x5a: {  	_ =	strace $0x9000004D  }
0x5b: {  	s0 =	stileid.u32;
	[bflag:$0x2] =	sbarrier.arrive $0xFFFF  }
0x5c: {  	p0 =	sne.s32 s0, $0x0;
	s0 =	rddreg [dreg:$0x1]  }
0x5d: {  	s0 =	sadd.s32 @!p0 $0x100000, s0  }
0x5e: {  	[sflag:s0] =	ssyncadd.tile.s32 @!p0 $0x1;
	_ =	shalt  }
.Lfunc_end2:
_tile_overlayer_lowered:
.L_overlay_start_2:
0x5f: {  	(tag) =	ssettag $0x2  }
0x60: {  	s0 =	rddreg [dreg:$0x0];
	s2 =	stileid.u32  }
0x61: {  	s1 =	rddreg [dreg:$0x1];
	p0 =	sne.s32 s2, $0x0  }
0x62: {  	s3 =	rddreg [dreg:$0x2];
	[bflag:$0x3] =	sbarrier.arrive $0xFFFF;
	s2 =	simm.s32 @!p0 $0x1C06  }
0x63: {  	[timem:s3], [sflag:s2] =	dma.local @!p0 [hbm:s0], s1  }
0x64: {  	s0 =	simm.s32 @!p0 $0x6  }
0x65: {  	_ =	swait.ge @!p0 [sflag:s0], s1  }
0x66: {  	s1 =	ssub.s32 @!p0 $0x0, s1;
	[sflag:s0] =	ssyncset.done @!p0 $0x0  }
0x67: {  	[sflag:s0] =	ssyncadd.s32 @!p0 s1  }
0x68: {  	[bflag:$0x3] =	sbarrier.arrive $0xFFFF  }
0x69: {  	_ =	shalt  }

// kernel: kernel.20.cloned.1.call-start
scs
__scs_entry_jumppad:
0x0: {  	(pc) =	sbr.rel $0x88, $3  }
0x1: {  	(tag) =	ssettag $0x0;
	lr =	simm.s32 $0x1  }
0x2: {  	[smem:$0x3F73] =	sst lr;
	_ =	strace $0xD0000000  }
0x3: {  	_ = 	snop  }
0x4: {  	_ = 	snop  }
0x5: {  	_ = 	snop  }
0x6: {  	_ = 	snop  }
0x7: {  	_ = 	snop  }
__scs_overlays_trampoline_lowered:
0x8: {  	[smem:$0x3F82] =	sst s0  }
0x9: {  	[smem:$0x3F83] =	sst s1  }
0xa: {  	[smem:$0x3F84] =	sst s2  }
0xb: {  	[smem:$0x3F85] =	sst s3  }
0xc: {  	[smem:$0x3F86] =	sst s4  }
0xd: {  	[smem:$0x3F87] =	sst s5  }
0xe: {  	[smem:$0x3F88] =	sst s6  }
0xf: {  	[smem:$0x3F89] =	sst s7  }
0x10: {  	[smem:$0x3F8A] =	sst s8  }
0x11: {  	[smem:$0x3F8B] =	sst s9;
	s0 =	simm.s32 @!p0 $0x0  }
0x12: {  	s1 =	sld [smem:$0x3F71];
	s0 =	simm.s32 @p0 $0x1  }
0x13: {  	[smem:$0x3F8C] =	sst s0;
	s0 =	simm.s32 @!p1 $0x0  }
0x14: {  	s2 =	sld [smem:$0x3F70];
	s0 =	simm.s32 @p1 $0x1  }
0x15: {  	[smem:$0x3F8D] =	sst s0;
	s0 =	simm.s32 @!p2 $0x0  }
0x16: {  	s3 =	sld [smem:$0x3FDB];
	s0 =	simm.s32 @p2 $0x1  }
0x17: {  	s4 =	simm.s32 $0x1BF5;
	[smem:$0x3F8F] =	sst s0  }
0x18: {  	s0 =	sld [smem:$0x3F72];
	_ =	swait.ge [sflag:s4], $0x0  }
0x19: {  	s7 =	sld [smem:$0x3F73]  }
0x1a: {  	s8 =	sadd.s32 $0xFFFFE003, lr  }
0x1b: {  	s9 =	sadd.s32 $0xFFFFFEF7, lr;
	s5 =	simm.s32 $0xFFFFFFFF;
	p2 =	slt.u32 s8, $0xFFFFF086  }
0x1c: {  	p1 =	slt.u32 s9, $0xF7A;
	s5 =	simm.s32 @!p2 $0x0  }
0x1d: {  	s5 =	simm.s32 @p1 $0x1;
	p0 =	seq.s32 s7, s2  }
0x1e: {  	s7 =	smul.u32 @!p0 $0xF7A, s2;
	p2 =	seq.s32 @!p0 s5, $0x0  }
0x1f: {  	s9 =	smul.u32 $0xF7A, s1;
	s8 =	simm.s32 @!p0 $0x1BF5;
	p2 =	por !p2, p0  }
0x20: {  	[sflag:s8] =	ssyncset.s32 @!p0 $0xFFFFF086;
	s6 =	sadd.s32 @!p0 s3, s7;
	s7 =	simm.s32 @!p0 $0x108  }
0x21: {  	s3 =	sadd.s32 s3, s9;
	s6 =	sadd.s32 @!p0 $0x88, s6;
	s7 =	simm.s32 @p2 $0x1082  }
0x22: {  	[simem:s7], [sflag:s8] =	dma.local @!p0 [hbm:s6], $0xF7A  }
0x23: {  	s9 =	sor.u32 $0xD0000000, s2;
	s6 =	simm.s32 $0x108;
	_ =	swait.ge @!p0 [sflag:s8], $0x0  }
0x24: {  	s3 =	sadd.s32 $0x88, s3;
	s6 =	simm.s32 @!p1 $0x1082;
	[sflag:s4] =	ssyncset.s32 $0xFFFFF086  }
0x25: {  	[simem:s6], [sflag:s4] =	dma.local [hbm:s3], $0xF7A  }
0x26: {  	[smem:$0x3F73] =	sst s1;
	(tag) =	ssettag s2;
	_ =	strace s9  }
0x27: {  	s1 =	sld [smem:$0x3F83]  }
0x28: {  	s2 =	sld [smem:$0x3F84]  }
0x29: {  	s4 =	sld [smem:$0x3F86]  }
0x2a: {  	p0 =	seq.s32 s5, $0x0;
	s5 =	sld [smem:$0x3F87]  }
0x2b: {  	s6 =	sld [smem:$0x3F88]  }
0x2c: {  	s7 =	sld [smem:$0x3F89]  }
0x2d: {  	s3 =	simm.s32 $0x108;
	s8 =	sld [smem:$0x3F8A]  }
0x2e: {  	s3 =	simm.s32 @!p0 $0x1082;
	s9 =	sld [smem:$0x3F8B]  }
0x2f: {  	lr =	sadd.s32 s0, s3;
	s0 =	sld [smem:$0x3F82]  }
0x30: {  	s3 =	sld [smem:$0x3F85]  }
0x31: {  	[smem:$0x3F8E] =	sst s10  }
0x32: {  	s10 =	sld [smem:$0x3F8C];
	_ =	sdelay $0x3  }
0x33: {  	p0 =	seq.s32 s10, $0x1;
	s10 =	sld [smem:$0x3F8E];
	_ =	sdelay $0x3  }
0x34: {  	[smem:$0x3F8E] =	sst s10  }
0x35: {  	s10 =	sld [smem:$0x3F8D];
	_ =	sdelay $0x3  }
0x36: {  	p1 =	seq.s32 s10, $0x1;
	s10 =	sld [smem:$0x3F8E];
	_ =	sdelay $0x3  }
0x37: {  	[smem:$0x3F8E] =	sst s10  }
0x38: {  	s10 =	sld [smem:$0x3F8F]  }
0x39: {  	_ = 	snop;
	(pc) =	sbr.ind lr, $3  }
0x3a: {  	_ = 	snop  }
0x3b: {  	_ = 	snop  }
0x3c: {  	p2 =	seq.s32 s10, $0x1;
	s10 =	sld [smem:$0x3F8E]  }
0x3d: {  	_ =	shalt  }
0x3e: {  	_ =	shalt  }
0x3f: {  	_ =	shalt  }
0x40: {  	_ =	shalt  }
0x41: {  	_ =	shalt  }
0x42: {  	_ =	shalt  }
0x43: {  	_ =	shalt  }
0x44: {  	_ =	shalt  }
0x45: {  	_ =	shalt  }
0x46: {  	_ =	shalt  }
0x47: {  	_ =	shalt  }
0x48: {  	_ =	shalt  }
0x49: {  	_ =	shalt  }
0x4a: {  	_ =	shalt  }
0x4b: {  	_ =	shalt  }
0x4c: {  	_ =	shalt  }
0x4d: {  	_ =	shalt  }
0x4e: {  	_ =	shalt  }
0x4f: {  	_ =	shalt  }
0x50: {  	_ =	shalt  }
0x51: {  	_ =	shalt  }
0x52: {  	_ =	shalt  }
0x53: {  	_ =	shalt  }
0x54: {  	_ =	shalt  }
0x55: {  	_ =	shalt  }
0x56: {  	_ =	shalt  }
0x57: {  	_ =	shalt  }
0x58: {  	_ =	shalt  }
0x59: {  	_ =	shalt  }
0x5a: {  	_ =	shalt  }
0x5b: {  	_ =	shalt  }
0x5c: {  	_ =	shalt  }
0x5d: {  	_ =	shalt  }
0x5e: {  	_ =	shalt  }
0x5f: {  	_ =	shalt  }
0x60: {  	_ =	shalt  }
0x61: {  	_ =	shalt  }
0x62: {  	_ =	shalt  }
0x63: {  	_ =	shalt  }
0x64: {  	_ =	shalt  }
0x65: {  	_ =	shalt  }
0x66: {  	_ =	shalt  }
0x67: {  	_ =	shalt  }
0x68: {  	_ =	shalt  }
0x69: {  	_ =	shalt  }
0x6a: {  	_ =	shalt  }
0x6b: {  	_ =	shalt  }
0x6c: {  	_ =	shalt  }
0x6d: {  	_ =	shalt  }
0x6e: {  	_ =	shalt  }
0x6f: {  	_ =	shalt  }
0x70: {  	_ =	shalt  }
0x71: {  	_ =	shalt  }
0x72: {  	_ =	shalt  }
0x73: {  	_ =	shalt  }
0x74: {  	_ =	shalt  }
0x75: {  	_ =	shalt  }
0x76: {  	_ =	shalt  }
0x77: {  	_ =	shalt  }
0x78: {  	_ =	shalt  }
0x79: {  	_ =	shalt  }
0x7a: {  	_ =	shalt  }
0x7b: {  	_ =	shalt  }
0x7c: {  	_ =	shalt  }
0x7d: {  	_ =	shalt  }
0x7e: {  	_ =	shalt  }
0x7f: {  	_ =	shalt  }
0x80: {  	_ =	shalt  }
0x81: {  	_ =	shalt  }
0x82: {  	_ =	shalt  }
0x83: {  	_ =	shalt  }
0x84: {  	_ =	shalt  }
0x85: {  	_ =	shalt  }
0x86: {  	_ =	shalt  }
0x87: {  	_ =	shalt  }
.Lfunc_end0:
.L_simem_size_0:
called_computation.3_lowered:
.L_overlay_start_0:
0x88: {  	s2 =	sld [smem:$0x3FD9]  }
0x89: {  	s3 =	sld [smem:$0x3FFE];
	_ =	sdelay $0x1  }
0x8a: {  	s1 =	srdreg.scid  }
0x8b: {  	s0 =	sand.u32 $0x1, s1  }
0x8c: {  	s17 =	sshll.u32 s0, $0xA;
	s2 =	sadd.s32 s3, s2  }
0x8d: {  	s2 =	sadd.s32 s2, s17  }
0x8e: {  	[smem:$0x3F9A] =	sst s2  }
0x8f: {  	_ = 	snop  }
0x90: {  	s2 =	sld [smem:$0x3FD0];
	(tm) =	ssettm $0x1  }
0x91: {  	s18 =	sld [smem:$0x3FFB];
	_ =	sdelay $0x3  }
0x92: {  	_ =	strace s18  }
0x93: {  	s3 =	sld [smem:$0x3FFC];
	_ =	sdelay $0x3  }
0x94: {  	_ =	strace s3  }
0x95: {  	s3 =	sld [smem:$0x3FFD];
	_ =	sdelay $0x3  }
0x96: {  	_ =	strace s3  }
0x97: {  	_ =	strace $0x8FFFFFFF  }
0x98: {  	s19 =	sld [smem:$0x3FDB];
	_ =	sdelay $0x1  }
0x99: {  	s4 =	simm.s32 $_scs_section_size  }
0x9a: {  	s5 =	simm.s32 $_size__tile_overlayer_lowered;
	s6 =	simm.s32 $_tile_overlayer_lowered  }
0x9b: {  	s22 =	simm.s32 $0x1BFF;
	s21 =	sshll.u32 s6, $0x1;
	s3 =	sadd.s32 s4, s19  }
0x9c: {  	s7 =	simm.s32 $0x0;
	s20 =	sshll.u32 s5, $0x1;
	s5 =	sadd.s32 s21, s3  }
0x9d: {  	[timem:s7], [sflag:s22] =	dma.local [hbm:s5], s20  }
0x9e: {  	_ =	swait.ge [sflag:s22], s20  }
0x9f: {  	s4 =	ssub.s32 $0x0, s20;
	[sflag:s22] =	ssyncset.done $0x0  }
0xa0: {  	[sflag:s22] =	ssyncadd.s32 s4;
	_ =	sdelay $0x1  }
0xa1: {  	s23 =	simm.s32 $0x1B8B  }
0xa2: {  	_ =	swait.ge [sflag:s23], $0x1  }
0xa3: {  	[sflag:s23] =	ssyncset.done $0x0  }
0xa4: {  	s25 =	simm.s32 $0x1B8E;
	s24 =	sld [smem:$0x3FFE];
	[sflag:s23] =	ssyncadd.s32 $0xFFFFFFFF  }
0xa5: {  	s26 =	simm.s32 $execute0_lowered;
	[smem:$0x3FD2] =	sst s25  }
0xa6: {  	s5 =	sshll.u32 s26, $0x1;
	_ =	strace $0x8000004F;
	[dreg:$0x1] =	wrdreg $0xFFFFFFFF  }
0xa7: {  	s28 =	simm.s32 $_size_execute0_lowered;
	s3 =	sadd.s32 s3, s5;
	[dreg:$0x0] =	wrdreg $0x0  }
0xa8: {  	s5 =	sshll.u32 s28, $0x1;
	[dreg:$0x2] =	wrdreg s3  }
0xa9: {  	[dreg:$0x3] =	wrdreg s5  }
0xaa: {  	[dreg:$0x4] =	wrdreg $0xC0  }
0xab: {  	_ =	task [dreg:s7], $0x5FFFF  }
0xac: {  	[dreg:$0x1] =	wrdreg $0xFFFFFFFF  }
0xad: {  	[dreg:$0x0] =	wrdreg $0x60  }
0xae: {  	[dreg:$0x2] =	wrdreg s24  }
0xaf: {  	[dreg:$0x3] =	wrdreg s2  }
0xb0: {  	[dreg:$0x4] =	wrdreg $0x44000  }
0xb1: {  	[dreg:$0x5] =	wrdreg $0x9  }
0xb2: {  	_ =	task.clear_ibuf [dreg:s7], $0x6FFFF;
	_ =	strace $0x9000004F  }
0xb3: {  	s29 =	simm.s32 $0x9;
	_ =	strace $0x80000051  }
0xb4: {  	_ =	swait.ge [sflag:s29], $0x1  }
0xb5: {  	[sflag:s29] =	ssyncadd.s32 $0xFFFFFFFF  }
0xb6: {  	_ =	strace $0x90000051  }
0xb7: {  	_ =	sfence  }
0xb8: {  	s30 =	sld [smem:$0x0];
	_ =	sdelay $0x2  }
0xb9: {  	s31 =	sshll.u32 s1, $0xD;
	s1 =	sshrl.u32 s1, $0x2  }
0xba: {  	s3 =	sand.u32 $0x4000, s31;
	s1 =	sadd.s32 s1, s30  }
0xbb: {  	s0 =	sor.u32 s3, s0;
	s1 =	sshll.u32 s1, $0x11  }
0xbc: {  	s0 =	sor.u32 s1, s0  }
0xbd: {  	s0 =	sadd.s32 $0x8F2B, s0  }
0xbe: {  	[sflag:s0] =	ssyncadd.remote.s32 $0x1  }
0xbf: {  	_ =	sfence.sel $0xFFFF  }
0xc0: {  	[dreg:$0x0] =	wrdreg $0xFFFFFFFF;
	(pc) =	sbr.abs _section_cstart, $3  }
0xc1: {  	[dreg:$0x1] =	wrdreg $0xFFFFFFFF  }
0xc2: {  	_ =	task.clear_ibuf [dreg:s7], $0x2FFFF;
	_ =	strace $0x9FFFFFFF  }
0xc3: {  	(tm) =	ssettm $0x7FFFFFFF  }
tec
execute0_lowered:
.L_overlay_start_1:
0x0: {  	(tag) =	ssettag $0x1  }
0x1: {  	s0 =	rddreg [dreg:$0x0]  }
0x2: {  	s2 =	rddreg [dreg:$0x2];
	s1 =	srdreg.scid  }
0x3: {  	s4 =	simm.s32 $0x0;
	s11 =	stileid.u32;
	s23 =	simm.s32 $0x200  }
0x4: {  	s24 =	simm.s32 $0x280;
	s28 =	simm.s32 $0x300;
	s16 =	smul.u32 $0xC35, s11  }
0x5: {  	s29 =	simm.s32 $0x380;
	s30 =	simm.s32 $0x3400;
	s7 =	smul.u32 $0x61B00, s11  }
0x6: {  	s31 =	simm.s32 $0x3;
	s1 =	sand.u32 $0x1, s1;
	s12 =	smul.u32 $0x18800, s11  }
0x7: {  	[smem:$0x7FF] =	sst s4;
	s5 =	sadd.s32 $0x12C4600, s0;
	s10 =	smul.u32 $0x62000, s11  }
0x8: {  	s6 =	sadd.s32 $0x7E00, s0;
	s18 =	sshll.u32 s11, $0x6;
	s20 =	smul.u32 $0x61A80, s11  }
0x9: {  	s11 =	sor.u32 $0xC350, s11;
	s3 =	smul.u32 $0xC350, s1;
	s1 =	ssub.s32 $0x2, s1  }
0xa: {  	_ =	strace $0x80000050;
	s8 =	sshrl.u32 s1, $0x1;
	s7 =	sshrl.u32 s7, $0x2  }
0xb: {  	s9 =	sshrl.u32 s12, $0x3;
	s21 =	sadd.s32 s5, s10;
	[dreg:$0x4] =	wrdreg s12  }
0xc: {  	s4 =	sadd.s32 s16, s3;
	s17 =	ssub.s32 s1, s8;
	s7 =	sadd.s32 s7, s2  }
0xd: {  	s8 =	sor.u32 $0x1C05, s18;
	s19 =	sadd.s32 s6, s9;
	[dreg:$0x7] =	wrdreg s21  }
0xe: {  	s1 =	sor.u32 $0x100, s12;
	s22 =	sadd.s32 $0xC350, s3;
	s12 =	sor.u32 $0x200, s12  }
0xf: {  	s9 =	sshrl.u32 s20, $0x2;
	s16 =	simm.s32 $0x5;
	s18 =	simm.s32 $0x1  }
0x10: {  	s20 =	simm.s32 $0x2400;
	s21 =	simm.s32 $0x80;
	v0 =	vmov s3;
	s3 =	simm.s32 $0x0  }
0x11: {  	s4 =	sshll.u32 s4, $0x2;
	[dreg:$0x6] =	wrdreg s19;
	s25 =	sadd.s32 s9, s2  }
0x12: {  	s26 =	sshrl.u32 s7, $0x3;
	s19 =	simm.s32 $0x100;
	[dreg:$0x5] =	wrdreg s8  }
0x13: {  	s0 =	sadd.s32 s4, s0;
	s4 =	smax.u32 s17, $0x1;
	[dreg:$0xa] =	wrdreg s26  }
0x14: {  	s17 =	simm.s32 $0x400;
	s0 =	sadd.s32 $0x38E00, s0;
	[dreg:$0x9] =	wrdreg s4  }
0x15: {  	s26 =	simm.s32 $0x2;
	[dreg:$0x8] =	wrdreg s0;
	s0 =	sshrl.u32 s25, $0x3  }
0x16: {  	v2 =	vmov s11;
	v1 =	vmov s22;
	s25 =	simm.s32 $0x1400;
	[dreg:$0xb] =	wrdreg s0;
	s0 =	simm.s32 $0x4  }
.LBB2_1:
0x17: {  	s4 =	rddreg [dreg:$0x1]  }
0x18: {  	s7 =	rddreg [dreg:$0xa]  }
0x19: {  	[spmem:s7], [sflag:s8] =	dma.local [hbm:s4], $0x30D8  }
0x1a: {  	_ =	swait.ge [sflag:s16], $0x30D8  }
0x1b: {  	[sflag:s16] =	ssyncset.done $0x0  }
0x1c: {  	[sflag:s16] =	ssyncadd.s32 $0xFFFFCF28  }
0x1d: {  	[bflag:$0x0] =	sbarrier.arrive $0xFFFF  }
0x1e: {  	s15 =	rddreg [dreg:$0x6]  }
0x1f: {  	s14 =	simm.s32 $0x0;
	s22 =	rddreg [dreg:$0x7]  }
0x20: {  	[tilespmem:s14], [sflag:$0x1] =	stream.linear.gather [hbm4b:s15+s14], $0x100, $0x38;
	[tilespmem:$0x1CAC0] =	vst v63  }
0x21: {  	s11 =	smov.u32 s1;
	s9 =	simm.s32 $0x0;
	s4 =	rddreg [dreg:$0x4]  }
0x22: {  	[tilespmem:s17], [sflag:$0x1] =	stream.linear.gather [hbm4b:s22+s14], $0x2000, $0x38;
	[tilespmem:$0x1CAC0] =	vst v63  }
.LBB2_2:
0x23: {  	_ =	swait.ge [sflag:s18], $0x100  }
0x24: {  	[sflag:s18] =	ssyncset.done $0x0  }
0x25: {  	s10 =	sshll.u32 s9, $0x9;
	[sflag:s18] =	ssyncadd.s32 $0xFFFFFF00  }
0x26: {  	s7 =	sadd.s32 s10, s1;
	_ =	swait.ge [sflag:s18], $0x2000  }
0x27: {  	s14 =	simm.s32 $0x0;
	s13 =	sshrl.u32 s7, $0x3;
	[sflag:s18] =	ssyncset.done $0x0  }
0x28: {  	s7 =	sshll.u32 s7, $0x2;
	s13 =	sadd.s32 s6, s13;
	[sflag:s18] =	ssyncadd.s32 $0xFFFFE000  }
0x29: {  	[tilespmem:s19], [sflag:$0x2] =	stream.linear.gather [hbm4b:s13+s14], $0x100, $0x38;
	[tilespmem:$0x1CAC0] =	vst v63  }
0x2a: {  	s7 =	sadd.s32 s5, s7;
	s13 =	simm.s32 $0x0  }
0x2b: {  	[tilespmem:s20], [sflag:$0x2] =	stream.linear.gather [hbm4b:s7+s14], $0x2000, $0x38;
	[tilespmem:$0x1CAC0] =	vst v63  }
0x2c: {  	v3 =	vld [tilespmem:s13+$0x0];
	_ =	sdelay $0x2  }
0x2d: {  	p0 =	sgt.u32 s4, $0x1869FF;
	s22 =	simm.s32 $0x30D40;
	s15 =	simm.s32 $0x40  }
0x2e: {  	s22 =	simm.s32 @!p0 $0x0;
	s7 =	smov.u32 s4;
	s14 =	simm.s32 $0x0  }
.LBB2_3:
0x2f: {  	s8 =	sshra.s32 s15, $0x2;
	p1 =	sne.s32 s15, $0x1C0;
	s15 =	sadd.s32 $0x40, s15;
	v4 =	vadd.s32 s22, v3  }
.Ltmp0:
0x30: {  	v3 =	vld [tilespmem:s8+$0x0];
	vm0 =	vge.s32 v4, v0;
	vm1 =	vlt.s32 v4, v1;
	(pc) =	sbr.rel @p1 .LBB2_3-.Ltmp0, $4  }
0x31: {  	v4 =	vsub.s32 v4, v0;
	vm0 =	vmand vm0, vm1  }
0x32: {  	s7 =	sadd.s32 $0x10, s7;
	v4 =	vsel vm0, v4, v2  }
0x33: {  	s22 =	simm.s32 $0x30D40;
	p2 =	sgt.u32 s7, $0x1869FF;
	[tilespmem:s14+$0x200] =	vst v4;
	s14 =	smov.u32 s8  }
0x34: {  	s22 =	simm.s32 @!p2 $0x0  }
0x35: {  	v3 =	vadd.s32 s22, v3  }
0x36: {  	vm0 =	vge.s32 v3, v0;
	vm1 =	vlt.s32 v3, v1  }
0x37: {  	v3 =	vsub.s32 v3, v0;
	vm0 =	vmand vm0, vm1  }
0x38: {  	v3 =	vsel vm0, v3, v2  }
0x39: {  	[tilespmem:s14+$0x200] =	vst v3  }
0x3a: {  	v3 =	vld [tilespmem:s13+$0x80];
	_ =	sdelay $0x2  }
0x3b: {  	s15 =	simm.s32 $0x30D40  }
0x3c: {  	s7 =	smov.u32 s4;
	s15 =	simm.s32 @!p0 $0x0;
	s14 =	simm.s32 $0x40  }
.LBB2_5:
0x3d: {  	s8 =	sshra.s32 s14, $0x2;
	p0 =	sne.s32 s14, $0x1C0;
	s14 =	sadd.s32 $0x40, s14;
	v4 =	vadd.s32 s15, v3  }
.Ltmp1:
0x3e: {  	v3 =	vld [tilespmem:s8+$0x80];
	vm0 =	vge.s32 v4, v0;
	vm1 =	vlt.s32 v4, v1;
	(pc) =	sbr.rel @p0 .LBB2_5-.Ltmp1, $4  }
0x3f: {  	v4 =	vsub.s32 v4, v0;
	vm0 =	vmand vm0, vm1  }
0x40: {  	s7 =	sadd.s32 $0x10, s7;
	v4 =	vsel vm0, v4, v2  }
0x41: {  	s15 =	simm.s32 $0x30D40;
	p1 =	sgt.u32 s7, $0x1869FF;
	[tilespmem:s13+$0x280] =	vst v4;
	s13 =	smov.u32 s8  }
0x42: {  	s15 =	simm.s32 @!p1 $0x0  }
0x43: {  	v3 =	vadd.s32 s15, v3  }
0x44: {  	vm0 =	vge.s32 v3, v0;
	vm1 =	vlt.s32 v3, v1  }
0x45: {  	v3 =	vsub.s32 v3, v0;
	vm0 =	vmand vm0, vm1  }
0x46: {  	p0 =	seq.s32 s9, $0x0;
	v3 =	vsel vm0, v3, v2  }
0x47: {  	s7 =	simm.s32 @!p0 $0x3;
	[tilespmem:s13+$0x280] =	vst v3  }
0x48: {  	_ =	swait.ge @!p0 [sflag:s7], $0x1000  }
0x49: {  	[sflag:s7] =	ssyncset.done @!p0 $0x0  }
0x4a: {  	[sflag:s7] =	ssyncadd.s32 @!p0 $0xFFFFF000  }
0x4b: {  	_ =	swait.ge @!p0 [sflag:s7], $0x1000  }
0x4c: {  	[sflag:s7] =	ssyncset.done @!p0 $0x0  }
0x4d: {  	[sflag:s7] =	ssyncadd.s32 @!p0 $0xFFFFF000  }
0x4e: {  	[spmem:s2] =	stream.indirect.scatter.add.f32 [tilespmem:s17], [sflag:$0x3], $0x20, s23, s21, $0xb8;
	[tilespmem:$0x1CAC0] =	vst v63  }
0x4f: {  	_ = 	snop  }
0x50: {  	[spmem:s2] =	stream.indirect.scatter.add.f32 [tilespmem:s25], [sflag:$0x3], $0x20, s24, s21, $0xb8;
	[tilespmem:$0x1CAC0] =	vst v63  }
0x51: {  	_ =	swait.ge [sflag:s26], $0x100  }
0x52: {  	[sflag:s26] =	ssyncset.done $0x0  }
0x53: {  	p1 =	seq.s32 s9, $0xC3;
	[sflag:s26] =	ssyncadd.s32 $0xFFFFFF00  }
0x54: {  	s7 =	sadd.s32 @!p1 s10, s12;
	_ =	swait.ge [sflag:s26], $0x2000  }
0x55: {  	s10 =	simm.s32 @!p1 $0x0;
	s8 =	sshrl.u32 @!p1 s7, $0x3;
	[sflag:s26] =	ssyncset.done $0x0  }
0x56: {  	s7 =	sshll.u32 @!p1 s7, $0x2;
	s8 =	sadd.s32 @!p1 s6, s8;
	[sflag:s26] =	ssyncadd.s32 $0xFFFFE000  }
0x57: {  	[tilespmem:s10], [sflag:$0x1] =	stream.linear.gather @!p1 [hbm4b:s8+s10], $0x100, $0x38;
	[tilespmem:$0x1CAC0] =	vst v63  }
0x58: {  	s7 =	sadd.s32 @!p1 s5, s7;
	s8 =	simm.s32 @!p1 $0x400  }
0x59: {  	[tilespmem:s8], [sflag:$0x1] =	stream.linear.gather @!p1 [hbm4b:s7+s10], $0x2000, $0x38;
	[tilespmem:$0x1CAC0] =	vst v63  }
0x5a: {  	s10 =	simm.s32 $0x0  }
0x5b: {  	v3 =	vld [tilespmem:s10+$0x100];
	_ =	sdelay $0x2  }
0x5c: {  	s15 =	simm.s32 $0x30D40;
	s14 =	simm.s32 $0x40;
	p1 =	sgt.u32 s11, $0x1869FF  }
0x5d: {  	s13 =	simm.s32 $0x0;
	s7 =	smov.u32 s11;
	s15 =	simm.s32 @!p1 $0x0  }
.LBB2_7:
0x5e: {  	s8 =	sshra.s32 s14, $0x2;
	p2 =	sne.s32 s14, $0x1C0;
	s14 =	sadd.s32 $0x40, s14;
	v4 =	vadd.s32 s15, v3  }
.Ltmp2:
0x5f: {  	v3 =	vld [tilespmem:s8+$0x100];
	vm0 =	vge.s32 v4, v0;
	vm1 =	vlt.s32 v4, v1;
	(pc) =	sbr.rel @p2 .LBB2_7-.Ltmp2, $4  }
0x60: {  	v4 =	vsub.s32 v4, v0;
	vm0 =	vmand vm0, vm1  }
0x61: {  	s7 =	sadd.s32 $0x10, s7;
	v4 =	vsel vm0, v4, v2  }
0x62: {  	s15 =	simm.s32 $0x30D40;
	p3 =	sgt.u32 s7, $0x1869FF;
	[tilespmem:s13+$0x300] =	vst v4;
	s13 =	smov.u32 s8  }
0x63: {  	s15 =	simm.s32 @!p3 $0x0  }
0x64: {  	v3 =	vadd.s32 s15, v3  }
0x65: {  	vm0 =	vge.s32 v3, v0;
	vm1 =	vlt.s32 v3, v1  }
0x66: {  	v3 =	vsub.s32 v3, v0;
	vm0 =	vmand vm0, vm1  }
0x67: {  	v3 =	vsel vm0, v3, v2  }
0x68: {  	[tilespmem:s13+$0x300] =	vst v3  }
0x69: {  	v3 =	vld [tilespmem:s10+$0x180];
	_ =	sdelay $0x2  }
0x6a: {  	s14 =	simm.s32 $0x30D40  }
0x6b: {  	s7 =	smov.u32 s11;
	s14 =	simm.s32 @!p1 $0x0;
	s13 =	simm.s32 $0x40  }
.LBB2_9:
0x6c: {  	s8 =	sshra.s32 s13, $0x2;
	p1 =	sne.s32 s13, $0x1C0;
	s13 =	sadd.s32 $0x40, s13;
	v4 =	vadd.s32 s14, v3  }
.Ltmp3:
0x6d: {  	v3 =	vld [tilespmem:s8+$0x180];
	vm0 =	vge.s32 v4, v0;
	vm1 =	vlt.s32 v4, v1;
	(pc) =	sbr.rel @p1 .LBB2_9-.Ltmp3, $4  }
0x6e: {  	v4 =	vsub.s32 v4, v0;
	vm0 =	vmand vm0, vm1  }
0x6f: {  	s7 =	sadd.s32 $0x10, s7;
	v4 =	vsel vm0, v4, v2  }
0x70: {  	s14 =	simm.s32 $0x30D40;
	p2 =	sgt.u32 s7, $0x1869FF;
	[tilespmem:s10+$0x380] =	vst v4;
	s10 =	smov.u32 s8  }
0x71: {  	s14 =	simm.s32 @!p2 $0x0  }
0x72: {  	v3 =	vadd.s32 s14, v3  }
0x73: {  	vm0 =	vge.s32 v3, v0;
	vm1 =	vlt.s32 v3, v1  }
0x74: {  	v3 =	vsub.s32 v3, v0;
	vm0 =	vmand vm0, vm1  }
0x75: {  	v3 =	vsel vm0, v3, v2  }
0x76: {  	s7 =	simm.s32 @!p0 $0x4;
	[tilespmem:s10+$0x380] =	vst v3  }
0x77: {  	_ =	swait.ge @!p0 [sflag:s7], $0x1000  }
0x78: {  	[sflag:s7] =	ssyncset.done @!p0 $0x0  }
0x79: {  	[sflag:s7] =	ssyncadd.s32 @!p0 $0xFFFFF000  }
0x7a: {  	_ =	swait.ge @!p0 [sflag:s7], $0x1000  }
0x7b: {  	s9 =	sadd.s32 $0x1, s9;
	[sflag:s7] =	ssyncset.done @!p0 $0x0  }
0x7c: {  	[sflag:s7] =	ssyncadd.s32 @!p0 $0xFFFFF000;
	p0 =	sne.s32 s9, $0xC4  }
.Ltmp4:
0x7d: {  	_ = 	snop;
	(pc) =	sbr.rel @p0 .LBB2_2-.Ltmp4, $4  }
0x7e: {  	_ = 	snop  }
0x7f: {  	[spmem:s2] =	stream.indirect.scatter.add.f32 [tilespmem:s20], [sflag:$0x4], $0x20, s28, s21, $0xb8;
	[tilespmem:$0x1CAC0] =	vst v63  }
0x80: {  	s4 =	sadd.s32 $0x200, s4;
	s11 =	sadd.s32 $0x200, s11  }
0x81: {  	[spmem:s2] =	stream.indirect.scatter.add.f32 [tilespmem:s30], [sflag:$0x4], $0x20, s29, s21, $0xb8;
	[tilespmem:$0x1CAC0] =	vst v63  }
0x82: {  	_ =	swait.ge [sflag:s31], $0x1000  }
0x83: {  	[sflag:s31] =	ssyncset.done $0x0  }
0x84: {  	[sflag:s31] =	ssyncadd.s32 $0xFFFFF000  }
0x85: {  	_ =	swait.ge [sflag:s31], $0x1000  }
0x86: {  	[sflag:s31] =	ssyncset.done $0x0  }
0x87: {  	[sflag:s31] =	ssyncadd.s32 $0xFFFFF000  }
0x88: {  	_ =	swait.ge [sflag:s0], $0x1000  }
0x89: {  	[sflag:s0] =	ssyncset.done $0x0  }
0x8a: {  	[sflag:s0] =	ssyncadd.s32 $0xFFFFF000  }
0x8b: {  	_ =	swait.ge [sflag:s0], $0x1000  }
0x8c: {  	[sflag:s0] =	ssyncset.done $0x0  }
0x8d: {  	[sflag:s0] =	ssyncadd.s32 $0xFFFFF000  }
0x8e: {  	[bflag:$0x0] =	sbarrier.arrive $0xFFFF  }
0x8f: {  	s8 =	rddreg [dreg:$0x5]  }
0x90: {  	s4 =	rddreg [dreg:$0x8]  }
0x91: {  	s7 =	rddreg [dreg:$0xb]  }
0x92: {  	[hbm:s4], [sflag:s8] =	dma.local [spmem:s7], $0x30D4  }
0x93: {  	_ =	swait.ge [sflag:s16], $0x30D4  }
0x94: {  	s3 =	sadd.s32 $0x1, s3;
	s22 =	rddreg [dreg:$0x9]  }
0x95: {  	p0 =	sne.s32 s3, s22  }
.Ltmp5:
0x96: {  	_ = 	snop;
	(pc) =	sbr.rel @p0 .LBB2_1-.Ltmp5, $3  }
0x97: {  	_ =	sdelay $0x1  }
0x98: {  	[sflag:s16] =	ssyncset.done $0x0  }
0x99: {  	[sflag:s16] =	ssyncadd.s32 $0xFFFFCF2C  }
0x9a: {  	_ =	sfence.sel $0x180000  }
0x9b: {  	[bflag:$0x0] =	sbarrier.arrive $0xFFFF  }
0x9c: {  	_ =	strace $0x90000050  }
0x9d: {  	s0 =	stileid.u32;
	[bflag:$0x2] =	sbarrier.arrive $0xFFFF  }
0x9e: {  	p0 =	sne.s32 s0, $0x0;
	s0 =	rddreg [dreg:$0x3]  }
0x9f: {  	s0 =	sadd.s32 @!p0 $0x100000, s0  }
0xa0: {  	[sflag:s0] =	ssyncadd.tile.s32 @!p0 $0x1;
	_ =	shalt  }
.Lfunc_end2:
_tile_overlayer_lowered:
.L_overlay_start_2:
0xa1: {  	(tag) =	ssettag $0x2  }
0xa2: {  	s0 =	rddreg [dreg:$0x0];
	s2 =	stileid.u32  }
0xa3: {  	s1 =	rddreg [dreg:$0x1];
	p0 =	sne.s32 s2, $0x0  }
0xa4: {  	s3 =	rddreg [dreg:$0x2];
	[bflag:$0x3] =	sbarrier.arrive $0xFFFF;
	s2 =	simm.s32 @!p0 $0x1C05  }
0xa5: {  	[timem:s3], [sflag:s2] =	dma.local @!p0 [hbm:s0], s1  }
0xa6: {  	s0 =	simm.s32 @!p0 $0x5  }
0xa7: {  	_ =	swait.ge @!p0 [sflag:s0], s1  }
0xa8: {  	s1 =	ssub.s32 @!p0 $0x0, s1;
	[sflag:s0] =	ssyncset.done @!p0 $0x0  }
0xa9: {  	[sflag:s0] =	ssyncadd.s32 @!p0 s1  }
0xaa: {  	[bflag:$0x3] =	sbarrier.arrive $0xFFFF  }
0xab: {  	_ =	shalt  }

</sc_bundles>
